<compile_context>
chip_gen: v7x
topology: tpu7x:2x2x1
jax: 0.10.2.dev20260603
libtpu: 0.0.44.dev20260713+nightly
codegen_flags: <defaults>
</compile_context>

<pallas_src>
import jax
import jax.numpy as jnp
from jax import lax
from jax.experimental import pallas as pl
from jax.experimental.pallas import tpu as pltpu
from jax.experimental.pallas import tpu_sc as plsc

BATCH = 128
N = 32768
KSEL = 3277
NC = 2
NS = 16
NW = NC * NS
ROWS_PER_W = BATCH // NW
L = 16
NV = N // L
NBINS = 256
HIST_STRIDE = NBINS + 1
HIST_WORDS = L * HIST_STRIDE
CH = 4096
NCH = N // CH
RING = 2


def _body(x_hbm, duty_hbm, out_hbm, x_v, keys_v, bf_v, hist_v, ring_v,
          in_sem, out_sem):
    wid = lax.axis_index("s") * NC + lax.axis_index("c")
    lanes = lax.iota(jnp.int32, L)
    lane_off = lanes * HIST_STRIDE
    ones = jnp.ones((L,), jnp.int32)
    zeros_i = jnp.zeros((L,), jnp.int32)

    pltpu.sync_copy(duty_hbm, x_v)
    td = jnp.float32(KSEL / N)

    @plsc.parallel_loop(0, N, L, unroll=16)
    def bf_step(i):
        bf_v[pl.ds(i, L)] = jnp.exp(td - x_v[pl.ds(i, L)])

    def zero_hist():
        @plsc.parallel_loop(0, HIST_WORDS, L, unroll=8)
        def z_step(j):
            hist_v[pl.ds(j, L)] = zeros_i

    def bin_search(r):
        def g_step(gi, carry):
            C, bsum, ssum = carry
            base = (15 - gi) * L
            v = hist_v[pl.ds(base, L)]
            hist_v[pl.ds(base, L)] = zeros_i
            for l in range(1, L):
                sl = pl.ds(l * HIST_STRIDE + base, L)
                v = v + hist_v[sl]
                hist_v[sl] = zeros_i
            rev = lax.rev(v, (0,))
            cs = plsc.cumsum(rev)
            up = C + cs
            s_strict = up - rev
            m = jnp.logical_and(s_strict < r, up >= r)
            binvec = (base + (L - 1)) - lanes
            bsum = bsum + jnp.sum(jnp.where(m, binvec, 0))
            ssum = ssum + jnp.sum(jnp.where(m, s_strict, 0))
            C = C + cs[15]
            return (C, bsum, ssum)

        C, bsum, ssum = lax.fori_loop(
            0, 16, g_step, (jnp.int32(0), jnp.int32(0), jnp.int32(0)))
        return bsum, r - ssum

    zero_hist()
    pltpu.sync_copy(x_hbm.at[wid * ROWS_PER_W], x_v)

    def row_step(ri, c):
        row = wid * ROWS_PER_W + ri

        @plsc.parallel_loop(0, N, L, unroll=16)
        def p1_step(i):
            sl = pl.ds(i, L)
            b = x_v[sl] * bf_v[sl]
            bi = lax.bitcast_convert_type(b, jnp.int32)
            t = lax.shift_right_arithmetic(bi, 31)
            key = lax.bitwise_xor(bi, lax.bitwise_and(t, jnp.int32(0x7FFFFFFF)))
            keys_v[sl] = key
            bucket = lax.shift_right_arithmetic(key, 24) + 128
            plsc.addupdate_scatter(hist_v, [lane_off + bucket], ones)

        b1, r = bin_search(jnp.int32(KSEL))
        prefix = b1 - 128

        def radix_pass(shift_hi, shift_lo, prefix, r):
            @plsc.parallel_loop(0, N, L, unroll=16)
            def p_step(i):
                key = keys_v[pl.ds(i, L)]
                active = lax.shift_right_arithmetic(key, shift_hi) == prefix
                bucket = lax.bitwise_and(
                    lax.shift_right_arithmetic(key, shift_lo), jnp.int32(255))
                plsc.addupdate_scatter(
                    hist_v, [lane_off + bucket], ones, mask=active)

            return bin_search(r)

        b2, r = radix_pass(24, 16, prefix, r)
        prefix = prefix * 256 + b2
        b3, r = radix_pass(16, 8, prefix, r)
        prefix = prefix * 256 + b3
        b4, r = radix_pass(8, 0, prefix, r)
        kth = prefix * 256 + b4

        nxt = row + jnp.where(ri < ROWS_PER_W - 1, 1, 0)
        in_handles, out_handles = [], []
        for ci in range(NCH):
            base = ci * CH
            slot = ci % RING
            if ci >= RING:
                out_handles[ci - RING].wait()

            @plsc.parallel_loop(base, base + CH, L, unroll=16)
            def chunk_step(i, base=base, slot=slot):
                sl = pl.ds(i, L)
                m = keys_v[sl] >= kth
                ring_v[pl.ds(slot * CH + (i - base), L)] = jnp.where(
                    m, x_v[sl], jnp.float32(0.0))

            out_handles.append(pltpu.async_copy(
                ring_v.at[pl.ds(slot * CH, CH)],
                out_hbm.at[row, pl.ds(base, CH)], out_sem))
            if ci >= 1:
                pb = (ci - 1) * CH
                in_handles.append(pltpu.async_copy(
                    x_hbm.at[nxt, pl.ds(pb, CH)],
                    x_v.at[pl.ds(pb, CH)], in_sem))
        in_handles.append(pltpu.async_copy(
            x_hbm.at[nxt, pl.ds((NCH - 1) * CH, CH)],
            x_v.at[pl.ds((NCH - 1) * CH, CH)], in_sem))
        for h in out_handles[NCH - RING:]:
            h.wait()
        for h in in_handles:
            h.wait()
        return c

    lax.fori_loop(0, ROWS_PER_W, row_step, 0)


def kernel(x, duty_cycles):
    mesh = plsc.VectorSubcoreMesh(
        core_axis_name="c", subcore_axis_name="s",
        num_cores=NC, num_subcores=NS)
    f = pl.kernel(
        _body,
        out_type=jax.ShapeDtypeStruct((BATCH, N), jnp.float32),
        mesh=mesh,
        compiler_params=pltpu.CompilerParams(needs_layout_passes=False),
        scratch_types=[
            pltpu.VMEM((N,), jnp.float32),
            pltpu.VMEM((N,), jnp.int32),
            pltpu.VMEM((N,), jnp.float32),
            pltpu.VMEM((HIST_WORDS,), jnp.int32),
            pltpu.VMEM((RING * CH,), jnp.float32),
            pltpu.SemaphoreType.DMA,
            pltpu.SemaphoreType.DMA,
        ],
    )
    return f(x, duty_cycles)

# --- scband reference (transcript-rebuilt; emitter-appended) ---
"""Pipeline reference for scband-kwinners-31215822307921 (READ-ONLY COPY).

The authoritative reference and input builder live on the scoring server;
editing this copy changes nothing except your own understanding.
"""

import jax, jax.numpy as jnp
import numpy as np

PERCENT_ON = 0.1
BOOST_STRENGTH = 1.0
BATCH = 128
N = 32768


def setup_inputs(seed: int = 0) -> dict:
    key = jax.random.key(seed)
    k1, k2 = jax.random.split(key)
    x = jax.random.normal(k1, (BATCH, N), dtype=jnp.float32)
    duty_cycles = jax.random.uniform(k2, (N,), dtype=jnp.float32)
    return {"x": x, "duty_cycles": duty_cycles}


def reference(x, duty_cycles):
    # KWinners.call -> compute_kwinners(x, k, duty_cycles, boost_strength)
    n = x.shape[-1]
    k = int(round(n * PERCENT_ON))
    boost_strength = jnp.maximum(jnp.float32(BOOST_STRENGTH), 0.0)
    target_density = jnp.float32(k / n)
    boost_factors = jnp.exp((target_density - duty_cycles) * boost_strength)
    boosted = x * boost_factors  # [B, N]
    flat_x = x.reshape(x.shape[0], -1)
    boosted_flat = boosted.reshape(x.shape[0], -1)
    _, indices = jax.lax.top_k(boosted_flat, k)  # [B, k]
    # gather original (un-boosted) values at winning indices, scatter into zeros
    updates = jnp.take_along_axis(flat_x, indices, axis=-1)  # [B, k]
    rows = jnp.arange(flat_x.shape[0])[:, None]
    res = jnp.zeros_like(flat_x).at[rows, indices].set(updates)
    return res.reshape(x.shape)

if __name__ == "__main__":
    import jax
    _d = setup_inputs()
    print(jax.jit(kernel)(*tuple(_d.values())))

</pallas_src>

<mosaic_0001>
#map = affine_map<(d0, d1) -> (0, 0)>
#map1 = affine_map<(d0, d1) -> (0)>
module attributes {stable_mosaic.version = 14 : i64} {
  func.func @_body(%arg0: i32, %arg1: i32, %arg2: memref<128x32768xf32, #tpu.memory_space<hbm>>, %arg3: memref<32768xf32, #tpu.memory_space<hbm>>, %arg4: memref<128x32768xf32, #tpu.memory_space<hbm>>, %arg5: memref<32768xf32, #tpu.memory_space<vmem>>, %arg6: memref<32768xi32, #tpu.memory_space<vmem>>, %arg7: memref<32768xf32, #tpu.memory_space<vmem>>, %arg8: memref<4112xi32, #tpu.memory_space<vmem>>, %arg9: memref<8192xf32, #tpu.memory_space<vmem>>, %arg10: memref<!tpu.dma_semaphore, #tpu.memory_space<semaphore_mem>>, %arg11: memref<!tpu.dma_semaphore, #tpu.memory_space<semaphore_mem>>) attributes {dimension_semantics = [#tpu.dimension_semantics<core_parallel>, #tpu.dimension_semantics<subcore_parallel>], iteration_bounds = array<i64: 2, 16>, scalar_prefetch = 0 : i64, scratch_operands = 7 : i64, tpu.core_type = #tpu.core_type<sc_vector_subcore>, window_params = [{transform_indices = #map}, {transform_indices = #map1}, {transform_indices = #map}]} {
    %mul3A = arith.constant 2 : i32
    %mul3A_0 = arith.muli %arg1, %mul3A : i32
    %add3A = arith.addi %mul3A_0, %arg0 : i32
    %iota3A = tpu.iota {dimensions = array<i32: 0>} : vector<16xi32>
    %mul3A_1 = arith.constant 257 : i32
    %mul3A_2 = vector.broadcast %mul3A_1 : i32 to vector<16xi32>
    %mul3A_3 = arith.muli %iota3A, %mul3A_2 : vector<16xi32>
    %broadcast_in_dim3A = arith.constant 1 : i32
    %broadcast_in_dim3A_4 = vector.broadcast %broadcast_in_dim3A : i32 to vector<16xi32>
    %broadcast_in_dim3A_5 = arith.constant 0 : i32
    %broadcast_in_dim3A_6 = vector.broadcast %broadcast_in_dim3A_5 : i32 to vector<16xi32>
    "tpu.region"() ({
      %run_scoped3A = tpu.sem_alloc : memref<!tpu.dma_semaphore, #tpu.memory_space<semaphore_mem>>
      tpu.enqueue_dma source(%arg3 : memref<32768xf32, #tpu.memory_space<hbm>>) target(%arg5 : memref<32768xf32, #tpu.memory_space<vmem>>) target_semaphore(%run_scoped3A : memref<!tpu.dma_semaphore, #tpu.memory_space<semaphore_mem>>)
      tpu.wait_dma2 semaphore(%run_scoped3A : memref<!tpu.dma_semaphore, #tpu.memory_space<semaphore_mem>>) src(%arg3 : memref<32768xf32, #tpu.memory_space<hbm>>) dst(%arg5 : memref<32768xf32, #tpu.memory_space<vmem>>)
      tpu.yield
    }) : () -> ()
    %parallel_loop3A = arith.constant 0 : i32
    %parallel_loop3A_7 = arith.constant 32768 : i32
    %parallel_loop3A_8 = arith.constant 16 : i32
    %parallel_loop3A_9 = arith.constant 0.100006104 : f32
    scf.for %parallel_loop3A_20 = %parallel_loop3A to %parallel_loop3A_7 step %parallel_loop3A_8  : i32 {
      %parallel_loop3A_21 = arith.index_cast %parallel_loop3A_20 : i32 to index
      %parallel_loop3A_22 = tpu.vector_load %arg5[%parallel_loop3A_21] {strides = array<i32>} : memref<32768xf32, #tpu.memory_space<vmem>>, vector<16xf32>,
      %parallel_loop3A_23 = vector.broadcast %parallel_loop3A_9 : f32 to vector<16xf32>
      %parallel_loop3A_24 = arith.subf %parallel_loop3A_23, %parallel_loop3A_22 : vector<16xf32>
      %parallel_loop3A_25 = math.exp %parallel_loop3A_24 : vector<16xf32>
      %parallel_loop3A_26 = arith.index_cast %parallel_loop3A_20 : i32 to index
      %parallel_loop3A_27 = tpu.vector_load %arg7[%parallel_loop3A_26] {strides = array<i32>} : memref<32768xf32, #tpu.memory_space<vmem>>, vector<16xf32>,
      tpu.vector_store %arg7[%parallel_loop3A_26], %parallel_loop3A_25 {strides = array<i32>} : memref<32768xf32, #tpu.memory_space<vmem>>, vector<16xf32>,
    } {sc.loop_unroll_factor = 16 : i64, sc.parallel_access}
    %parallel_loop3A_10 = arith.constant 0 : i32
    %parallel_loop3A_11 = arith.constant 4112 : i32
    %parallel_loop3A_12 = arith.constant 16 : i32
    scf.for %parallel_loop3A_20 = %parallel_loop3A_10 to %parallel_loop3A_11 step %parallel_loop3A_12  : i32 {
      %parallel_loop3A_21 = arith.index_cast %parallel_loop3A_20 : i32 to index
      %parallel_loop3A_22 = tpu.vector_load %arg8[%parallel_loop3A_21] {strides = array<i32>} : memref<4112xi32, #tpu.memory_space<vmem>>, vector<16xi32>,
      tpu.vector_store %arg8[%parallel_loop3A_21], %broadcast_in_dim3A_6 {strides = array<i32>} : memref<4112xi32, #tpu.memory_space<vmem>>, vector<16xi32>,
    } {sc.loop_unroll_factor = 8 : i64, sc.parallel_access}
    %mul3A_13 = arith.constant 4 : i32
    %mul3A_14 = arith.muli %add3A, %mul3A_13 : i32
    "tpu.region"() ({
      %run_scoped3A = tpu.sem_alloc : memref<!tpu.dma_semaphore, #tpu.memory_space<semaphore_mem>>
      %dma_start3A = arith.constant 0 : i32
      %dma_start3A_20 = tpu.memref_slice %arg2[%mul3A_14, %dma_start3A] : memref<128x32768xf32, #tpu.memory_space<hbm>> -> memref<1x32768xf32, #tpu.memory_space<hbm>>
      %dma_start3A_21 = tpu.memref_squeeze %dma_start3A_20 : memref<1x32768xf32, #tpu.memory_space<hbm>> -> memref<32768xf32, #tpu.memory_space<hbm>>
      %dma_start3A_22 = arith.constant 0 : i32
      %dma_start3A_23 = tpu.memref_slice %arg2[%mul3A_14, %dma_start3A_22] : memref<128x32768xf32, #tpu.memory_space<hbm>> -> memref<1x32768xf32, #tpu.memory_space<hbm>>
      %dma_start3A_24 = tpu.memref_squeeze %dma_start3A_23 : memref<1x32768xf32, #tpu.memory_space<hbm>> -> memref<32768xf32, #tpu.memory_space<hbm>>
      tpu.enqueue_dma source(%dma_start3A_24 : memref<32768xf32, #tpu.memory_space<hbm>>) target(%arg5 : memref<32768xf32, #tpu.memory_space<vmem>>) target_semaphore(%run_scoped3A : memref<!tpu.dma_semaphore, #tpu.memory_space<semaphore_mem>>)
      %dma_wait3A = arith.constant 0 : i32
      %dma_wait3A_25 = tpu.memref_slice %arg2[%mul3A_14, %dma_wait3A] : memref<128x32768xf32, #tpu.memory_space<hbm>> -> memref<1x32768xf32, #tpu.memory_space<hbm>>
      %dma_wait3A_26 = tpu.memref_squeeze %dma_wait3A_25 : memref<1x32768xf32, #tpu.memory_space<hbm>> -> memref<32768xf32, #tpu.memory_space<hbm>>
      %dma_wait3A_27 = arith.constant 0 : i32
      %dma_wait3A_28 = tpu.memref_slice %arg2[%mul3A_14, %dma_wait3A_27] : memref<128x32768xf32, #tpu.memory_space<hbm>> -> memref<1x32768xf32, #tpu.memory_space<hbm>>
      %dma_wait3A_29 = tpu.memref_squeeze %dma_wait3A_28 : memref<1x32768xf32, #tpu.memory_space<hbm>> -> memref<32768xf32, #tpu.memory_space<hbm>>
      tpu.wait_dma2 semaphore(%run_scoped3A : memref<!tpu.dma_semaphore, #tpu.memory_space<semaphore_mem>>) src(%dma_wait3A_29 : memref<32768xf32, #tpu.memory_space<hbm>>) dst(%arg5 : memref<32768xf32, #tpu.memory_space<vmem>>)
      tpu.yield
    }) : () -> ()
    %scan3A = arith.constant 0 : i32
    %scan3A_15 = arith.constant 0 : i32
    %scan3A_16 = arith.constant 4 : i32
    %scan3A_17 = arith.addi %scan3A_15, %scan3A_16 : i32
    %scan3A_18 = arith.constant 1 : i32
    scf.for %scan3A_20 = %scan3A_15 to %scan3A_17 step %scan3A_18  : i32 {
      %mul3A_21 = arith.constant 4 : i32
      %mul3A_22 = arith.muli %add3A, %mul3A_21 : i32
      %add3A_23 = arith.addi %mul3A_22, %scan3A_20 : i32
      %parallel_loop3A_24 = arith.constant 0 : i32
      %parallel_loop3A_25 = arith.constant 32768 : i32
      %parallel_loop3A_26 = arith.constant 16 : i32
      scf.for %parallel_loop3A_433 = %parallel_loop3A_24 to %parallel_loop3A_25 step %parallel_loop3A_26  : i32 {
        %parallel_loop3A_434 = arith.index_cast %parallel_loop3A_433 : i32 to index
        %parallel_loop3A_435 = tpu.vector_load %arg5[%parallel_loop3A_434] {strides = array<i32>} : memref<32768xf32, #tpu.memory_space<vmem>>, vector<16xf32>,
        %parallel_loop3A_436 = arith.index_cast %parallel_loop3A_433 : i32 to index
        %parallel_loop3A_437 = tpu.vector_load %arg7[%parallel_loop3A_436] {strides = array<i32>} : memref<32768xf32, #tpu.memory_space<vmem>>, vector<16xf32>,
        %parallel_loop3A_438 = arith.mulf %parallel_loop3A_435, %parallel_loop3A_437 : vector<16xf32>
        %parallel_loop3A_439 = tpu.bitcast %parallel_loop3A_438 : vector<16xf32> -> vector<16xi32>
        %parallel_loop3A_440 = arith.constant 31 : i32
        %parallel_loop3A_441 = vector.broadcast %parallel_loop3A_440 : i32 to vector<16xi32>
        %parallel_loop3A_442 = arith.shrsi %parallel_loop3A_439, %parallel_loop3A_441 : vector<16xi32>
        %parallel_loop3A_443 = arith.constant 2147483647 : i32
        %parallel_loop3A_444 = vector.broadcast %parallel_loop3A_443 : i32 to vector<16xi32>
        %parallel_loop3A_445 = arith.andi %parallel_loop3A_442, %parallel_loop3A_444 : vector<16xi32>
        %parallel_loop3A_446 = arith.xori %parallel_loop3A_439, %parallel_loop3A_445 : vector<16xi32>
        %parallel_loop3A_447 = arith.index_cast %parallel_loop3A_433 : i32 to index
        %parallel_loop3A_448 = tpu.vector_load %arg6[%parallel_loop3A_447] {strides = array<i32>} : memref<32768xi32, #tpu.memory_space<vmem>>, vector<16xi32>,
        tpu.vector_store %arg6[%parallel_loop3A_447], %parallel_loop3A_446 {strides = array<i32>} : memref<32768xi32, #tpu.memory_space<vmem>>, vector<16xi32>,
        %parallel_loop3A_449 = arith.constant 24 : i32
        %parallel_loop3A_450 = vector.broadcast %parallel_loop3A_449 : i32 to vector<16xi32>
        %parallel_loop3A_451 = arith.shrsi %parallel_loop3A_446, %parallel_loop3A_450 : vector<16xi32>
        %parallel_loop3A_452 = arith.constant 128 : i32
        %parallel_loop3A_453 = vector.broadcast %parallel_loop3A_452 : i32 to vector<16xi32>
        %parallel_loop3A_454 = arith.addi %parallel_loop3A_451, %parallel_loop3A_453 : vector<16xi32>
        %parallel_loop3A_455 = arith.addi %mul3A_3, %parallel_loop3A_454 : vector<16xi32>
        tpu.vector_store_idx %arg8[%parallel_loop3A_455], %broadcast_in_dim3A_4 {add = true} : memref<4112xi32, #tpu.memory_space<vmem>>[vector<16xi32>], vector<16xi32>,
      } {sc.loop_unroll_factor = 16 : i64, sc.parallel_access}
      %scan3A_27 = arith.constant 3277 : i32
      %scan3A_28 = arith.constant 0 : i32
      %scan3A_29 = arith.constant 0 : i32
      %scan3A_30 = arith.constant 0 : i32
      %scan3A_31 = arith.constant 0 : i32
      %scan3A_32 = arith.constant 16 : i32
      %scan3A_33 = arith.addi %scan3A_31, %scan3A_32 : i32
      %scan3A_34 = arith.constant 1 : i32
      %scan3A_35:3 = scf.for %scan3A_433 = %scan3A_31 to %scan3A_33 step %scan3A_34 iter_args(%scan3A_434 = %scan3A_28, %scan3A_435 = %scan3A_29, %scan3A_436 = %scan3A_30) -> (i32, i32, i32)  : i32 {
        %sub3A_437 = arith.constant 15 : i32
        %sub3A_438 = arith.subi %sub3A_437, %scan3A_433 : i32
        %mul3A_439 = arith.constant 16 : i32
        %mul3A_440 = arith.muli %sub3A_438, %mul3A_439 : i32
        %get3A = arith.index_cast %mul3A_440 : i32 to index
        %get3A_441 = tpu.vector_load %arg8[%get3A] {strides = array<i32>} : memref<4112xi32, #tpu.memory_space<vmem>>, vector<16xi32>,
        %swap3A = arith.index_cast %mul3A_440 : i32 to index
        %swap3A_442 = tpu.vector_load %arg8[%swap3A] {strides = array<i32>} : memref<4112xi32, #tpu.memory_space<vmem>>, vector<16xi32>,
        tpu.vector_store %arg8[%swap3A], %broadcast_in_dim3A_6 {strides = array<i32>} : memref<4112xi32, #tpu.memory_space<vmem>>, vector<16xi32>,
        %add3A_443 = arith.constant 257 : i32
        %add3A_444 = arith.addi %add3A_443, %mul3A_440 : i32
        %get3A_445 = arith.index_cast %add3A_444 : i32 to index
        %get3A_446 = tpu.vector_load %arg8[%get3A_445] {strides = array<i32>} : memref<4112xi32, #tpu.memory_space<vmem>>, vector<16xi32>,
        %add3A_447 = arith.addi %get3A_441, %get3A_446 : vector<16xi32>
        %swap3A_448 = arith.index_cast %add3A_444 : i32 to index
        %swap3A_449 = tpu.vector_load %arg8[%swap3A_448] {strides = array<i32>} : memref<4112xi32, #tpu.memory_space<vmem>>, vector<16xi32>,
        tpu.vector_store %arg8[%swap3A_448], %broadcast_in_dim3A_6 {strides = array<i32>} : memref<4112xi32, #tpu.memory_space<vmem>>, vector<16xi32>,
        %add3A_450 = arith.constant 514 : i32
        %add3A_451 = arith.addi %add3A_450, %mul3A_440 : i32
        %get3A_452 = arith.index_cast %add3A_451 : i32 to index
        %get3A_453 = tpu.vector_load %arg8[%get3A_452] {strides = array<i32>} : memref<4112xi32, #tpu.memory_space<vmem>>, vector<16xi32>,
        %add3A_454 = arith.addi %add3A_447, %get3A_453 : vector<16xi32>
        %swap3A_455 = arith.index_cast %add3A_451 : i32 to index
        %swap3A_456 = tpu.vector_load %arg8[%swap3A_455] {strides = array<i32>} : memref<4112xi32, #tpu.memory_space<vmem>>, vector<16xi32>,
        tpu.vector_store %arg8[%swap3A_455], %broadcast_in_dim3A_6 {strides = array<i32>} : memref<4112xi32, #tpu.memory_space<vmem>>, vector<16xi32>,
        %add3A_457 = arith.constant 771 : i32
        %add3A_458 = arith.addi %add3A_457, %mul3A_440 : i32
        %get3A_459 = arith.index_cast %add3A_458 : i32 to index
        %get3A_460 = tpu.vector_load %arg8[%get3A_459] {strides = array<i32>} : memref<4112xi32, #tpu.memory_space<vmem>>, vector<16xi32>,
        %add3A_461 = arith.addi %add3A_454, %get3A_460 : vector<16xi32>
        %swap3A_462 = arith.index_cast %add3A_458 : i32 to index
        %swap3A_463 = tpu.vector_load %arg8[%swap3A_462] {strides = array<i32>} : memref<4112xi32, #tpu.memory_space<vmem>>, vector<16xi32>,
        tpu.vector_store %arg8[%swap3A_462], %broadcast_in_dim3A_6 {strides = array<i32>} : memref<4112xi32, #tpu.memory_space<vmem>>, vector<16xi32>,
        %add3A_464 = arith.constant 1028 : i32
        %add3A_465 = arith.addi %add3A_464, %mul3A_440 : i32
        %get3A_466 = arith.index_cast %add3A_465 : i32 to index
        %get3A_467 = tpu.vector_load %arg8[%get3A_466] {strides = array<i32>} : memref<4112xi32, #tpu.memory_space<vmem>>, vector<16xi32>,
        %add3A_468 = arith.addi %add3A_461, %get3A_467 : vector<16xi32>
        %swap3A_469 = arith.index_cast %add3A_465 : i32 to index
        %swap3A_470 = tpu.vector_load %arg8[%swap3A_469] {strides = array<i32>} : memref<4112xi32, #tpu.memory_space<vmem>>, vector<16xi32>,
        tpu.vector_store %arg8[%swap3A_469], %broadcast_in_dim3A_6 {strides = array<i32>} : memref<4112xi32, #tpu.memory_space<vmem>>, vector<16xi32>,
        %add3A_471 = arith.constant 1285 : i32
        %add3A_472 = arith.addi %add3A_471, %mul3A_440 : i32
        %get3A_473 = arith.index_cast %add3A_472 : i32 to index
        %get3A_474 = tpu.vector_load %arg8[%get3A_473] {strides = array<i32>} : memref<4112xi32, #tpu.memory_space<vmem>>, vector<16xi32>,
        %add3A_475 = arith.addi %add3A_468, %get3A_474 : vector<16xi32>
        %swap3A_476 = arith.index_cast %add3A_472 : i32 to index
        %swap3A_477 = tpu.vector_load %arg8[%swap3A_476] {strides = array<i32>} : memref<4112xi32, #tpu.memory_space<vmem>>, vector<16xi32>,
        tpu.vector_store %arg8[%swap3A_476], %broadcast_in_dim3A_6 {strides = array<i32>} : memref<4112xi32, #tpu.memory_space<vmem>>, vector<16xi32>,
        %add3A_478 = arith.constant 1542 : i32
        %add3A_479 = arith.addi %add3A_478, %mul3A_440 : i32
        %get3A_480 = arith.index_cast %add3A_479 : i32 to index
        %get3A_481 = tpu.vector_load %arg8[%get3A_480] {strides = array<i32>} : memref<4112xi32, #tpu.memory_space<vmem>>, vector<16xi32>,
        %add3A_482 = arith.addi %add3A_475, %get3A_481 : vector<16xi32>
        %swap3A_483 = arith.index_cast %add3A_479 : i32 to index
        %swap3A_484 = tpu.vector_load %arg8[%swap3A_483] {strides = array<i32>} : memref<4112xi32, #tpu.memory_space<vmem>>, vector<16xi32>,
        tpu.vector_store %arg8[%swap3A_483], %broadcast_in_dim3A_6 {strides = array<i32>} : memref<4112xi32, #tpu.memory_space<vmem>>, vector<16xi32>,
        %add3A_485 = arith.constant 1799 : i32
        %add3A_486 = arith.addi %add3A_485, %mul3A_440 : i32
        %get3A_487 = arith.index_cast %add3A_486 : i32 to index
        %get3A_488 = tpu.vector_load %arg8[%get3A_487] {strides = array<i32>} : memref<4112xi32, #tpu.memory_space<vmem>>, vector<16xi32>,
        %add3A_489 = arith.addi %add3A_482, %get3A_488 : vector<16xi32>
        %swap3A_490 = arith.index_cast %add3A_486 : i32 to index
        %swap3A_491 = tpu.vector_load %arg8[%swap3A_490] {strides = array<i32>} : memref<4112xi32, #tpu.memory_space<vmem>>, vector<16xi32>,
        tpu.vector_store %arg8[%swap3A_490], %broadcast_in_dim3A_6 {strides = array<i32>} : memref<4112xi32, #tpu.memory_space<vmem>>, vector<16xi32>,
        %add3A_492 = arith.constant 2056 : i32
        %add3A_493 = arith.addi %add3A_492, %mul3A_440 : i32
        %get3A_494 = arith.index_cast %add3A_493 : i32 to index
        %get3A_495 = tpu.vector_load %arg8[%get3A_494] {strides = array<i32>} : memref<4112xi32, #tpu.memory_space<vmem>>, vector<16xi32>,
        %add3A_496 = arith.addi %add3A_489, %get3A_495 : vector<16xi32>
        %swap3A_497 = arith.index_cast %add3A_493 : i32 to index
        %swap3A_498 = tpu.vector_load %arg8[%swap3A_497] {strides = array<i32>} : memref<4112xi32, #tpu.memory_space<vmem>>, vector<16xi32>,
        tpu.vector_store %arg8[%swap3A_497], %broadcast_in_dim3A_6 {strides = array<i32>} : memref<4112xi32, #tpu.memory_space<vmem>>, vector<16xi32>,
        %add3A_499 = arith.constant 2313 : i32
        %add3A_500 = arith.addi %add3A_499, %mul3A_440 : i32
        %get3A_501 = arith.index_cast %add3A_500 : i32 to index
        %get3A_502 = tpu.vector_load %arg8[%get3A_501] {strides = array<i32>} : memref<4112xi32, #tpu.memory_space<vmem>>, vector<16xi32>,
        %add3A_503 = arith.addi %add3A_496, %get3A_502 : vector<16xi32>
        %swap3A_504 = arith.index_cast %add3A_500 : i32 to index
        %swap3A_505 = tpu.vector_load %arg8[%swap3A_504] {strides = array<i32>} : memref<4112xi32, #tpu.memory_space<vmem>>, vector<16xi32>,
        tpu.vector_store %arg8[%swap3A_504], %broadcast_in_dim3A_6 {strides = array<i32>} : memref<4112xi32, #tpu.memory_space<vmem>>, vector<16xi32>,
        %add3A_506 = arith.constant 2570 : i32
        %add3A_507 = arith.addi %add3A_506, %mul3A_440 : i32
        %get3A_508 = arith.index_cast %add3A_507 : i32 to index
        %get3A_509 = tpu.vector_load %arg8[%get3A_508] {strides = array<i32>} : memref<4112xi32, #tpu.memory_space<vmem>>, vector<16xi32>,
        %add3A_510 = arith.addi %add3A_503, %get3A_509 : vector<16xi32>
        %swap3A_511 = arith.index_cast %add3A_507 : i32 to index
        %swap3A_512 = tpu.vector_load %arg8[%swap3A_511] {strides = array<i32>} : memref<4112xi32, #tpu.memory_space<vmem>>, vector<16xi32>,
        tpu.vector_store %arg8[%swap3A_511], %broadcast_in_dim3A_6 {strides = array<i32>} : memref<4112xi32, #tpu.memory_space<vmem>>, vector<16xi32>,
        %add3A_513 = arith.constant 2827 : i32
        %add3A_514 = arith.addi %add3A_513, %mul3A_440 : i32
        %get3A_515 = arith.index_cast %add3A_514 : i32 to index
        %get3A_516 = tpu.vector_load %arg8[%get3A_515] {strides = array<i32>} : memref<4112xi32, #tpu.memory_space<vmem>>, vector<16xi32>,
        %add3A_517 = arith.addi %add3A_510, %get3A_516 : vector<16xi32>
        %swap3A_518 = arith.index_cast %add3A_514 : i32 to index
        %swap3A_519 = tpu.vector_load %arg8[%swap3A_518] {strides = array<i32>} : memref<4112xi32, #tpu.memory_space<vmem>>, vector<16xi32>,
        tpu.vector_store %arg8[%swap3A_518], %broadcast_in_dim3A_6 {strides = array<i32>} : memref<4112xi32, #tpu.memory_space<vmem>>, vector<16xi32>,
        %add3A_520 = arith.constant 3084 : i32
        %add3A_521 = arith.addi %add3A_520, %mul3A_440 : i32
        %get3A_522 = arith.index_cast %add3A_521 : i32 to index
        %get3A_523 = tpu.vector_load %arg8[%get3A_522] {strides = array<i32>} : memref<4112xi32, #tpu.memory_space<vmem>>, vector<16xi32>,
        %add3A_524 = arith.addi %add3A_517, %get3A_523 : vector<16xi32>
        %swap3A_525 = arith.index_cast %add3A_521 : i32 to index
        %swap3A_526 = tpu.vector_load %arg8[%swap3A_525] {strides = array<i32>} : memref<4112xi32, #tpu.memory_space<vmem>>, vector<16xi32>,
        tpu.vector_store %arg8[%swap3A_525], %broadcast_in_dim3A_6 {strides = array<i32>} : memref<4112xi32, #tpu.memory_space<vmem>>, vector<16xi32>,
        %add3A_527 = arith.constant 3341 : i32
        %add3A_528 = arith.addi %add3A_527, %mul3A_440 : i32
        %get3A_529 = arith.index_cast %add3A_528 : i32 to index
        %get3A_530 = tpu.vector_load %arg8[%get3A_529] {strides = array<i32>} : memref<4112xi32, #tpu.memory_space<vmem>>, vector<16xi32>,
        %add3A_531 = arith.addi %add3A_524, %get3A_530 : vector<16xi32>
        %swap3A_532 = arith.index_cast %add3A_528 : i32 to index
        %swap3A_533 = tpu.vector_load %arg8[%swap3A_532] {strides = array<i32>} : memref<4112xi32, #tpu.memory_space<vmem>>, vector<16xi32>,
        tpu.vector_store %arg8[%swap3A_532], %broadcast_in_dim3A_6 {strides = array<i32>} : memref<4112xi32, #tpu.memory_space<vmem>>, vector<16xi32>,
        %add3A_534 = arith.constant 3598 : i32
        %add3A_535 = arith.addi %add3A_534, %mul3A_440 : i32
        %get3A_536 = arith.index_cast %add3A_535 : i32 to index
        %get3A_537 = tpu.vector_load %arg8[%get3A_536] {strides = array<i32>} : memref<4112xi32, #tpu.memory_space<vmem>>, vector<16xi32>,
        %add3A_538 = arith.addi %add3A_531, %get3A_537 : vector<16xi32>
        %swap3A_539 = arith.index_cast %add3A_535 : i32 to index
        %swap3A_540 = tpu.vector_load %arg8[%swap3A_539] {strides = array<i32>} : memref<4112xi32, #tpu.memory_space<vmem>>, vector<16xi32>,
        tpu.vector_store %arg8[%swap3A_539], %broadcast_in_dim3A_6 {strides = array<i32>} : memref<4112xi32, #tpu.memory_space<vmem>>, vector<16xi32>,
        %add3A_541 = arith.constant 3855 : i32
        %add3A_542 = arith.addi %add3A_541, %mul3A_440 : i32
        %get3A_543 = arith.index_cast %add3A_542 : i32 to index
        %get3A_544 = tpu.vector_load %arg8[%get3A_543] {strides = array<i32>} : memref<4112xi32, #tpu.memory_space<vmem>>, vector<16xi32>,
        %add3A_545 = arith.addi %add3A_538, %get3A_544 : vector<16xi32>
        %swap3A_546 = arith.index_cast %add3A_542 : i32 to index
        %swap3A_547 = tpu.vector_load %arg8[%swap3A_546] {strides = array<i32>} : memref<4112xi32, #tpu.memory_space<vmem>>, vector<16xi32>,
        tpu.vector_store %arg8[%swap3A_546], %broadcast_in_dim3A_6 {strides = array<i32>} : memref<4112xi32, #tpu.memory_space<vmem>>, vector<16xi32>,
        %rev3A = arith.constant 15 : i32
        %rev3A_548 = vector.broadcast %rev3A : i32 to vector<16xi32>
        %rev3A_549 = tpu.iota {dimensions = array<i32: 0>} : vector<16xi32>
        %rev3A_550 = arith.subi %rev3A_548, %rev3A_549 : vector<16xi32>
        %rev3A_551 = tpu.dynamic_gather %add3A_545[%rev3A_550] in [0] : vector<16xi32>, vector<16xi32> -> vector<16xi32>
        %broadcast_in_dim3A_552 = arith.constant true
        %broadcast_in_dim3A_553 = vector.broadcast %broadcast_in_dim3A_552 : i1 to vector<16xi1>
        %masked_cumsum3A = tpu.scan <sum>, %rev3A_551 masked %broadcast_in_dim3A_553 : vector<16xi32>, vector<16xi1> -> vector<16xi32>
        %add3A_554 = vector.broadcast %scan3A_434 : i32 to vector<16xi32>
        %add3A_555 = arith.addi %add3A_554, %masked_cumsum3A : vector<16xi32>
        %sub3A_556 = arith.subi %add3A_555, %rev3A_551 : vector<16xi32>
        %lt3A_557 = vector.broadcast %scan3A_27 : i32 to vector<16xi32>
        %lt3A_558 = arith.cmpi slt, %sub3A_556, %lt3A_557 : vector<16xi32>
        %ge3A = vector.broadcast %scan3A_27 : i32 to vector<16xi32>
        %ge3A_559 = arith.cmpi sge, %add3A_555, %ge3A : vector<16xi32>
        %and3A = arith.andi %lt3A_558, %ge3A_559 : vector<16xi1>
        %add3A_560 = arith.constant 15 : i32
        %add3A_561 = arith.addi %mul3A_440, %add3A_560 : i32
        %sub3A_562 = vector.broadcast %add3A_561 : i32 to vector<16xi32>
        %sub3A_563 = arith.subi %sub3A_562, %iota3A : vector<16xi32>
        %jit3A_564 = arith.constant 0 : i32
        %broadcast_in_dim3A_565 = vector.broadcast %jit3A_564 : i32 to vector<16xi32>
        %select_n3A_566 = arith.select %and3A, %sub3A_563, %broadcast_in_dim3A_565 : vector<16xi1>, vector<16xi32>
        %reduce_sum3A = arith.constant true
        %reduce_sum3A_567 = vector.broadcast %reduce_sum3A : i1 to vector<16xi1>
        %reduce_sum3A_568 = tpu.scan <sum>, %select_n3A_566 masked %reduce_sum3A_567 : vector<16xi32>, vector<16xi1> -> vector<16xi32>
        %reduce_sum3A_569 = vector.extract %reduce_sum3A_568[15] : i32 from vector<16xi32>
        %add3A_570 = arith.addi %scan3A_435, %reduce_sum3A_569 : i32
        %jit3A_571 = arith.constant 0 : i32
        %broadcast_in_dim3A_572 = vector.broadcast %jit3A_571 : i32 to vector<16xi32>
        %select_n3A_573 = arith.select %and3A, %sub3A_556, %broadcast_in_dim3A_572 : vector<16xi1>, vector<16xi32>
        %reduce_sum3A_574 = arith.constant true
        %reduce_sum3A_575 = vector.broadcast %reduce_sum3A_574 : i1 to vector<16xi1>
        %reduce_sum3A_576 = tpu.scan <sum>, %select_n3A_573 masked %reduce_sum3A_575 : vector<16xi32>, vector<16xi1> -> vector<16xi32>
        %reduce_sum3A_577 = vector.extract %reduce_sum3A_576[15] : i32 from vector<16xi32>
        %add3A_578 = arith.addi %scan3A_436, %reduce_sum3A_577 : i32
        %slice3A = vector.extract_strided_slice %masked_cumsum3A {offsets = [15], sizes = [1], strides = [1]} : vector<16xi32> to vector<1xi32>
        %squeeze3A = vector.extract %slice3A[0] : i32 from vector<1xi32>
        %add3A_579 = arith.addi %scan3A_434, %squeeze3A : i32
        scf.yield %add3A_579, %add3A_570, %add3A_578 : i32, i32, i32
      }
      %scan3A_36 = arith.constant 16 : i32
      %sub3A = arith.constant 3277 : i32
      %sub3A_37 = arith.subi %sub3A, %scan3A_35#2 : i32
      %sub3A_38 = arith.constant 128 : i32
      %sub3A_39 = arith.subi %scan3A_35#1, %sub3A_38 : i32
      %parallel_loop3A_40 = arith.constant 0 : i32
      %parallel_loop3A_41 = arith.constant 32768 : i32
      %parallel_loop3A_42 = arith.constant 16 : i32
      scf.for %parallel_loop3A_433 = %parallel_loop3A_40 to %parallel_loop3A_41 step %parallel_loop3A_42  : i32 {
        %parallel_loop3A_434 = arith.index_cast %parallel_loop3A_433 : i32 to index
        %parallel_loop3A_435 = tpu.vector_load %arg6[%parallel_loop3A_434] {strides = array<i32>} : memref<32768xi32, #tpu.memory_space<vmem>>, vector<16xi32>,
        %parallel_loop3A_436 = arith.constant 24 : i32
        %parallel_loop3A_437 = vector.broadcast %parallel_loop3A_436 : i32 to vector<16xi32>
        %parallel_loop3A_438 = arith.shrsi %parallel_loop3A_435, %parallel_loop3A_437 : vector<16xi32>
        %parallel_loop3A_439 = vector.broadcast %sub3A_39 : i32 to vector<16xi32>
        %parallel_loop3A_440 = arith.cmpi eq, %parallel_loop3A_438, %parallel_loop3A_439 : vector<16xi32>
        %parallel_loop3A_441 = arith.constant 16 : i32
        %parallel_loop3A_442 = vector.broadcast %parallel_loop3A_441 : i32 to vector<16xi32>
        %parallel_loop3A_443 = arith.shrsi %parallel_loop3A_435, %parallel_loop3A_442 : vector<16xi32>
        %parallel_loop3A_444 = arith.constant 255 : i32
        %parallel_loop3A_445 = vector.broadcast %parallel_loop3A_444 : i32 to vector<16xi32>
        %parallel_loop3A_446 = arith.andi %parallel_loop3A_443, %parallel_loop3A_445 : vector<16xi32>
        %parallel_loop3A_447 = arith.addi %mul3A_3, %parallel_loop3A_446 : vector<16xi32>
        tpu.vector_store_idx %arg8[%parallel_loop3A_447], %broadcast_in_dim3A_4 masked %parallel_loop3A_440 {add = true} : memref<4112xi32, #tpu.memory_space<vmem>>[vector<16xi32>], vector<16xi32>, vector<16xi1>
      } {sc.loop_unroll_factor = 16 : i64, sc.parallel_access}
      %scan3A_43 = arith.constant 0 : i32
      %scan3A_44 = arith.constant 0 : i32
      %scan3A_45 = arith.constant 0 : i32
      %scan3A_46 = arith.constant 0 : i32
      %scan3A_47 = arith.constant 16 : i32
      %scan3A_48 = arith.addi %scan3A_46, %scan3A_47 : i32
      %scan3A_49 = arith.constant 1 : i32
      %scan3A_50:3 = scf.for %scan3A_433 = %scan3A_46 to %scan3A_48 step %scan3A_49 iter_args(%scan3A_434 = %scan3A_43, %scan3A_435 = %scan3A_44, %scan3A_436 = %scan3A_45) -> (i32, i32, i32)  : i32 {
        %sub3A_437 = arith.constant 15 : i32
        %sub3A_438 = arith.subi %sub3A_437, %scan3A_433 : i32
        %mul3A_439 = arith.constant 16 : i32
        %mul3A_440 = arith.muli %sub3A_438, %mul3A_439 : i32
        %get3A = arith.index_cast %mul3A_440 : i32 to index
        %get3A_441 = tpu.vector_load %arg8[%get3A] {strides = array<i32>} : memref<4112xi32, #tpu.memory_space<vmem>>, vector<16xi32>,
        %swap3A = arith.index_cast %mul3A_440 : i32 to index
        %swap3A_442 = tpu.vector_load %arg8[%swap3A] {strides = array<i32>} : memref<4112xi32, #tpu.memory_space<vmem>>, vector<16xi32>,
        tpu.vector_store %arg8[%swap3A], %broadcast_in_dim3A_6 {strides = array<i32>} : memref<4112xi32, #tpu.memory_space<vmem>>, vector<16xi32>,
        %add3A_443 = arith.constant 257 : i32
        %add3A_444 = arith.addi %add3A_443, %mul3A_440 : i32
        %get3A_445 = arith.index_cast %add3A_444 : i32 to index
        %get3A_446 = tpu.vector_load %arg8[%get3A_445] {strides = array<i32>} : memref<4112xi32, #tpu.memory_space<vmem>>, vector<16xi32>,
        %add3A_447 = arith.addi %get3A_441, %get3A_446 : vector<16xi32>
        %swap3A_448 = arith.index_cast %add3A_444 : i32 to index
        %swap3A_449 = tpu.vector_load %arg8[%swap3A_448] {strides = array<i32>} : memref<4112xi32, #tpu.memory_space<vmem>>, vector<16xi32>,
        tpu.vector_store %arg8[%swap3A_448], %broadcast_in_dim3A_6 {strides = array<i32>} : memref<4112xi32, #tpu.memory_space<vmem>>, vector<16xi32>,
        %add3A_450 = arith.constant 514 : i32
        %add3A_451 = arith.addi %add3A_450, %mul3A_440 : i32
        %get3A_452 = arith.index_cast %add3A_451 : i32 to index
        %get3A_453 = tpu.vector_load %arg8[%get3A_452] {strides = array<i32>} : memref<4112xi32, #tpu.memory_space<vmem>>, vector<16xi32>,
        %add3A_454 = arith.addi %add3A_447, %get3A_453 : vector<16xi32>
        %swap3A_455 = arith.index_cast %add3A_451 : i32 to index
        %swap3A_456 = tpu.vector_load %arg8[%swap3A_455] {strides = array<i32>} : memref<4112xi32, #tpu.memory_space<vmem>>, vector<16xi32>,
        tpu.vector_store %arg8[%swap3A_455], %broadcast_in_dim3A_6 {strides = array<i32>} : memref<4112xi32, #tpu.memory_space<vmem>>, vector<16xi32>,
        %add3A_457 = arith.constant 771 : i32
        %add3A_458 = arith.addi %add3A_457, %mul3A_440 : i32
        %get3A_459 = arith.index_cast %add3A_458 : i32 to index
        %get3A_460 = tpu.vector_load %arg8[%get3A_459] {strides = array<i32>} : memref<4112xi32, #tpu.memory_space<vmem>>, vector<16xi32>,
        %add3A_461 = arith.addi %add3A_454, %get3A_460 : vector<16xi32>
        %swap3A_462 = arith.index_cast %add3A_458 : i32 to index
        %swap3A_463 = tpu.vector_load %arg8[%swap3A_462] {strides = array<i32>} : memref<4112xi32, #tpu.memory_space<vmem>>, vector<16xi32>,
        tpu.vector_store %arg8[%swap3A_462], %broadcast_in_dim3A_6 {strides = array<i32>} : memref<4112xi32, #tpu.memory_space<vmem>>, vector<16xi32>,
        %add3A_464 = arith.constant 1028 : i32
        %add3A_465 = arith.addi %add3A_464, %mul3A_440 : i32
        %get3A_466 = arith.index_cast %add3A_465 : i32 to index
        %get3A_467 = tpu.vector_load %arg8[%get3A_466] {strides = array<i32>} : memref<4112xi32, #tpu.memory_space<vmem>>, vector<16xi32>,
        %add3A_468 = arith.addi %add3A_461, %get3A_467 : vector<16xi32>
        %swap3A_469 = arith.index_cast %add3A_465 : i32 to index
        %swap3A_470 = tpu.vector_load %arg8[%swap3A_469] {strides = array<i32>} : memref<4112xi32, #tpu.memory_space<vmem>>, vector<16xi32>,
        tpu.vector_store %arg8[%swap3A_469], %broadcast_in_dim3A_6 {strides = array<i32>} : memref<4112xi32, #tpu.memory_space<vmem>>, vector<16xi32>,
        %add3A_471 = arith.constant 1285 : i32
        %add3A_472 = arith.addi %add3A_471, %mul3A_440 : i32
        %get3A_473 = arith.index_cast %add3A_472 : i32 to index
        %get3A_474 = tpu.vector_load %arg8[%get3A_473] {strides = array<i32>} : memref<4112xi32, #tpu.memory_space<vmem>>, vector<16xi32>,
        %add3A_475 = arith.addi %add3A_468, %get3A_474 : vector<16xi32>
        %swap3A_476 = arith.index_cast %add3A_472 : i32 to index
        %swap3A_477 = tpu.vector_load %arg8[%swap3A_476] {strides = array<i32>} : memref<4112xi32, #tpu.memory_space<vmem>>, vector<16xi32>,
        tpu.vector_store %arg8[%swap3A_476], %broadcast_in_dim3A_6 {strides = array<i32>} : memref<4112xi32, #tpu.memory_space<vmem>>, vector<16xi32>,
        %add3A_478 = arith.constant 1542 : i32
        %add3A_479 = arith.addi %add3A_478, %mul3A_440 : i32
        %get3A_480 = arith.index_cast %add3A_479 : i32 to index
        %get3A_481 = tpu.vector_load %arg8[%get3A_480] {strides = array<i32>} : memref<4112xi32, #tpu.memory_space<vmem>>, vector<16xi32>,
        %add3A_482 = arith.addi %add3A_475, %get3A_481 : vector<16xi32>
        %swap3A_483 = arith.index_cast %add3A_479 : i32 to index
        %swap3A_484 = tpu.vector_load %arg8[%swap3A_483] {strides = array<i32>} : memref<4112xi32, #tpu.memory_space<vmem>>, vector<16xi32>,
        tpu.vector_store %arg8[%swap3A_483], %broadcast_in_dim3A_6 {strides = array<i32>} : memref<4112xi32, #tpu.memory_space<vmem>>, vector<16xi32>,
        %add3A_485 = arith.constant 1799 : i32
        %add3A_486 = arith.addi %add3A_485, %mul3A_440 : i32
        %get3A_487 = arith.index_cast %add3A_486 : i32 to index
        %get3A_488 = tpu.vector_load %arg8[%get3A_487] {strides = array<i32>} : memref<4112xi32, #tpu.memory_space<vmem>>, vector<16xi32>,
        %add3A_489 = arith.addi %add3A_482, %get3A_488 : vector<16xi32>
        %swap3A_490 = arith.index_cast %add3A_486 : i32 to index
        %swap3A_491 = tpu.vector_load %arg8[%swap3A_490] {strides = array<i32>} : memref<4112xi32, #tpu.memory_space<vmem>>, vector<16xi32>,
        tpu.vector_store %arg8[%swap3A_490], %broadcast_in_dim3A_6 {strides = array<i32>} : memref<4112xi32, #tpu.memory_space<vmem>>, vector<16xi32>,
        %add3A_492 = arith.constant 2056 : i32
        %add3A_493 = arith.addi %add3A_492, %mul3A_440 : i32
        %get3A_494 = arith.index_cast %add3A_493 : i32 to index
        %get3A_495 = tpu.vector_load %arg8[%get3A_494] {strides = array<i32>} : memref<4112xi32, #tpu.memory_space<vmem>>, vector<16xi32>,
        %add3A_496 = arith.addi %add3A_489, %get3A_495 : vector<16xi32>
        %swap3A_497 = arith.index_cast %add3A_493 : i32 to index
        %swap3A_498 = tpu.vector_load %arg8[%swap3A_497] {strides = array<i32>} : memref<4112xi32, #tpu.memory_space<vmem>>, vector<16xi32>,
        tpu.vector_store %arg8[%swap3A_497], %broadcast_in_dim3A_6 {strides = array<i32>} : memref<4112xi32, #tpu.memory_space<vmem>>, vector<16xi32>,
        %add3A_499 = arith.constant 2313 : i32
        %add3A_500 = arith.addi %add3A_499, %mul3A_440 : i32
        %get3A_501 = arith.index_cast %add3A_500 : i32 to index
        %get3A_502 = tpu.vector_load %arg8[%get3A_501] {strides = array<i32>} : memref<4112xi32, #tpu.memory_space<vmem>>, vector<16xi32>,
        %add3A_503 = arith.addi %add3A_496, %get3A_502 : vector<16xi32>
        %swap3A_504 = arith.index_cast %add3A_500 : i32 to index
        %swap3A_505 = tpu.vector_load %arg8[%swap3A_504] {strides = array<i32>} : memref<4112xi32, #tpu.memory_space<vmem>>, vector<16xi32>,
        tpu.vector_store %arg8[%swap3A_504], %broadcast_in_dim3A_6 {strides = array<i32>} : memref<4112xi32, #tpu.memory_space<vmem>>, vector<16xi32>,
        %add3A_506 = arith.constant 2570 : i32
        %add3A_507 = arith.addi %add3A_506, %mul3A_440 : i32
        %get3A_508 = arith.index_cast %add3A_507 : i32 to index
        %get3A_509 = tpu.vector_load %arg8[%get3A_508] {strides = array<i32>} : memref<4112xi32, #tpu.memory_space<vmem>>, vector<16xi32>,
        %add3A_510 = arith.addi %add3A_503, %get3A_509 : vector<16xi32>
        %swap3A_511 = arith.index_cast %add3A_507 : i32 to index
        %swap3A_512 = tpu.vector_load %arg8[%swap3A_511] {strides = array<i32>} : memref<4112xi32, #tpu.memory_space<vmem>>, vector<16xi32>,
        tpu.vector_store %arg8[%swap3A_511], %broadcast_in_dim3A_6 {strides = array<i32>} : memref<4112xi32, #tpu.memory_space<vmem>>, vector<16xi32>,
        %add3A_513 = arith.constant 2827 : i32
        %add3A_514 = arith.addi %add3A_513, %mul3A_440 : i32
        %get3A_515 = arith.index_cast %add3A_514 : i32 to index
        %get3A_516 = tpu.vector_load %arg8[%get3A_515] {strides = array<i32>} : memref<4112xi32, #tpu.memory_space<vmem>>, vector<16xi32>,
        %add3A_517 = arith.addi %add3A_510, %get3A_516 : vector<16xi32>
        %swap3A_518 = arith.index_cast %add3A_514 : i32 to index
        %swap3A_519 = tpu.vector_load %arg8[%swap3A_518] {strides = array<i32>} : memref<4112xi32, #tpu.memory_space<vmem>>, vector<16xi32>,
        tpu.vector_store %arg8[%swap3A_518], %broadcast_in_dim3A_6 {strides = array<i32>} : memref<4112xi32, #tpu.memory_space<vmem>>, vector<16xi32>,
        %add3A_520 = arith.constant 3084 : i32
        %add3A_521 = arith.addi %add3A_520, %mul3A_440 : i32
        %get3A_522 = arith.index_cast %add3A_521 : i32 to index
        %get3A_523 = tpu.vector_load %arg8[%get3A_522] {strides = array<i32>} : memref<4112xi32, #tpu.memory_space<vmem>>, vector<16xi32>,
        %add3A_524 = arith.addi %add3A_517, %get3A_523 : vector<16xi32>
        %swap3A_525 = arith.index_cast %add3A_521 : i32 to index
        %swap3A_526 = tpu.vector_load %arg8[%swap3A_525] {strides = array<i32>} : memref<4112xi32, #tpu.memory_space<vmem>>, vector<16xi32>,
        tpu.vector_store %arg8[%swap3A_525], %broadcast_in_dim3A_6 {strides = array<i32>} : memref<4112xi32, #tpu.memory_space<vmem>>, vector<16xi32>,
        %add3A_527 = arith.constant 3341 : i32
        %add3A_528 = arith.addi %add3A_527, %mul3A_440 : i32
        %get3A_529 = arith.index_cast %add3A_528 : i32 to index
        %get3A_530 = tpu.vector_load %arg8[%get3A_529] {strides = array<i32>} : memref<4112xi32, #tpu.memory_space<vmem>>, vector<16xi32>,
        %add3A_531 = arith.addi %add3A_524, %get3A_530 : vector<16xi32>
        %swap3A_532 = arith.index_cast %add3A_528 : i32 to index
        %swap3A_533 = tpu.vector_load %arg8[%swap3A_532] {strides = array<i32>} : memref<4112xi32, #tpu.memory_space<vmem>>, vector<16xi32>,
        tpu.vector_store %arg8[%swap3A_532], %broadcast_in_dim3A_6 {strides = array<i32>} : memref<4112xi32, #tpu.memory_space<vmem>>, vector<16xi32>,
        %add3A_534 = arith.constant 3598 : i32
        %add3A_535 = arith.addi %add3A_534, %mul3A_440 : i32
        %get3A_536 = arith.index_cast %add3A_535 : i32 to index
        %get3A_537 = tpu.vector_load %arg8[%get3A_536] {strides = array<i32>} : memref<4112xi32, #tpu.memory_space<vmem>>, vector<16xi32>,
        %add3A_538 = arith.addi %add3A_531, %get3A_537 : vector<16xi32>
        %swap3A_539 = arith.index_cast %add3A_535 : i32 to index
        %swap3A_540 = tpu.vector_load %arg8[%swap3A_539] {strides = array<i32>} : memref<4112xi32, #tpu.memory_space<vmem>>, vector<16xi32>,
        tpu.vector_store %arg8[%swap3A_539], %broadcast_in_dim3A_6 {strides = array<i32>} : memref<4112xi32, #tpu.memory_space<vmem>>, vector<16xi32>,
        %add3A_541 = arith.constant 3855 : i32
        %add3A_542 = arith.addi %add3A_541, %mul3A_440 : i32
        %get3A_543 = arith.index_cast %add3A_542 : i32 to index
        %get3A_544 = tpu.vector_load %arg8[%get3A_543] {strides = array<i32>} : memref<4112xi32, #tpu.memory_space<vmem>>, vector<16xi32>,
        %add3A_545 = arith.addi %add3A_538, %get3A_544 : vector<16xi32>
        %swap3A_546 = arith.index_cast %add3A_542 : i32 to index
        %swap3A_547 = tpu.vector_load %arg8[%swap3A_546] {strides = array<i32>} : memref<4112xi32, #tpu.memory_space<vmem>>, vector<16xi32>,
        tpu.vector_store %arg8[%swap3A_546], %broadcast_in_dim3A_6 {strides = array<i32>} : memref<4112xi32, #tpu.memory_space<vmem>>, vector<16xi32>,
        %rev3A = arith.constant 15 : i32
        %rev3A_548 = vector.broadcast %rev3A : i32 to vector<16xi32>
        %rev3A_549 = tpu.iota {dimensions = array<i32: 0>} : vector<16xi32>
        %rev3A_550 = arith.subi %rev3A_548, %rev3A_549 : vector<16xi32>
        %rev3A_551 = tpu.dynamic_gather %add3A_545[%rev3A_550] in [0] : vector<16xi32>, vector<16xi32> -> vector<16xi32>
        %broadcast_in_dim3A_552 = arith.constant true
        %broadcast_in_dim3A_553 = vector.broadcast %broadcast_in_dim3A_552 : i1 to vector<16xi1>
        %masked_cumsum3A = tpu.scan <sum>, %rev3A_551 masked %broadcast_in_dim3A_553 : vector<16xi32>, vector<16xi1> -> vector<16xi32>
        %add3A_554 = vector.broadcast %scan3A_434 : i32 to vector<16xi32>
        %add3A_555 = arith.addi %add3A_554, %masked_cumsum3A : vector<16xi32>
        %sub3A_556 = arith.subi %add3A_555, %rev3A_551 : vector<16xi32>
        %lt3A_557 = vector.broadcast %sub3A_37 : i32 to vector<16xi32>
        %lt3A_558 = arith.cmpi slt, %sub3A_556, %lt3A_557 : vector<16xi32>
        %ge3A = vector.broadcast %sub3A_37 : i32 to vector<16xi32>
        %ge3A_559 = arith.cmpi sge, %add3A_555, %ge3A : vector<16xi32>
        %and3A = arith.andi %lt3A_558, %ge3A_559 : vector<16xi1>
        %add3A_560 = arith.constant 15 : i32
        %add3A_561 = arith.addi %mul3A_440, %add3A_560 : i32
        %sub3A_562 = vector.broadcast %add3A_561 : i32 to vector<16xi32>
        %sub3A_563 = arith.subi %sub3A_562, %iota3A : vector<16xi32>
        %jit3A_564 = arith.constant 0 : i32
        %broadcast_in_dim3A_565 = vector.broadcast %jit3A_564 : i32 to vector<16xi32>
        %select_n3A_566 = arith.select %and3A, %sub3A_563, %broadcast_in_dim3A_565 : vector<16xi1>, vector<16xi32>
        %reduce_sum3A = arith.constant true
        %reduce_sum3A_567 = vector.broadcast %reduce_sum3A : i1 to vector<16xi1>
        %reduce_sum3A_568 = tpu.scan <sum>, %select_n3A_566 masked %reduce_sum3A_567 : vector<16xi32>, vector<16xi1> -> vector<16xi32>
        %reduce_sum3A_569 = vector.extract %reduce_sum3A_568[15] : i32 from vector<16xi32>
        %add3A_570 = arith.addi %scan3A_435, %reduce_sum3A_569 : i32
        %jit3A_571 = arith.constant 0 : i32
        %broadcast_in_dim3A_572 = vector.broadcast %jit3A_571 : i32 to vector<16xi32>
        %select_n3A_573 = arith.select %and3A, %sub3A_556, %broadcast_in_dim3A_572 : vector<16xi1>, vector<16xi32>
        %reduce_sum3A_574 = arith.constant true
        %reduce_sum3A_575 = vector.broadcast %reduce_sum3A_574 : i1 to vector<16xi1>
        %reduce_sum3A_576 = tpu.scan <sum>, %select_n3A_573 masked %reduce_sum3A_575 : vector<16xi32>, vector<16xi1> -> vector<16xi32>
        %reduce_sum3A_577 = vector.extract %reduce_sum3A_576[15] : i32 from vector<16xi32>
        %add3A_578 = arith.addi %scan3A_436, %reduce_sum3A_577 : i32
        %slice3A = vector.extract_strided_slice %masked_cumsum3A {offsets = [15], sizes = [1], strides = [1]} : vector<16xi32> to vector<1xi32>
        %squeeze3A = vector.extract %slice3A[0] : i32 from vector<1xi32>
        %add3A_579 = arith.addi %scan3A_434, %squeeze3A : i32
        scf.yield %add3A_579, %add3A_570, %add3A_578 : i32, i32, i32
      }
      %scan3A_51 = arith.constant 16 : i32
      %sub3A_52 = arith.subi %sub3A_37, %scan3A_50#2 : i32
      %mul3A_53 = arith.constant 256 : i32
      %mul3A_54 = arith.muli %sub3A_39, %mul3A_53 : i32
      %add3A_55 = arith.addi %mul3A_54, %scan3A_50#1 : i32
      %parallel_loop3A_56 = arith.constant 0 : i32
      %parallel_loop3A_57 = arith.constant 32768 : i32
      %parallel_loop3A_58 = arith.constant 16 : i32
      scf.for %parallel_loop3A_433 = %parallel_loop3A_56 to %parallel_loop3A_57 step %parallel_loop3A_58  : i32 {
        %parallel_loop3A_434 = arith.index_cast %parallel_loop3A_433 : i32 to index
        %parallel_loop3A_435 = tpu.vector_load %arg6[%parallel_loop3A_434] {strides = array<i32>} : memref<32768xi32, #tpu.memory_space<vmem>>, vector<16xi32>,
        %parallel_loop3A_436 = arith.constant 16 : i32
        %parallel_loop3A_437 = vector.broadcast %parallel_loop3A_436 : i32 to vector<16xi32>
        %parallel_loop3A_438 = arith.shrsi %parallel_loop3A_435, %parallel_loop3A_437 : vector<16xi32>
        %parallel_loop3A_439 = vector.broadcast %add3A_55 : i32 to vector<16xi32>
        %parallel_loop3A_440 = arith.cmpi eq, %parallel_loop3A_438, %parallel_loop3A_439 : vector<16xi32>
        %parallel_loop3A_441 = arith.constant 8 : i32
        %parallel_loop3A_442 = vector.broadcast %parallel_loop3A_441 : i32 to vector<16xi32>
        %parallel_loop3A_443 = arith.shrsi %parallel_loop3A_435, %parallel_loop3A_442 : vector<16xi32>
        %parallel_loop3A_444 = arith.constant 255 : i32
        %parallel_loop3A_445 = vector.broadcast %parallel_loop3A_444 : i32 to vector<16xi32>
        %parallel_loop3A_446 = arith.andi %parallel_loop3A_443, %parallel_loop3A_445 : vector<16xi32>
        %parallel_loop3A_447 = arith.addi %mul3A_3, %parallel_loop3A_446 : vector<16xi32>
        tpu.vector_store_idx %arg8[%parallel_loop3A_447], %broadcast_in_dim3A_4 masked %parallel_loop3A_440 {add = true} : memref<4112xi32, #tpu.memory_space<vmem>>[vector<16xi32>], vector<16xi32>, vector<16xi1>
      } {sc.loop_unroll_factor = 16 : i64, sc.parallel_access}
      %scan3A_59 = arith.constant 0 : i32
      %scan3A_60 = arith.constant 0 : i32
      %scan3A_61 = arith.constant 0 : i32
      %scan3A_62 = arith.constant 0 : i32
      %scan3A_63 = arith.constant 16 : i32
      %scan3A_64 = arith.addi %scan3A_62, %scan3A_63 : i32
      %scan3A_65 = arith.constant 1 : i32
      %scan3A_66:3 = scf.for %scan3A_433 = %scan3A_62 to %scan3A_64 step %scan3A_65 iter_args(%scan3A_434 = %scan3A_59, %scan3A_435 = %scan3A_60, %scan3A_436 = %scan3A_61) -> (i32, i32, i32)  : i32 {
        %sub3A_437 = arith.constant 15 : i32
        %sub3A_438 = arith.subi %sub3A_437, %scan3A_433 : i32
        %mul3A_439 = arith.constant 16 : i32
        %mul3A_440 = arith.muli %sub3A_438, %mul3A_439 : i32
        %get3A = arith.index_cast %mul3A_440 : i32 to index
        %get3A_441 = tpu.vector_load %arg8[%get3A] {strides = array<i32>} : memref<4112xi32, #tpu.memory_space<vmem>>, vector<16xi32>,
        %swap3A = arith.index_cast %mul3A_440 : i32 to index
        %swap3A_442 = tpu.vector_load %arg8[%swap3A] {strides = array<i32>} : memref<4112xi32, #tpu.memory_space<vmem>>, vector<16xi32>,
        tpu.vector_store %arg8[%swap3A], %broadcast_in_dim3A_6 {strides = array<i32>} : memref<4112xi32, #tpu.memory_space<vmem>>, vector<16xi32>,
        %add3A_443 = arith.constant 257 : i32
        %add3A_444 = arith.addi %add3A_443, %mul3A_440 : i32
        %get3A_445 = arith.index_cast %add3A_444 : i32 to index
        %get3A_446 = tpu.vector_load %arg8[%get3A_445] {strides = array<i32>} : memref<4112xi32, #tpu.memory_space<vmem>>, vector<16xi32>,
        %add3A_447 = arith.addi %get3A_441, %get3A_446 : vector<16xi32>
        %swap3A_448 = arith.index_cast %add3A_444 : i32 to index
        %swap3A_449 = tpu.vector_load %arg8[%swap3A_448] {strides = array<i32>} : memref<4112xi32, #tpu.memory_space<vmem>>, vector<16xi32>,
        tpu.vector_store %arg8[%swap3A_448], %broadcast_in_dim3A_6 {strides = array<i32>} : memref<4112xi32, #tpu.memory_space<vmem>>, vector<16xi32>,
        %add3A_450 = arith.constant 514 : i32
        %add3A_451 = arith.addi %add3A_450, %mul3A_440 : i32
        %get3A_452 = arith.index_cast %add3A_451 : i32 to index
        %get3A_453 = tpu.vector_load %arg8[%get3A_452] {strides = array<i32>} : memref<4112xi32, #tpu.memory_space<vmem>>, vector<16xi32>,
        %add3A_454 = arith.addi %add3A_447, %get3A_453 : vector<16xi32>
        %swap3A_455 = arith.index_cast %add3A_451 : i32 to index
        %swap3A_456 = tpu.vector_load %arg8[%swap3A_455] {strides = array<i32>} : memref<4112xi32, #tpu.memory_space<vmem>>, vector<16xi32>,
        tpu.vector_store %arg8[%swap3A_455], %broadcast_in_dim3A_6 {strides = array<i32>} : memref<4112xi32, #tpu.memory_space<vmem>>, vector<16xi32>,
        %add3A_457 = arith.constant 771 : i32
        %add3A_458 = arith.addi %add3A_457, %mul3A_440 : i32
        %get3A_459 = arith.index_cast %add3A_458 : i32 to index
        %get3A_460 = tpu.vector_load %arg8[%get3A_459] {strides = array<i32>} : memref<4112xi32, #tpu.memory_space<vmem>>, vector<16xi32>,
        %add3A_461 = arith.addi %add3A_454, %get3A_460 : vector<16xi32>
        %swap3A_462 = arith.index_cast %add3A_458 : i32 to index
        %swap3A_463 = tpu.vector_load %arg8[%swap3A_462] {strides = array<i32>} : memref<4112xi32, #tpu.memory_space<vmem>>, vector<16xi32>,
        tpu.vector_store %arg8[%swap3A_462], %broadcast_in_dim3A_6 {strides = array<i32>} : memref<4112xi32, #tpu.memory_space<vmem>>, vector<16xi32>,
        %add3A_464 = arith.constant 1028 : i32
        %add3A_465 = arith.addi %add3A_464, %mul3A_440 : i32
        %get3A_466 = arith.index_cast %add3A_465 : i32 to index
        %get3A_467 = tpu.vector_load %arg8[%get3A_466] {strides = array<i32>} : memref<4112xi32, #tpu.memory_space<vmem>>, vector<16xi32>,
        %add3A_468 = arith.addi %add3A_461, %get3A_467 : vector<16xi32>
        %swap3A_469 = arith.index_cast %add3A_465 : i32 to index
        %swap3A_470 = tpu.vector_load %arg8[%swap3A_469] {strides = array<i32>} : memref<4112xi32, #tpu.memory_space<vmem>>, vector<16xi32>,
        tpu.vector_store %arg8[%swap3A_469], %broadcast_in_dim3A_6 {strides = array<i32>} : memref<4112xi32, #tpu.memory_space<vmem>>, vector<16xi32>,
        %add3A_471 = arith.constant 1285 : i32
        %add3A_472 = arith.addi %add3A_471, %mul3A_440 : i32
        %get3A_473 = arith.index_cast %add3A_472 : i32 to index
        %get3A_474 = tpu.vector_load %arg8[%get3A_473] {strides = array<i32>} : memref<4112xi32, #tpu.memory_space<vmem>>, vector<16xi32>,
        %add3A_475 = arith.addi %add3A_468, %get3A_474 : vector<16xi32>
        %swap3A_476 = arith.index_cast %add3A_472 : i32 to index
        %swap3A_477 = tpu.vector_load %arg8[%swap3A_476] {strides = array<i32>} : memref<4112xi32, #tpu.memory_space<vmem>>, vector<16xi32>,
        tpu.vector_store %arg8[%swap3A_476], %broadcast_in_dim3A_6 {strides = array<i32>} : memref<4112xi32, #tpu.memory_space<vmem>>, vector<16xi32>,
        %add3A_478 = arith.constant 1542 : i32
        %add3A_479 = arith.addi %add3A_478, %mul3A_440 : i32
        %get3A_480 = arith.index_cast %add3A_479 : i32 to index
        %get3A_481 = tpu.vector_load %arg8[%get3A_480] {strides = array<i32>} : memref<4112xi32, #tpu.memory_space<vmem>>, vector<16xi32>,
        %add3A_482 = arith.addi %add3A_475, %get3A_481 : vector<16xi32>
        %swap3A_483 = arith.index_cast %add3A_479 : i32 to index
        %swap3A_484 = tpu.vector_load %arg8[%swap3A_483] {strides = array<i32>} : memref<4112xi32, #tpu.memory_space<vmem>>, vector<16xi32>,
        tpu.vector_store %arg8[%swap3A_483], %broadcast_in_dim3A_6 {strides = array<i32>} : memref<4112xi32, #tpu.memory_space<vmem>>, vector<16xi32>,
        %add3A_485 = arith.constant 1799 : i32
        %add3A_486 = arith.addi %add3A_485, %mul3A_440 : i32
        %get3A_487 = arith.index_cast %add3A_486 : i32 to index
        %get3A_488 = tpu.vector_load %arg8[%get3A_487] {strides = array<i32>} : memref<4112xi32, #tpu.memory_space<vmem>>, vector<16xi32>,
        %add3A_489 = arith.addi %add3A_482, %get3A_488 : vector<16xi32>
        %swap3A_490 = arith.index_cast %add3A_486 : i32 to index
        %swap3A_491 = tpu.vector_load %arg8[%swap3A_490] {strides = array<i32>} : memref<4112xi32, #tpu.memory_space<vmem>>, vector<16xi32>,
        tpu.vector_store %arg8[%swap3A_490], %broadcast_in_dim3A_6 {strides = array<i32>} : memref<4112xi32, #tpu.memory_space<vmem>>, vector<16xi32>,
        %add3A_492 = arith.constant 2056 : i32
        %add3A_493 = arith.addi %add3A_492, %mul3A_440 : i32
        %get3A_494 = arith.index_cast %add3A_493 : i32 to index
        %get3A_495 = tpu.vector_load %arg8[%get3A_494] {strides = array<i32>} : memref<4112xi32, #tpu.memory_space<vmem>>, vector<16xi32>,
        %add3A_496 = arith.addi %add3A_489, %get3A_495 : vector<16xi32>
        %swap3A_497 = arith.index_cast %add3A_493 : i32 to index
        %swap3A_498 = tpu.vector_load %arg8[%swap3A_497] {strides = array<i32>} : memref<4112xi32, #tpu.memory_space<vmem>>, vector<16xi32>,
        tpu.vector_store %arg8[%swap3A_497], %broadcast_in_dim3A_6 {strides = array<i32>} : memref<4112xi32, #tpu.memory_space<vmem>>, vector<16xi32>,
        %add3A_499 = arith.constant 2313 : i32
        %add3A_500 = arith.addi %add3A_499, %mul3A_440 : i32
        %get3A_501 = arith.index_cast %add3A_500 : i32 to index
        %get3A_502 = tpu.vector_load %arg8[%get3A_501] {strides = array<i32>} : memref<4112xi32, #tpu.memory_space<vmem>>, vector<16xi32>,
        %add3A_503 = arith.addi %add3A_496, %get3A_502 : vector<16xi32>
        %swap3A_504 = arith.index_cast %add3A_500 : i32 to index
        %swap3A_505 = tpu.vector_load %arg8[%swap3A_504] {strides = array<i32>} : memref<4112xi32, #tpu.memory_space<vmem>>, vector<16xi32>,
        tpu.vector_store %arg8[%swap3A_504], %broadcast_in_dim3A_6 {strides = array<i32>} : memref<4112xi32, #tpu.memory_space<vmem>>, vector<16xi32>,
        %add3A_506 = arith.constant 2570 : i32
        %add3A_507 = arith.addi %add3A_506, %mul3A_440 : i32
        %get3A_508 = arith.index_cast %add3A_507 : i32 to index
        %get3A_509 = tpu.vector_load %arg8[%get3A_508] {strides = array<i32>} : memref<4112xi32, #tpu.memory_space<vmem>>, vector<16xi32>,
        %add3A_510 = arith.addi %add3A_503, %get3A_509 : vector<16xi32>
        %swap3A_511 = arith.index_cast %add3A_507 : i32 to index
        %swap3A_512 = tpu.vector_load %arg8[%swap3A_511] {strides = array<i32>} : memref<4112xi32, #tpu.memory_space<vmem>>, vector<16xi32>,
        tpu.vector_store %arg8[%swap3A_511], %broadcast_in_dim3A_6 {strides = array<i32>} : memref<4112xi32, #tpu.memory_space<vmem>>, vector<16xi32>,
        %add3A_513 = arith.constant 2827 : i32
        %add3A_514 = arith.addi %add3A_513, %mul3A_440 : i32
        %get3A_515 = arith.index_cast %add3A_514 : i32 to index
        %get3A_516 = tpu.vector_load %arg8[%get3A_515] {strides = array<i32>} : memref<4112xi32, #tpu.memory_space<vmem>>, vector<16xi32>,
        %add3A_517 = arith.addi %add3A_510, %get3A_516 : vector<16xi32>
        %swap3A_518 = arith.index_cast %add3A_514 : i32 to index
        %swap3A_519 = tpu.vector_load %arg8[%swap3A_518] {strides = array<i32>} : memref<4112xi32, #tpu.memory_space<vmem>>, vector<16xi32>,
        tpu.vector_store %arg8[%swap3A_518], %broadcast_in_dim3A_6 {strides = array<i32>} : memref<4112xi32, #tpu.memory_space<vmem>>, vector<16xi32>,
        %add3A_520 = arith.constant 3084 : i32
        %add3A_521 = arith.addi %add3A_520, %mul3A_440 : i32
        %get3A_522 = arith.index_cast %add3A_521 : i32 to index
        %get3A_523 = tpu.vector_load %arg8[%get3A_522] {strides = array<i32>} : memref<4112xi32, #tpu.memory_space<vmem>>, vector<16xi32>,
        %add3A_524 = arith.addi %add3A_517, %get3A_523 : vector<16xi32>
        %swap3A_525 = arith.index_cast %add3A_521 : i32 to index
        %swap3A_526 = tpu.vector_load %arg8[%swap3A_525] {strides = array<i32>} : memref<4112xi32, #tpu.memory_space<vmem>>, vector<16xi32>,
        tpu.vector_store %arg8[%swap3A_525], %broadcast_in_dim3A_6 {strides = array<i32>} : memref<4112xi32, #tpu.memory_space<vmem>>, vector<16xi32>,
        %add3A_527 = arith.constant 3341 : i32
        %add3A_528 = arith.addi %add3A_527, %mul3A_440 : i32
        %get3A_529 = arith.index_cast %add3A_528 : i32 to index
        %get3A_530 = tpu.vector_load %arg8[%get3A_529] {strides = array<i32>} : memref<4112xi32, #tpu.memory_space<vmem>>, vector<16xi32>,
        %add3A_531 = arith.addi %add3A_524, %get3A_530 : vector<16xi32>
        %swap3A_532 = arith.index_cast %add3A_528 : i32 to index
        %swap3A_533 = tpu.vector_load %arg8[%swap3A_532] {strides = array<i32>} : memref<4112xi32, #tpu.memory_space<vmem>>, vector<16xi32>,
        tpu.vector_store %arg8[%swap3A_532], %broadcast_in_dim3A_6 {strides = array<i32>} : memref<4112xi32, #tpu.memory_space<vmem>>, vector<16xi32>,
        %add3A_534 = arith.constant 3598 : i32
        %add3A_535 = arith.addi %add3A_534, %mul3A_440 : i32
        %get3A_536 = arith.index_cast %add3A_535 : i32 to index
        %get3A_537 = tpu.vector_load %arg8[%get3A_536] {strides = array<i32>} : memref<4112xi32, #tpu.memory_space<vmem>>, vector<16xi32>,
        %add3A_538 = arith.addi %add3A_531, %get3A_537 : vector<16xi32>
        %swap3A_539 = arith.index_cast %add3A_535 : i32 to index
        %swap3A_540 = tpu.vector_load %arg8[%swap3A_539] {strides = array<i32>} : memref<4112xi32, #tpu.memory_space<vmem>>, vector<16xi32>,
        tpu.vector_store %arg8[%swap3A_539], %broadcast_in_dim3A_6 {strides = array<i32>} : memref<4112xi32, #tpu.memory_space<vmem>>, vector<16xi32>,
        %add3A_541 = arith.constant 3855 : i32
        %add3A_542 = arith.addi %add3A_541, %mul3A_440 : i32
        %get3A_543 = arith.index_cast %add3A_542 : i32 to index
        %get3A_544 = tpu.vector_load %arg8[%get3A_543] {strides = array<i32>} : memref<4112xi32, #tpu.memory_space<vmem>>, vector<16xi32>,
        %add3A_545 = arith.addi %add3A_538, %get3A_544 : vector<16xi32>
        %swap3A_546 = arith.index_cast %add3A_542 : i32 to index
        %swap3A_547 = tpu.vector_load %arg8[%swap3A_546] {strides = array<i32>} : memref<4112xi32, #tpu.memory_space<vmem>>, vector<16xi32>,
        tpu.vector_store %arg8[%swap3A_546], %broadcast_in_dim3A_6 {strides = array<i32>} : memref<4112xi32, #tpu.memory_space<vmem>>, vector<16xi32>,
        %rev3A = arith.constant 15 : i32
        %rev3A_548 = vector.broadcast %rev3A : i32 to vector<16xi32>
        %rev3A_549 = tpu.iota {dimensions = array<i32: 0>} : vector<16xi32>
        %rev3A_550 = arith.subi %rev3A_548, %rev3A_549 : vector<16xi32>
        %rev3A_551 = tpu.dynamic_gather %add3A_545[%rev3A_550] in [0] : vector<16xi32>, vector<16xi32> -> vector<16xi32>
        %broadcast_in_dim3A_552 = arith.constant true
        %broadcast_in_dim3A_553 = vector.broadcast %broadcast_in_dim3A_552 : i1 to vector<16xi1>
        %masked_cumsum3A = tpu.scan <sum>, %rev3A_551 masked %broadcast_in_dim3A_553 : vector<16xi32>, vector<16xi1> -> vector<16xi32>
        %add3A_554 = vector.broadcast %scan3A_434 : i32 to vector<16xi32>
        %add3A_555 = arith.addi %add3A_554, %masked_cumsum3A : vector<16xi32>
        %sub3A_556 = arith.subi %add3A_555, %rev3A_551 : vector<16xi32>
        %lt3A_557 = vector.broadcast %sub3A_52 : i32 to vector<16xi32>
        %lt3A_558 = arith.cmpi slt, %sub3A_556, %lt3A_557 : vector<16xi32>
        %ge3A = vector.broadcast %sub3A_52 : i32 to vector<16xi32>
        %ge3A_559 = arith.cmpi sge, %add3A_555, %ge3A : vector<16xi32>
        %and3A = arith.andi %lt3A_558, %ge3A_559 : vector<16xi1>
        %add3A_560 = arith.constant 15 : i32
        %add3A_561 = arith.addi %mul3A_440, %add3A_560 : i32
        %sub3A_562 = vector.broadcast %add3A_561 : i32 to vector<16xi32>
        %sub3A_563 = arith.subi %sub3A_562, %iota3A : vector<16xi32>
        %jit3A_564 = arith.constant 0 : i32
        %broadcast_in_dim3A_565 = vector.broadcast %jit3A_564 : i32 to vector<16xi32>
        %select_n3A_566 = arith.select %and3A, %sub3A_563, %broadcast_in_dim3A_565 : vector<16xi1>, vector<16xi32>
        %reduce_sum3A = arith.constant true
        %reduce_sum3A_567 = vector.broadcast %reduce_sum3A : i1 to vector<16xi1>
        %reduce_sum3A_568 = tpu.scan <sum>, %select_n3A_566 masked %reduce_sum3A_567 : vector<16xi32>, vector<16xi1> -> vector<16xi32>
        %reduce_sum3A_569 = vector.extract %reduce_sum3A_568[15] : i32 from vector<16xi32>
        %add3A_570 = arith.addi %scan3A_435, %reduce_sum3A_569 : i32
        %jit3A_571 = arith.constant 0 : i32
        %broadcast_in_dim3A_572 = vector.broadcast %jit3A_571 : i32 to vector<16xi32>
        %select_n3A_573 = arith.select %and3A, %sub3A_556, %broadcast_in_dim3A_572 : vector<16xi1>, vector<16xi32>
        %reduce_sum3A_574 = arith.constant true
        %reduce_sum3A_575 = vector.broadcast %reduce_sum3A_574 : i1 to vector<16xi1>
        %reduce_sum3A_576 = tpu.scan <sum>, %select_n3A_573 masked %reduce_sum3A_575 : vector<16xi32>, vector<16xi1> -> vector<16xi32>
        %reduce_sum3A_577 = vector.extract %reduce_sum3A_576[15] : i32 from vector<16xi32>
        %add3A_578 = arith.addi %scan3A_436, %reduce_sum3A_577 : i32
        %slice3A = vector.extract_strided_slice %masked_cumsum3A {offsets = [15], sizes = [1], strides = [1]} : vector<16xi32> to vector<1xi32>
        %squeeze3A = vector.extract %slice3A[0] : i32 from vector<1xi32>
        %add3A_579 = arith.addi %scan3A_434, %squeeze3A : i32
        scf.yield %add3A_579, %add3A_570, %add3A_578 : i32, i32, i32
      }
      %scan3A_67 = arith.constant 16 : i32
      %sub3A_68 = arith.subi %sub3A_52, %scan3A_66#2 : i32
      %mul3A_69 = arith.constant 256 : i32
      %mul3A_70 = arith.muli %add3A_55, %mul3A_69 : i32
      %add3A_71 = arith.addi %mul3A_70, %scan3A_66#1 : i32
      %parallel_loop3A_72 = arith.constant 0 : i32
      %parallel_loop3A_73 = arith.constant 32768 : i32
      %parallel_loop3A_74 = arith.constant 16 : i32
      scf.for %parallel_loop3A_433 = %parallel_loop3A_72 to %parallel_loop3A_73 step %parallel_loop3A_74  : i32 {
        %parallel_loop3A_434 = arith.index_cast %parallel_loop3A_433 : i32 to index
        %parallel_loop3A_435 = tpu.vector_load %arg6[%parallel_loop3A_434] {strides = array<i32>} : memref<32768xi32, #tpu.memory_space<vmem>>, vector<16xi32>,
        %parallel_loop3A_436 = arith.constant 8 : i32
        %parallel_loop3A_437 = vector.broadcast %parallel_loop3A_436 : i32 to vector<16xi32>
        %parallel_loop3A_438 = arith.shrsi %parallel_loop3A_435, %parallel_loop3A_437 : vector<16xi32>
        %parallel_loop3A_439 = vector.broadcast %add3A_71 : i32 to vector<16xi32>
        %parallel_loop3A_440 = arith.cmpi eq, %parallel_loop3A_438, %parallel_loop3A_439 : vector<16xi32>
        %parallel_loop3A_441 = arith.constant 0 : i32
        %parallel_loop3A_442 = vector.broadcast %parallel_loop3A_441 : i32 to vector<16xi32>
        %parallel_loop3A_443 = arith.shrsi %parallel_loop3A_435, %parallel_loop3A_442 : vector<16xi32>
        %parallel_loop3A_444 = arith.constant 255 : i32
        %parallel_loop3A_445 = vector.broadcast %parallel_loop3A_444 : i32 to vector<16xi32>
        %parallel_loop3A_446 = arith.andi %parallel_loop3A_443, %parallel_loop3A_445 : vector<16xi32>
        %parallel_loop3A_447 = arith.addi %mul3A_3, %parallel_loop3A_446 : vector<16xi32>
        tpu.vector_store_idx %arg8[%parallel_loop3A_447], %broadcast_in_dim3A_4 masked %parallel_loop3A_440 {add = true} : memref<4112xi32, #tpu.memory_space<vmem>>[vector<16xi32>], vector<16xi32>, vector<16xi1>
      } {sc.loop_unroll_factor = 16 : i64, sc.parallel_access}
      %scan3A_75 = arith.constant 0 : i32
      %scan3A_76 = arith.constant 0 : i32
      %scan3A_77 = arith.constant 0 : i32
      %scan3A_78 = arith.constant 0 : i32
      %scan3A_79 = arith.constant 16 : i32
      %scan3A_80 = arith.addi %scan3A_78, %scan3A_79 : i32
      %scan3A_81 = arith.constant 1 : i32
      %scan3A_82:3 = scf.for %scan3A_433 = %scan3A_78 to %scan3A_80 step %scan3A_81 iter_args(%scan3A_434 = %scan3A_75, %scan3A_435 = %scan3A_76, %scan3A_436 = %scan3A_77) -> (i32, i32, i32)  : i32 {
        %sub3A_437 = arith.constant 15 : i32
        %sub3A_438 = arith.subi %sub3A_437, %scan3A_433 : i32
        %mul3A_439 = arith.constant 16 : i32
        %mul3A_440 = arith.muli %sub3A_438, %mul3A_439 : i32
        %get3A = arith.index_cast %mul3A_440 : i32 to index
        %get3A_441 = tpu.vector_load %arg8[%get3A] {strides = array<i32>} : memref<4112xi32, #tpu.memory_space<vmem>>, vector<16xi32>,
        %swap3A = arith.index_cast %mul3A_440 : i32 to index
        %swap3A_442 = tpu.vector_load %arg8[%swap3A] {strides = array<i32>} : memref<4112xi32, #tpu.memory_space<vmem>>, vector<16xi32>,
        tpu.vector_store %arg8[%swap3A], %broadcast_in_dim3A_6 {strides = array<i32>} : memref<4112xi32, #tpu.memory_space<vmem>>, vector<16xi32>,
        %add3A_443 = arith.constant 257 : i32
        %add3A_444 = arith.addi %add3A_443, %mul3A_440 : i32
        %get3A_445 = arith.index_cast %add3A_444 : i32 to index
        %get3A_446 = tpu.vector_load %arg8[%get3A_445] {strides = array<i32>} : memref<4112xi32, #tpu.memory_space<vmem>>, vector<16xi32>,
        %add3A_447 = arith.addi %get3A_441, %get3A_446 : vector<16xi32>
        %swap3A_448 = arith.index_cast %add3A_444 : i32 to index
        %swap3A_449 = tpu.vector_load %arg8[%swap3A_448] {strides = array<i32>} : memref<4112xi32, #tpu.memory_space<vmem>>, vector<16xi32>,
        tpu.vector_store %arg8[%swap3A_448], %broadcast_in_dim3A_6 {strides = array<i32>} : memref<4112xi32, #tpu.memory_space<vmem>>, vector<16xi32>,
        %add3A_450 = arith.constant 514 : i32
        %add3A_451 = arith.addi %add3A_450, %mul3A_440 : i32
        %get3A_452 = arith.index_cast %add3A_451 : i32 to index
        %get3A_453 = tpu.vector_load %arg8[%get3A_452] {strides = array<i32>} : memref<4112xi32, #tpu.memory_space<vmem>>, vector<16xi32>,
        %add3A_454 = arith.addi %add3A_447, %get3A_453 : vector<16xi32>
        %swap3A_455 = arith.index_cast %add3A_451 : i32 to index
        %swap3A_456 = tpu.vector_load %arg8[%swap3A_455] {strides = array<i32>} : memref<4112xi32, #tpu.memory_space<vmem>>, vector<16xi32>,
        tpu.vector_store %arg8[%swap3A_455], %broadcast_in_dim3A_6 {strides = array<i32>} : memref<4112xi32, #tpu.memory_space<vmem>>, vector<16xi32>,
        %add3A_457 = arith.constant 771 : i32
        %add3A_458 = arith.addi %add3A_457, %mul3A_440 : i32
        %get3A_459 = arith.index_cast %add3A_458 : i32 to index
        %get3A_460 = tpu.vector_load %arg8[%get3A_459] {strides = array<i32>} : memref<4112xi32, #tpu.memory_space<vmem>>, vector<16xi32>,
        %add3A_461 = arith.addi %add3A_454, %get3A_460 : vector<16xi32>
        %swap3A_462 = arith.index_cast %add3A_458 : i32 to index
        %swap3A_463 = tpu.vector_load %arg8[%swap3A_462] {strides = array<i32>} : memref<4112xi32, #tpu.memory_space<vmem>>, vector<16xi32>,
        tpu.vector_store %arg8[%swap3A_462], %broadcast_in_dim3A_6 {strides = array<i32>} : memref<4112xi32, #tpu.memory_space<vmem>>, vector<16xi32>,
        %add3A_464 = arith.constant 1028 : i32
        %add3A_465 = arith.addi %add3A_464, %mul3A_440 : i32
        %get3A_466 = arith.index_cast %add3A_465 : i32 to index
        %get3A_467 = tpu.vector_load %arg8[%get3A_466] {strides = array<i32>} : memref<4112xi32, #tpu.memory_space<vmem>>, vector<16xi32>,
        %add3A_468 = arith.addi %add3A_461, %get3A_467 : vector<16xi32>
        %swap3A_469 = arith.index_cast %add3A_465 : i32 to index
        %swap3A_470 = tpu.vector_load %arg8[%swap3A_469] {strides = array<i32>} : memref<4112xi32, #tpu.memory_space<vmem>>, vector<16xi32>,
        tpu.vector_store %arg8[%swap3A_469], %broadcast_in_dim3A_6 {strides = array<i32>} : memref<4112xi32, #tpu.memory_space<vmem>>, vector<16xi32>,
        %add3A_471 = arith.constant 1285 : i32
        %add3A_472 = arith.addi %add3A_471, %mul3A_440 : i32
        %get3A_473 = arith.index_cast %add3A_472 : i32 to index
        %get3A_474 = tpu.vector_load %arg8[%get3A_473] {strides = array<i32>} : memref<4112xi32, #tpu.memory_space<vmem>>, vector<16xi32>,
        %add3A_475 = arith.addi %add3A_468, %get3A_474 : vector<16xi32>
        %swap3A_476 = arith.index_cast %add3A_472 : i32 to index
        %swap3A_477 = tpu.vector_load %arg8[%swap3A_476] {strides = array<i32>} : memref<4112xi32, #tpu.memory_space<vmem>>, vector<16xi32>,
        tpu.vector_store %arg8[%swap3A_476], %broadcast_in_dim3A_6 {strides = array<i32>} : memref<4112xi32, #tpu.memory_space<vmem>>, vector<16xi32>,
        %add3A_478 = arith.constant 1542 : i32
        %add3A_479 = arith.addi %add3A_478, %mul3A_440 : i32
        %get3A_480 = arith.index_cast %add3A_479 : i32 to index
        %get3A_481 = tpu.vector_load %arg8[%get3A_480] {strides = array<i32>} : memref<4112xi32, #tpu.memory_space<vmem>>, vector<16xi32>,
        %add3A_482 = arith.addi %add3A_475, %get3A_481 : vector<16xi32>
        %swap3A_483 = arith.index_cast %add3A_479 : i32 to index
        %swap3A_484 = tpu.vector_load %arg8[%swap3A_483] {strides = array<i32>} : memref<4112xi32, #tpu.memory_space<vmem>>, vector<16xi32>,
        tpu.vector_store %arg8[%swap3A_483], %broadcast_in_dim3A_6 {strides = array<i32>} : memref<4112xi32, #tpu.memory_space<vmem>>, vector<16xi32>,
        %add3A_485 = arith.constant 1799 : i32
        %add3A_486 = arith.addi %add3A_485, %mul3A_440 : i32
        %get3A_487 = arith.index_cast %add3A_486 : i32 to index
        %get3A_488 = tpu.vector_load %arg8[%get3A_487] {strides = array<i32>} : memref<4112xi32, #tpu.memory_space<vmem>>, vector<16xi32>,
        %add3A_489 = arith.addi %add3A_482, %get3A_488 : vector<16xi32>
        %swap3A_490 = arith.index_cast %add3A_486 : i32 to index
        %swap3A_491 = tpu.vector_load %arg8[%swap3A_490] {strides = array<i32>} : memref<4112xi32, #tpu.memory_space<vmem>>, vector<16xi32>,
        tpu.vector_store %arg8[%swap3A_490], %broadcast_in_dim3A_6 {strides = array<i32>} : memref<4112xi32, #tpu.memory_space<vmem>>, vector<16xi32>,
        %add3A_492 = arith.constant 2056 : i32
        %add3A_493 = arith.addi %add3A_492, %mul3A_440 : i32
        %get3A_494 = arith.index_cast %add3A_493 : i32 to index
        %get3A_495 = tpu.vector_load %arg8[%get3A_494] {strides = array<i32>} : memref<4112xi32, #tpu.memory_space<vmem>>, vector<16xi32>,
        %add3A_496 = arith.addi %add3A_489, %get3A_495 : vector<16xi32>
        %swap3A_497 = arith.index_cast %add3A_493 : i32 to index
        %swap3A_498 = tpu.vector_load %arg8[%swap3A_497] {strides = array<i32>} : memref<4112xi32, #tpu.memory_space<vmem>>, vector<16xi32>,
        tpu.vector_store %arg8[%swap3A_497], %broadcast_in_dim3A_6 {strides = array<i32>} : memref<4112xi32, #tpu.memory_space<vmem>>, vector<16xi32>,
        %add3A_499 = arith.constant 2313 : i32
        %add3A_500 = arith.addi %add3A_499, %mul3A_440 : i32
        %get3A_501 = arith.index_cast %add3A_500 : i32 to index
        %get3A_502 = tpu.vector_load %arg8[%get3A_501] {strides = array<i32>} : memref<4112xi32, #tpu.memory_space<vmem>>, vector<16xi32>,
        %add3A_503 = arith.addi %add3A_496, %get3A_502 : vector<16xi32>
        %swap3A_504 = arith.index_cast %add3A_500 : i32 to index
        %swap3A_505 = tpu.vector_load %arg8[%swap3A_504] {strides = array<i32>} : memref<4112xi32, #tpu.memory_space<vmem>>, vector<16xi32>,
        tpu.vector_store %arg8[%swap3A_504], %broadcast_in_dim3A_6 {strides = array<i32>} : memref<4112xi32, #tpu.memory_space<vmem>>, vector<16xi32>,
        %add3A_506 = arith.constant 2570 : i32
        %add3A_507 = arith.addi %add3A_506, %mul3A_440 : i32
        %get3A_508 = arith.index_cast %add3A_507 : i32 to index
        %get3A_509 = tpu.vector_load %arg8[%get3A_508] {strides = array<i32>} : memref<4112xi32, #tpu.memory_space<vmem>>, vector<16xi32>,
        %add3A_510 = arith.addi %add3A_503, %get3A_509 : vector<16xi32>
        %swap3A_511 = arith.index_cast %add3A_507 : i32 to index
        %swap3A_512 = tpu.vector_load %arg8[%swap3A_511] {strides = array<i32>} : memref<4112xi32, #tpu.memory_space<vmem>>, vector<16xi32>,
        tpu.vector_store %arg8[%swap3A_511], %broadcast_in_dim3A_6 {strides = array<i32>} : memref<4112xi32, #tpu.memory_space<vmem>>, vector<16xi32>,
        %add3A_513 = arith.constant 2827 : i32
        %add3A_514 = arith.addi %add3A_513, %mul3A_440 : i32
        %get3A_515 = arith.index_cast %add3A_514 : i32 to index
        %get3A_516 = tpu.vector_load %arg8[%get3A_515] {strides = array<i32>} : memref<4112xi32, #tpu.memory_space<vmem>>, vector<16xi32>,
        %add3A_517 = arith.addi %add3A_510, %get3A_516 : vector<16xi32>
        %swap3A_518 = arith.index_cast %add3A_514 : i32 to index
        %swap3A_519 = tpu.vector_load %arg8[%swap3A_518] {strides = array<i32>} : memref<4112xi32, #tpu.memory_space<vmem>>, vector<16xi32>,
        tpu.vector_store %arg8[%swap3A_518], %broadcast_in_dim3A_6 {strides = array<i32>} : memref<4112xi32, #tpu.memory_space<vmem>>, vector<16xi32>,
        %add3A_520 = arith.constant 3084 : i32
        %add3A_521 = arith.addi %add3A_520, %mul3A_440 : i32
        %get3A_522 = arith.index_cast %add3A_521 : i32 to index
        %get3A_523 = tpu.vector_load %arg8[%get3A_522] {strides = array<i32>} : memref<4112xi32, #tpu.memory_space<vmem>>, vector<16xi32>,
        %add3A_524 = arith.addi %add3A_517, %get3A_523 : vector<16xi32>
        %swap3A_525 = arith.index_cast %add3A_521 : i32 to index
        %swap3A_526 = tpu.vector_load %arg8[%swap3A_525] {strides = array<i32>} : memref<4112xi32, #tpu.memory_space<vmem>>, vector<16xi32>,
        tpu.vector_store %arg8[%swap3A_525], %broadcast_in_dim3A_6 {strides = array<i32>} : memref<4112xi32, #tpu.memory_space<vmem>>, vector<16xi32>,
        %add3A_527 = arith.constant 3341 : i32
        %add3A_528 = arith.addi %add3A_527, %mul3A_440 : i32
        %get3A_529 = arith.index_cast %add3A_528 : i32 to index
        %get3A_530 = tpu.vector_load %arg8[%get3A_529] {strides = array<i32>} : memref<4112xi32, #tpu.memory_space<vmem>>, vector<16xi32>,
        %add3A_531 = arith.addi %add3A_524, %get3A_530 : vector<16xi32>
        %swap3A_532 = arith.index_cast %add3A_528 : i32 to index
        %swap3A_533 = tpu.vector_load %arg8[%swap3A_532] {strides = array<i32>} : memref<4112xi32, #tpu.memory_space<vmem>>, vector<16xi32>,
        tpu.vector_store %arg8[%swap3A_532], %broadcast_in_dim3A_6 {strides = array<i32>} : memref<4112xi32, #tpu.memory_space<vmem>>, vector<16xi32>,
        %add3A_534 = arith.constant 3598 : i32
        %add3A_535 = arith.addi %add3A_534, %mul3A_440 : i32
        %get3A_536 = arith.index_cast %add3A_535 : i32 to index
        %get3A_537 = tpu.vector_load %arg8[%get3A_536] {strides = array<i32>} : memref<4112xi32, #tpu.memory_space<vmem>>, vector<16xi32>,
        %add3A_538 = arith.addi %add3A_531, %get3A_537 : vector<16xi32>
        %swap3A_539 = arith.index_cast %add3A_535 : i32 to index
        %swap3A_540 = tpu.vector_load %arg8[%swap3A_539] {strides = array<i32>} : memref<4112xi32, #tpu.memory_space<vmem>>, vector<16xi32>,
        tpu.vector_store %arg8[%swap3A_539], %broadcast_in_dim3A_6 {strides = array<i32>} : memref<4112xi32, #tpu.memory_space<vmem>>, vector<16xi32>,
        %add3A_541 = arith.constant 3855 : i32
        %add3A_542 = arith.addi %add3A_541, %mul3A_440 : i32
        %get3A_543 = arith.index_cast %add3A_542 : i32 to index
        %get3A_544 = tpu.vector_load %arg8[%get3A_543] {strides = array<i32>} : memref<4112xi32, #tpu.memory_space<vmem>>, vector<16xi32>,
        %add3A_545 = arith.addi %add3A_538, %get3A_544 : vector<16xi32>
        %swap3A_546 = arith.index_cast %add3A_542 : i32 to index
        %swap3A_547 = tpu.vector_load %arg8[%swap3A_546] {strides = array<i32>} : memref<4112xi32, #tpu.memory_space<vmem>>, vector<16xi32>,
        tpu.vector_store %arg8[%swap3A_546], %broadcast_in_dim3A_6 {strides = array<i32>} : memref<4112xi32, #tpu.memory_space<vmem>>, vector<16xi32>,
        %rev3A = arith.constant 15 : i32
        %rev3A_548 = vector.broadcast %rev3A : i32 to vector<16xi32>
        %rev3A_549 = tpu.iota {dimensions = array<i32: 0>} : vector<16xi32>
        %rev3A_550 = arith.subi %rev3A_548, %rev3A_549 : vector<16xi32>
        %rev3A_551 = tpu.dynamic_gather %add3A_545[%rev3A_550] in [0] : vector<16xi32>, vector<16xi32> -> vector<16xi32>
        %broadcast_in_dim3A_552 = arith.constant true
        %broadcast_in_dim3A_553 = vector.broadcast %broadcast_in_dim3A_552 : i1 to vector<16xi1>
        %masked_cumsum3A = tpu.scan <sum>, %rev3A_551 masked %broadcast_in_dim3A_553 : vector<16xi32>, vector<16xi1> -> vector<16xi32>
        %add3A_554 = vector.broadcast %scan3A_434 : i32 to vector<16xi32>
        %add3A_555 = arith.addi %add3A_554, %masked_cumsum3A : vector<16xi32>
        %sub3A_556 = arith.subi %add3A_555, %rev3A_551 : vector<16xi32>
        %lt3A_557 = vector.broadcast %sub3A_68 : i32 to vector<16xi32>
        %lt3A_558 = arith.cmpi slt, %sub3A_556, %lt3A_557 : vector<16xi32>
        %ge3A = vector.broadcast %sub3A_68 : i32 to vector<16xi32>
        %ge3A_559 = arith.cmpi sge, %add3A_555, %ge3A : vector<16xi32>
        %and3A = arith.andi %lt3A_558, %ge3A_559 : vector<16xi1>
        %add3A_560 = arith.constant 15 : i32
        %add3A_561 = arith.addi %mul3A_440, %add3A_560 : i32
        %sub3A_562 = vector.broadcast %add3A_561 : i32 to vector<16xi32>
        %sub3A_563 = arith.subi %sub3A_562, %iota3A : vector<16xi32>
        %jit3A_564 = arith.constant 0 : i32
        %broadcast_in_dim3A_565 = vector.broadcast %jit3A_564 : i32 to vector<16xi32>
        %select_n3A_566 = arith.select %and3A, %sub3A_563, %broadcast_in_dim3A_565 : vector<16xi1>, vector<16xi32>
        %reduce_sum3A = arith.constant true
        %reduce_sum3A_567 = vector.broadcast %reduce_sum3A : i1 to vector<16xi1>
        %reduce_sum3A_568 = tpu.scan <sum>, %select_n3A_566 masked %reduce_sum3A_567 : vector<16xi32>, vector<16xi1> -> vector<16xi32>
        %reduce_sum3A_569 = vector.extract %reduce_sum3A_568[15] : i32 from vector<16xi32>
        %add3A_570 = arith.addi %scan3A_435, %reduce_sum3A_569 : i32
        %jit3A_571 = arith.constant 0 : i32
        %broadcast_in_dim3A_572 = vector.broadcast %jit3A_571 : i32 to vector<16xi32>
        %select_n3A_573 = arith.select %and3A, %sub3A_556, %broadcast_in_dim3A_572 : vector<16xi1>, vector<16xi32>
        %reduce_sum3A_574 = arith.constant true
        %reduce_sum3A_575 = vector.broadcast %reduce_sum3A_574 : i1 to vector<16xi1>
        %reduce_sum3A_576 = tpu.scan <sum>, %select_n3A_573 masked %reduce_sum3A_575 : vector<16xi32>, vector<16xi1> -> vector<16xi32>
        %reduce_sum3A_577 = vector.extract %reduce_sum3A_576[15] : i32 from vector<16xi32>
        %add3A_578 = arith.addi %scan3A_436, %reduce_sum3A_577 : i32
        %slice3A = vector.extract_strided_slice %masked_cumsum3A {offsets = [15], sizes = [1], strides = [1]} : vector<16xi32> to vector<1xi32>
        %squeeze3A = vector.extract %slice3A[0] : i32 from vector<1xi32>
        %add3A_579 = arith.addi %scan3A_434, %squeeze3A : i32
        scf.yield %add3A_579, %add3A_570, %add3A_578 : i32, i32, i32
      }
      %scan3A_83 = arith.constant 16 : i32
      %sub3A_84 = arith.subi %sub3A_68, %scan3A_82#2 : i32
      %mul3A_85 = arith.constant 256 : i32
      %mul3A_86 = arith.muli %add3A_71, %mul3A_85 : i32
      %add3A_87 = arith.addi %mul3A_86, %scan3A_82#1 : i32
      %lt3A = arith.constant 3 : i32
      %lt3A_88 = arith.cmpi slt, %scan3A_20, %lt3A : i32
      %jit3A = arith.constant 1 : i32
      %jit3A_89 = arith.constant 0 : i32
      %select_n3A = arith.select %lt3A_88, %jit3A, %jit3A_89 : i32
      %add3A_90 = arith.addi %add3A_23, %select_n3A : i32
      %parallel_loop3A_91 = arith.constant 0 : i32
      %parallel_loop3A_92 = arith.constant 4096 : i32
      %parallel_loop3A_93 = arith.constant 16 : i32
      scf.for %parallel_loop3A_433 = %parallel_loop3A_91 to %parallel_loop3A_92 step %parallel_loop3A_93  : i32 {
        %parallel_loop3A_434 = arith.index_cast %parallel_loop3A_433 : i32 to index
        %parallel_loop3A_435 = tpu.vector_load %arg6[%parallel_loop3A_434] {strides = array<i32>} : memref<32768xi32, #tpu.memory_space<vmem>>, vector<16xi32>,
        %parallel_loop3A_436 = vector.broadcast %add3A_87 : i32 to vector<16xi32>
        %parallel_loop3A_437 = arith.cmpi sge, %parallel_loop3A_435, %parallel_loop3A_436 : vector<16xi32>
        %parallel_loop3A_438 = arith.index_cast %parallel_loop3A_433 : i32 to index
        %parallel_loop3A_439 = tpu.vector_load %arg5[%parallel_loop3A_438] {strides = array<i32>} : memref<32768xf32, #tpu.memory_space<vmem>>, vector<16xf32>,
        %parallel_loop3A_440 = arith.constant 0.000000e+00 : f32
        %parallel_loop3A_441 = vector.broadcast %parallel_loop3A_440 : f32 to vector<16xf32>
        %parallel_loop3A_442 = arith.select %parallel_loop3A_437, %parallel_loop3A_439, %parallel_loop3A_441 : vector<16xi1>, vector<16xf32>
        %parallel_loop3A_443 = arith.constant 0 : i32
        %parallel_loop3A_444 = arith.subi %parallel_loop3A_433, %parallel_loop3A_443 : i32
        %parallel_loop3A_445 = arith.constant 0 : i32
        %parallel_loop3A_446 = arith.addi %parallel_loop3A_445, %parallel_loop3A_444 : i32
        %parallel_loop3A_447 = arith.index_cast %parallel_loop3A_446 : i32 to index
        %parallel_loop3A_448 = tpu.vector_load %arg9[%parallel_loop3A_447] {strides = array<i32>} : memref<8192xf32, #tpu.memory_space<vmem>>, vector<16xf32>,
        tpu.vector_store %arg9[%parallel_loop3A_447], %parallel_loop3A_442 {strides = array<i32>} : memref<8192xf32, #tpu.memory_space<vmem>>, vector<16xf32>,
      } {sc.loop_unroll_factor = 16 : i64, sc.parallel_access}
      %dma_start3A = arith.constant 0 : i32
      %dma_start3A_94 = tpu.memref_slice %arg9[%dma_start3A] : memref<8192xf32, #tpu.memory_space<vmem>> -> memref<4096xf32, #tpu.memory_space<vmem>>
      %dma_start3A_95 = arith.constant 0 : i32
      %dma_start3A_96 = tpu.memref_slice %arg4[%add3A_23, %dma_start3A_95] : memref<128x32768xf32, #tpu.memory_space<hbm>> -> memref<1x4096xf32, #tpu.memory_space<hbm>>
      %dma_start3A_97 = tpu.memref_squeeze %dma_start3A_96 : memref<1x4096xf32, #tpu.memory_space<hbm>> -> memref<4096xf32, #tpu.memory_space<hbm>>
      %dma_start3A_98 = arith.constant 0 : i32
      %dma_start3A_99 = tpu.memref_slice %arg4[%add3A_23, %dma_start3A_98] : memref<128x32768xf32, #tpu.memory_space<hbm>> -> memref<1x4096xf32, #tpu.memory_space<hbm>>
      %dma_start3A_100 = tpu.memref_squeeze %dma_start3A_99 : memref<1x4096xf32, #tpu.memory_space<hbm>> -> memref<4096xf32, #tpu.memory_space<hbm>>
      %dma_start3A_101 = arith.constant 0 : i32
      %dma_start3A_102 = tpu.memref_slice %arg9[%dma_start3A_101] : memref<8192xf32, #tpu.memory_space<vmem>> -> memref<4096xf32, #tpu.memory_space<vmem>>
      tpu.enqueue_dma source(%dma_start3A_102 : memref<4096xf32, #tpu.memory_space<vmem>>) target(%dma_start3A_100 : memref<4096xf32, #tpu.memory_space<hbm>>) target_semaphore(%arg11 : memref<!tpu.dma_semaphore, #tpu.memory_space<semaphore_mem>>)
      %parallel_loop3A_103 = arith.constant 4096 : i32
      %parallel_loop3A_104 = arith.constant 8192 : i32
      %parallel_loop3A_105 = arith.constant 16 : i32
      scf.for %parallel_loop3A_433 = %parallel_loop3A_103 to %parallel_loop3A_104 step %parallel_loop3A_105  : i32 {
        %parallel_loop3A_434 = arith.index_cast %parallel_loop3A_433 : i32 to index
        %parallel_loop3A_435 = tpu.vector_load %arg6[%parallel_loop3A_434] {strides = array<i32>} : memref<32768xi32, #tpu.memory_space<vmem>>, vector<16xi32>,
        %parallel_loop3A_436 = vector.broadcast %add3A_87 : i32 to vector<16xi32>
        %parallel_loop3A_437 = arith.cmpi sge, %parallel_loop3A_435, %parallel_loop3A_436 : vector<16xi32>
        %parallel_loop3A_438 = arith.index_cast %parallel_loop3A_433 : i32 to index
        %parallel_loop3A_439 = tpu.vector_load %arg5[%parallel_loop3A_438] {strides = array<i32>} : memref<32768xf32, #tpu.memory_space<vmem>>, vector<16xf32>,
        %parallel_loop3A_440 = arith.constant 0.000000e+00 : f32
        %parallel_loop3A_441 = vector.broadcast %parallel_loop3A_440 : f32 to vector<16xf32>
        %parallel_loop3A_442 = arith.select %parallel_loop3A_437, %parallel_loop3A_439, %parallel_loop3A_441 : vector<16xi1>, vector<16xf32>
        %parallel_loop3A_443 = arith.constant 4096 : i32
        %parallel_loop3A_444 = arith.subi %parallel_loop3A_433, %parallel_loop3A_443 : i32
        %parallel_loop3A_445 = arith.constant 4096 : i32
        %parallel_loop3A_446 = arith.addi %parallel_loop3A_445, %parallel_loop3A_444 : i32
        %parallel_loop3A_447 = arith.index_cast %parallel_loop3A_446 : i32 to index
        %parallel_loop3A_448 = tpu.vector_load %arg9[%parallel_loop3A_447] {strides = array<i32>} : memref<8192xf32, #tpu.memory_space<vmem>>, vector<16xf32>,
        tpu.vector_store %arg9[%parallel_loop3A_447], %parallel_loop3A_442 {strides = array<i32>} : memref<8192xf32, #tpu.memory_space<vmem>>, vector<16xf32>,
      } {sc.loop_unroll_factor = 16 : i64, sc.parallel_access}
      %dma_start3A_106 = arith.constant 4096 : i32
      %dma_start3A_107 = tpu.memref_slice %arg9[%dma_start3A_106] : memref<8192xf32, #tpu.memory_space<vmem>> -> memref<4096xf32, #tpu.memory_space<vmem>>
      %dma_start3A_108 = arith.constant 4096 : i32
      %dma_start3A_109 = tpu.memref_slice %arg4[%add3A_23, %dma_start3A_108] : memref<128x32768xf32, #tpu.memory_space<hbm>> -> memref<1x4096xf32, #tpu.memory_space<hbm>>
      %dma_start3A_110 = tpu.memref_squeeze %dma_start3A_109 : memref<1x4096xf32, #tpu.memory_space<hbm>> -> memref<4096xf32, #tpu.memory_space<hbm>>
      %dma_start3A_111 = arith.constant 4096 : i32
      %dma_start3A_112 = tpu.memref_slice %arg4[%add3A_23, %dma_start3A_111] : memref<128x32768xf32, #tpu.memory_space<hbm>> -> memref<1x4096xf32, #tpu.memory_space<hbm>>
      %dma_start3A_113 = tpu.memref_squeeze %dma_start3A_112 : memref<1x4096xf32, #tpu.memory_space<hbm>> -> memref<4096xf32, #tpu.memory_space<hbm>>
      %dma_start3A_114 = arith.constant 4096 : i32
      %dma_start3A_115 = tpu.memref_slice %arg9[%dma_start3A_114] : memref<8192xf32, #tpu.memory_space<vmem>> -> memref<4096xf32, #tpu.memory_space<vmem>>
      tpu.enqueue_dma source(%dma_start3A_115 : memref<4096xf32, #tpu.memory_space<vmem>>) target(%dma_start3A_113 : memref<4096xf32, #tpu.memory_space<hbm>>) target_semaphore(%arg11 : memref<!tpu.dma_semaphore, #tpu.memory_space<semaphore_mem>>)
      %dma_start3A_116 = arith.constant 0 : i32
      %dma_start3A_117 = tpu.memref_slice %arg5[%dma_start3A_116] : memref<32768xf32, #tpu.memory_space<vmem>> -> memref<4096xf32, #tpu.memory_space<vmem>>
      %dma_start3A_118 = arith.constant 0 : i32
      %dma_start3A_119 = tpu.memref_slice %arg2[%add3A_90, %dma_start3A_118] : memref<128x32768xf32, #tpu.memory_space<hbm>> -> memref<1x4096xf32, #tpu.memory_space<hbm>>
      %dma_start3A_120 = tpu.memref_squeeze %dma_start3A_119 : memref<1x4096xf32, #tpu.memory_space<hbm>> -> memref<4096xf32, #tpu.memory_space<hbm>>
      %dma_start3A_121 = arith.constant 0 : i32
      %dma_start3A_122 = tpu.memref_slice %arg5[%dma_start3A_121] : memref<32768xf32, #tpu.memory_space<vmem>> -> memref<4096xf32, #tpu.memory_space<vmem>>
      %dma_start3A_123 = arith.constant 0 : i32
      %dma_start3A_124 = tpu.memref_slice %arg2[%add3A_90, %dma_start3A_123] : memref<128x32768xf32, #tpu.memory_space<hbm>> -> memref<1x4096xf32, #tpu.memory_space<hbm>>
      %dma_start3A_125 = tpu.memref_squeeze %dma_start3A_124 : memref<1x4096xf32, #tpu.memory_space<hbm>> -> memref<4096xf32, #tpu.memory_space<hbm>>
      tpu.enqueue_dma source(%dma_start3A_125 : memref<4096xf32, #tpu.memory_space<hbm>>) target(%dma_start3A_122 : memref<4096xf32, #tpu.memory_space<vmem>>) target_semaphore(%arg10 : memref<!tpu.dma_semaphore, #tpu.memory_space<semaphore_mem>>)
      %dma_wait3A = arith.constant 0 : i32
      %dma_wait3A_126 = tpu.memref_slice %arg9[%dma_wait3A] : memref<8192xf32, #tpu.memory_space<vmem>> -> memref<4096xf32, #tpu.memory_space<vmem>>
      %dma_wait3A_127 = arith.constant 0 : i32
      %dma_wait3A_128 = tpu.memref_slice %arg4[%add3A_23, %dma_wait3A_127] : memref<128x32768xf32, #tpu.memory_space<hbm>> -> memref<1x4096xf32, #tpu.memory_space<hbm>>
      %dma_wait3A_129 = tpu.memref_squeeze %dma_wait3A_128 : memref<1x4096xf32, #tpu.memory_space<hbm>> -> memref<4096xf32, #tpu.memory_space<hbm>>
      %dma_wait3A_130 = arith.constant 0 : i32
      %dma_wait3A_131 = tpu.memref_slice %arg4[%add3A_23, %dma_wait3A_130] : memref<128x32768xf32, #tpu.memory_space<hbm>> -> memref<1x4096xf32, #tpu.memory_space<hbm>>
      %dma_wait3A_132 = tpu.memref_squeeze %dma_wait3A_131 : memref<1x4096xf32, #tpu.memory_space<hbm>> -> memref<4096xf32, #tpu.memory_space<hbm>>
      %dma_wait3A_133 = arith.constant 0 : i32
      %dma_wait3A_134 = tpu.memref_slice %arg9[%dma_wait3A_133] : memref<8192xf32, #tpu.memory_space<vmem>> -> memref<4096xf32, #tpu.memory_space<vmem>>
      tpu.wait_dma2 semaphore(%arg11 : memref<!tpu.dma_semaphore, #tpu.memory_space<semaphore_mem>>) src(%dma_wait3A_134 : memref<4096xf32, #tpu.memory_space<vmem>>) dst(%dma_wait3A_132 : memref<4096xf32, #tpu.memory_space<hbm>>)
      %parallel_loop3A_135 = arith.constant 8192 : i32
      %parallel_loop3A_136 = arith.constant 12288 : i32
      %parallel_loop3A_137 = arith.constant 16 : i32
      scf.for %parallel_loop3A_433 = %parallel_loop3A_135 to %parallel_loop3A_136 step %parallel_loop3A_137  : i32 {
        %parallel_loop3A_434 = arith.index_cast %parallel_loop3A_433 : i32 to index
        %parallel_loop3A_435 = tpu.vector_load %arg6[%parallel_loop3A_434] {strides = array<i32>} : memref<32768xi32, #tpu.memory_space<vmem>>, vector<16xi32>,
        %parallel_loop3A_436 = vector.broadcast %add3A_87 : i32 to vector<16xi32>
        %parallel_loop3A_437 = arith.cmpi sge, %parallel_loop3A_435, %parallel_loop3A_436 : vector<16xi32>
        %parallel_loop3A_438 = arith.index_cast %parallel_loop3A_433 : i32 to index
        %parallel_loop3A_439 = tpu.vector_load %arg5[%parallel_loop3A_438] {strides = array<i32>} : memref<32768xf32, #tpu.memory_space<vmem>>, vector<16xf32>,
        %parallel_loop3A_440 = arith.constant 0.000000e+00 : f32
        %parallel_loop3A_441 = vector.broadcast %parallel_loop3A_440 : f32 to vector<16xf32>
        %parallel_loop3A_442 = arith.select %parallel_loop3A_437, %parallel_loop3A_439, %parallel_loop3A_441 : vector<16xi1>, vector<16xf32>
        %parallel_loop3A_443 = arith.constant 8192 : i32
        %parallel_loop3A_444 = arith.subi %parallel_loop3A_433, %parallel_loop3A_443 : i32
        %parallel_loop3A_445 = arith.constant 0 : i32
        %parallel_loop3A_446 = arith.addi %parallel_loop3A_445, %parallel_loop3A_444 : i32
        %parallel_loop3A_447 = arith.index_cast %parallel_loop3A_446 : i32 to index
        %parallel_loop3A_448 = tpu.vector_load %arg9[%parallel_loop3A_447] {strides = array<i32>} : memref<8192xf32, #tpu.memory_space<vmem>>, vector<16xf32>,
        tpu.vector_store %arg9[%parallel_loop3A_447], %parallel_loop3A_442 {strides = array<i32>} : memref<8192xf32, #tpu.memory_space<vmem>>, vector<16xf32>,
      } {sc.loop_unroll_factor = 16 : i64, sc.parallel_access}
      %dma_start3A_138 = arith.constant 0 : i32
      %dma_start3A_139 = tpu.memref_slice %arg9[%dma_start3A_138] : memref<8192xf32, #tpu.memory_space<vmem>> -> memref<4096xf32, #tpu.memory_space<vmem>>
      %dma_start3A_140 = arith.constant 8192 : i32
      %dma_start3A_141 = tpu.memref_slice %arg4[%add3A_23, %dma_start3A_140] : memref<128x32768xf32, #tpu.memory_space<hbm>> -> memref<1x4096xf32, #tpu.memory_space<hbm>>
      %dma_start3A_142 = tpu.memref_squeeze %dma_start3A_141 : memref<1x4096xf32, #tpu.memory_space<hbm>> -> memref<4096xf32, #tpu.memory_space<hbm>>
      %dma_start3A_143 = arith.constant 8192 : i32
      %dma_start3A_144 = tpu.memref_slice %arg4[%add3A_23, %dma_start3A_143] : memref<128x32768xf32, #tpu.memory_space<hbm>> -> memref<1x4096xf32, #tpu.memory_space<hbm>>
      %dma_start3A_145 = tpu.memref_squeeze %dma_start3A_144 : memref<1x4096xf32, #tpu.memory_space<hbm>> -> memref<4096xf32, #tpu.memory_space<hbm>>
      %dma_start3A_146 = arith.constant 0 : i32
      %dma_start3A_147 = tpu.memref_slice %arg9[%dma_start3A_146] : memref<8192xf32, #tpu.memory_space<vmem>> -> memref<4096xf32, #tpu.memory_space<vmem>>
      tpu.enqueue_dma source(%dma_start3A_147 : memref<4096xf32, #tpu.memory_space<vmem>>) target(%dma_start3A_145 : memref<4096xf32, #tpu.memory_space<hbm>>) target_semaphore(%arg11 : memref<!tpu.dma_semaphore, #tpu.memory_space<semaphore_mem>>)
      %dma_start3A_148 = arith.constant 4096 : i32
      %dma_start3A_149 = tpu.memref_slice %arg5[%dma_start3A_148] : memref<32768xf32, #tpu.memory_space<vmem>> -> memref<4096xf32, #tpu.memory_space<vmem>>
      %dma_start3A_150 = arith.constant 4096 : i32
      %dma_start3A_151 = tpu.memref_slice %arg2[%add3A_90, %dma_start3A_150] : memref<128x32768xf32, #tpu.memory_space<hbm>> -> memref<1x4096xf32, #tpu.memory_space<hbm>>
      %dma_start3A_152 = tpu.memref_squeeze %dma_start3A_151 : memref<1x4096xf32, #tpu.memory_space<hbm>> -> memref<4096xf32, #tpu.memory_space<hbm>>
      %dma_start3A_153 = arith.constant 4096 : i32
      %dma_start3A_154 = tpu.memref_slice %arg5[%dma_start3A_153] : memref<32768xf32, #tpu.memory_space<vmem>> -> memref<4096xf32, #tpu.memory_space<vmem>>
      %dma_start3A_155 = arith.constant 4096 : i32
      %dma_start3A_156 = tpu.memref_slice %arg2[%add3A_90, %dma_start3A_155] : memref<128x32768xf32, #tpu.memory_space<hbm>> -> memref<1x4096xf32, #tpu.memory_space<hbm>>
      %dma_start3A_157 = tpu.memref_squeeze %dma_start3A_156 : memref<1x4096xf32, #tpu.memory_space<hbm>> -> memref<4096xf32, #tpu.memory_space<hbm>>
      tpu.enqueue_dma source(%dma_start3A_157 : memref<4096xf32, #tpu.memory_space<hbm>>) target(%dma_start3A_154 : memref<4096xf32, #tpu.memory_space<vmem>>) target_semaphore(%arg10 : memref<!tpu.dma_semaphore, #tpu.memory_space<semaphore_mem>>)
      %dma_wait3A_158 = arith.constant 4096 : i32
      %dma_wait3A_159 = tpu.memref_slice %arg9[%dma_wait3A_158] : memref<8192xf32, #tpu.memory_space<vmem>> -> memref<4096xf32, #tpu.memory_space<vmem>>
      %dma_wait3A_160 = arith.constant 4096 : i32
      %dma_wait3A_161 = tpu.memref_slice %arg4[%add3A_23, %dma_wait3A_160] : memref<128x32768xf32, #tpu.memory_space<hbm>> -> memref<1x4096xf32, #tpu.memory_space<hbm>>
      %dma_wait3A_162 = tpu.memref_squeeze %dma_wait3A_161 : memref<1x4096xf32, #tpu.memory_space<hbm>> -> memref<4096xf32, #tpu.memory_space<hbm>>
      %dma_wait3A_163 = arith.constant 4096 : i32
      %dma_wait3A_164 = tpu.memref_slice %arg4[%add3A_23, %dma_wait3A_163] : memref<128x32768xf32, #tpu.memory_space<hbm>> -> memref<1x4096xf32, #tpu.memory_space<hbm>>
      %dma_wait3A_165 = tpu.memref_squeeze %dma_wait3A_164 : memref<1x4096xf32, #tpu.memory_space<hbm>> -> memref<4096xf32, #tpu.memory_space<hbm>>
      %dma_wait3A_166 = arith.constant 4096 : i32
      %dma_wait3A_167 = tpu.memref_slice %arg9[%dma_wait3A_166] : memref<8192xf32, #tpu.memory_space<vmem>> -> memref<4096xf32, #tpu.memory_space<vmem>>
      tpu.wait_dma2 semaphore(%arg11 : memref<!tpu.dma_semaphore, #tpu.memory_space<semaphore_mem>>) src(%dma_wait3A_167 : memref<4096xf32, #tpu.memory_space<vmem>>) dst(%dma_wait3A_165 : memref<4096xf32, #tpu.memory_space<hbm>>)
      %parallel_loop3A_168 = arith.constant 12288 : i32
      %parallel_loop3A_169 = arith.constant 16384 : i32
      %parallel_loop3A_170 = arith.constant 16 : i32
      scf.for %parallel_loop3A_433 = %parallel_loop3A_168 to %parallel_loop3A_169 step %parallel_loop3A_170  : i32 {
        %parallel_loop3A_434 = arith.index_cast %parallel_loop3A_433 : i32 to index
        %parallel_loop3A_435 = tpu.vector_load %arg6[%parallel_loop3A_434] {strides = array<i32>} : memref<32768xi32, #tpu.memory_space<vmem>>, vector<16xi32>,
        %parallel_loop3A_436 = vector.broadcast %add3A_87 : i32 to vector<16xi32>
        %parallel_loop3A_437 = arith.cmpi sge, %parallel_loop3A_435, %parallel_loop3A_436 : vector<16xi32>
        %parallel_loop3A_438 = arith.index_cast %parallel_loop3A_433 : i32 to index
        %parallel_loop3A_439 = tpu.vector_load %arg5[%parallel_loop3A_438] {strides = array<i32>} : memref<32768xf32, #tpu.memory_space<vmem>>, vector<16xf32>,
        %parallel_loop3A_440 = arith.constant 0.000000e+00 : f32
        %parallel_loop3A_441 = vector.broadcast %parallel_loop3A_440 : f32 to vector<16xf32>
        %parallel_loop3A_442 = arith.select %parallel_loop3A_437, %parallel_loop3A_439, %parallel_loop3A_441 : vector<16xi1>, vector<16xf32>
        %parallel_loop3A_443 = arith.constant 12288 : i32
        %parallel_loop3A_444 = arith.subi %parallel_loop3A_433, %parallel_loop3A_443 : i32
        %parallel_loop3A_445 = arith.constant 4096 : i32
        %parallel_loop3A_446 = arith.addi %parallel_loop3A_445, %parallel_loop3A_444 : i32
        %parallel_loop3A_447 = arith.index_cast %parallel_loop3A_446 : i32 to index
        %parallel_loop3A_448 = tpu.vector_load %arg9[%parallel_loop3A_447] {strides = array<i32>} : memref<8192xf32, #tpu.memory_space<vmem>>, vector<16xf32>,
        tpu.vector_store %arg9[%parallel_loop3A_447], %parallel_loop3A_442 {strides = array<i32>} : memref<8192xf32, #tpu.memory_space<vmem>>, vector<16xf32>,
      } {sc.loop_unroll_factor = 16 : i64, sc.parallel_access}
      %dma_start3A_171 = arith.constant 4096 : i32
      %dma_start3A_172 = tpu.memref_slice %arg9[%dma_start3A_171] : memref<8192xf32, #tpu.memory_space<vmem>> -> memref<4096xf32, #tpu.memory_space<vmem>>
      %dma_start3A_173 = arith.constant 12288 : i32
      %dma_start3A_174 = tpu.memref_slice %arg4[%add3A_23, %dma_start3A_173] : memref<128x32768xf32, #tpu.memory_space<hbm>> -> memref<1x4096xf32, #tpu.memory_space<hbm>>
      %dma_start3A_175 = tpu.memref_squeeze %dma_start3A_174 : memref<1x4096xf32, #tpu.memory_space<hbm>> -> memref<4096xf32, #tpu.memory_space<hbm>>
      %dma_start3A_176 = arith.constant 12288 : i32
      %dma_start3A_177 = tpu.memref_slice %arg4[%add3A_23, %dma_start3A_176] : memref<128x32768xf32, #tpu.memory_space<hbm>> -> memref<1x4096xf32, #tpu.memory_space<hbm>>
      %dma_start3A_178 = tpu.memref_squeeze %dma_start3A_177 : memref<1x4096xf32, #tpu.memory_space<hbm>> -> memref<4096xf32, #tpu.memory_space<hbm>>
      %dma_start3A_179 = arith.constant 4096 : i32
      %dma_start3A_180 = tpu.memref_slice %arg9[%dma_start3A_179] : memref<8192xf32, #tpu.memory_space<vmem>> -> memref<4096xf32, #tpu.memory_space<vmem>>
      tpu.enqueue_dma source(%dma_start3A_180 : memref<4096xf32, #tpu.memory_space<vmem>>) target(%dma_start3A_178 : memref<4096xf32, #tpu.memory_space<hbm>>) target_semaphore(%arg11 : memref<!tpu.dma_semaphore, #tpu.memory_space<semaphore_mem>>)
      %dma_start3A_181 = arith.constant 8192 : i32
      %dma_start3A_182 = tpu.memref_slice %arg5[%dma_start3A_181] : memref<32768xf32, #tpu.memory_space<vmem>> -> memref<4096xf32, #tpu.memory_space<vmem>>
      %dma_start3A_183 = arith.constant 8192 : i32
      %dma_start3A_184 = tpu.memref_slice %arg2[%add3A_90, %dma_start3A_183] : memref<128x32768xf32, #tpu.memory_space<hbm>> -> memref<1x4096xf32, #tpu.memory_space<hbm>>
      %dma_start3A_185 = tpu.memref_squeeze %dma_start3A_184 : memref<1x4096xf32, #tpu.memory_space<hbm>> -> memref<4096xf32, #tpu.memory_space<hbm>>
      %dma_start3A_186 = arith.constant 8192 : i32
      %dma_start3A_187 = tpu.memref_slice %arg5[%dma_start3A_186] : memref<32768xf32, #tpu.memory_space<vmem>> -> memref<4096xf32, #tpu.memory_space<vmem>>
      %dma_start3A_188 = arith.constant 8192 : i32
      %dma_start3A_189 = tpu.memref_slice %arg2[%add3A_90, %dma_start3A_188] : memref<128x32768xf32, #tpu.memory_space<hbm>> -> memref<1x4096xf32, #tpu.memory_space<hbm>>
      %dma_start3A_190 = tpu.memref_squeeze %dma_start3A_189 : memref<1x4096xf32, #tpu.memory_space<hbm>> -> memref<4096xf32, #tpu.memory_space<hbm>>
      tpu.enqueue_dma source(%dma_start3A_190 : memref<4096xf32, #tpu.memory_space<hbm>>) target(%dma_start3A_187 : memref<4096xf32, #tpu.memory_space<vmem>>) target_semaphore(%arg10 : memref<!tpu.dma_semaphore, #tpu.memory_space<semaphore_mem>>)
      %dma_wait3A_191 = arith.constant 0 : i32
      %dma_wait3A_192 = tpu.memref_slice %arg9[%dma_wait3A_191] : memref<8192xf32, #tpu.memory_space<vmem>> -> memref<4096xf32, #tpu.memory_space<vmem>>
      %dma_wait3A_193 = arith.constant 8192 : i32
      %dma_wait3A_194 = tpu.memref_slice %arg4[%add3A_23, %dma_wait3A_193] : memref<128x32768xf32, #tpu.memory_space<hbm>> -> memref<1x4096xf32, #tpu.memory_space<hbm>>
      %dma_wait3A_195 = tpu.memref_squeeze %dma_wait3A_194 : memref<1x4096xf32, #tpu.memory_space<hbm>> -> memref<4096xf32, #tpu.memory_space<hbm>>
      %dma_wait3A_196 = arith.constant 8192 : i32
      %dma_wait3A_197 = tpu.memref_slice %arg4[%add3A_23, %dma_wait3A_196] : memref<128x32768xf32, #tpu.memory_space<hbm>> -> memref<1x4096xf32, #tpu.memory_space<hbm>>
      %dma_wait3A_198 = tpu.memref_squeeze %dma_wait3A_197 : memref<1x4096xf32, #tpu.memory_space<hbm>> -> memref<4096xf32, #tpu.memory_space<hbm>>
      %dma_wait3A_199 = arith.constant 0 : i32
      %dma_wait3A_200 = tpu.memref_slice %arg9[%dma_wait3A_199] : memref<8192xf32, #tpu.memory_space<vmem>> -> memref<4096xf32, #tpu.memory_space<vmem>>
      tpu.wait_dma2 semaphore(%arg11 : memref<!tpu.dma_semaphore, #tpu.memory_space<semaphore_mem>>) src(%dma_wait3A_200 : memref<4096xf32, #tpu.memory_space<vmem>>) dst(%dma_wait3A_198 : memref<4096xf32, #tpu.memory_space<hbm>>)
      %parallel_loop3A_201 = arith.constant 16384 : i32
      %parallel_loop3A_202 = arith.constant 20480 : i32
      %parallel_loop3A_203 = arith.constant 16 : i32
      scf.for %parallel_loop3A_433 = %parallel_loop3A_201 to %parallel_loop3A_202 step %parallel_loop3A_203  : i32 {
        %parallel_loop3A_434 = arith.index_cast %parallel_loop3A_433 : i32 to index
        %parallel_loop3A_435 = tpu.vector_load %arg6[%parallel_loop3A_434] {strides = array<i32>} : memref<32768xi32, #tpu.memory_space<vmem>>, vector<16xi32>,
        %parallel_loop3A_436 = vector.broadcast %add3A_87 : i32 to vector<16xi32>
        %parallel_loop3A_437 = arith.cmpi sge, %parallel_loop3A_435, %parallel_loop3A_436 : vector<16xi32>
        %parallel_loop3A_438 = arith.index_cast %parallel_loop3A_433 : i32 to index
        %parallel_loop3A_439 = tpu.vector_load %arg5[%parallel_loop3A_438] {strides = array<i32>} : memref<32768xf32, #tpu.memory_space<vmem>>, vector<16xf32>,
        %parallel_loop3A_440 = arith.constant 0.000000e+00 : f32
        %parallel_loop3A_441 = vector.broadcast %parallel_loop3A_440 : f32 to vector<16xf32>
        %parallel_loop3A_442 = arith.select %parallel_loop3A_437, %parallel_loop3A_439, %parallel_loop3A_441 : vector<16xi1>, vector<16xf32>
        %parallel_loop3A_443 = arith.constant 16384 : i32
        %parallel_loop3A_444 = arith.subi %parallel_loop3A_433, %parallel_loop3A_443 : i32
        %parallel_loop3A_445 = arith.constant 0 : i32
        %parallel_loop3A_446 = arith.addi %parallel_loop3A_445, %parallel_loop3A_444 : i32
        %parallel_loop3A_447 = arith.index_cast %parallel_loop3A_446 : i32 to index
        %parallel_loop3A_448 = tpu.vector_load %arg9[%parallel_loop3A_447] {strides = array<i32>} : memref<8192xf32, #tpu.memory_space<vmem>>, vector<16xf32>,
        tpu.vector_store %arg9[%parallel_loop3A_447], %parallel_loop3A_442 {strides = array<i32>} : memref<8192xf32, #tpu.memory_space<vmem>>, vector<16xf32>,
      } {sc.loop_unroll_factor = 16 : i64, sc.parallel_access}
      %dma_start3A_204 = arith.constant 0 : i32
      %dma_start3A_205 = tpu.memref_slice %arg9[%dma_start3A_204] : memref<8192xf32, #tpu.memory_space<vmem>> -> memref<4096xf32, #tpu.memory_space<vmem>>
      %dma_start3A_206 = arith.constant 16384 : i32
      %dma_start3A_207 = tpu.memref_slice %arg4[%add3A_23, %dma_start3A_206] : memref<128x32768xf32, #tpu.memory_space<hbm>> -> memref<1x4096xf32, #tpu.memory_space<hbm>>
      %dma_start3A_208 = tpu.memref_squeeze %dma_start3A_207 : memref<1x4096xf32, #tpu.memory_space<hbm>> -> memref<4096xf32, #tpu.memory_space<hbm>>
      %dma_start3A_209 = arith.constant 16384 : i32
      %dma_start3A_210 = tpu.memref_slice %arg4[%add3A_23, %dma_start3A_209] : memref<128x32768xf32, #tpu.memory_space<hbm>> -> memref<1x4096xf32, #tpu.memory_space<hbm>>
      %dma_start3A_211 = tpu.memref_squeeze %dma_start3A_210 : memref<1x4096xf32, #tpu.memory_space<hbm>> -> memref<4096xf32, #tpu.memory_space<hbm>>
      %dma_start3A_212 = arith.constant 0 : i32
      %dma_start3A_213 = tpu.memref_slice %arg9[%dma_start3A_212] : memref<8192xf32, #tpu.memory_space<vmem>> -> memref<4096xf32, #tpu.memory_space<vmem>>
      tpu.enqueue_dma source(%dma_start3A_213 : memref<4096xf32, #tpu.memory_space<vmem>>) target(%dma_start3A_211 : memref<4096xf32, #tpu.memory_space<hbm>>) target_semaphore(%arg11 : memref<!tpu.dma_semaphore, #tpu.memory_space<semaphore_mem>>)
      %dma_start3A_214 = arith.constant 12288 : i32
      %dma_start3A_215 = tpu.memref_slice %arg5[%dma_start3A_214] : memref<32768xf32, #tpu.memory_space<vmem>> -> memref<4096xf32, #tpu.memory_space<vmem>>
      %dma_start3A_216 = arith.constant 12288 : i32
      %dma_start3A_217 = tpu.memref_slice %arg2[%add3A_90, %dma_start3A_216] : memref<128x32768xf32, #tpu.memory_space<hbm>> -> memref<1x4096xf32, #tpu.memory_space<hbm>>
      %dma_start3A_218 = tpu.memref_squeeze %dma_start3A_217 : memref<1x4096xf32, #tpu.memory_space<hbm>> -> memref<4096xf32, #tpu.memory_space<hbm>>
      %dma_start3A_219 = arith.constant 12288 : i32
      %dma_start3A_220 = tpu.memref_slice %arg5[%dma_start3A_219] : memref<32768xf32, #tpu.memory_space<vmem>> -> memref<4096xf32, #tpu.memory_space<vmem>>
      %dma_start3A_221 = arith.constant 12288 : i32
      %dma_start3A_222 = tpu.memref_slice %arg2[%add3A_90, %dma_start3A_221] : memref<128x32768xf32, #tpu.memory_space<hbm>> -> memref<1x4096xf32, #tpu.memory_space<hbm>>
      %dma_start3A_223 = tpu.memref_squeeze %dma_start3A_222 : memref<1x4096xf32, #tpu.memory_space<hbm>> -> memref<4096xf32, #tpu.memory_space<hbm>>
      tpu.enqueue_dma source(%dma_start3A_223 : memref<4096xf32, #tpu.memory_space<hbm>>) target(%dma_start3A_220 : memref<4096xf32, #tpu.memory_space<vmem>>) target_semaphore(%arg10 : memref<!tpu.dma_semaphore, #tpu.memory_space<semaphore_mem>>)
      %dma_wait3A_224 = arith.constant 4096 : i32
      %dma_wait3A_225 = tpu.memref_slice %arg9[%dma_wait3A_224] : memref<8192xf32, #tpu.memory_space<vmem>> -> memref<4096xf32, #tpu.memory_space<vmem>>
      %dma_wait3A_226 = arith.constant 12288 : i32
      %dma_wait3A_227 = tpu.memref_slice %arg4[%add3A_23, %dma_wait3A_226] : memref<128x32768xf32, #tpu.memory_space<hbm>> -> memref<1x4096xf32, #tpu.memory_space<hbm>>
      %dma_wait3A_228 = tpu.memref_squeeze %dma_wait3A_227 : memref<1x4096xf32, #tpu.memory_space<hbm>> -> memref<4096xf32, #tpu.memory_space<hbm>>
      %dma_wait3A_229 = arith.constant 12288 : i32
      %dma_wait3A_230 = tpu.memref_slice %arg4[%add3A_23, %dma_wait3A_229] : memref<128x32768xf32, #tpu.memory_space<hbm>> -> memref<1x4096xf32, #tpu.memory_space<hbm>>
      %dma_wait3A_231 = tpu.memref_squeeze %dma_wait3A_230 : memref<1x4096xf32, #tpu.memory_space<hbm>> -> memref<4096xf32, #tpu.memory_space<hbm>>
      %dma_wait3A_232 = arith.constant 4096 : i32
      %dma_wait3A_233 = tpu.memref_slice %arg9[%dma_wait3A_232] : memref<8192xf32, #tpu.memory_space<vmem>> -> memref<4096xf32, #tpu.memory_space<vmem>>
      tpu.wait_dma2 semaphore(%arg11 : memref<!tpu.dma_semaphore, #tpu.memory_space<semaphore_mem>>) src(%dma_wait3A_233 : memref<4096xf32, #tpu.memory_space<vmem>>) dst(%dma_wait3A_231 : memref<4096xf32, #tpu.memory_space<hbm>>)
      %parallel_loop3A_234 = arith.constant 20480 : i32
      %parallel_loop3A_235 = arith.constant 24576 : i32
      %parallel_loop3A_236 = arith.constant 16 : i32
      scf.for %parallel_loop3A_433 = %parallel_loop3A_234 to %parallel_loop3A_235 step %parallel_loop3A_236  : i32 {
        %parallel_loop3A_434 = arith.index_cast %parallel_loop3A_433 : i32 to index
        %parallel_loop3A_435 = tpu.vector_load %arg6[%parallel_loop3A_434] {strides = array<i32>} : memref<32768xi32, #tpu.memory_space<vmem>>, vector<16xi32>,
        %parallel_loop3A_436 = vector.broadcast %add3A_87 : i32 to vector<16xi32>
        %parallel_loop3A_437 = arith.cmpi sge, %parallel_loop3A_435, %parallel_loop3A_436 : vector<16xi32>
        %parallel_loop3A_438 = arith.index_cast %parallel_loop3A_433 : i32 to index
        %parallel_loop3A_439 = tpu.vector_load %arg5[%parallel_loop3A_438] {strides = array<i32>} : memref<32768xf32, #tpu.memory_space<vmem>>, vector<16xf32>,
        %parallel_loop3A_440 = arith.constant 0.000000e+00 : f32
        %parallel_loop3A_441 = vector.broadcast %parallel_loop3A_440 : f32 to vector<16xf32>
        %parallel_loop3A_442 = arith.select %parallel_loop3A_437, %parallel_loop3A_439, %parallel_loop3A_441 : vector<16xi1>, vector<16xf32>
        %parallel_loop3A_443 = arith.constant 20480 : i32
        %parallel_loop3A_444 = arith.subi %parallel_loop3A_433, %parallel_loop3A_443 : i32
        %parallel_loop3A_445 = arith.constant 4096 : i32
        %parallel_loop3A_446 = arith.addi %parallel_loop3A_445, %parallel_loop3A_444 : i32
        %parallel_loop3A_447 = arith.index_cast %parallel_loop3A_446 : i32 to index
        %parallel_loop3A_448 = tpu.vector_load %arg9[%parallel_loop3A_447] {strides = array<i32>} : memref<8192xf32, #tpu.memory_space<vmem>>, vector<16xf32>,
        tpu.vector_store %arg9[%parallel_loop3A_447], %parallel_loop3A_442 {strides = array<i32>} : memref<8192xf32, #tpu.memory_space<vmem>>, vector<16xf32>,
      } {sc.loop_unroll_factor = 16 : i64, sc.parallel_access}
      %dma_start3A_237 = arith.constant 4096 : i32
      %dma_start3A_238 = tpu.memref_slice %arg9[%dma_start3A_237] : memref<8192xf32, #tpu.memory_space<vmem>> -> memref<4096xf32, #tpu.memory_space<vmem>>
      %dma_start3A_239 = arith.constant 20480 : i32
      %dma_start3A_240 = tpu.memref_slice %arg4[%add3A_23, %dma_start3A_239] : memref<128x32768xf32, #tpu.memory_space<hbm>> -> memref<1x4096xf32, #tpu.memory_space<hbm>>
      %dma_start3A_241 = tpu.memref_squeeze %dma_start3A_240 : memref<1x4096xf32, #tpu.memory_space<hbm>> -> memref<4096xf32, #tpu.memory_space<hbm>>
      %dma_start3A_242 = arith.constant 20480 : i32
      %dma_start3A_243 = tpu.memref_slice %arg4[%add3A_23, %dma_start3A_242] : memref<128x32768xf32, #tpu.memory_space<hbm>> -> memref<1x4096xf32, #tpu.memory_space<hbm>>
      %dma_start3A_244 = tpu.memref_squeeze %dma_start3A_243 : memref<1x4096xf32, #tpu.memory_space<hbm>> -> memref<4096xf32, #tpu.memory_space<hbm>>
      %dma_start3A_245 = arith.constant 4096 : i32
      %dma_start3A_246 = tpu.memref_slice %arg9[%dma_start3A_245] : memref<8192xf32, #tpu.memory_space<vmem>> -> memref<4096xf32, #tpu.memory_space<vmem>>
      tpu.enqueue_dma source(%dma_start3A_246 : memref<4096xf32, #tpu.memory_space<vmem>>) target(%dma_start3A_244 : memref<4096xf32, #tpu.memory_space<hbm>>) target_semaphore(%arg11 : memref<!tpu.dma_semaphore, #tpu.memory_space<semaphore_mem>>)
      %dma_start3A_247 = arith.constant 16384 : i32
      %dma_start3A_248 = tpu.memref_slice %arg5[%dma_start3A_247] : memref<32768xf32, #tpu.memory_space<vmem>> -> memref<4096xf32, #tpu.memory_space<vmem>>
      %dma_start3A_249 = arith.constant 16384 : i32
      %dma_start3A_250 = tpu.memref_slice %arg2[%add3A_90, %dma_start3A_249] : memref<128x32768xf32, #tpu.memory_space<hbm>> -> memref<1x4096xf32, #tpu.memory_space<hbm>>
      %dma_start3A_251 = tpu.memref_squeeze %dma_start3A_250 : memref<1x4096xf32, #tpu.memory_space<hbm>> -> memref<4096xf32, #tpu.memory_space<hbm>>
      %dma_start3A_252 = arith.constant 16384 : i32
      %dma_start3A_253 = tpu.memref_slice %arg5[%dma_start3A_252] : memref<32768xf32, #tpu.memory_space<vmem>> -> memref<4096xf32, #tpu.memory_space<vmem>>
      %dma_start3A_254 = arith.constant 16384 : i32
      %dma_start3A_255 = tpu.memref_slice %arg2[%add3A_90, %dma_start3A_254] : memref<128x32768xf32, #tpu.memory_space<hbm>> -> memref<1x4096xf32, #tpu.memory_space<hbm>>
      %dma_start3A_256 = tpu.memref_squeeze %dma_start3A_255 : memref<1x4096xf32, #tpu.memory_space<hbm>> -> memref<4096xf32, #tpu.memory_space<hbm>>
      tpu.enqueue_dma source(%dma_start3A_256 : memref<4096xf32, #tpu.memory_space<hbm>>) target(%dma_start3A_253 : memref<4096xf32, #tpu.memory_space<vmem>>) target_semaphore(%arg10 : memref<!tpu.dma_semaphore, #tpu.memory_space<semaphore_mem>>)
      %dma_wait3A_257 = arith.constant 0 : i32
      %dma_wait3A_258 = tpu.memref_slice %arg9[%dma_wait3A_257] : memref<8192xf32, #tpu.memory_space<vmem>> -> memref<4096xf32, #tpu.memory_space<vmem>>
      %dma_wait3A_259 = arith.constant 16384 : i32
      %dma_wait3A_260 = tpu.memref_slice %arg4[%add3A_23, %dma_wait3A_259] : memref<128x32768xf32, #tpu.memory_space<hbm>> -> memref<1x4096xf32, #tpu.memory_space<hbm>>
      %dma_wait3A_261 = tpu.memref_squeeze %dma_wait3A_260 : memref<1x4096xf32, #tpu.memory_space<hbm>> -> memref<4096xf32, #tpu.memory_space<hbm>>
      %dma_wait3A_262 = arith.constant 16384 : i32
      %dma_wait3A_263 = tpu.memref_slice %arg4[%add3A_23, %dma_wait3A_262] : memref<128x32768xf32, #tpu.memory_space<hbm>> -> memref<1x4096xf32, #tpu.memory_space<hbm>>
      %dma_wait3A_264 = tpu.memref_squeeze %dma_wait3A_263 : memref<1x4096xf32, #tpu.memory_space<hbm>> -> memref<4096xf32, #tpu.memory_space<hbm>>
      %dma_wait3A_265 = arith.constant 0 : i32
      %dma_wait3A_266 = tpu.memref_slice %arg9[%dma_wait3A_265] : memref<8192xf32, #tpu.memory_space<vmem>> -> memref<4096xf32, #tpu.memory_space<vmem>>
      tpu.wait_dma2 semaphore(%arg11 : memref<!tpu.dma_semaphore, #tpu.memory_space<semaphore_mem>>) src(%dma_wait3A_266 : memref<4096xf32, #tpu.memory_space<vmem>>) dst(%dma_wait3A_264 : memref<4096xf32, #tpu.memory_space<hbm>>)
      %parallel_loop3A_267 = arith.constant 24576 : i32
      %parallel_loop3A_268 = arith.constant 28672 : i32
      %parallel_loop3A_269 = arith.constant 16 : i32
      scf.for %parallel_loop3A_433 = %parallel_loop3A_267 to %parallel_loop3A_268 step %parallel_loop3A_269  : i32 {
        %parallel_loop3A_434 = arith.index_cast %parallel_loop3A_433 : i32 to index
        %parallel_loop3A_435 = tpu.vector_load %arg6[%parallel_loop3A_434] {strides = array<i32>} : memref<32768xi32, #tpu.memory_space<vmem>>, vector<16xi32>,
        %parallel_loop3A_436 = vector.broadcast %add3A_87 : i32 to vector<16xi32>
        %parallel_loop3A_437 = arith.cmpi sge, %parallel_loop3A_435, %parallel_loop3A_436 : vector<16xi32>
        %parallel_loop3A_438 = arith.index_cast %parallel_loop3A_433 : i32 to index
        %parallel_loop3A_439 = tpu.vector_load %arg5[%parallel_loop3A_438] {strides = array<i32>} : memref<32768xf32, #tpu.memory_space<vmem>>, vector<16xf32>,
        %parallel_loop3A_440 = arith.constant 0.000000e+00 : f32
        %parallel_loop3A_441 = vector.broadcast %parallel_loop3A_440 : f32 to vector<16xf32>
        %parallel_loop3A_442 = arith.select %parallel_loop3A_437, %parallel_loop3A_439, %parallel_loop3A_441 : vector<16xi1>, vector<16xf32>
        %parallel_loop3A_443 = arith.constant 24576 : i32
        %parallel_loop3A_444 = arith.subi %parallel_loop3A_433, %parallel_loop3A_443 : i32
        %parallel_loop3A_445 = arith.constant 0 : i32
        %parallel_loop3A_446 = arith.addi %parallel_loop3A_445, %parallel_loop3A_444 : i32
        %parallel_loop3A_447 = arith.index_cast %parallel_loop3A_446 : i32 to index
        %parallel_loop3A_448 = tpu.vector_load %arg9[%parallel_loop3A_447] {strides = array<i32>} : memref<8192xf32, #tpu.memory_space<vmem>>, vector<16xf32>,
        tpu.vector_store %arg9[%parallel_loop3A_447], %parallel_loop3A_442 {strides = array<i32>} : memref<8192xf32, #tpu.memory_space<vmem>>, vector<16xf32>,
      } {sc.loop_unroll_factor = 16 : i64, sc.parallel_access}
      %dma_start3A_270 = arith.constant 0 : i32
      %dma_start3A_271 = tpu.memref_slice %arg9[%dma_start3A_270] : memref<8192xf32, #tpu.memory_space<vmem>> -> memref<4096xf32, #tpu.memory_space<vmem>>
      %dma_start3A_272 = arith.constant 24576 : i32
      %dma_start3A_273 = tpu.memref_slice %arg4[%add3A_23, %dma_start3A_272] : memref<128x32768xf32, #tpu.memory_space<hbm>> -> memref<1x4096xf32, #tpu.memory_space<hbm>>
      %dma_start3A_274 = tpu.memref_squeeze %dma_start3A_273 : memref<1x4096xf32, #tpu.memory_space<hbm>> -> memref<4096xf32, #tpu.memory_space<hbm>>
      %dma_start3A_275 = arith.constant 24576 : i32
      %dma_start3A_276 = tpu.memref_slice %arg4[%add3A_23, %dma_start3A_275] : memref<128x32768xf32, #tpu.memory_space<hbm>> -> memref<1x4096xf32, #tpu.memory_space<hbm>>
      %dma_start3A_277 = tpu.memref_squeeze %dma_start3A_276 : memref<1x4096xf32, #tpu.memory_space<hbm>> -> memref<4096xf32, #tpu.memory_space<hbm>>
      %dma_start3A_278 = arith.constant 0 : i32
      %dma_start3A_279 = tpu.memref_slice %arg9[%dma_start3A_278] : memref<8192xf32, #tpu.memory_space<vmem>> -> memref<4096xf32, #tpu.memory_space<vmem>>
      tpu.enqueue_dma source(%dma_start3A_279 : memref<4096xf32, #tpu.memory_space<vmem>>) target(%dma_start3A_277 : memref<4096xf32, #tpu.memory_space<hbm>>) target_semaphore(%arg11 : memref<!tpu.dma_semaphore, #tpu.memory_space<semaphore_mem>>)
      %dma_start3A_280 = arith.constant 20480 : i32
      %dma_start3A_281 = tpu.memref_slice %arg5[%dma_start3A_280] : memref<32768xf32, #tpu.memory_space<vmem>> -> memref<4096xf32, #tpu.memory_space<vmem>>
      %dma_start3A_282 = arith.constant 20480 : i32
      %dma_start3A_283 = tpu.memref_slice %arg2[%add3A_90, %dma_start3A_282] : memref<128x32768xf32, #tpu.memory_space<hbm>> -> memref<1x4096xf32, #tpu.memory_space<hbm>>
      %dma_start3A_284 = tpu.memref_squeeze %dma_start3A_283 : memref<1x4096xf32, #tpu.memory_space<hbm>> -> memref<4096xf32, #tpu.memory_space<hbm>>
      %dma_start3A_285 = arith.constant 20480 : i32
      %dma_start3A_286 = tpu.memref_slice %arg5[%dma_start3A_285] : memref<32768xf32, #tpu.memory_space<vmem>> -> memref<4096xf32, #tpu.memory_space<vmem>>
      %dma_start3A_287 = arith.constant 20480 : i32
      %dma_start3A_288 = tpu.memref_slice %arg2[%add3A_90, %dma_start3A_287] : memref<128x32768xf32, #tpu.memory_space<hbm>> -> memref<1x4096xf32, #tpu.memory_space<hbm>>
      %dma_start3A_289 = tpu.memref_squeeze %dma_start3A_288 : memref<1x4096xf32, #tpu.memory_space<hbm>> -> memref<4096xf32, #tpu.memory_space<hbm>>
      tpu.enqueue_dma source(%dma_start3A_289 : memref<4096xf32, #tpu.memory_space<hbm>>) target(%dma_start3A_286 : memref<4096xf32, #tpu.memory_space<vmem>>) target_semaphore(%arg10 : memref<!tpu.dma_semaphore, #tpu.memory_space<semaphore_mem>>)
      %dma_wait3A_290 = arith.constant 4096 : i32
      %dma_wait3A_291 = tpu.memref_slice %arg9[%dma_wait3A_290] : memref<8192xf32, #tpu.memory_space<vmem>> -> memref<4096xf32, #tpu.memory_space<vmem>>
      %dma_wait3A_292 = arith.constant 20480 : i32
      %dma_wait3A_293 = tpu.memref_slice %arg4[%add3A_23, %dma_wait3A_292] : memref<128x32768xf32, #tpu.memory_space<hbm>> -> memref<1x4096xf32, #tpu.memory_space<hbm>>
      %dma_wait3A_294 = tpu.memref_squeeze %dma_wait3A_293 : memref<1x4096xf32, #tpu.memory_space<hbm>> -> memref<4096xf32, #tpu.memory_space<hbm>>
      %dma_wait3A_295 = arith.constant 20480 : i32
      %dma_wait3A_296 = tpu.memref_slice %arg4[%add3A_23, %dma_wait3A_295] : memref<128x32768xf32, #tpu.memory_space<hbm>> -> memref<1x4096xf32, #tpu.memory_space<hbm>>
      %dma_wait3A_297 = tpu.memref_squeeze %dma_wait3A_296 : memref<1x4096xf32, #tpu.memory_space<hbm>> -> memref<4096xf32, #tpu.memory_space<hbm>>
      %dma_wait3A_298 = arith.constant 4096 : i32
      %dma_wait3A_299 = tpu.memref_slice %arg9[%dma_wait3A_298] : memref<8192xf32, #tpu.memory_space<vmem>> -> memref<4096xf32, #tpu.memory_space<vmem>>
      tpu.wait_dma2 semaphore(%arg11 : memref<!tpu.dma_semaphore, #tpu.memory_space<semaphore_mem>>) src(%dma_wait3A_299 : memref<4096xf32, #tpu.memory_space<vmem>>) dst(%dma_wait3A_297 : memref<4096xf32, #tpu.memory_space<hbm>>)
      %parallel_loop3A_300 = arith.constant 28672 : i32
      %parallel_loop3A_301 = arith.constant 32768 : i32
      %parallel_loop3A_302 = arith.constant 16 : i32
      scf.for %parallel_loop3A_433 = %parallel_loop3A_300 to %parallel_loop3A_301 step %parallel_loop3A_302  : i32 {
        %parallel_loop3A_434 = arith.index_cast %parallel_loop3A_433 : i32 to index
        %parallel_loop3A_435 = tpu.vector_load %arg6[%parallel_loop3A_434] {strides = array<i32>} : memref<32768xi32, #tpu.memory_space<vmem>>, vector<16xi32>,
        %parallel_loop3A_436 = vector.broadcast %add3A_87 : i32 to vector<16xi32>
        %parallel_loop3A_437 = arith.cmpi sge, %parallel_loop3A_435, %parallel_loop3A_436 : vector<16xi32>
        %parallel_loop3A_438 = arith.index_cast %parallel_loop3A_433 : i32 to index
        %parallel_loop3A_439 = tpu.vector_load %arg5[%parallel_loop3A_438] {strides = array<i32>} : memref<32768xf32, #tpu.memory_space<vmem>>, vector<16xf32>,
        %parallel_loop3A_440 = arith.constant 0.000000e+00 : f32
        %parallel_loop3A_441 = vector.broadcast %parallel_loop3A_440 : f32 to vector<16xf32>
        %parallel_loop3A_442 = arith.select %parallel_loop3A_437, %parallel_loop3A_439, %parallel_loop3A_441 : vector<16xi1>, vector<16xf32>
        %parallel_loop3A_443 = arith.constant 28672 : i32
        %parallel_loop3A_444 = arith.subi %parallel_loop3A_433, %parallel_loop3A_443 : i32
        %parallel_loop3A_445 = arith.constant 4096 : i32
        %parallel_loop3A_446 = arith.addi %parallel_loop3A_445, %parallel_loop3A_444 : i32
        %parallel_loop3A_447 = arith.index_cast %parallel_loop3A_446 : i32 to index
        %parallel_loop3A_448 = tpu.vector_load %arg9[%parallel_loop3A_447] {strides = array<i32>} : memref<8192xf32, #tpu.memory_space<vmem>>, vector<16xf32>,
        tpu.vector_store %arg9[%parallel_loop3A_447], %parallel_loop3A_442 {strides = array<i32>} : memref<8192xf32, #tpu.memory_space<vmem>>, vector<16xf32>,
      } {sc.loop_unroll_factor = 16 : i64, sc.parallel_access}
      %dma_start3A_303 = arith.constant 4096 : i32
      %dma_start3A_304 = tpu.memref_slice %arg9[%dma_start3A_303] : memref<8192xf32, #tpu.memory_space<vmem>> -> memref<4096xf32, #tpu.memory_space<vmem>>
      %dma_start3A_305 = arith.constant 28672 : i32
      %dma_start3A_306 = tpu.memref_slice %arg4[%add3A_23, %dma_start3A_305] : memref<128x32768xf32, #tpu.memory_space<hbm>> -> memref<1x4096xf32, #tpu.memory_space<hbm>>
      %dma_start3A_307 = tpu.memref_squeeze %dma_start3A_306 : memref<1x4096xf32, #tpu.memory_space<hbm>> -> memref<4096xf32, #tpu.memory_space<hbm>>
      %dma_start3A_308 = arith.constant 28672 : i32
      %dma_start3A_309 = tpu.memref_slice %arg4[%add3A_23, %dma_start3A_308] : memref<128x32768xf32, #tpu.memory_space<hbm>> -> memref<1x4096xf32, #tpu.memory_space<hbm>>
      %dma_start3A_310 = tpu.memref_squeeze %dma_start3A_309 : memref<1x4096xf32, #tpu.memory_space<hbm>> -> memref<4096xf32, #tpu.memory_space<hbm>>
      %dma_start3A_311 = arith.constant 4096 : i32
      %dma_start3A_312 = tpu.memref_slice %arg9[%dma_start3A_311] : memref<8192xf32, #tpu.memory_space<vmem>> -> memref<4096xf32, #tpu.memory_space<vmem>>
      tpu.enqueue_dma source(%dma_start3A_312 : memref<4096xf32, #tpu.memory_space<vmem>>) target(%dma_start3A_310 : memref<4096xf32, #tpu.memory_space<hbm>>) target_semaphore(%arg11 : memref<!tpu.dma_semaphore, #tpu.memory_space<semaphore_mem>>)
      %dma_start3A_313 = arith.constant 24576 : i32
      %dma_start3A_314 = tpu.memref_slice %arg5[%dma_start3A_313] : memref<32768xf32, #tpu.memory_space<vmem>> -> memref<4096xf32, #tpu.memory_space<vmem>>
      %dma_start3A_315 = arith.constant 24576 : i32
      %dma_start3A_316 = tpu.memref_slice %arg2[%add3A_90, %dma_start3A_315] : memref<128x32768xf32, #tpu.memory_space<hbm>> -> memref<1x4096xf32, #tpu.memory_space<hbm>>
      %dma_start3A_317 = tpu.memref_squeeze %dma_start3A_316 : memref<1x4096xf32, #tpu.memory_space<hbm>> -> memref<4096xf32, #tpu.memory_space<hbm>>
      %dma_start3A_318 = arith.constant 24576 : i32
      %dma_start3A_319 = tpu.memref_slice %arg5[%dma_start3A_318] : memref<32768xf32, #tpu.memory_space<vmem>> -> memref<4096xf32, #tpu.memory_space<vmem>>
      %dma_start3A_320 = arith.constant 24576 : i32
      %dma_start3A_321 = tpu.memref_slice %arg2[%add3A_90, %dma_start3A_320] : memref<128x32768xf32, #tpu.memory_space<hbm>> -> memref<1x4096xf32, #tpu.memory_space<hbm>>
      %dma_start3A_322 = tpu.memref_squeeze %dma_start3A_321 : memref<1x4096xf32, #tpu.memory_space<hbm>> -> memref<4096xf32, #tpu.memory_space<hbm>>
      tpu.enqueue_dma source(%dma_start3A_322 : memref<4096xf32, #tpu.memory_space<hbm>>) target(%dma_start3A_319 : memref<4096xf32, #tpu.memory_space<vmem>>) target_semaphore(%arg10 : memref<!tpu.dma_semaphore, #tpu.memory_space<semaphore_mem>>)
      %dma_start3A_323 = arith.constant 28672 : i32
      %dma_start3A_324 = tpu.memref_slice %arg5[%dma_start3A_323] : memref<32768xf32, #tpu.memory_space<vmem>> -> memref<4096xf32, #tpu.memory_space<vmem>>
      %dma_start3A_325 = arith.constant 28672 : i32
      %dma_start3A_326 = tpu.memref_slice %arg2[%add3A_90, %dma_start3A_325] : memref<128x32768xf32, #tpu.memory_space<hbm>> -> memref<1x4096xf32, #tpu.memory_space<hbm>>
      %dma_start3A_327 = tpu.memref_squeeze %dma_start3A_326 : memref<1x4096xf32, #tpu.memory_space<hbm>> -> memref<4096xf32, #tpu.memory_space<hbm>>
      %dma_start3A_328 = arith.constant 28672 : i32
      %dma_start3A_329 = tpu.memref_slice %arg5[%dma_start3A_328] : memref<32768xf32, #tpu.memory_space<vmem>> -> memref<4096xf32, #tpu.memory_space<vmem>>
      %dma_start3A_330 = arith.constant 28672 : i32
      %dma_start3A_331 = tpu.memref_slice %arg2[%add3A_90, %dma_start3A_330] : memref<128x32768xf32, #tpu.memory_space<hbm>> -> memref<1x4096xf32, #tpu.memory_space<hbm>>
      %dma_start3A_332 = tpu.memref_squeeze %dma_start3A_331 : memref<1x4096xf32, #tpu.memory_space<hbm>> -> memref<4096xf32, #tpu.memory_space<hbm>>
      tpu.enqueue_dma source(%dma_start3A_332 : memref<4096xf32, #tpu.memory_space<hbm>>) target(%dma_start3A_329 : memref<4096xf32, #tpu.memory_space<vmem>>) target_semaphore(%arg10 : memref<!tpu.dma_semaphore, #tpu.memory_space<semaphore_mem>>)
      %dma_wait3A_333 = arith.constant 0 : i32
      %dma_wait3A_334 = tpu.memref_slice %arg9[%dma_wait3A_333] : memref<8192xf32, #tpu.memory_space<vmem>> -> memref<4096xf32, #tpu.memory_space<vmem>>
      %dma_wait3A_335 = arith.constant 24576 : i32
      %dma_wait3A_336 = tpu.memref_slice %arg4[%add3A_23, %dma_wait3A_335] : memref<128x32768xf32, #tpu.memory_space<hbm>> -> memref<1x4096xf32, #tpu.memory_space<hbm>>
      %dma_wait3A_337 = tpu.memref_squeeze %dma_wait3A_336 : memref<1x4096xf32, #tpu.memory_space<hbm>> -> memref<4096xf32, #tpu.memory_space<hbm>>
      %dma_wait3A_338 = arith.constant 24576 : i32
      %dma_wait3A_339 = tpu.memref_slice %arg4[%add3A_23, %dma_wait3A_338] : memref<128x32768xf32, #tpu.memory_space<hbm>> -> memref<1x4096xf32, #tpu.memory_space<hbm>>
      %dma_wait3A_340 = tpu.memref_squeeze %dma_wait3A_339 : memref<1x4096xf32, #tpu.memory_space<hbm>> -> memref<4096xf32, #tpu.memory_space<hbm>>
      %dma_wait3A_341 = arith.constant 0 : i32
      %dma_wait3A_342 = tpu.memref_slice %arg9[%dma_wait3A_341] : memref<8192xf32, #tpu.memory_space<vmem>> -> memref<4096xf32, #tpu.memory_space<vmem>>
      tpu.wait_dma2 semaphore(%arg11 : memref<!tpu.dma_semaphore, #tpu.memory_space<semaphore_mem>>) src(%dma_wait3A_342 : memref<4096xf32, #tpu.memory_space<vmem>>) dst(%dma_wait3A_340 : memref<4096xf32, #tpu.memory_space<hbm>>)
      %dma_wait3A_343 = arith.constant 4096 : i32
      %dma_wait3A_344 = tpu.memref_slice %arg9[%dma_wait3A_343] : memref<8192xf32, #tpu.memory_space<vmem>> -> memref<4096xf32, #tpu.memory_space<vmem>>
      %dma_wait3A_345 = arith.constant 28672 : i32
      %dma_wait3A_346 = tpu.memref_slice %arg4[%add3A_23, %dma_wait3A_345] : memref<128x32768xf32, #tpu.memory_space<hbm>> -> memref<1x4096xf32, #tpu.memory_space<hbm>>
      %dma_wait3A_347 = tpu.memref_squeeze %dma_wait3A_346 : memref<1x4096xf32, #tpu.memory_space<hbm>> -> memref<4096xf32, #tpu.memory_space<hbm>>
      %dma_wait3A_348 = arith.constant 28672 : i32
      %dma_wait3A_349 = tpu.memref_slice %arg4[%add3A_23, %dma_wait3A_348] : memref<128x32768xf32, #tpu.memory_space<hbm>> -> memref<1x4096xf32, #tpu.memory_space<hbm>>
      %dma_wait3A_350 = tpu.memref_squeeze %dma_wait3A_349 : memref<1x4096xf32, #tpu.memory_space<hbm>> -> memref<4096xf32, #tpu.memory_space<hbm>>
      %dma_wait3A_351 = arith.constant 4096 : i32
      %dma_wait3A_352 = tpu.memref_slice %arg9[%dma_wait3A_351] : memref<8192xf32, #tpu.memory_space<vmem>> -> memref<4096xf32, #tpu.memory_space<vmem>>
      tpu.wait_dma2 semaphore(%arg11 : memref<!tpu.dma_semaphore, #tpu.memory_space<semaphore_mem>>) src(%dma_wait3A_352 : memref<4096xf32, #tpu.memory_space<vmem>>) dst(%dma_wait3A_350 : memref<4096xf32, #tpu.memory_space<hbm>>)
      %dma_wait3A_353 = arith.constant 0 : i32
      %dma_wait3A_354 = tpu.memref_slice %arg5[%dma_wait3A_353] : memref<32768xf32, #tpu.memory_space<vmem>> -> memref<4096xf32, #tpu.memory_space<vmem>>
      %dma_wait3A_355 = arith.constant 0 : i32
      %dma_wait3A_356 = tpu.memref_slice %arg2[%add3A_90, %dma_wait3A_355] : memref<128x32768xf32, #tpu.memory_space<hbm>> -> memref<1x4096xf32, #tpu.memory_space<hbm>>
      %dma_wait3A_357 = tpu.memref_squeeze %dma_wait3A_356 : memref<1x4096xf32, #tpu.memory_space<hbm>> -> memref<4096xf32, #tpu.memory_space<hbm>>
      %dma_wait3A_358 = arith.constant 0 : i32
      %dma_wait3A_359 = tpu.memref_slice %arg5[%dma_wait3A_358] : memref<32768xf32, #tpu.memory_space<vmem>> -> memref<4096xf32, #tpu.memory_space<vmem>>
      %dma_wait3A_360 = arith.constant 0 : i32
      %dma_wait3A_361 = tpu.memref_slice %arg2[%add3A_90, %dma_wait3A_360] : memref<128x32768xf32, #tpu.memory_space<hbm>> -> memref<1x4096xf32, #tpu.memory_space<hbm>>
      %dma_wait3A_362 = tpu.memref_squeeze %dma_wait3A_361 : memref<1x4096xf32, #tpu.memory_space<hbm>> -> memref<4096xf32, #tpu.memory_space<hbm>>
      tpu.wait_dma2 semaphore(%arg10 : memref<!tpu.dma_semaphore, #tpu.memory_space<semaphore_mem>>) src(%dma_wait3A_362 : memref<4096xf32, #tpu.memory_space<hbm>>) dst(%dma_wait3A_359 : memref<4096xf32, #tpu.memory_space<vmem>>)
      %dma_wait3A_363 = arith.constant 4096 : i32
      %dma_wait3A_364 = tpu.memref_slice %arg5[%dma_wait3A_363] : memref<32768xf32, #tpu.memory_space<vmem>> -> memref<4096xf32, #tpu.memory_space<vmem>>
      %dma_wait3A_365 = arith.constant 4096 : i32
      %dma_wait3A_366 = tpu.memref_slice %arg2[%add3A_90, %dma_wait3A_365] : memref<128x32768xf32, #tpu.memory_space<hbm>> -> memref<1x4096xf32, #tpu.memory_space<hbm>>
      %dma_wait3A_367 = tpu.memref_squeeze %dma_wait3A_366 : memref<1x4096xf32, #tpu.memory_space<hbm>> -> memref<4096xf32, #tpu.memory_space<hbm>>
      %dma_wait3A_368 = arith.constant 4096 : i32
      %dma_wait3A_369 = tpu.memref_slice %arg5[%dma_wait3A_368] : memref<32768xf32, #tpu.memory_space<vmem>> -> memref<4096xf32, #tpu.memory_space<vmem>>
      %dma_wait3A_370 = arith.constant 4096 : i32
      %dma_wait3A_371 = tpu.memref_slice %arg2[%add3A_90, %dma_wait3A_370] : memref<128x32768xf32, #tpu.memory_space<hbm>> -> memref<1x4096xf32, #tpu.memory_space<hbm>>
      %dma_wait3A_372 = tpu.memref_squeeze %dma_wait3A_371 : memref<1x4096xf32, #tpu.memory_space<hbm>> -> memref<4096xf32, #tpu.memory_space<hbm>>
      tpu.wait_dma2 semaphore(%arg10 : memref<!tpu.dma_semaphore, #tpu.memory_space<semaphore_mem>>) src(%dma_wait3A_372 : memref<4096xf32, #tpu.memory_space<hbm>>) dst(%dma_wait3A_369 : memref<4096xf32, #tpu.memory_space<vmem>>)
      %dma_wait3A_373 = arith.constant 8192 : i32
      %dma_wait3A_374 = tpu.memref_slice %arg5[%dma_wait3A_373] : memref<32768xf32, #tpu.memory_space<vmem>> -> memref<4096xf32, #tpu.memory_space<vmem>>
      %dma_wait3A_375 = arith.constant 8192 : i32
      %dma_wait3A_376 = tpu.memref_slice %arg2[%add3A_90, %dma_wait3A_375] : memref<128x32768xf32, #tpu.memory_space<hbm>> -> memref<1x4096xf32, #tpu.memory_space<hbm>>
      %dma_wait3A_377 = tpu.memref_squeeze %dma_wait3A_376 : memref<1x4096xf32, #tpu.memory_space<hbm>> -> memref<4096xf32, #tpu.memory_space<hbm>>
      %dma_wait3A_378 = arith.constant 8192 : i32
      %dma_wait3A_379 = tpu.memref_slice %arg5[%dma_wait3A_378] : memref<32768xf32, #tpu.memory_space<vmem>> -> memref<4096xf32, #tpu.memory_space<vmem>>
      %dma_wait3A_380 = arith.constant 8192 : i32
      %dma_wait3A_381 = tpu.memref_slice %arg2[%add3A_90, %dma_wait3A_380] : memref<128x32768xf32, #tpu.memory_space<hbm>> -> memref<1x4096xf32, #tpu.memory_space<hbm>>
      %dma_wait3A_382 = tpu.memref_squeeze %dma_wait3A_381 : memref<1x4096xf32, #tpu.memory_space<hbm>> -> memref<4096xf32, #tpu.memory_space<hbm>>
      tpu.wait_dma2 semaphore(%arg10 : memref<!tpu.dma_semaphore, #tpu.memory_space<semaphore_mem>>) src(%dma_wait3A_382 : memref<4096xf32, #tpu.memory_space<hbm>>) dst(%dma_wait3A_379 : memref<4096xf32, #tpu.memory_space<vmem>>)
      %dma_wait3A_383 = arith.constant 12288 : i32
      %dma_wait3A_384 = tpu.memref_slice %arg5[%dma_wait3A_383] : memref<32768xf32, #tpu.memory_space<vmem>> -> memref<4096xf32, #tpu.memory_space<vmem>>
      %dma_wait3A_385 = arith.constant 12288 : i32
      %dma_wait3A_386 = tpu.memref_slice %arg2[%add3A_90, %dma_wait3A_385] : memref<128x32768xf32, #tpu.memory_space<hbm>> -> memref<1x4096xf32, #tpu.memory_space<hbm>>
      %dma_wait3A_387 = tpu.memref_squeeze %dma_wait3A_386 : memref<1x4096xf32, #tpu.memory_space<hbm>> -> memref<4096xf32, #tpu.memory_space<hbm>>
      %dma_wait3A_388 = arith.constant 12288 : i32
      %dma_wait3A_389 = tpu.memref_slice %arg5[%dma_wait3A_388] : memref<32768xf32, #tpu.memory_space<vmem>> -> memref<4096xf32, #tpu.memory_space<vmem>>
      %dma_wait3A_390 = arith.constant 12288 : i32
      %dma_wait3A_391 = tpu.memref_slice %arg2[%add3A_90, %dma_wait3A_390] : memref<128x32768xf32, #tpu.memory_space<hbm>> -> memref<1x4096xf32, #tpu.memory_space<hbm>>
      %dma_wait3A_392 = tpu.memref_squeeze %dma_wait3A_391 : memref<1x4096xf32, #tpu.memory_space<hbm>> -> memref<4096xf32, #tpu.memory_space<hbm>>
      tpu.wait_dma2 semaphore(%arg10 : memref<!tpu.dma_semaphore, #tpu.memory_space<semaphore_mem>>) src(%dma_wait3A_392 : memref<4096xf32, #tpu.memory_space<hbm>>) dst(%dma_wait3A_389 : memref<4096xf32, #tpu.memory_space<vmem>>)
      %dma_wait3A_393 = arith.constant 16384 : i32
      %dma_wait3A_394 = tpu.memref_slice %arg5[%dma_wait3A_393] : memref<32768xf32, #tpu.memory_space<vmem>> -> memref<4096xf32, #tpu.memory_space<vmem>>
      %dma_wait3A_395 = arith.constant 16384 : i32
      %dma_wait3A_396 = tpu.memref_slice %arg2[%add3A_90, %dma_wait3A_395] : memref<128x32768xf32, #tpu.memory_space<hbm>> -> memref<1x4096xf32, #tpu.memory_space<hbm>>
      %dma_wait3A_397 = tpu.memref_squeeze %dma_wait3A_396 : memref<1x4096xf32, #tpu.memory_space<hbm>> -> memref<4096xf32, #tpu.memory_space<hbm>>
      %dma_wait3A_398 = arith.constant 16384 : i32
      %dma_wait3A_399 = tpu.memref_slice %arg5[%dma_wait3A_398] : memref<32768xf32, #tpu.memory_space<vmem>> -> memref<4096xf32, #tpu.memory_space<vmem>>
      %dma_wait3A_400 = arith.constant 16384 : i32
      %dma_wait3A_401 = tpu.memref_slice %arg2[%add3A_90, %dma_wait3A_400] : memref<128x32768xf32, #tpu.memory_space<hbm>> -> memref<1x4096xf32, #tpu.memory_space<hbm>>
      %dma_wait3A_402 = tpu.memref_squeeze %dma_wait3A_401 : memref<1x4096xf32, #tpu.memory_space<hbm>> -> memref<4096xf32, #tpu.memory_space<hbm>>
      tpu.wait_dma2 semaphore(%arg10 : memref<!tpu.dma_semaphore, #tpu.memory_space<semaphore_mem>>) src(%dma_wait3A_402 : memref<4096xf32, #tpu.memory_space<hbm>>) dst(%dma_wait3A_399 : memref<4096xf32, #tpu.memory_space<vmem>>)
      %dma_wait3A_403 = arith.constant 20480 : i32
      %dma_wait3A_404 = tpu.memref_slice %arg5[%dma_wait3A_403] : memref<32768xf32, #tpu.memory_space<vmem>> -> memref<4096xf32, #tpu.memory_space<vmem>>
      %dma_wait3A_405 = arith.constant 20480 : i32
      %dma_wait3A_406 = tpu.memref_slice %arg2[%add3A_90, %dma_wait3A_405] : memref<128x32768xf32, #tpu.memory_space<hbm>> -> memref<1x4096xf32, #tpu.memory_space<hbm>>
      %dma_wait3A_407 = tpu.memref_squeeze %dma_wait3A_406 : memref<1x4096xf32, #tpu.memory_space<hbm>> -> memref<4096xf32, #tpu.memory_space<hbm>>
      %dma_wait3A_408 = arith.constant 20480 : i32
      %dma_wait3A_409 = tpu.memref_slice %arg5[%dma_wait3A_408] : memref<32768xf32, #tpu.memory_space<vmem>> -> memref<4096xf32, #tpu.memory_space<vmem>>
      %dma_wait3A_410 = arith.constant 20480 : i32
      %dma_wait3A_411 = tpu.memref_slice %arg2[%add3A_90, %dma_wait3A_410] : memref<128x32768xf32, #tpu.memory_space<hbm>> -> memref<1x4096xf32, #tpu.memory_space<hbm>>
      %dma_wait3A_412 = tpu.memref_squeeze %dma_wait3A_411 : memref<1x4096xf32, #tpu.memory_space<hbm>> -> memref<4096xf32, #tpu.memory_space<hbm>>
      tpu.wait_dma2 semaphore(%arg10 : memref<!tpu.dma_semaphore, #tpu.memory_space<semaphore_mem>>) src(%dma_wait3A_412 : memref<4096xf32, #tpu.memory_space<hbm>>) dst(%dma_wait3A_409 : memref<4096xf32, #tpu.memory_space<vmem>>)
      %dma_wait3A_413 = arith.constant 24576 : i32
      %dma_wait3A_414 = tpu.memref_slice %arg5[%dma_wait3A_413] : memref<32768xf32, #tpu.memory_space<vmem>> -> memref<4096xf32, #tpu.memory_space<vmem>>
      %dma_wait3A_415 = arith.constant 24576 : i32
      %dma_wait3A_416 = tpu.memref_slice %arg2[%add3A_90, %dma_wait3A_415] : memref<128x32768xf32, #tpu.memory_space<hbm>> -> memref<1x4096xf32, #tpu.memory_space<hbm>>
      %dma_wait3A_417 = tpu.memref_squeeze %dma_wait3A_416 : memref<1x4096xf32, #tpu.memory_space<hbm>> -> memref<4096xf32, #tpu.memory_space<hbm>>
      %dma_wait3A_418 = arith.constant 24576 : i32
      %dma_wait3A_419 = tpu.memref_slice %arg5[%dma_wait3A_418] : memref<32768xf32, #tpu.memory_space<vmem>> -> memref<4096xf32, #tpu.memory_space<vmem>>
      %dma_wait3A_420 = arith.constant 24576 : i32
      %dma_wait3A_421 = tpu.memref_slice %arg2[%add3A_90, %dma_wait3A_420] : memref<128x32768xf32, #tpu.memory_space<hbm>> -> memref<1x4096xf32, #tpu.memory_space<hbm>>
      %dma_wait3A_422 = tpu.memref_squeeze %dma_wait3A_421 : memref<1x4096xf32, #tpu.memory_space<hbm>> -> memref<4096xf32, #tpu.memory_space<hbm>>
      tpu.wait_dma2 semaphore(%arg10 : memref<!tpu.dma_semaphore, #tpu.memory_space<semaphore_mem>>) src(%dma_wait3A_422 : memref<4096xf32, #tpu.memory_space<hbm>>) dst(%dma_wait3A_419 : memref<4096xf32, #tpu.memory_space<vmem>>)
      %dma_wait3A_423 = arith.constant 28672 : i32
      %dma_wait3A_424 = tpu.memref_slice %arg5[%dma_wait3A_423] : memref<32768xf32, #tpu.memory_space<vmem>> -> memref<4096xf32, #tpu.memory_space<vmem>>
      %dma_wait3A_425 = arith.constant 28672 : i32
      %dma_wait3A_426 = tpu.memref_slice %arg2[%add3A_90, %dma_wait3A_425] : memref<128x32768xf32, #tpu.memory_space<hbm>> -> memref<1x4096xf32, #tpu.memory_space<hbm>>
      %dma_wait3A_427 = tpu.memref_squeeze %dma_wait3A_426 : memref<1x4096xf32, #tpu.memory_space<hbm>> -> memref<4096xf32, #tpu.memory_space<hbm>>
      %dma_wait3A_428 = arith.constant 28672 : i32
      %dma_wait3A_429 = tpu.memref_slice %arg5[%dma_wait3A_428] : memref<32768xf32, #tpu.memory_space<vmem>> -> memref<4096xf32, #tpu.memory_space<vmem>>
      %dma_wait3A_430 = arith.constant 28672 : i32
      %dma_wait3A_431 = tpu.memref_slice %arg2[%add3A_90, %dma_wait3A_430] : memref<128x32768xf32, #tpu.memory_space<hbm>> -> memref<1x4096xf32, #tpu.memory_space<hbm>>
      %dma_wait3A_432 = tpu.memref_squeeze %dma_wait3A_431 : memref<1x4096xf32, #tpu.memory_space<hbm>> -> memref<4096xf32, #tpu.memory_space<hbm>>
      tpu.wait_dma2 semaphore(%arg10 : memref<!tpu.dma_semaphore, #tpu.memory_space<semaphore_mem>>) src(%dma_wait3A_432 : memref<4096xf32, #tpu.memory_space<hbm>>) dst(%dma_wait3A_429 : memref<4096xf32, #tpu.memory_space<vmem>>)
    }
    %scan3A_19 = arith.constant 4 : i32
    return
  }
}

</mosaic_0001>

<sc_bundles>
// kernel: kernel.3.cloned.1.call-start
scs
__scs_entry_jumppad:
0x0: {  	(pc) =	sbr.rel $0x88, $3  }
0x1: {  	(tag) =	ssettag $0x0;
	lr =	simm.s32 $0x1  }
0x2: {  	[smem:$0x3F9F] =	sst lr;
	_ =	strace $0xD0000000  }
0x3: {  	_ = 	snop  }
0x4: {  	_ = 	snop  }
0x5: {  	_ = 	snop  }
0x6: {  	_ = 	snop  }
0x7: {  	_ = 	snop  }
__scs_overlays_trampoline_lowered:
0x8: {  	[smem:$0x3FAE] =	sst s0  }
0x9: {  	[smem:$0x3FAF] =	sst s1  }
0xa: {  	[smem:$0x3FB0] =	sst s2  }
0xb: {  	[smem:$0x3FB1] =	sst s3  }
0xc: {  	[smem:$0x3FB2] =	sst s4  }
0xd: {  	[smem:$0x3FB3] =	sst s5  }
0xe: {  	[smem:$0x3FB4] =	sst s6  }
0xf: {  	[smem:$0x3FB5] =	sst s7  }
0x10: {  	[smem:$0x3FB6] =	sst s8  }
0x11: {  	[smem:$0x3FB7] =	sst s9;
	s0 =	simm.s32 @!p0 $0x0  }
0x12: {  	s1 =	sld [smem:$0x3F9D];
	s0 =	simm.s32 @p0 $0x1  }
0x13: {  	[smem:$0x3FB8] =	sst s0;
	s0 =	simm.s32 @!p1 $0x0  }
0x14: {  	s2 =	sld [smem:$0x3F9C];
	s0 =	simm.s32 @p1 $0x1  }
0x15: {  	[smem:$0x3FB9] =	sst s0;
	s0 =	simm.s32 @!p2 $0x0  }
0x16: {  	s3 =	sld [smem:$0x3FDB];
	s0 =	simm.s32 @p2 $0x1  }
0x17: {  	s4 =	simm.s32 $0x1BF5;
	[smem:$0x3FBB] =	sst s0  }
0x18: {  	s0 =	sld [smem:$0x3F9E];
	_ =	swait.ge [sflag:s4], $0x0  }
0x19: {  	s7 =	sld [smem:$0x3F9F]  }
0x1a: {  	s8 =	sadd.s32 $0xFFFFE003, lr  }
0x1b: {  	s9 =	sadd.s32 $0xFFFFFEF7, lr;
	s5 =	simm.s32 $0xFFFFFFFF;
	p2 =	slt.u32 s8, $0xFFFFF086  }
0x1c: {  	p1 =	slt.u32 s9, $0xF7A;
	s5 =	simm.s32 @!p2 $0x0  }
0x1d: {  	s5 =	simm.s32 @p1 $0x1;
	p0 =	seq.s32 s7, s2  }
0x1e: {  	s7 =	smul.u32 @!p0 $0xF7A, s2;
	p2 =	seq.s32 @!p0 s5, $0x0  }
0x1f: {  	s9 =	smul.u32 $0xF7A, s1;
	s8 =	simm.s32 @!p0 $0x1BF5;
	p2 =	por !p2, p0  }
0x20: {  	[sflag:s8] =	ssyncset.s32 @!p0 $0xFFFFF086;
	s6 =	sadd.s32 @!p0 s3, s7;
	s7 =	simm.s32 @!p0 $0x108  }
0x21: {  	s3 =	sadd.s32 s3, s9;
	s6 =	sadd.s32 @!p0 $0x88, s6;
	s7 =	simm.s32 @p2 $0x1082  }
0x22: {  	[simem:s7], [sflag:s8] =	dma.local @!p0 [hbm:s6], $0xF7A  }
0x23: {  	s9 =	sor.u32 $0xD0000000, s2;
	s6 =	simm.s32 $0x108;
	_ =	swait.ge @!p0 [sflag:s8], $0x0  }
0x24: {  	s3 =	sadd.s32 $0x88, s3;
	s6 =	simm.s32 @!p1 $0x1082;
	[sflag:s4] =	ssyncset.s32 $0xFFFFF086  }
0x25: {  	[simem:s6], [sflag:s4] =	dma.local [hbm:s3], $0xF7A  }
0x26: {  	[smem:$0x3F9F] =	sst s1;
	(tag) =	ssettag s2;
	_ =	strace s9  }
0x27: {  	s1 =	sld [smem:$0x3FAF]  }
0x28: {  	s2 =	sld [smem:$0x3FB0]  }
0x29: {  	s4 =	sld [smem:$0x3FB2]  }
0x2a: {  	p0 =	seq.s32 s5, $0x0;
	s5 =	sld [smem:$0x3FB3]  }
0x2b: {  	s6 =	sld [smem:$0x3FB4]  }
0x2c: {  	s7 =	sld [smem:$0x3FB5]  }
0x2d: {  	s3 =	simm.s32 $0x108;
	s8 =	sld [smem:$0x3FB6]  }
0x2e: {  	s3 =	simm.s32 @!p0 $0x1082;
	s9 =	sld [smem:$0x3FB7]  }
0x2f: {  	lr =	sadd.s32 s0, s3;
	s0 =	sld [smem:$0x3FAE]  }
0x30: {  	s3 =	sld [smem:$0x3FB1]  }
0x31: {  	[smem:$0x3FBA] =	sst s10  }
0x32: {  	s10 =	sld [smem:$0x3FB8];
	_ =	sdelay $0x3  }
0x33: {  	p0 =	seq.s32 s10, $0x1;
	s10 =	sld [smem:$0x3FBA];
	_ =	sdelay $0x3  }
0x34: {  	[smem:$0x3FBA] =	sst s10  }
0x35: {  	s10 =	sld [smem:$0x3FB9];
	_ =	sdelay $0x3  }
0x36: {  	p1 =	seq.s32 s10, $0x1;
	s10 =	sld [smem:$0x3FBA];
	_ =	sdelay $0x3  }
0x37: {  	[smem:$0x3FBA] =	sst s10  }
0x38: {  	s10 =	sld [smem:$0x3FBB]  }
0x39: {  	_ = 	snop;
	(pc) =	sbr.ind lr, $3  }
0x3a: {  	_ = 	snop  }
0x3b: {  	_ = 	snop  }
0x3c: {  	p2 =	seq.s32 s10, $0x1;
	s10 =	sld [smem:$0x3FBA]  }
0x3d: {  	_ =	shalt  }
0x3e: {  	_ =	shalt  }
0x3f: {  	_ =	shalt  }
0x40: {  	_ =	shalt  }
0x41: {  	_ =	shalt  }
0x42: {  	_ =	shalt  }
0x43: {  	_ =	shalt  }
0x44: {  	_ =	shalt  }
0x45: {  	_ =	shalt  }
0x46: {  	_ =	shalt  }
0x47: {  	_ =	shalt  }
0x48: {  	_ =	shalt  }
0x49: {  	_ =	shalt  }
0x4a: {  	_ =	shalt  }
0x4b: {  	_ =	shalt  }
0x4c: {  	_ =	shalt  }
0x4d: {  	_ =	shalt  }
0x4e: {  	_ =	shalt  }
0x4f: {  	_ =	shalt  }
0x50: {  	_ =	shalt  }
0x51: {  	_ =	shalt  }
0x52: {  	_ =	shalt  }
0x53: {  	_ =	shalt  }
0x54: {  	_ =	shalt  }
0x55: {  	_ =	shalt  }
0x56: {  	_ =	shalt  }
0x57: {  	_ =	shalt  }
0x58: {  	_ =	shalt  }
0x59: {  	_ =	shalt  }
0x5a: {  	_ =	shalt  }
0x5b: {  	_ =	shalt  }
0x5c: {  	_ =	shalt  }
0x5d: {  	_ =	shalt  }
0x5e: {  	_ =	shalt  }
0x5f: {  	_ =	shalt  }
0x60: {  	_ =	shalt  }
0x61: {  	_ =	shalt  }
0x62: {  	_ =	shalt  }
0x63: {  	_ =	shalt  }
0x64: {  	_ =	shalt  }
0x65: {  	_ =	shalt  }
0x66: {  	_ =	shalt  }
0x67: {  	_ =	shalt  }
0x68: {  	_ =	shalt  }
0x69: {  	_ =	shalt  }
0x6a: {  	_ =	shalt  }
0x6b: {  	_ =	shalt  }
0x6c: {  	_ =	shalt  }
0x6d: {  	_ =	shalt  }
0x6e: {  	_ =	shalt  }
0x6f: {  	_ =	shalt  }
0x70: {  	_ =	shalt  }
0x71: {  	_ =	shalt  }
0x72: {  	_ =	shalt  }
0x73: {  	_ =	shalt  }
0x74: {  	_ =	shalt  }
0x75: {  	_ =	shalt  }
0x76: {  	_ =	shalt  }
0x77: {  	_ =	shalt  }
0x78: {  	_ =	shalt  }
0x79: {  	_ =	shalt  }
0x7a: {  	_ =	shalt  }
0x7b: {  	_ =	shalt  }
0x7c: {  	_ =	shalt  }
0x7d: {  	_ =	shalt  }
0x7e: {  	_ =	shalt  }
0x7f: {  	_ =	shalt  }
0x80: {  	_ =	shalt  }
0x81: {  	_ =	shalt  }
0x82: {  	_ =	shalt  }
0x83: {  	_ =	shalt  }
0x84: {  	_ =	shalt  }
0x85: {  	_ =	shalt  }
0x86: {  	_ =	shalt  }
0x87: {  	_ =	shalt  }
.Lfunc_end0:
.L_simem_size_0:
called_computation_lowered:
.L_overlay_start_0:
0x88: {  	s2 =	sld [smem:$0x3FD9]  }
0x89: {  	s3 =	sld [smem:$0x3FFE];
	_ =	sdelay $0x1  }
0x8a: {  	s1 =	srdreg.scid  }
0x8b: {  	s0 =	sand.u32 $0x1, s1  }
0x8c: {  	s18 =	sshll.u32 s0, $0xA;
	s2 =	sadd.s32 s3, s2  }
0x8d: {  	s2 =	sadd.s32 s2, s18  }
0x8e: {  	[smem:$0x3FC6] =	sst s2  }
0x8f: {  	_ = 	snop  }
0x90: {  	s2 =	sld [smem:$0x3FC9]  }
0x91: {  	s19 =	sld [smem:$0x3FC8]  }
0x92: {  	s4 =	sld [smem:$0x3FD0];
	(tm) =	ssettm $0x1  }
0x93: {  	s5 =	sld [smem:$0x3FFB];
	_ =	sdelay $0x3  }
0x94: {  	_ =	strace s5  }
0x95: {  	s5 =	sld [smem:$0x3FFC];
	_ =	sdelay $0x3  }
0x96: {  	_ =	strace s5  }
0x97: {  	s5 =	sld [smem:$0x3FFD];
	_ =	sdelay $0x3  }
0x98: {  	_ =	strace s5  }
0x99: {  	_ =	strace $0x8FFFFFFF  }
0x9a: {  	s20 =	sld [smem:$0x3FDB];
	_ =	sdelay $0x1  }
0x9b: {  	s6 =	simm.s32 $_scs_section_size  }
0x9c: {  	s7 =	simm.s32 $_size__tile_overlayer_lowered;
	s8 =	simm.s32 $_tile_overlayer_lowered  }
0x9d: {  	s23 =	simm.s32 $0x1BFF;
	s22 =	sshll.u32 s8, $0x1;
	s5 =	sadd.s32 s6, s20  }
0x9e: {  	s9 =	simm.s32 $0x0;
	s21 =	sshll.u32 s7, $0x1;
	s7 =	sadd.s32 s22, s5  }
0x9f: {  	[timem:s9], [sflag:s23] =	dma.local [hbm:s7], s21  }
0xa0: {  	_ =	swait.ge [sflag:s23], s21  }
0xa1: {  	s6 =	ssub.s32 $0x0, s21;
	[sflag:s23] =	ssyncset.done $0x0  }
0xa2: {  	[sflag:s23] =	ssyncadd.s32 s6;
	_ =	sdelay $0x1  }
0xa3: {  	s24 =	simm.s32 $0x1B8B  }
0xa4: {  	_ =	swait.ge [sflag:s24], $0x1  }
0xa5: {  	[sflag:s24] =	ssyncset.done $0x0  }
0xa6: {  	s25 =	simm.s32 $0x1B8E;
	[sflag:s24] =	ssyncadd.s32 $0xFFFFFFFF  }
0xa7: {  	s26 =	simm.s32 $execute0_lowered;
	[smem:$0x3FD2] =	sst s25  }
0xa8: {  	s6 =	sshll.u32 s26, $0x1;
	_ =	strace $0x80000046;
	[dreg:$0x1] =	wrdreg $0xFFFFFFFF  }
0xa9: {  	s28 =	simm.s32 $_size_execute0_lowered;
	s5 =	sadd.s32 s5, s6;
	[dreg:$0x0] =	wrdreg $0x0  }
0xaa: {  	s6 =	sshll.u32 s28, $0x1;
	[dreg:$0x2] =	wrdreg s5  }
0xab: {  	[dreg:$0x3] =	wrdreg s6  }
0xac: {  	[dreg:$0x4] =	wrdreg $0xC0  }
0xad: {  	_ =	task [dreg:s9], $0x5FFFF  }
0xae: {  	[dreg:$0x1] =	wrdreg $0xFFFFFFFF  }
0xaf: {  	[dreg:$0x0] =	wrdreg $0x60  }
0xb0: {  	[dreg:$0x2] =	wrdreg s2  }
0xb1: {  	[dreg:$0x3] =	wrdreg s19  }
0xb2: {  	[dreg:$0x4] =	wrdreg s4  }
0xb3: {  	[dreg:$0x5] =	wrdreg $0x9  }
0xb4: {  	_ =	task.clear_ibuf [dreg:s9], $0x6FFFF;
	_ =	strace $0x90000046  }
0xb5: {  	s29 =	simm.s32 $0x9;
	_ =	strace $0x80000048  }
0xb6: {  	_ =	swait.ge [sflag:s29], $0x1  }
0xb7: {  	[sflag:s29] =	ssyncadd.s32 $0xFFFFFFFF  }
0xb8: {  	_ =	strace $0x90000048  }
0xb9: {  	_ =	sfence  }
0xba: {  	s30 =	sld [smem:$0x0];
	_ =	sdelay $0x2  }
0xbb: {  	s31 =	sshll.u32 s1, $0xD;
	s1 =	sshrl.u32 s1, $0x2  }
0xbc: {  	s3 =	sand.u32 $0x4000, s31;
	s1 =	sadd.s32 s1, s30  }
0xbd: {  	s0 =	sor.u32 s3, s0;
	s1 =	sshll.u32 s1, $0x11  }
0xbe: {  	s0 =	sor.u32 s1, s0  }
0xbf: {  	s0 =	sadd.s32 $0x8F2B, s0  }
0xc0: {  	[sflag:s0] =	ssyncadd.remote.s32 $0x1  }
0xc1: {  	_ =	sfence.sel $0xFFFF  }
0xc2: {  	[dreg:$0x0] =	wrdreg $0xFFFFFFFF;
	(pc) =	sbr.abs _section_cstart, $3  }
0xc3: {  	[dreg:$0x1] =	wrdreg $0xFFFFFFFF  }
0xc4: {  	_ =	task.clear_ibuf [dreg:s9], $0x2FFFF;
	_ =	strace $0x9FFFFFFF  }
0xc5: {  	(tm) =	ssettm $0x7FFFFFFF  }
tec
execute0_lowered:
.L_overlay_start_1:
0x0: {  	(tag) =	ssettag $0x1  }
0x1: {  	s15 =	rddreg [dreg:$0x0]  }
0x2: {  	s0 =	srdreg.scid;
	s16 =	rddreg [dreg:$0x2];
	s2 =	simm.s32 $0x0  }
0x3: {  	s4 =	stileid.u32;
	[smem:$0x7FF] =	sst s2;
	s19 =	sadd.s32 $0x1000, s16  }
0x4: {  	s20 =	sadd.s32 $0x2000, s16;
	_ =	strace $0x80000047;
	[dreg:$0x6] =	wrdreg s19  }
0x5: {  	s28 =	simm.s32 $0x1A080;
	s21 =	sadd.s32 $0x1000, s15;
	[dreg:$0x7] =	wrdreg s20  }
0x6: {  	s29 =	simm.s32 $0x2;
	s22 =	sadd.s32 $0x3000, s16;
	[dreg:$0x8] =	wrdreg s21  }
0x7: {  	s0 =	sand.u32 $0x1, s0;
	s23 =	sadd.s32 $0x2000, s15;
	[dreg:$0x9] =	wrdreg s22  }
0x8: {  	s17 =	sshll.u32 s4, $0x3;
	s24 =	sadd.s32 $0x4000, s16;
	[dreg:$0xa] =	wrdreg s23  }
0x9: {  	s18 =	sshll.u32 s4, $0xF;
	s25 =	sadd.s32 $0x3000, s15;
	[dreg:$0xb] =	wrdreg s24  }
0xa: {  	s26 =	sadd.s32 $0x5000, s16;
	s30 =	sadd.s32 $0x4000, s15;
	[dreg:$0xc] =	wrdreg s25  }
0xb: {  	s1 =	ssub.s32 $0x2, s0;
	s3 =	sshll.u32 s0, $0x2;
	[dreg:$0xd] =	wrdreg s26  }
0xc: {  	s0 =	sshll.u32 s0, $0x6;
	[dreg:$0xe] =	wrdreg s30;
	s19 =	sadd.s32 $0x6000, s15  }
0xd: {  	s22 =	simm.s32 $0x80;
	s23 =	simm.s32 $0x400;
	s24 =	simm.s32 $0x18000  }
0xe: {  	s25 =	simm.s32 $0x19080;
	s26 =	simm.s32 $0x1;
	s14 =	sshrl.u32 s1, $0x1  }
0xf: {  	v1 =	vlaneseq.u32;
	s2 =	sor.u32 s3, s17;
	s0 =	sadd.s32 s15, s0;
	s17 =	sadd.s32 $0x6000, s16  }
0x10: {  	v0 =	vmul.u32 $0x101, v1;
	v1 =	vmul.u32 $0xFFFFFFFF, v1;
	s1 =	ssub.s32 s1, s14;
	[dreg:$0x4] =	wrdreg s2;
	s0 =	sadd.s32 s18, s0  }
0x11: {  	v2 =	vimm.s32 $0x0;
	s3 =	simm.s32 $0x3;
	[dreg:$0x5] =	wrdreg s0;
	s31 =	smax.u32 s1, $0x1  }
0x12: {  	v4 =	vimm.s32 $0x1;
	v3 =	vadd.s32 $0x80, v0;
	v5 =	vadd.s32 $0xF, v1;
	s18 =	sadd.s32 $0x5000, s15;
	s1 =	simm.s32 $0x0;
	[dreg:$0xf] =	wrdreg s31  }
.LBB2_1:
0x13: {  	[dreg:$0x10] =	wrdreg s1  }
0x14: {  	s0 =	rddreg [dreg:$0x1];
	s31 =	simm.s32 $0x0  }
0x15: {  	[tilespmem:s31], [sflag:$0x3] =	stream.linear.gather [hbm4b:s0+s31], $0x8000, $0x38;
	[tilespmem:$0x1B080] =	vst v63  }
0x16: {  	_ =	swait.ge [sflag:s3], $0x8000  }
0x17: {  	[sflag:s3] =	ssyncset.done $0x0  }
0x18: {  	[sflag:s3] =	ssyncadd.s32 $0xFFFF8000  }
0x19: {  	v6 =	vld [tilespmem:s22+$0x70]  }
0x1a: {  	v7 =	vld [tilespmem:s22+$0xFFFFFF90]  }
0x1b: {  	v8 =	vld [tilespmem:s22+$0xFFFFFFA0]  }
0x1c: {  	v9 =	vld [tilespmem:s22+$0xFFFFFFB0]  }
0x1d: {  	v10 =	vld [tilespmem:s22+$0xFFFFFFC0]  }
0x1e: {  	v11 =	vld [tilespmem:s22+$0xFFFFFFD0]  }
0x1f: {  	v12 =	vld [tilespmem:s22+$0xFFFFFFE0];
	v6 =	vsub.f32 $1.000061040e-01, v6  }
0x20: {  	v13 =	vld [tilespmem:s22+$0xFFFFFFF0];
	v7 =	vsub.f32 $1.000061040e-01, v7;
	v8 =	vsub.f32 $1.000061040e-01, v8  }
0x21: {  	v14 =	vld [tilespmem:s22+$0x0];
	v9 =	vsub.f32 $1.000061040e-01, v9;
	v6 =	vmul.f32 $1.442695020e+00, v6  }
0x22: {  	v15 =	vld [tilespmem:s22+$0x10];
	v10 =	vsub.f32 $1.000061040e-01, v10;
	v7 =	vmul.f32 $1.442695020e+00, v7;
	v8 =	vmul.f32 $1.442695020e+00, v8  }
0x23: {  	(erf) = vpow2.f32 v6;
	v6 =	vmul.f32 $1.442695020e+00, v9;
	v9 =	vsub.f32 $1.000061040e-01, v11  }
0x24: {  	v11 =	vld [tilespmem:s22+$0x20];
	(erf) = vpow2.f32 v7;
	v7 =	vmul.f32 $1.442695020e+00, v10;
	v10 =	vsub.f32 $1.000061040e-01, v12  }
0x25: {  	v12 =	vld [tilespmem:s22+$0x30];
	(erf) = vpow2.f32 v8;
	v8 =	vmul.f32 $1.442695020e+00, v9;
	v9 =	vsub.f32 $1.000061040e-01, v13  }
0x26: {  	v13 =	vld [tilespmem:s22+$0x40];
	(erf) = vpow2.f32 v6;
	v6 =	vmul.f32 $1.442695020e+00, v10;
	v10 =	vsub.f32 $1.000061040e-01, v14  }
0x27: {  	v14 =	vld [tilespmem:s22+$0x50];
	(erf) = vpow2.f32 v7;
	v7 =	vmul.f32 $1.442695020e+00, v9;
	v9 =	vsub.f32 $1.000061040e-01, v15  }
0x28: {  	v15 =	vld [tilespmem:s22+$0x60];
	(erf) = vpow2.f32 v8  }
0x29: {  	v8 =	vld [tilespmem:s22+$0xFFFFFF80];
	(erf) = vpow2.f32 v6;
	v6 =	vmul.f32 $1.442695020e+00, v9  }
0x2a: {  	s2 =	simm.s32 $0x180;
	v10 =	vmul.f32 $1.442695020e+00, v10  }
0x2b: {  	v11 =	vsub.f32 $1.000061040e-01, v11;
	v9 =	vsub.f32 $1.000061040e-01, v12;
	(erf) = vpow2.f32 v7;
	v7 =	vld [tilespmem:s2+$0x70]  }
0x2c: {  	v12 =	vsub.f32 $1.000061040e-01, v13;
	(erf) = vpow2.f32 v10;
	v13 =	vsub.f32 $1.000061040e-01, v14  }
0x2d: {  	s0 =	simm.s32 $0x10080;
	v11 =	vmul.f32 $1.442695020e+00, v11;
	v10 =	vld [tilespmem:s2+$0xFFFFFF90];
	(erf) = vpow2.f32 v6;
	v15 =	vsub.f32 $1.000061040e-01, v15;
	v6 =	vpop (erf)  }
0x2e: {  	v9 =	vmul.f32 $1.442695020e+00, v9;
	v14 =	vld [tilespmem:s2+$0xFFFFFFA0];
	v12 =	vmul.f32 $1.442695020e+00, v12;
	v8 =	vsub.f32 $1.000061040e-01, v8;
	[tilespmem:s0+$0x70] =	vst v6;
	v6 =	vpop (erf)  }
0x2f: {  	(erf) = vpow2.f32 v11;
	v11 =	vld [tilespmem:s2+$0xFFFFFFB0];
	[tilespmem:s0+$0xFFFFFF90] =	vst v6;
	v6 =	vmul.f32 $1.442695020e+00, v13  }
0x30: {  	v13 =	vpop (erf);
	(erf) = vpow2.f32 v9;
	v9 =	vld [tilespmem:s2+$0xFFFFFFC0];
	v7 =	vsub.f32 $1.000061040e-01, v7;
	v8 =	vmul.f32 $1.442695020e+00, v8  }
0x31: {  	[tilespmem:s0+$0xFFFFFFA0] =	vst v13;
	v13 =	vmul.f32 $1.442695020e+00, v15;
	v15 =	vpop (erf);
	(erf) = vpow2.f32 v12;
	v12 =	vld [tilespmem:s2+$0xFFFFFFD0]  }
0x32: {  	[tilespmem:s0+$0xFFFFFFB0] =	vst v15;
	v15 =	vpop (erf);
	(erf) = vpow2.f32 v6;
	v6 =	vsub.f32 $1.000061040e-01, v10;
	v10 =	vld [tilespmem:s2+$0xFFFFFFE0];
	v7 =	vmul.f32 $1.442695020e+00, v7  }
0x33: {  	[tilespmem:s0+$0xFFFFFFC0] =	vst v15;
	v15 =	vpop (erf);
	(erf) = vpow2.f32 v13;
	v13 =	vsub.f32 $1.000061040e-01, v14;
	v14 =	vld [tilespmem:s2+$0xFFFFFFF0]  }
0x34: {  	[tilespmem:s0+$0xFFFFFFD0] =	vst v15;
	(erf) = vpow2.f32 v8;
	v8 =	vpop (erf);
	v6 =	vmul.f32 $1.442695020e+00, v6;
	v11 =	vsub.f32 $1.000061040e-01, v11  }
0x35: {  	[tilespmem:s0+$0xFFFFFFE0] =	vst v8;
	v8 =	vpop (erf);
	v13 =	vmul.f32 $1.442695020e+00, v13;
	v9 =	vsub.f32 $1.000061040e-01, v9  }
0x36: {  	v15 =	vld [tilespmem:s2+$0x0];
	(erf) = vpow2.f32 v7;
	[tilespmem:s0+$0xFFFFFFF0] =	vst v8;
	v7 =	vpop (erf);
	v8 =	vmul.f32 $1.442695020e+00, v11;
	v11 =	vsub.f32 $1.000061040e-01, v12  }
0x37: {  	v16 =	vld [tilespmem:s2+$0x10];
	(erf) = vpow2.f32 v6;
	[tilespmem:s0+$0x0] =	vst v7;
	v7 =	vmul.f32 $1.442695020e+00, v9  }
0x38: {  	v12 =	vld [tilespmem:s2+$0x20];
	v9 =	vsub.f32 $1.000061040e-01, v10;
	v6 =	vpop (erf);
	v10 =	vmul.f32 $1.442695020e+00, v11;
	v11 =	vsub.f32 $1.000061040e-01, v14  }
0x39: {  	v17 =	vld [tilespmem:s2+$0x30];
	(erf) = vpow2.f32 v13;
	[tilespmem:s0+$0x10] =	vst v6;
	v6 =	vpop (erf)  }
0x3a: {  	(erf) = vpow2.f32 v8;
	[tilespmem:s0+$0x20] =	vst v6;
	v8 =	vpop (erf);
	v6 =	vld [tilespmem:s2+$0x40];
	v14 =	vmul.f32 $1.442695020e+00, v11  }
0x3b: {  	v9 =	vmul.f32 $1.442695020e+00, v9;
	v13 =	vsub.f32 $1.000061040e-01, v15;
	(erf) = vpow2.f32 v7;
	v7 =	vld [tilespmem:s2+$0x50];
	[tilespmem:s0+$0x30] =	vst v8;
	v8 =	vpop (erf)  }
0x3c: {  	v11 =	vsub.f32 $1.000061040e-01, v16;
	(erf) = vpow2.f32 v10;
	[tilespmem:s0+$0x40] =	vst v8;
	v15 =	vpop (erf);
	v8 =	vld [tilespmem:s2+$0x60]  }
0x3d: {  	v10 =	vmul.f32 $1.442695020e+00, v13;
	v12 =	vsub.f32 $1.000061040e-01, v12;
	(erf) = vpow2.f32 v9;
	v9 =	vld [tilespmem:s2+$0xFFFFFF80];
	[tilespmem:s0+$0x50] =	vst v15;
	v15 =	vpop (erf)  }
0x3e: {  	s1 =	simm.s32 $0x100;
	v13 =	vsub.f32 $1.000061040e-01, v17;
	v11 =	vmul.f32 $1.442695020e+00, v11;
	s2 =	simm.s32 $0x280;
	(erf) = vpow2.f32 v14;
	[tilespmem:s0+$0x60] =	vst v15;
	v14 =	vpop (erf)  }
.LBB2_2:
0x3f: {  	v15 =	vld [tilespmem:s2+$0x70];
	s1 =	sadd.s32 $0x100, s1;
	v12 =	vmul.f32 $1.442695020e+00, v12;
	v6 =	vsub.f32 $1.000061040e-01, v6;
	(erf) = vpow2.f32 v10;
	[tilespmem:s0+$0xFFFFFF80] =	vst v14  }
0x40: {  	s0 =	sadd.s32 $0x100, s0;
	v10 =	vld [tilespmem:s2+$0xFFFFFF90];
	p0 =	slt.u32 s1, $0x7F00;
	v13 =	vmul.f32 $1.442695020e+00, v13;
	v7 =	vsub.f32 $1.000061040e-01, v7;
	(erf) = vpow2.f32 v11;
	v11 =	vpop (erf)  }
0x41: {  	v14 =	vld [tilespmem:s2+$0xFFFFFFA0];
	v6 =	vmul.f32 $1.442695020e+00, v6;
	v8 =	vsub.f32 $1.000061040e-01, v8;
	[tilespmem:s0+$0x70] =	vst v11;
	v11 =	vpop (erf);
	(erf) = vpow2.f32 v12  }
0x42: {  	v12 =	vld [tilespmem:s2+$0xFFFFFFB0];
	v9 =	vsub.f32 $1.000061040e-01, v9;
	[tilespmem:s0+$0xFFFFFF90] =	vst v11;
	v7 =	vmul.f32 $1.442695020e+00, v7;
	v11 =	vpop (erf);
	(erf) = vpow2.f32 v13  }
0x43: {  	v13 =	vld [tilespmem:s2+$0xFFFFFFC0];
	[tilespmem:s0+$0xFFFFFFA0] =	vst v11;
	v8 =	vmul.f32 $1.442695020e+00, v8;
	v11 =	vpop (erf);
	(erf) = vpow2.f32 v6  }
0x44: {  	v6 =	vld [tilespmem:s2+$0xFFFFFFD0];
	v15 =	vsub.f32 $1.000061040e-01, v15;
	v16 =	vmul.f32 $1.442695020e+00, v9;
	[tilespmem:s0+$0xFFFFFFB0] =	vst v11;
	v11 =	vpop (erf);
	(erf) = vpow2.f32 v7  }
0x45: {  	v7 =	vsub.f32 $1.000061040e-01, v10;
	v10 =	vld [tilespmem:s2+$0xFFFFFFE0];
	[tilespmem:s0+$0xFFFFFFC0] =	vst v11;
	v11 =	vpop (erf);
	(erf) = vpow2.f32 v8  }
0x46: {  	v8 =	vsub.f32 $1.000061040e-01, v14;
	v14 =	vld [tilespmem:s2+$0xFFFFFFF0];
	v15 =	vmul.f32 $1.442695020e+00, v15;
	[tilespmem:s0+$0xFFFFFFD0] =	vst v11;
	(erf) = vpow2.f32 v16;
	v9 =	vpop (erf)  }
0x47: {  	v17 =	vmul.f32 $1.442695020e+00, v7;
	v11 =	vsub.f32 $1.000061040e-01, v12;
	v12 =	vld [tilespmem:s2+$0x0];
	[tilespmem:s0+$0xFFFFFFE0] =	vst v9;
	v9 =	vpop (erf)  }
0x48: {  	v8 =	vmul.f32 $1.442695020e+00, v8;
	v13 =	vsub.f32 $1.000061040e-01, v13;
	v16 =	vld [tilespmem:s2+$0x10];
	(erf) = vpow2.f32 v15;
	[tilespmem:s0+$0xFFFFFFF0] =	vst v9;
	v9 =	vpop (erf)  }
0x49: {  	v18 =	vmul.f32 $1.442695020e+00, v11;
	v6 =	vsub.f32 $1.000061040e-01, v6;
	v15 =	vld [tilespmem:s2+$0x20];
	(erf) = vpow2.f32 v17;
	[tilespmem:s0+$0x0] =	vst v9;
	v7 =	vpop (erf)  }
0x4a: {  	v19 =	vmul.f32 $1.442695020e+00, v13;
	v10 =	vsub.f32 $1.000061040e-01, v10;
	v13 =	vld [tilespmem:s2+$0x30];
	(erf) = vpow2.f32 v8;
	[tilespmem:s0+$0x10] =	vst v7;
	v7 =	vpop (erf)  }
.Ltmp0:
0x4b: {  	v17 =	vmul.f32 $1.442695020e+00, v6;
	v8 =	vsub.f32 $1.000061040e-01, v14;
	v6 =	vld [tilespmem:s2+$0x40];
	(erf) = vpow2.f32 v18;
	[tilespmem:s0+$0x20] =	vst v7;
	v11 =	vpop (erf);
	(pc) =	sbr.rel @p0 .LBB2_2-.Ltmp0, $4  }
0x4c: {  	v20 =	vmul.f32 $1.442695020e+00, v10;
	v10 =	vsub.f32 $1.000061040e-01, v12;
	v7 =	vld [tilespmem:s2+$0x50];
	(erf) = vpow2.f32 v19;
	[tilespmem:s0+$0x30] =	vst v11;
	v9 =	vpop (erf)  }
0x4d: {  	v18 =	vmul.f32 $1.442695020e+00, v8;
	v11 =	vsub.f32 $1.000061040e-01, v16;
	v8 =	vld [tilespmem:s2+$0x60];
	(erf) = vpow2.f32 v17;
	[tilespmem:s0+$0x40] =	vst v9;
	v16 =	vpop (erf)  }
0x4e: {  	v9 =	vld [tilespmem:s2+$0xFFFFFF80];
	v10 =	vmul.f32 $1.442695020e+00, v10;
	v12 =	vsub.f32 $1.000061040e-01, v15;
	(erf) = vpow2.f32 v20;
	[tilespmem:s0+$0x50] =	vst v16;
	v14 =	vpop (erf)  }
0x4f: {  	s2 =	sadd.s32 $0x100, s2;
	v11 =	vmul.f32 $1.442695020e+00, v11;
	v13 =	vsub.f32 $1.000061040e-01, v13;
	(erf) = vpow2.f32 v18;
	[tilespmem:s0+$0x60] =	vst v14;
	v14 =	vpop (erf)  }
0x50: {  	_ = 	snop  }
0x51: {  	v12 =	vmul.f32 $1.442695020e+00, v12;
	v6 =	vsub.f32 $1.000061040e-01, v6;
	(erf) = vpow2.f32 v10  }
0x52: {  	v58 =	vmul.f32 $1.442695020e+00, v13;
	v7 =	vsub.f32 $1.000061040e-01, v7;
	(erf) = vpow2.f32 v11  }
0x53: {  	[tilespmem:s0+$0xFFFFFF80] =	vst v14;
	s1 =	sadd.s32 $0x100, s0;
	v59 =	vpop (erf);
	v6 =	vmul.f32 $1.442695020e+00, v6;
	(erf) = vpow2.f32 v12;
	v9 =	vsub.f32 $1.000061040e-01, v9  }
0x54: {  	v8 =	vsub.f32 $1.000061040e-01, v8;
	[tilespmem:s1+$0x70] =	vst v59;
	v60 =	vpop (erf);
	v7 =	vmul.f32 $1.442695020e+00, v7;
	(erf) = vpow2.f32 v58  }
0x55: {  	[tilespmem:s1+$0xFFFFFF90] =	vst v60;
	v61 =	vpop (erf);
	(erf) = vpow2.f32 v6;
	v6 =	vmul.f32 $1.442695020e+00, v9  }
0x56: {  	[tilespmem:s1+$0xFFFFFFA0] =	vst v61;
	v8 =	vmul.f32 $1.442695020e+00, v8;
	v62 =	vpop (erf)  }
0x57: {  	[tilespmem:s1+$0xFFFFFFB0] =	vst v62;
	v63 =	vpop (erf);
	(erf) = vpow2.f32 v7  }
0x58: {  	[tilespmem:s1+$0xFFFFFFC0] =	vst v63;
	(erf) = vpow2.f32 v8;
	v7 =	vpop (erf)  }
0x59: {  	(erf) = vpow2.f32 v6;
	[tilespmem:s1+$0xFFFFFFD0] =	vst v7;
	v6 =	vpop (erf)  }
0x5a: {  	[tilespmem:s1+$0xFFFFFFE0] =	vst v6;
	v6 =	vpop (erf)  }
0x5b: {  	[tilespmem:s1+$0xFFFFFFF0] =	vst v6;
	v6 =	vpop (erf)  }
0x5c: {  	[tilespmem:s1+$0x0] =	vst v6;
	v6 =	vpop (erf)  }
0x5d: {  	[tilespmem:s1+$0x10] =	vst v6;
	v6 =	vpop (erf)  }
0x5e: {  	[tilespmem:s1+$0x20] =	vst v6;
	v6 =	vpop (erf)  }
0x5f: {  	[tilespmem:s1+$0x30] =	vst v6;
	v6 =	vpop (erf)  }
0x60: {  	[tilespmem:s1+$0x40] =	vst v6;
	v6 =	vpop (erf)  }
0x61: {  	[tilespmem:s1+$0x50] =	vst v6;
	v6 =	vpop (erf)  }
0x62: {  	[tilespmem:s1+$0x60] =	vst v6;
	v6 =	vpop (erf)  }
0x63: {  	s0 =	simm.s32 $0x18040;
	[tilespmem:s1+$0xFFFFFF80] =	vst v6  }
0x64: {  	[tilespmem:s0+$0xFFFFFFC0] =	vst v2  }
0x65: {  	p0 =	por $0x1, $0x1;
	[tilespmem:s0+$0x30] =	vst v2  }
.Ltmp1:
0x66: {  	[tilespmem:s0+$0x20] =	vst v2;
	(pc) =	sbr.rel @!p0 .LBB2_5-.Ltmp1, $4  }
0x67: {  	[tilespmem:s0+$0x10] =	vst v2  }
0x68: {  	[tilespmem:s0+$0x0] =	vst v2  }
0x69: {  	[tilespmem:s0+$0xFFFFFFF0] =	vst v2  }
0x6a: {  	s1 =	simm.s32 $0x0;
	[tilespmem:s0+$0xFFFFFFE0] =	vst v2  }
.LBB2_4:
0x6b: {  	s1 =	sadd.s32 $0x80, s1;
	[tilespmem:s0+$0xFFFFFFD0] =	vst v2;
	s0 =	sadd.s32 $0x80, s0  }
0x6c: {  	[tilespmem:s0+$0xFFFFFFC0] =	vst v2;
	p0 =	slt.u32 s1, $0xF80  }
0x6d: {  	[tilespmem:s0+$0x30] =	vst v2  }
.Ltmp2:
0x6e: {  	[tilespmem:s0+$0x20] =	vst v2;
	(pc) =	sbr.rel @p0 .LBB2_4-.Ltmp2, $4  }
0x6f: {  	[tilespmem:s0+$0x10] =	vst v2  }
0x70: {  	[tilespmem:s0+$0x0] =	vst v2  }
0x71: {  	[tilespmem:s0+$0xFFFFFFF0] =	vst v2  }
0x72: {  	[tilespmem:s0+$0xFFFFFFE0] =	vst v2  }
.LBB2_5:
0x73: {  	[tilespmem:s0+$0xFFFFFFD0] =	vst v2  }
0x74: {  	s21 =	simm.s32 $0x0;
	[tilespmem:$0x19000] =	vst v2;
	s0 =	rddreg [dreg:$0x5]  }
0x75: {  	[tilespmem:s21], [sflag:$0x3] =	stream.strided.gather [hbm4b:s0+s22], $0x8000, s23, s22, $0x38;
	[tilespmem:$0x1B080] =	vst v63  }
0x76: {  	_ =	swait.ge [sflag:s3], $0x8000  }
0x77: {  	[sflag:s3] =	ssyncset.done $0x0  }
0x78: {  	[sflag:s3] =	ssyncadd.s32 $0xFFFF8000  }
.LBB2_6:
0x79: {  	s1 =	simm.s32 $0x80  }
0x7a: {  	s2 =	simm.s32 $0x10080;
	v6 =	vld [tilespmem:s1+$0xFFFFFF90]  }
0x7b: {  	v8 =	vld [tilespmem:s2+$0xFFFFFF80]  }
0x7c: {  	v7 =	vld [tilespmem:s1+$0xFFFFFFB0]  }
0x7d: {  	v10 =	vld [tilespmem:s2+$0xFFFFFF90]  }
0x7e: {  	v11 =	vld [tilespmem:s1+$0xFFFFFFE0]  }
0x7f: {  	v12 =	vld [tilespmem:s1+$0x0]  }
0x80: {  	v13 =	vld [tilespmem:s2+$0x0]  }
0x81: {  	v14 =	vld [tilespmem:s2+$0xFFFFFFE0]  }
0x82: {  	v15 =	vld [tilespmem:s2+$0xFFFFFFD0]  }
0x83: {  	v16 =	vld [tilespmem:s1+$0xFFFFFFD0]  }
0x84: {  	v18 =	vld [tilespmem:s2+$0xFFFFFFC0]  }
0x85: {  	v20 =	vld [tilespmem:s1+$0xFFFFFFC0]  }
0x86: {  	v22 =	vld [tilespmem:s2+$0xFFFFFFB0]  }
0x87: {  	v17 =	vld [tilespmem:s1+$0x20]  }
0x88: {  	v12 =	vmul.f32 v13, v12;
	v13 =	vld [tilespmem:s2+$0x20]  }
0x89: {  	v9 =	vld [tilespmem:s2+$0x50]  }
0x8a: {  	v11 =	vmul.f32 v14, v11;
	v15 =	vmul.f32 v15, v16;
	v16 =	vld [tilespmem:s1+$0xFFFFFF80];
	v19 =	vshra.s32 v12, $0x1F  }
0x8b: {  	v21 =	vld [tilespmem:s1+$0xFFFFFFA0];
	v18 =	vmul.f32 v18, v20;
	v22 =	vmul.f32 v22, v7;
	v19 =	vand.u32 $0x7FFFFFFF, v19  }
0x8c: {  	v14 =	vld [tilespmem:s2+$0xFFFFFFA0];
	v6 =	vmul.f32 v10, v6;
	v20 =	vshra.s32 v15, $0x1F;
	v12 =	vxor.u32 v12, v19  }
0x8d: {  	v23 =	vld [tilespmem:s1+$0x40];
	v7 =	vshra.s32 v18, $0x1F;
	v19 =	vshra.s32 v12, $0x18;
	v13 =	vmul.f32 v13, v17  }
0x8e: {  	v25 =	vld [tilespmem:s2+$0x40];
	v20 =	vand.u32 $0x7FFFFFFF, v20;
	v17 =	vadd.s32 v3, v19;
	v19 =	vshra.s32 v11, $0x1F  }
0x8f: {  	v26 =	vld [tilespmem:s1+$0x50];
	v8 =	vmul.f32 v8, v16;
	v24 =	vshra.s32 v13, $0x1F;
	v19 =	vand.u32 $0x7FFFFFFF, v19  }
0x90: {  	v24 =	vand.u32 $0x7FFFFFFF, v24;
	v19 =	vxor.u32 v11, v19;
	v11 =	vand.u32 $0x7FFFFFFF, v7  }
0x91: {  	s0 =	simm.s32 $0x8080;
	v16 =	vld [tilespmem:s2+$0x70];
	v7 =	vxor.u32 v15, v20;
	v20 =	vmul.f32 v14, v21;
	v14 =	vshra.s32 v22, $0x1F  }
0x92: {  	[tilespmem:s0+$0x0] =	vst v12;
	v21 =	vld [tilespmem:s2+$0x10];
	v13 =	vxor.u32 v13, v24;
	v12 =	vand.u32 $0x7FFFFFFF, v14;
	v18 =	vxor.u32 v18, v11  }
0x93: {  	v24 =	vld [tilespmem:s1+$0x10];
	[tilespmem:s0+$0xFFFFFFE0] =	vst v19;
	v14 =	vshra.s32 v8, $0x1F;
	v19 =	vshra.s32 v19, $0x18;
	v15 =	vshra.s32 v13, $0x18  }
0x94: {  	[tilespmem:s0+$0xFFFFFFD0] =	vst v7;
	v10 =	vxor.u32 v22, v12;
	v12 =	vmul.f32 v25, v23;
	v22 =	vld [tilespmem:s2+$0x60];
	v25 =	vmul.f32 v9, v26  }
0x95: {  	[tilespmem:s0+$0x20] =	vst v13;
	v9 =	vshra.s32 v6, $0x1F;
	v26 =	vld [tilespmem:s1+$0x60];
	v14 =	vand.u32 $0x7FFFFFFF, v14;
	v15 =	vadd.s32 v3, v15  }
0x96: {  	v11 =	vshra.s32 v10, $0x18;
	[tilespmem:v17+s24+$0x0] =	vst.idx.add.s32.msk $0xffff, v4;
	v9 =	vand.u32 $0x7FFFFFFF, v9;
	v8 =	vxor.u32 v8, v14  }
0x97: {  	[tilespmem:s0+$0xFFFFFFC0] =	vst v18;
	v14 =	vld [tilespmem:s2+$0x30];
	v23 =	vadd.s32 v3, v11;
	v13 =	vshra.s32 v12, $0x1F;
	v6 =	vxor.u32 v6, v9  }
0x98: {  	[tilespmem:s0+$0xFFFFFFB0] =	vst v10;
	v17 =	vld [tilespmem:s2+$0xFFFFFFF0];
	v27 =	vshra.s32 v25, $0x1F;
	v13 =	vand.u32 $0x7FFFFFFF, v13;
	v10 =	vshra.s32 v6, $0x18  }
0x99: {  	v11 =	vld [tilespmem:s1+$0x30];
	[tilespmem:s0+$0xFFFFFF90] =	vst v6;
	v6 =	vshra.s32 v8, $0x18;
	v9 =	vxor.u32 v12, v13;
	v10 =	vadd.s32 v3, v10  }
0x9a: {  	v27 =	vand.u32 $0x7FFFFFFF, v27;
	v13 =	vld [tilespmem:s1+$0x70];
	v6 =	vadd.s32 v3, v6;
	v12 =	vshra.s32 v18, $0x18;
	[tilespmem:s0+$0x40] =	vst v9  }
0x9b: {  	v18 =	vshra.s32 v20, $0x1F;
	v21 =	vmul.f32 v21, v24;
	[tilespmem:v15+s24+$0x0] =	vst.idx.add.s32.msk $0xffff, v4;
	v15 =	vmul.f32 v22, v26  }
0x9c: {  	v9 =	vshra.s32 v9, $0x18;
	v22 =	vand.u32 $0x7FFFFFFF, v18;
	v18 =	vadd.s32 v3, v19;
	[tilespmem:v23+s24+$0x0] =	vst.idx.add.s32.msk $0xffff, v4  }
0x9d: {  	s4 =	simm.s32 $0x0;
	s5 =	simm.s32 $0x188F8;
	s3 =	simm.s32 $0x180;
	[tilespmem:s0+$0xFFFFFF80] =	vst v8;
	v23 =	vxor.u32 v20, v22;
	v20 =	vld [tilespmem:s1+$0xFFFFFFF0];
	v22 =	vxor.u32 v25, v27;
	v8 =	vshra.s32 v15, $0x1F  }
0x9e: {  	s6 =	simm.s32 $0x8080;
	s2 =	simm.s32 $0xFF;
	s1 =	simm.s32 $0x10180;
	v24 =	vshra.s32 v22, $0x18;
	[tilespmem:v10+s24+$0x0] =	vst.idx.add.s32.msk $0xffff, v4;
	v10 =	vshra.s32 v23, $0x18;
	v19 =	vand.u32 $0x7FFFFFFF, v8  }
.LBB2_7:
0x9f: {  	v8 =	vld [tilespmem:s3+$0xFFFFFF90];
	s4 =	sadd.s32 $0x100, s4;
	[tilespmem:s0+$0xFFFFFFA0] =	vst v23;
	v23 =	vadd.s32 v3, v10;
	v10 =	vshra.s32 v21, $0x1F;
	v25 =	vadd.s32 v3, v9;
	s6 =	sadd.s32 $0x100, s6  }
0xa0: {  	v7 =	vshra.s32 v7, $0x18;
	v9 =	vld [tilespmem:s1+$0xFFFFFF80];
	p0 =	slt.u32 s4, $0x7F00;
	v26 =	vand.u32 $0x7FFFFFFF, v10;
	[tilespmem:s0+$0x50] =	vst v22;
	v22 =	vadd.s32 v3, v24  }
0xa1: {  	v7 =	vadd.s32 v3, v7;
	v10 =	vld [tilespmem:s1+$0x50];
	v21 =	vxor.u32 v21, v26  }
0xa2: {  	v13 =	vmul.f32 v16, v13;
	v24 =	vld [tilespmem:s3+$0xFFFFFFB0];
	[tilespmem:s0+$0x10] =	vst v21;
	v21 =	vshra.s32 v21, $0x18  }
0xa3: {  	v11 =	vmul.f32 v14, v11;
	v17 =	vmul.f32 v17, v20;
	v16 =	vld [tilespmem:s1+$0xFFFFFF90];
	v20 =	vadd.s32 v3, v21  }
0xa4: {  	v12 =	vadd.s32 v3, v12;
	v14 =	vxor.u32 v15, v19;
	v15 =	vshra.s32 v13, $0x1F;
	[tilespmem:v25+s24+$0x0] =	vst.idx.add.s32.msk $0xffff, v4  }
0xa5: {  	v19 =	vshra.s32 v14, $0x18;
	v15 =	vand.u32 $0x7FFFFFFF, v15;
	[tilespmem:v18+s24+$0x0] =	vst.idx.add.s32.msk $0xffff, v4;
	v18 =	vshra.s32 v11, $0x1F  }
0xa6: {  	v19 =	vadd.s32 v3, v19;
	v13 =	vxor.u32 v13, v15;
	v18 =	vand.u32 $0x7FFFFFFF, v18;
	[tilespmem:v22+s24+$0x0] =	vst.idx.add.s32.msk $0xffff, v4  }
0xa7: {  	v21 =	vshra.s32 v17, $0x1F;
	v15 =	vld [tilespmem:s3+$0xFFFFFFA0];
	v11 =	vxor.u32 v11, v18;
	[tilespmem:s0+$0x70] =	vst v13;
	v13 =	vshra.s32 v13, $0x18  }
0xa8: {  	v21 =	vand.u32 $0x7FFFFFFF, v21;
	v18 =	vld [tilespmem:s3+$0xFFFFFFE0];
	[tilespmem:s0+$0x30] =	vst v11;
	v11 =	vshra.s32 v11, $0x18;
	v13 =	vadd.s32 v3, v13  }
0xa9: {  	v17 =	vxor.u32 v17, v21;
	[tilespmem:v20+s24+$0x0] =	vst.idx.add.s32.msk $0xffff, v4;
	v11 =	vadd.s32 v3, v11  }
0xaa: {  	[tilespmem:v7+s24+$0x0] =	vst.idx.add.s32.msk $0xffff, v4;
	v7 =	vshra.s32 v17, $0x18  }
0xab: {  	v20 =	vld [tilespmem:s1+$0xFFFFFFE0];
	[tilespmem:s0+$0xFFFFFFF0] =	vst v17;
	v7 =	vadd.s32 v3, v7  }
0xac: {  	[tilespmem:v23+s24+$0x0] =	vst.idx.add.s32.msk $0xffff, v4  }
0xad: {  	v17 =	vld [tilespmem:s3+$0x0];
	[tilespmem:s0+$0x60] =	vst v14;
	s0 =	smov.u32 s6  }
0xae: {  	v14 =	vld [tilespmem:s1+$0x0]  }
0xaf: {  	v21 =	vld [tilespmem:s1+$0xFFFFFFA0]  }
0xb0: {  	v22 =	vld [tilespmem:s3+$0xFFFFFF80]  }
0xb1: {  	v23 =	vld [tilespmem:s1+$0xFFFFFFD0]  }
0xb2: {  	v25 =	vld [tilespmem:s3+$0xFFFFFFD0]  }
0xb3: {  	v26 =	vld [tilespmem:s1+$0xFFFFFFB0]  }
0xb4: {  	v27 =	vld [tilespmem:s3+$0x20]  }
0xb5: {  	v14 =	vmul.f32 v14, v17;
	[tilespmem:v6+s24+$0x0] =	vst.idx.add.s32.msk $0xffff, v4  }
0xb6: {  	v6 =	vld [tilespmem:s1+$0x20]  }
0xb7: {  	v28 =	vshra.s32 v14, $0x1F;
	v17 =	vld [tilespmem:s1+$0xFFFFFFC0]  }
0xb8: {  	v28 =	vand.u32 $0x7FFFFFFF, v28;
	v29 =	vld [tilespmem:s3+$0xFFFFFFC0]  }
0xb9: {  	v18 =	vmul.f32 v20, v18;
	v14 =	vxor.u32 v14, v28;
	[tilespmem:v7+s24+$0x0] =	vst.idx.add.s32.msk $0xffff, v4  }
0xba: {  	v7 =	vshra.s32 v14, $0x18;
	[tilespmem:s6+$0x0] =	vst v14;
	v14 =	vld [tilespmem:s3+$0x40]  }
0xbb: {  	v20 =	vmul.f32 v23, v25;
	v23 =	vadd.s32 v3, v7;
	v6 =	vmul.f32 v6, v27;
	v25 =	vld [tilespmem:s3+$0x50]  }
0xbc: {  	v7 =	vshra.s32 v18, $0x1F;
	[tilespmem:v11+s24+$0x0] =	vst.idx.add.s32.msk $0xffff, v4  }
0xbd: {  	v11 =	vmul.f32 v17, v29;
	v17 =	vshra.s32 v20, $0x1F;
	v27 =	vshra.s32 v6, $0x1F;
	v28 =	vld [tilespmem:s1+$0x40]  }
0xbe: {  	v7 =	vand.u32 $0x7FFFFFFF, v7;
	v17 =	vand.u32 $0x7FFFFFFF, v17;
	v27 =	vand.u32 $0x7FFFFFFF, v27;
	[tilespmem:v19+s24+$0x0] =	vst.idx.add.s32.msk $0xffff, v4  }
0xbf: {  	v18 =	vxor.u32 v18, v7;
	v19 =	vmul.f32 v26, v24;
	v24 =	vshra.s32 v11, $0x1F;
	[tilespmem:v13+s24+$0x0] =	vst.idx.add.s32.msk $0xffff, v4  }
0xc0: {  	v7 =	vxor.u32 v20, v17;
	v6 =	vxor.u32 v6, v27;
	v13 =	vand.u32 $0x7FFFFFFF, v24;
	[tilespmem:v12+s24+$0x0] =	vst.idx.add.s32.msk $0xffff, v4  }
0xc1: {  	v20 =	vmul.f32 v21, v15;
	v12 =	vshra.s32 v19, $0x1F;
	v15 =	vshra.s32 v6, $0x18;
	[tilespmem:s6+$0xFFFFFFE0] =	vst v18;
	v21 =	vld [tilespmem:s1+$0x10]  }
0xc2: {  	v12 =	vand.u32 $0x7FFFFFFF, v12;
	v17 =	vxor.u32 v11, v13;
	v15 =	vadd.s32 v3, v15;
	v24 =	vld [tilespmem:s3+$0x10];
	[tilespmem:s6+$0x20] =	vst v6  }
0xc3: {  	v6 =	vmul.f32 v16, v8;
	v8 =	vxor.u32 v19, v12;
	v12 =	vmul.f32 v28, v14;
	[tilespmem:s6+$0xFFFFFFD0] =	vst v7;
	v19 =	vld [tilespmem:s1+$0x60]  }
0xc4: {  	v9 =	vmul.f32 v9, v22;
	v10 =	vmul.f32 v10, v25;
	v11 =	vshra.s32 v8, $0x18;
	[tilespmem:v23+s24+$0x0] =	vst.idx.add.s32.msk $0xffff, v4  }
0xc5: {  	v13 =	vshra.s32 v6, $0x1F;
	v22 =	vadd.s32 v3, v11;
	v14 =	vshra.s32 v12, $0x1F;
	[tilespmem:s6+$0xFFFFFFC0] =	vst v17;
	v23 =	vld [tilespmem:s3+$0x60]  }
0xc6: {  	v16 =	vshra.s32 v9, $0x1F;
	v13 =	vand.u32 $0x7FFFFFFF, v13;
	v14 =	vand.u32 $0x7FFFFFFF, v14;
	v11 =	vld [tilespmem:s3+$0x30]  }
0xc7: {  	v16 =	vand.u32 $0x7FFFFFFF, v16;
	v6 =	vxor.u32 v6, v13;
	[tilespmem:s6+$0xFFFFFFB0] =	vst v8;
	v8 =	vxor.u32 v12, v14;
	v13 =	vld [tilespmem:s3+$0x70]  }
0xc8: {  	v18 =	vshra.s32 v18, $0x18;
	v9 =	vxor.u32 v9, v16;
	[tilespmem:s6+$0xFFFFFF90] =	vst v6;
	v6 =	vshra.s32 v6, $0x18;
	v14 =	vld [tilespmem:s1+$0x30]  }
0xc9: {  	v26 =	vshra.s32 v10, $0x1F;
	v12 =	vshra.s32 v9, $0x18;
	v25 =	vadd.s32 v3, v6;
	[tilespmem:s6+$0x40] =	vst v8;
	v16 =	vld [tilespmem:s1+$0x70]  }
.Ltmp3:
0xca: {  	v26 =	vand.u32 $0x7FFFFFFF, v26;
	v6 =	vadd.s32 v3, v12;
	v12 =	vshra.s32 v17, $0x18;
	[tilespmem:s6+$0xFFFFFF80] =	vst v9;
	v17 =	vld [tilespmem:s1+$0xFFFFFFF0];
	(pc) =	sbr.rel @p0 .LBB2_7-.Ltmp3, $4  }
0xcb: {  	v27 =	vshra.s32 v20, $0x1F;
	v9 =	vshra.s32 v8, $0x18;
	[tilespmem:v15+s24+$0x0] =	vst.idx.add.s32.msk $0xffff, v4;
	v15 =	vmul.f32 v19, v23  }
0xcc: {  	v18 =	vadd.s32 v3, v18;
	v21 =	vmul.f32 v21, v24;
	v8 =	vand.u32 $0x7FFFFFFF, v27;
	[tilespmem:v22+s24+$0x0] =	vst.idx.add.s32.msk $0xffff, v4  }
0xcd: {  	v23 =	vxor.u32 v20, v8;
	v22 =	vxor.u32 v10, v26;
	v20 =	vld [tilespmem:s3+$0xFFFFFFF0];
	v8 =	vshra.s32 v15, $0x1F  }
0xce: {  	s1 =	sadd.s32 $0x100, s1;
	v10 =	vshra.s32 v23, $0x18;
	v24 =	vshra.s32 v22, $0x18;
	s3 =	sadd.s32 $0x100, s3;
	[tilespmem:v25+s24+$0x0] =	vst.idx.add.s32.msk $0xffff, v4;
	v19 =	vand.u32 $0x7FFFFFFF, v8  }
0xcf: {  	_ =	sdelay $0x1  }
0xd0: {  	v8 =	vadd.s32 v3, v9;
	[tilespmem:s0+$0xFFFFFFA0] =	vst v23  }
0xd1: {  	v9 =	vshra.s32 v21, $0x1F;
	v57 =	vadd.s32 v3, v24;
	[tilespmem:s0+$0x50] =	vst v22  }
0xd2: {  	v11 =	vmul.f32 v14, v11;
	[tilespmem:v18+s24+$0x0] =	vst.idx.add.s32.msk $0xffff, v4;
	v9 =	vand.u32 $0x7FFFFFFF, v9  }
0xd3: {  	v7 =	vshra.s32 v7, $0x18;
	v10 =	vadd.s32 v3, v10;
	[tilespmem:v6+s24+$0x0] =	vst.idx.add.s32.msk $0xffff, v4;
	v9 =	vxor.u32 v21, v9  }
0xd4: {  	v13 =	vmul.f32 v16, v13;
	v7 =	vadd.s32 v3, v7;
	v58 =	vshra.s32 v11, $0x1F;
	[tilespmem:s0+$0x10] =	vst v9  }
0xd5: {  	v9 =	vshra.s32 v9, $0x18;
	v14 =	vmul.f32 v17, v20;
	v16 =	vand.u32 $0x7FFFFFFF, v58;
	[tilespmem:v8+s24+$0x0] =	vst.idx.add.s32.msk $0xffff, v4  }
0xd6: {  	v9 =	vadd.s32 v3, v9;
	v11 =	vxor.u32 v11, v16;
	v8 =	vshra.s32 v13, $0x1F;
	[tilespmem:v57+s24+$0x0] =	vst.idx.add.s32.msk $0xffff, v4  }
0xd7: {  	[tilespmem:s0+$0x30] =	vst v11;
	v8 =	vand.u32 $0x7FFFFFFF, v8  }
0xd8: {  	[tilespmem:v10+s24+$0x0] =	vst.idx.add.s32.msk $0xffff, v4;
	v8 =	vxor.u32 v13, v8;
	v13 =	vshra.s32 v14, $0x1F  }
0xd9: {  	v11 =	vshra.s32 v11, $0x18;
	v10 =	vadd.s32 v3, v12;
	[tilespmem:v7+s24+$0x0] =	vst.idx.add.s32.msk $0xffff, v4;
	v13 =	vand.u32 $0x7FFFFFFF, v13  }
0xda: {  	v11 =	vadd.s32 v3, v11;
	[tilespmem:s0+$0x70] =	vst v8;
	v8 =	vshra.s32 v8, $0x18;
	v13 =	vxor.u32 v14, v13  }
0xdb: {  	[tilespmem:v9+s24+$0x0] =	vst.idx.add.s32.msk $0xffff, v4;
	v14 =	vxor.u32 v15, v19;
	v8 =	vadd.s32 v3, v8;
	v9 =	vshra.s32 v13, $0x18  }
0xdc: {  	[tilespmem:s0+$0xFFFFFFF0] =	vst v13;
	v7 =	vadd.s32 v3, v9;
	v9 =	vshra.s32 v14, $0x18  }
0xdd: {  	[tilespmem:s0+$0x60] =	vst v14;
	v9 =	vadd.s32 v3, v9  }
0xde: {  	[tilespmem:v10+s24+$0x0] =	vst.idx.add.s32.msk $0xffff, v4  }
0xdf: {  	[tilespmem:v11+s24+$0x0] =	vst.idx.add.s32.msk $0xffff, v4  }
0xe0: {  	[tilespmem:v8+s24+$0x0] =	vst.idx.add.s32.msk $0xffff, v4  }
0xe1: {  	[tilespmem:v7+s24+$0x0] =	vst.idx.add.s32.msk $0xffff, v4  }
0xe2: {  	[tilespmem:v9+s24+$0x0] =	vst.idx.add.s32.msk $0xffff, v4  }
0xe3: {  	v6 =	vld [tilespmem:s5+$0xFFFFF7F8]  }
0xe4: {  	v7 =	vld [tilespmem:s5+$0xFFFFF8F9]  }
0xe5: {  	v8 =	vld [tilespmem:s5+$0xFFFFF9FA]  }
0xe6: {  	v9 =	vld [tilespmem:s5+$0xFFFFFAFB]  }
0xe7: {  	v10 =	vld [tilespmem:s5+$0xFFFFFBFC]  }
0xe8: {  	[tilespmem:s5+$0xFFFFF7F8] =	vst v2;
	v11 =	vld [tilespmem:s5+$0xFFFFFCFD]  }
0xe9: {  	[tilespmem:s5+$0xFFFFF8F9] =	vst v2;
	v12 =	vld [tilespmem:s5+$0xFFFFFDFE]  }
0xea: {  	s14 =	simm.s32 $0x188E8;
	v13 =	vld [tilespmem:s5+$0xFFFFFEFF];
	[tilespmem:s5+$0xFFFFFEFF] =	vst v2  }
0xeb: {  	s4 =	simm.s32 $0x188D8;
	v14 =	vld [tilespmem:s14+$0xFFFFFEFF];
	[tilespmem:s14+$0xFFFFFEFF] =	vst v2  }
0xec: {  	[tilespmem:s5+$0xFFFFF9FA] =	vst v2;
	v60 =	vld [tilespmem:s4+$0xFFFFFEFF];
	v6 =	vadd.s32 v6, v7  }
0xed: {  	[tilespmem:s5+$0xFFFFFAFB] =	vst v2;
	v7 =	vld [tilespmem:s5+$0x0];
	v6 =	vadd.s32 v8, v6  }
0xee: {  	[tilespmem:s5+$0x0] =	vst v2;
	v8 =	vld [tilespmem:s5+$0x101];
	v6 =	vadd.s32 v9, v6  }
0xef: {  	[tilespmem:s5+$0xFFFFFBFC] =	vst v2;
	v15 =	vld [tilespmem:s14+$0x0];
	v6 =	vadd.s32 v10, v6  }
0xf0: {  	[tilespmem:s5+$0xFFFFFCFD] =	vst v2;
	v9 =	vld [tilespmem:s5+$0x202];
	v6 =	vadd.s32 v11, v6  }
0xf1: {  	[tilespmem:s5+$0xFFFFFDFE] =	vst v2;
	v10 =	vld [tilespmem:s5+$0x303];
	v6 =	vadd.s32 v12, v6  }
0xf2: {  	[tilespmem:s4+$0xFFFFFEFF] =	vst v2;
	v11 =	vld [tilespmem:s5+$0x404];
	v6 =	vadd.s32 v13, v6  }
0xf3: {  	[tilespmem:s5+$0x101] =	vst v2;
	v12 =	vld [tilespmem:s5+$0x505];
	v6 =	vadd.s32 v7, v6  }
0xf4: {  	[tilespmem:s14+$0x0] =	vst v2;
	v13 =	vld [tilespmem:s5+$0x606];
	v6 =	vadd.s32 v8, v6  }
0xf5: {  	[tilespmem:s5+$0x202] =	vst v2;
	v7 =	vld [tilespmem:s5+$0x707];
	v6 =	vadd.s32 v9, v6  }
0xf6: {  	[tilespmem:s5+$0x707] =	vst v2;
	v8 =	vld [tilespmem:s14+$0xFFFFF7F8];
	v6 =	vadd.s32 v10, v6  }
0xf7: {  	[tilespmem:s5+$0x303] =	vst v2;
	v59 =	vld [tilespmem:s14+$0x707];
	v6 =	vadd.s32 v11, v6  }
0xf8: {  	[tilespmem:s5+$0x404] =	vst v2;
	v9 =	vld [tilespmem:s14+$0xFFFFF8F9];
	v6 =	vadd.s32 v12, v6  }
0xf9: {  	[tilespmem:s5+$0x505] =	vst v2;
	v10 =	vld [tilespmem:s14+$0xFFFFF9FA];
	v6 =	vadd.s32 v13, v6  }
0xfa: {  	[tilespmem:s5+$0x606] =	vst v2;
	v11 =	vld [tilespmem:s14+$0xFFFFFAFB];
	v6 =	vadd.s32 v7, v6  }
0xfb: {  	[tilespmem:s14+$0xFFFFF7F8] =	vst v2;
	v12 =	vld [tilespmem:s14+$0xFFFFFBFC];
	v6 =	vperm.xlane v6, v5  }
0xfc: {  	[tilespmem:s14+$0x707] =	vst v2;
	v13 =	vld [tilespmem:s14+$0xFFFFFCFD]  }
0xfd: {  	[tilespmem:s14+$0xFFFFF8F9] =	vst v2;
	v7 =	vld [tilespmem:s14+$0xFFFFFDFE];
	v8 =	vadd.s32 v8, v9;
	(xrf0) =	vadd.scan.msk.s32 $0xffff, v6  }
0xfe: {  	[tilespmem:s14+$0xFFFFF9FA] =	vst v2;
	v8 =	vadd.s32 v10, v8  }
0xff: {  	[tilespmem:s14+$0xFFFFFAFB] =	vst v2;
	v9 =	vld [tilespmem:s14+$0x101];
	v8 =	vadd.s32 v11, v8  }
0x100: {  	[tilespmem:s14+$0xFFFFFBFC] =	vst v2;
	v10 =	vld [tilespmem:s14+$0x202];
	v8 =	vadd.s32 v12, v8  }
0x101: {  	[tilespmem:s14+$0xFFFFFCFD] =	vst v2;
	v11 =	vld [tilespmem:s14+$0x303];
	v8 =	vadd.s32 v13, v8  }
0x102: {  	[tilespmem:s14+$0xFFFFFDFE] =	vst v2;
	v12 =	vld [tilespmem:s14+$0x404];
	v7 =	vadd.s32 v7, v8  }
0x103: {  	[tilespmem:s14+$0x101] =	vst v2;
	v13 =	vld [tilespmem:s14+$0x505];
	v7 =	vadd.s32 v14, v7;
	v14, _, _ =	vpop (xrf0)  }
0x104: {  	[tilespmem:s14+$0x202] =	vst v2;
	v8 =	vld [tilespmem:s14+$0x606];
	(v2sf) =	vpush v14, $0xF  }
0x105: {  	[tilespmem:s14+$0x303] =	vst v2;
	v7 =	vadd.s32 v15, v7;
	v15 =	vld [tilespmem:s4+$0xFFFFF7F8]  }
0x106: {  	s1 =	simm.s32 $0x188C8;
	s0 =	simm.s32 $0x0;
	[tilespmem:s4+$0xFFFFF7F8] =	vst v2;
	v7 =	vadd.s32 v9, v7;
	v9 =	vld [tilespmem:s4+$0xFFFFF8F9]  }
0x107: {  	[tilespmem:s14+$0x404] =	vst v2;
	v18 =	vld [tilespmem:s1+$0xFFFFF7F8];
	v7 =	vadd.s32 v10, v7;
	v14 =	vadd.s32 s0, v14  }
0x108: {  	[tilespmem:s4+$0xFFFFF8F9] =	vst v2;
	v10 =	vld [tilespmem:s4+$0xFFFFF9FA];
	v7 =	vadd.s32 v11, v7;
	v6 =	vsub.s32 v14, v6  }
0x109: {  	[tilespmem:s14+$0x505] =	vst v2;
	v63 =	vld [tilespmem:s1+$0xFFFFF8F9];
	v7 =	vadd.s32 v12, v7;
	vm0 =	vgt.s32 v14, $0xCCC;
	vm1 =	vlt.s32 v6, $0xCCD  }
0x10a: {  	[tilespmem:s14+$0x606] =	vst v2;
	v11 =	vld [tilespmem:s4+$0xFFFFFAFB];
	v14 =	vadd.s32 s2, v1;
	v7 =	vadd.s32 v13, v7;
	vm0 =	vmand vm0, vm1  }
0x10b: {  	[tilespmem:s1+$0xFFFFF7F8] =	vst v2;
	v12 =	vld [tilespmem:s4+$0xFFFFFBFC];
	v7 =	vadd.s32 v8, v7;
	v14 =	vnsel vm0, $0x0, v14  }
0x10c: {  	[tilespmem:s4+$0xFFFFF9FA] =	vst v2;
	v13 =	vld [tilespmem:s4+$0xFFFFFCFD];
	v6 =	vnsel vm0, $0x0, v6;
	v7 =	vadd.s32 v59, v7;
	(xrf0) =	vadd.scan.msk.s32 $0xffff, v14  }
0x10d: {  	[tilespmem:s1+$0xFFFFF8F9] =	vst v2;
	v8 =	vld [tilespmem:s4+$0xFFFFFDFE];
	v9 =	vadd.s32 v15, v9;
	v7 =	vperm.xlane v7, v5;
	(xrf0) =	vadd.scan.msk.s32 $0xffff, v6  }
0x10e: {  	[tilespmem:s4+$0xFFFFFAFB] =	vst v2;
	v6 =	vadd.s32 v10, v9  }
0x10f: {  	[tilespmem:s4+$0xFFFFFBFC] =	vst v2;
	v15 =	vld [tilespmem:s4+$0x606];
	(xrf0) =	vadd.scan.msk.s32 $0xffff, v7;
	v6 =	vadd.s32 v11, v6  }
0x110: {  	[tilespmem:s4+$0xFFFFFCFD] =	vst v2;
	v14 =	vld [tilespmem:s4+$0x0];
	v6 =	vadd.s32 v12, v6  }
0x111: {  	[tilespmem:s4+$0xFFFFFDFE] =	vst v2;
	v9 =	vld [tilespmem:s4+$0x101];
	v6 =	vadd.s32 v13, v6  }
0x112: {  	[tilespmem:s4+$0x606] =	vst v2;
	v10 =	vld [tilespmem:s4+$0x202];
	v6 =	vadd.s32 v8, v6;
	v8, _, _ =	vpop (xrf0)  }
0x113: {  	[tilespmem:s4+$0x0] =	vst v2;
	v11 =	vld [tilespmem:s4+$0x303];
	v61, _, _ =	vpop (xrf0);
	s20 =	spop (v2sf);
	(v2sf) =	vpush v8, $0xF  }
0x114: {  	[tilespmem:s4+$0x101] =	vst v2;
	v12 =	vld [tilespmem:s4+$0x404];
	v6 =	vadd.s32 v60, v6;
	(v2sf) =	vpush v61, $0xF  }
0x115: {  	[tilespmem:s4+$0x202] =	vst v2;
	v13 =	vld [tilespmem:s4+$0x505];
	v6 =	vadd.s32 v14, v6;
	v62, _, _ =	vpop (xrf0)  }
0x116: {  	[tilespmem:s4+$0x303] =	vst v2;
	v6 =	vadd.s32 v9, v6;
	s3 =	sadd.s32 $0x0, s20;
	(v2sf) =	vpush v62, $0xF  }
0x117: {  	[tilespmem:s4+$0x404] =	vst v2;
	v14 =	vld [tilespmem:s4+$0x707];
	v6 =	vadd.s32 v10, v6;
	v8 =	vadd.s32 s3, v62  }
0x118: {  	[tilespmem:s4+$0x505] =	vst v2;
	v6 =	vadd.s32 v11, v6;
	v11 =	vsub.s32 v8, v7  }
0x119: {  	s31 =	simm.s32 $0xEF;
	[tilespmem:s4+$0x707] =	vst v2;
	v9 =	vld [tilespmem:s1+$0xFFFFFBFC];
	v6 =	vadd.s32 v12, v6;
	vm14 =	vgt.s32 v8, $0xCCC;
	vm15 =	vlt.s32 v11, $0xCCD  }
0x11a: {  	[tilespmem:s1+$0xFFFFFBFC] =	vst v2;
	v10 =	vadd.s32 s31, v1;
	v6 =	vadd.s32 v13, v6;
	v7 =	vld [tilespmem:s1+$0xFFFFF9FA];
	vm0 =	vmand vm14, vm15  }
0x11b: {  	[tilespmem:s1+$0xFFFFF9FA] =	vst v2;
	v8 =	vld [tilespmem:s1+$0xFFFFFAFB];
	v6 =	vadd.s32 v15, v6;
	v12 =	vnsel vm0, $0x0, v10  }
0x11c: {  	s6 =	simm.s32 $0xDF;
	[tilespmem:s1+$0xFFFFFAFB] =	vst v2;
	v6 =	vadd.s32 v14, v6;
	v13 =	vnsel vm0, $0x0, v11;
	(xrf0) =	vadd.scan.msk.s32 $0xffff, v12  }
0x11d: {  	s30 =	simm.s32 $0xBF;
	s7 =	simm.s32 $0xAF;
	s8 =	simm.s32 $0x8F;
	v6 =	vperm.xlane v6, v5;
	v10 =	vld [tilespmem:s1+$0xFFFFFCFD];
	[tilespmem:s1+$0xFFFFFCFD] =	vst v2;
	(xrf0) =	vadd.scan.msk.s32 $0xffff, v13  }
0x11e: {  	s5 =	simm.s32 $0x9F;
	s2 =	simm.s32 $0x0;
	s4 =	simm.s32 $0xCF;
	v11 =	vld [tilespmem:s1+$0xFFFFFDFE];
	[tilespmem:s1+$0xFFFFFDFE] =	vst v2;
	v12 =	vadd.s32 v18, v63  }
.LBB2_9:
0x11f: {  	p0 =	sne.s32 s8, $0xF;
	v7 =	vadd.s32 v7, v12;
	v12 =	vld [tilespmem:s1+$0xFFFFFEFF];
	[tilespmem:s1+$0xFFFFFEFF] =	vst v2;
	(xrf0) =	vadd.scan.msk.s32 $0xffff, v6  }
0x120: {  	v7 =	vadd.s32 v8, v7;
	v8 =	vld [tilespmem:s1+$0x0];
	[tilespmem:s1+$0x0] =	vst v2  }
0x121: {  	v7 =	vadd.s32 v9, v7;
	v9 =	vld [tilespmem:s1+$0x101];
	[tilespmem:s1+$0x101] =	vst v2  }
0x122: {  	v7 =	vadd.s32 v10, v7;
	v10 =	vld [tilespmem:s1+$0x202];
	[tilespmem:s1+$0x202] =	vst v2;
	v13, _, _ =	vpop (xrf0);
	s9 =	spop (v2sf)  }
0x123: {  	v7 =	vadd.s32 v11, v7;
	v11 =	vld [tilespmem:s1+$0x303];
	[tilespmem:s1+$0x303] =	vst v2;
	(v2sf) =	vpush v13, $0xF;
	v13, _, _ =	vpop (xrf0);
	s0 =	sadd.s32 s0, s9;
	s9 =	spop (v2sf)  }
0x124: {  	v7 =	vadd.s32 v12, v7;
	v12 =	vld [tilespmem:s1+$0x404];
	[tilespmem:s1+$0x404] =	vst v2;
	(v2sf) =	vpush v13, $0xF;
	s2 =	sadd.s32 s2, s9  }
0x125: {  	v7 =	vadd.s32 v8, v7;
	v8 =	vld [tilespmem:s1+$0x505];
	[tilespmem:s1+$0x505] =	vst v2;
	v13, _, _ =	vpop (xrf0);
	s9 =	spop (v2sf)  }
0x126: {  	v7 =	vadd.s32 v9, v7;
	v9 =	vld [tilespmem:s1+$0x606];
	[tilespmem:s1+$0x606] =	vst v2;
	(v2sf) =	vpush v13, $0xF;
	s3 =	sadd.s32 s3, s9  }
0x127: {  	v7 =	vadd.s32 v10, v7;
	v10 =	vld [tilespmem:s1+$0x707];
	[tilespmem:s1+$0x707] =	vst v2;
	s1 =	sadd.s32 $0xFFFFFFF0, s1;
	v13 =	vadd.s32 s3, v13  }
0x128: {  	v14 =	vld [tilespmem:s1+$0xFFFFF7F8];
	[tilespmem:s1+$0xFFFFF7F8] =	vst v2;
	v7 =	vadd.s32 v11, v7;
	v6 =	vsub.s32 v13, v6;
	vm0 =	vgt.s32 v13, $0xCCC  }
0x129: {  	v11 =	vld [tilespmem:s1+$0xFFFFF8F9];
	[tilespmem:s1+$0xFFFFF8F9] =	vst v2;
	v12 =	vadd.s32 v12, v7;
	vm1 =	vlt.s32 v6, $0xCCD  }
.Ltmp4:
0x12a: {  	v13 =	vadd.s32 s6, v1;
	s6 =	smov.u32 s4;
	s4 =	smov.u32 s30;
	v7 =	vld [tilespmem:s1+$0xFFFFF9FA];
	[tilespmem:s1+$0xFFFFF9FA] =	vst v2;
	v12 =	vadd.s32 v8, v12;
	vm0 =	vmand vm0, vm1;
	(pc) =	sbr.rel @p0 .LBB2_9-.Ltmp4, $4  }
0x12b: {  	s30 =	smov.u32 s7;
	s7 =	smov.u32 s5;
	s5 =	smov.u32 s8;
	v8 =	vld [tilespmem:s1+$0xFFFFFAFB];
	[tilespmem:s1+$0xFFFFFAFB] =	vst v2;
	v12 =	vadd.s32 v9, v12;
	v13 =	vnsel vm0, $0x0, v13;
	v15 =	vnsel vm0, $0x0, v6  }
0x12c: {  	v9 =	vld [tilespmem:s1+$0xFFFFFBFC];
	[tilespmem:s1+$0xFFFFFBFC] =	vst v2;
	v6 =	vadd.s32 v10, v12;
	(xrf0) =	vadd.scan.msk.s32 $0xffff, v13  }
0x12d: {  	v10 =	vld [tilespmem:s1+$0xFFFFFCFD];
	[tilespmem:s1+$0xFFFFFCFD] =	vst v2;
	v6 =	vperm.xlane v6, v5;
	(xrf0) =	vadd.scan.msk.s32 $0xffff, v15  }
0x12e: {  	s8 =	sadd.s32 $0xFFFFFFF0, s8;
	v12 =	vadd.s32 v14, v11;
	v11 =	vld [tilespmem:s1+$0xFFFFFDFE];
	[tilespmem:s1+$0xFFFFFDFE] =	vst v2  }
0x12f: {  	v13 =	vld [tilespmem:s1+$0xFFFFFEFF]  }
0x130: {  	v7 =	vadd.s32 v7, v12;
	v12 =	vld [tilespmem:s1+$0x0]  }
0x131: {  	v7 =	vadd.s32 v8, v7;
	v8 =	vld [tilespmem:s1+$0x101]  }
0x132: {  	(xrf0) =	vadd.scan.msk.s32 $0xffff, v6;
	v7 =	vadd.s32 v9, v7;
	v9 =	vld [tilespmem:s1+$0x202]  }
0x133: {  	v7 =	vadd.s32 v10, v7;
	v10 =	vld [tilespmem:s1+$0x303]  }
0x134: {  	v7 =	vadd.s32 v11, v7;
	v11 =	vld [tilespmem:s1+$0x404]  }
0x135: {  	s20 =	spop (v2sf);
	v7 =	vadd.s32 v13, v7;
	v13 =	vld [tilespmem:s1+$0x505]  }
0x136: {  	v14, _, _ =	vpop (xrf0);
	s31 =	spop (v2sf);
	v7 =	vadd.s32 v12, v7;
	v12 =	vld [tilespmem:s1+$0x606]  }
0x137: {  	s10 =	sadd.s32 $0xFFFFFFF0, s1;
	(v2sf) =	vpush v14, $0xF;
	v14, _, _ =	vpop (xrf0);
	s8 =	spop (v2sf);
	v7 =	vadd.s32 v8, v7;
	v8 =	vld [tilespmem:s1+$0x707]  }
0x138: {  	(v2sf) =	vpush v14, $0xF;
	v14, _, _ =	vpop (xrf0);
	s8 =	sadd.s32 s3, s8;
	v7 =	vadd.s32 v9, v7;
	v9 =	vld [tilespmem:s10+$0xFFFFF7F8]  }
0x139: {  	(v2sf) =	vpush v14, $0xF;
	v14 =	vadd.s32 s8, v14;
	v7 =	vadd.s32 v10, v7;
	v10 =	vld [tilespmem:s10+$0xFFFFF8F9]  }
0x13a: {  	v6 =	vsub.s32 v14, v6;
	v7 =	vadd.s32 v11, v7;
	v11 =	vld [tilespmem:s10+$0xFFFFF9FA]  }
0x13b: {  	vm0 =	vgt.s32 v14, $0xCCC;
	vm1 =	vlt.s32 v6, $0xCCD;
	v7 =	vadd.s32 v13, v7;
	v13 =	vld [tilespmem:s10+$0xFFFFFAFB]  }
0x13c: {  	[tilespmem:s1+$0xFFFFFEFF] =	vst v2;
	v14 =	vadd.s32 s6, v1;
	vm0 =	vmand vm0, vm1;
	v7 =	vadd.s32 v12, v7;
	v12 =	vld [tilespmem:s10+$0xFFFFFBFC]  }
0x13d: {  	[tilespmem:s1+$0x404] =	vst v2;
	v14 =	vnsel vm0, $0x0, v14;
	v7 =	vadd.s32 v8, v7;
	v8 =	vld [tilespmem:s10+$0xFFFFFCFD]  }
0x13e: {  	v6 =	vnsel vm0, $0x0, v6;
	(xrf0) =	vadd.scan.msk.s32 $0xffff, v14;
	v14 =	vld [tilespmem:s10+$0xFFFFFDFE];
	v7 =	vperm.xlane v7, v5;
	v9 =	vadd.s32 v9, v10  }
0x13f: {  	[tilespmem:s1+$0x0] =	vst v2;
	v15 =	vld [tilespmem:s10+$0x404];
	(xrf0) =	vadd.scan.msk.s32 $0xffff, v6;
	v9 =	vadd.s32 v11, v9  }
0x140: {  	[tilespmem:s1+$0x101] =	vst v2;
	v6 =	vld [tilespmem:s10+$0xFFFFFEFF];
	(xrf0) =	vadd.scan.msk.s32 $0xffff, v7;
	v9 =	vadd.s32 v13, v9  }
0x141: {  	[tilespmem:s1+$0x202] =	vst v2;
	v10 =	vld [tilespmem:s10+$0x0];
	v9 =	vadd.s32 v12, v9  }
0x142: {  	[tilespmem:s1+$0x303] =	vst v2;
	v11 =	vld [tilespmem:s10+$0x101];
	v8 =	vadd.s32 v8, v9  }
0x143: {  	[tilespmem:s1+$0x505] =	vst v2;
	v13 =	vld [tilespmem:s10+$0x202];
	v8 =	vadd.s32 v14, v8  }
0x144: {  	[tilespmem:s1+$0x606] =	vst v2;
	v12 =	vld [tilespmem:s10+$0x303];
	v9, _, _ =	vpop (xrf0)  }
0x145: {  	[tilespmem:s1+$0x707] =	vst v2;
	v14 =	vld [tilespmem:s10+$0x505];
	v6 =	vadd.s32 v6, v8;
	(v2sf) =	vpush v9, $0xF;
	v9, _, _ =	vpop (xrf0)  }
0x146: {  	[tilespmem:s10+$0xFFFFF7F8] =	vst v2;
	s1 =	spop (v2sf);
	v6 =	vadd.s32 v10, v6;
	v10 =	vld [tilespmem:s10+$0x707];
	(v2sf) =	vpush v9, $0xF;
	v8, _, _ =	vpop (xrf0)  }
0x147: {  	s9 =	sadd.s32 $0xFFFFFFF0, s10;
	[tilespmem:s10+$0xFFFFF8F9] =	vst v2;
	s3 =	spop (v2sf);
	v9 =	vld [tilespmem:s10+$0x606];
	(v2sf) =	vpush v8, $0xF  }
0x148: {  	[tilespmem:s10+$0xFFFFF9FA] =	vst v2;
	s11 =	spop (v2sf);
	v6 =	vadd.s32 v11, v6;
	v11 =	vld [tilespmem:s9+$0xFFFFF7F8]  }
0x149: {  	[tilespmem:s10+$0xFFFFFAFB] =	vst v2;
	s6 =	sadd.s32 s8, s11;
	v6 =	vadd.s32 v13, v6;
	v13 =	vld [tilespmem:s9+$0xFFFFF8F9]  }
0x14a: {  	[tilespmem:s10+$0xFFFFFBFC] =	vst v2;
	v8 =	vadd.s32 s6, v8;
	v6 =	vadd.s32 v12, v6;
	v12 =	vld [tilespmem:s9+$0xFFFFF9FA]  }
0x14b: {  	[tilespmem:s10+$0xFFFFFCFD] =	vst v2;
	v7 =	vsub.s32 v8, v7;
	v6 =	vadd.s32 v15, v6;
	v15 =	vld [tilespmem:s9+$0xFFFFFAFB]  }
0x14c: {  	[tilespmem:s10+$0xFFFFFDFE] =	vst v2;
	vm0 =	vgt.s32 v8, $0xCCC;
	v8 =	vld [tilespmem:s9+$0xFFFFFBFC];
	vm1 =	vlt.s32 v7, $0xCCD;
	v6 =	vadd.s32 v14, v6  }
0x14d: {  	[tilespmem:s10+$0xFFFFFEFF] =	vst v2;
	v14 =	vadd.s32 s4, v1;
	vm0 =	vmand vm0, vm1;
	v6 =	vadd.s32 v9, v6;
	v9 =	vld [tilespmem:s9+$0xFFFFFCFD]  }
0x14e: {  	[tilespmem:s10+$0x0] =	vst v2;
	v6 =	vadd.s32 v10, v6;
	v10 =	vnsel vm0, $0x0, v14;
	v11 =	vadd.s32 v11, v13;
	v13 =	vld [tilespmem:s9+$0xFFFFFDFE]  }
0x14f: {  	v7 =	vnsel vm0, $0x0, v7;
	(xrf0) =	vadd.scan.msk.s32 $0xffff, v10;
	v6 =	vperm.xlane v6, v5;
	v10 =	vadd.s32 v12, v11;
	v11 =	vld [tilespmem:s9+$0xFFFFFEFF]  }
0x150: {  	[tilespmem:s10+$0x101] =	vst v2;
	(xrf0) =	vadd.scan.msk.s32 $0xffff, v7;
	v7 =	vadd.s32 v15, v10;
	v10 =	vld [tilespmem:s9+$0x0]  }
0x151: {  	[tilespmem:s10+$0x202] =	vst v2;
	(xrf0) =	vadd.scan.msk.s32 $0xffff, v6;
	v7 =	vadd.s32 v8, v7;
	v8 =	vld [tilespmem:s9+$0x101]  }
0x152: {  	[tilespmem:s10+$0x303] =	vst v2;
	v7 =	vadd.s32 v9, v7;
	v9 =	vld [tilespmem:s9+$0x202]  }
0x153: {  	[tilespmem:s10+$0x404] =	vst v2;
	v12 =	vld [tilespmem:s9+$0x303];
	v7 =	vadd.s32 v13, v7  }
0x154: {  	[tilespmem:s10+$0x505] =	vst v2;
	v7 =	vadd.s32 v11, v7;
	v11 =	vld [tilespmem:s9+$0x404];
	s8 =	spop (v2sf)  }
0x155: {  	[tilespmem:s10+$0x606] =	vst v2;
	v13, _, _ =	vpop (xrf0);
	v7 =	vadd.s32 v10, v7;
	v10 =	vld [tilespmem:s9+$0x505];
	s4 =	spop (v2sf)  }
0x156: {  	[tilespmem:s10+$0x707] =	vst v2;
	v7 =	vadd.s32 v8, v7;
	v8 =	vld [tilespmem:s9+$0x606];
	(v2sf) =	vpush v13, $0xF;
	v13, _, _ =	vpop (xrf0);
	s12 =	spop (v2sf)  }
0x157: {  	v7 =	vadd.s32 v9, v7;
	v9 =	vld [tilespmem:s9+$0x707];
	(v2sf) =	vpush v13, $0xF;
	v13, _, _ =	vpop (xrf0);
	s12 =	sadd.s32 s6, s12  }
0x158: {  	[tilespmem:s9+$0xFFFFF7F8] =	vst v2;
	v7 =	vadd.s32 v12, v7;
	(v2sf) =	vpush v13, $0xF;
	s6 =	sadd.s32 $0xFFFFFFF0, s9;
	v13 =	vadd.s32 s12, v13  }
0x159: {  	[tilespmem:s9+$0xFFFFF8F9] =	vst v2;
	v7 =	vadd.s32 v11, v7;
	v12 =	vld [tilespmem:s6+$0xFFFFF7F8];
	v6 =	vsub.s32 v13, v6  }
0x15a: {  	[tilespmem:s9+$0xFFFFF9FA] =	vst v2;
	v11 =	vld [tilespmem:s6+$0xFFFFF8F9];
	v7 =	vadd.s32 v10, v7;
	vm0 =	vgt.s32 v13, $0xCCC;
	vm1 =	vlt.s32 v6, $0xCCD  }
0x15b: {  	[tilespmem:s9+$0xFFFFFAFB] =	vst v2;
	v10 =	vld [tilespmem:s6+$0xFFFFF9FA];
	v13 =	vadd.s32 s30, v1;
	v7 =	vadd.s32 v8, v7;
	vm0 =	vmand vm0, vm1  }
0x15c: {  	[tilespmem:s9+$0xFFFFFBFC] =	vst v2;
	v8 =	vld [tilespmem:s6+$0xFFFFFAFB];
	v7 =	vadd.s32 v9, v7;
	v13 =	vnsel vm0, $0x0, v13  }
0x15d: {  	[tilespmem:s9+$0xFFFFFCFD] =	vst v2;
	v9 =	vld [tilespmem:s6+$0xFFFFFBFC];
	v7 =	vperm.xlane v7, v5;
	v6 =	vnsel vm0, $0x0, v6;
	(xrf0) =	vadd.scan.msk.s32 $0xffff, v13  }
0x15e: {  	[tilespmem:s9+$0xFFFFFDFE] =	vst v2;
	v13 =	vld [tilespmem:s6+$0xFFFFFCFD];
	(xrf0) =	vadd.scan.msk.s32 $0xffff, v6  }
0x15f: {  	[tilespmem:s9+$0xFFFFFEFF] =	vst v2;
	v6 =	vadd.s32 v12, v11;
	v11 =	vld [tilespmem:s6+$0xFFFFFDFE];
	(xrf0) =	vadd.scan.msk.s32 $0xffff, v7  }
0x160: {  	[tilespmem:s9+$0x0] =	vst v2;
	v6 =	vadd.s32 v10, v6;
	v10 =	vld [tilespmem:s6+$0xFFFFFEFF]  }
0x161: {  	[tilespmem:s9+$0x101] =	vst v2;
	v6 =	vadd.s32 v8, v6;
	v8 =	vld [tilespmem:s6+$0x0]  }
0x162: {  	[tilespmem:s9+$0x202] =	vst v2;
	v6 =	vadd.s32 v9, v6;
	v9 =	vld [tilespmem:s6+$0x101]  }
0x163: {  	[tilespmem:s9+$0x303] =	vst v2;
	v12 =	vld [tilespmem:s6+$0x202];
	v6 =	vadd.s32 v13, v6;
	v13, _, _ =	vpop (xrf0)  }
0x164: {  	[tilespmem:s9+$0x404] =	vst v2;
	v6 =	vadd.s32 v11, v6;
	v11 =	vld [tilespmem:s6+$0x303];
	(v2sf) =	vpush v13, $0xF;
	v13, _, _ =	vpop (xrf0)  }
0x165: {  	[tilespmem:s9+$0x505] =	vst v2;
	s10 =	spop (v2sf);
	v6 =	vadd.s32 v10, v6;
	v10 =	vld [tilespmem:s6+$0x404];
	(v2sf) =	vpush v13, $0xF;
	v13, _, _ =	vpop (xrf0)  }
0x166: {  	[tilespmem:s9+$0x606] =	vst v2;
	s11 =	spop (v2sf);
	v6 =	vadd.s32 v8, v6;
	v8 =	vld [tilespmem:s6+$0x505];
	(v2sf) =	vpush v13, $0xF  }
0x167: {  	[tilespmem:s9+$0x707] =	vst v2;
	s13 =	spop (v2sf);
	v6 =	vadd.s32 v9, v6;
	v9 =	vld [tilespmem:s6+$0x606]  }
0x168: {  	s9 =	sadd.s32 s12, s13;
	v6 =	vadd.s32 v12, v6;
	v12 =	vld [tilespmem:s6+$0x707]  }
0x169: {  	v13 =	vadd.s32 s9, v13;
	v6 =	vadd.s32 v11, v6  }
0x16a: {  	v7 =	vsub.s32 v13, v7;
	v6 =	vadd.s32 v10, v6  }
0x16b: {  	vm0 =	vgt.s32 v13, $0xCCC;
	vm1 =	vlt.s32 v7, $0xCCD;
	v6 =	vadd.s32 v8, v6  }
0x16c: {  	v8 =	vadd.s32 s7, v1;
	vm0 =	vmand vm0, vm1;
	v6 =	vadd.s32 v9, v6  }
0x16d: {  	v8 =	vnsel vm0, $0x0, v8;
	v6 =	vadd.s32 v12, v6  }
0x16e: {  	v7 =	vnsel vm0, $0x0, v7;
	(xrf0) =	vadd.scan.msk.s32 $0xffff, v8;
	v6 =	vperm.xlane v6, v5  }
0x16f: {  	(xrf0) =	vadd.scan.msk.s32 $0xffff, v7  }
0x170: {  	(xrf0) =	vadd.scan.msk.s32 $0xffff, v6;
	_ =	sdelay $0x2  }
0x171: {  	[tilespmem:s6+$0xFFFFF7F8] =	vst v2;
	s14 =	spop (v2sf)  }
0x172: {  	[tilespmem:s6+$0xFFFFF8F9] =	vst v2;
	v7, _, _ =	vpop (xrf0);
	s30 =	spop (v2sf)  }
0x173: {  	[tilespmem:s6+$0xFFFFF9FA] =	vst v2;
	v8, _, _ =	vpop (xrf0);
	s13 =	spop (v2sf)  }
0x174: {  	[tilespmem:s6+$0xFFFFFAFB] =	vst v2;
	v9, _, _ =	vpop (xrf0);
	s9 =	sadd.s32 s9, s13  }
0x175: {  	[tilespmem:s6+$0xFFFFFBFC] =	vst v2;
	v10 =	vadd.s32 s9, v9  }
0x176: {  	[tilespmem:s6+$0xFFFFFCFD] =	vst v2;
	v6 =	vsub.s32 v10, v6  }
0x177: {  	[tilespmem:s6+$0xFFFFFDFE] =	vst v2;
	vm0 =	vgt.s32 v10, $0xCCC;
	vm1 =	vlt.s32 v6, $0xCCD  }
0x178: {  	[tilespmem:s6+$0x202] =	vst v2;
	v10 =	vadd.s32 s5, v1;
	vm0 =	vmand vm0, vm1  }
0x179: {  	[tilespmem:s6+$0xFFFFFEFF] =	vst v2;
	v10 =	vnsel vm0, $0x0, v10  }
0x17a: {  	[tilespmem:s6+$0x0] =	vst v2;
	(xrf0) =	vadd.scan.msk.s32 $0xffff, v10  }
0x17b: {  	[tilespmem:s6+$0x101] =	vst v2  }
0x17c: {  	[tilespmem:s6+$0x303] =	vst v2  }
0x17d: {  	[tilespmem:s6+$0x404] =	vst v2;
	v6 =	vnsel vm0, $0x0, v6  }
0x17e: {  	[tilespmem:s6+$0x505] =	vst v2;
	(v2sf) =	vpush v7, $0xF  }
0x17f: {  	[tilespmem:s6+$0x606] =	vst v2;
	(v2sf) =	vpush v8, $0xF  }
0x180: {  	[tilespmem:s6+$0x707] =	vst v2;
	(v2sf) =	vpush v9, $0xF;
	s5 =	sadd.s32 s2, s31;
	s31 =	simm.s32 $0x8080;
	(xrf0) =	vadd.scan.msk.s32 $0xffff, v6;
	v6, _, _ =	vpop (xrf0)  }
0x181: {  	v12 =	vld [tilespmem:s31+$0xFFFFFFE0];
	(v2sf) =	vpush v6, $0xF  }
0x182: {  	v9 =	vld [tilespmem:s31+$0x60]  }
0x183: {  	v14 =	vld [tilespmem:s31+$0x30]  }
0x184: {  	v13 =	vld [tilespmem:s31+$0x20]  }
0x185: {  	v15 =	vld [tilespmem:s31+$0xFFFFFFC0]  }
0x186: {  	v16 =	vld [tilespmem:s31+$0xFFFFFFD0]  }
0x187: {  	v18 =	vld [tilespmem:s31+$0x40];
	v6, _, _ =	vpop (xrf0)  }
0x188: {  	v20 =	vld [tilespmem:s31+$0xFFFFFFB0];
	(v2sf) =	vpush v6, $0xF  }
0x189: {  	v22 =	vld [tilespmem:s31+$0xFFFFFF90]  }
0x18a: {  	v10 =	vld [tilespmem:s31+$0x70];
	v8 =	vshrl.u32 v12, $0x10  }
0x18b: {  	s0 =	sadd.s32 s0, s20;
	v17 =	vshrl.u32 v9, $0x10;
	v7 =	vshrl.u32 v14, $0x10;
	v30 =	vshra.s32 v9, $0x18  }
0x18c: {  	s0 =	sadd.s32 s0, s1;
	v11 =	vld [tilespmem:s31+$0xFFFFFFA0];
	v19 =	vshra.s32 v13, $0x18;
	v13 =	vshrl.u32 v13, $0x10;
	v28 =	vshrl.u32 v15, $0x10  }
0x18d: {  	s0 =	sadd.s32 s0, s8;
	v9 =	vshra.s32 v16, $0x18;
	v23 =	vshra.s32 v18, $0x18;
	v27 =	vshra.s32 v20, $0x18;
	s9 =	spop (v2sf)  }
0x18e: {  	s0 =	sadd.s32 s0, s10;
	v32 =	vshrl.u32 v20, $0x10;
	v20 =	vshrl.u32 v22, $0x10;
	v7 =	vand.u32 $0xFF, v7;
	s13 =	spop (v2sf)  }
0x18f: {  	s0 =	sadd.s32 s0, s14;
	v17 =	vand.u32 $0xFF, v17;
	v24 =	vand.u32 $0xFF, v13;
	v21 =	vshrl.u32 v10, $0x10;
	s14 =	spop (v2sf)  }
0x190: {  	v25 =	vshra.s32 v10, $0x18;
	v10 =	vshra.s32 v15, $0x18;
	v15 =	vshrl.u32 v16, $0x10;
	s0 =	sadd.s32 s0, s9;
	s20 =	spop (v2sf)  }
0x191: {  	v16 =	vshrl.u32 v18, $0x10;
	v18 =	vshrl.u32 v11, $0x10;
	v31 =	vand.u32 $0xFF, v21;
	s0 =	sadd.s32 s0, s20  }
0x192: {  	v26 =	vand.u32 $0xFF, v16;
	v18 =	vand.u32 $0xFF, v18;
	v16 =	vshra.s32 v12, $0x18;
	s2 =	sadd.s32 $0xFFFFFF80, s0  }
0x193: {  	s1 =	sadd.s32 s5, s3;
	v21 =	vshra.s32 v14, $0x18;
	v12 =	vand.u32 $0xFF, v20;
	v6 =	vmov s2  }
0x194: {  	v29 =	vld [tilespmem:s31+$0xFFFFFF80];
	s1 =	sadd.s32 s1, s4;
	vm2 =	veq.s32 v10, v6;
	v10 =	vand.u32 $0xFF, v15;
	v15 =	vshra.s32 v22, $0x18  }
0x195: {  	s1 =	sadd.s32 s1, s11;
	v20 =	vadd.s32 v0, v17;
	v14 =	vand.u32 $0xFF, v28;
	vm0 =	veq.s32 v15, v6;
	v15 =	vld [tilespmem:s31+$0x10]  }
0x196: {  	s1 =	sadd.s32 s1, s30;
	v13 =	vld [tilespmem:s31+$0x0];
	v12 =	vadd.s32 v0, v12;
	v14 =	vadd.s32 v0, v14;
	vm1 =	veq.s32 v27, v6  }
0x197: {  	v28 =	vld [tilespmem:s31+$0xFFFFFFF0];
	s1 =	sadd.s32 s1, s13;
	s30 =	spop (v2sf);
	vm5 =	veq.s32 v25, v6;
	v25 =	vshra.s32 v11, $0x18;
	v11 =	vadd.s32 v0, v18  }
0x198: {  	s3 =	simm.s32 $0x8180;
	s0 =	sadd.s32 s1, s30;
	s1 =	simm.s32 $0x0;
	v27 =	vld [tilespmem:s31+$0x50];
	v22 =	vadd.s32 v0, v31;
	v18 =	vand.u32 $0xFF, v32;
	vm6 =	veq.s32 v30, v6  }
.LBB2_11:
0x199: {  	v17 =	vld [tilespmem:s3+$0xFFFFFFA0];
	s1 =	sadd.s32 $0x100, s1;
	vm3 =	veq.s32 v25, v6;
	vm9 =	veq.s32 v23, v6;
	vm4 =	vmmov vm2  }
0x19a: {  	v23 =	vand.u32 $0xFF, v8;
	v8 =	vshra.s32 v15, $0x18;
	vm8 =	veq.s32 v19, v6;
	v25 =	vld [tilespmem:s3+$0xFFFFFF90];
	p0 =	slt.u32 s1, $0x7F00  }
0x19b: {  	v19 =	vadd.s32 v0, v24;
	v24 =	vadd.s32 v0, v26;
	vm7 =	veq.s32 v8, v6;
	v30 =	vld [tilespmem:s3+$0xFFFFFFE0]  }
0x19c: {  	v15 =	vshrl.u32 v15, $0x10;
	v26 =	vld [tilespmem:s3+$0x70];
	v31 =	vshra.s32 v29, $0x18;
	v8 =	vshrl.u32 v29, $0x10  }
0x19d: {  	v15 =	vand.u32 $0xFF, v15;
	v32 =	vshra.s32 v27, $0x18;
	v27 =	vshrl.u32 v27, $0x10;
	v29 =	vld [tilespmem:s3+$0x20]  }
0x19e: {  	v34 =	vadd.s32 v0, v15;
	vm2 =	veq.s32 v32, v6;
	v15 =	vand.u32 $0xFF, v27;
	v33 =	vld [tilespmem:s3+$0x60]  }
0x19f: {  	v32 =	vand.u32 $0xFF, v8;
	v35 =	vshra.s32 v28, $0x18;
	v36 =	vadd.s32 v0, v15;
	v27 =	vld [tilespmem:s3+$0x0]  }
0x1a0: {  	v38 =	vshrl.u32 v13, $0x10;
	v28 =	vshrl.u32 v28, $0x10;
	v8 =	vshrl.u32 v30, $0x10;
	v37 =	vld [tilespmem:s3+$0x30]  }
0x1a1: {  	v39 =	vadd.s32 v0, v23;
	v23 =	vand.u32 $0xFF, v28;
	v28 =	vand.u32 $0xFF, v38;
	v15 =	vld [tilespmem:s3+$0x10]  }
0x1a2: {  	vm11 =	veq.s32 v21, v6;
	vm10 =	veq.s32 v35, v6;
	[tilespmem:v24+s24+$0x0] =	vst.idx.add.s32.msk vm9, v4  }
0x1a3: {  	v23 =	vadd.s32 v0, v23;
	v21 =	vshrl.u32 v33, $0x10;
	[tilespmem:v22+s24+$0x0] =	vst.idx.add.s32.msk vm5, v4  }
0x1a4: {  	v24 =	vadd.s32 v0, v7;
	v22 =	vshra.s32 v13, $0x18;
	[tilespmem:v20+s24+$0x0] =	vst.idx.add.s32.msk vm6, v4;
	v13 =	vmov v27  }
0x1a5: {  	vm5 =	veq.s32 v16, v6;
	vm6 =	veq.s32 v22, v6;
	v7 =	vshrl.u32 v37, $0x10;
	[tilespmem:v19+s24+$0x0] =	vst.idx.add.s32.msk vm8, v4  }
0x1a6: {  	v18 =	vadd.s32 v0, v18;
	vm8 =	veq.s32 v31, v6;
	v16 =	vld [tilespmem:s3+$0xFFFFFFC0];
	v7 =	vand.u32 $0xFF, v7  }
0x1a7: {  	v22 =	vadd.s32 v0, v32;
	v20 =	vld [tilespmem:s3+$0xFFFFFFB0]  }
0x1a8: {  	v27 =	vadd.s32 v0, v28;
	[tilespmem:v34+s24+$0x0] =	vst.idx.add.s32.msk vm7, v4  }
0x1a9: {  	[tilespmem:v24+s24+$0x0] =	vst.idx.add.s32.msk vm11, v4  }
0x1aa: {  	v28 =	vshrl.u32 v26, $0x10;
	vm7 =	veq.s32 v9, v6;
	v24 =	vld [tilespmem:s3+$0xFFFFFFD0]  }
0x1ab: {  	v32 =	vshra.s32 v33, $0x18;
	v33 =	vand.u32 $0xFF, v21;
	v34 =	vshra.s32 v26, $0x18;
	v31 =	vld [tilespmem:s3+$0x40]  }
0x1ac: {  	v21 =	vshrl.u32 v29, $0x10;
	v19 =	vshra.s32 v29, $0x18;
	v26 =	vadd.s32 v0, v10;
	[tilespmem:v23+s24+$0x0] =	vst.idx.add.s32.msk vm10, v4  }
0x1ad: {  	v28 =	vand.u32 $0xFF, v28;
	v35 =	vshrl.u32 v16, $0x10;
	[tilespmem:v27+s24+$0x0] =	vst.idx.add.s32.msk vm6, v4  }
0x1ae: {  	[tilespmem:v22+s24+$0x0] =	vst.idx.add.s32.msk vm8, v4  }
0x1af: {  	v10 =	vshra.s32 v16, $0x18;
	v9 =	vshra.s32 v24, $0x18;
	v16 =	vshrl.u32 v24, $0x10;
	[tilespmem:v36+s24+$0x0] =	vst.idx.add.s32.msk vm2, v4  }
0x1b0: {  	vm2 =	veq.s32 v10, v6;
	v23 =	vshra.s32 v31, $0x18;
	v22 =	vshrl.u32 v31, $0x10;
	[tilespmem:v39+s24+$0x0] =	vst.idx.add.s32.msk vm5, v4  }
0x1b1: {  	v29 =	vshra.s32 v20, $0x18;
	v27 =	vshrl.u32 v17, $0x10;
	v10 =	vand.u32 $0xFF, v16;
	[tilespmem:v26+s24+$0x0] =	vst.idx.add.s32.msk vm7, v4  }
0x1b2: {  	v24 =	vand.u32 $0xFF, v21;
	v16 =	vshra.s32 v25, $0x18;
	v31 =	vshrl.u32 v20, $0x10;
	[tilespmem:v12+s24+$0x0] =	vst.idx.add.s32.msk vm0, v4  }
0x1b3: {  	v26 =	vand.u32 $0xFF, v22;
	vm0 =	veq.s32 v16, v6;
	v12 =	vshrl.u32 v25, $0x10;
	[tilespmem:v14+s24+$0x0] =	vst.idx.add.s32.msk vm4, v4  }
.Ltmp5:
0x1b4: {  	v21 =	vshra.s32 v37, $0x18;
	v16 =	vshra.s32 v30, $0x18;
	v14 =	vand.u32 $0xFF, v27;
	[tilespmem:v11+s24+$0x0] =	vst.idx.add.s32.msk vm3, v4;
	(pc) =	sbr.rel @p0 .LBB2_11-.Ltmp5, $4  }
0x1b5: {  	vm5 =	veq.s32 v34, v6;
	v11 =	vand.u32 $0xFF, v12;
	[tilespmem:v18+s24+$0x0] =	vst.idx.add.s32.msk vm1, v4;
	vm1 =	veq.s32 v29, v6  }
0x1b6: {  	v20 =	vadd.s32 v0, v33;
	v25 =	vshra.s32 v17, $0x18;
	v12 =	vadd.s32 v0, v11;
	v27 =	vld [tilespmem:s3+$0x50]  }
0x1b7: {  	v22 =	vadd.s32 v0, v28;
	v11 =	vadd.s32 v0, v14;
	v14 =	vand.u32 $0xFF, v35;
	v29 =	vld [tilespmem:s3+$0xFFFFFF80]  }
0x1b8: {  	vm6 =	veq.s32 v32, v6;
	v18 =	vand.u32 $0xFF, v31;
	v14 =	vadd.s32 v0, v14;
	v28 =	vld [tilespmem:s3+$0xFFFFFFF0];
	s3 =	sadd.s32 $0x100, s3  }
0x1b9: {  	_ = 	snop  }
0x1ba: {  	vm4 =	veq.s32 v23, v6  }
0x1bb: {  	v17 =	vshra.s32 v15, $0x18;
	vm7 =	veq.s32 v19, v6;
	v44 =	vadd.s32 v0, v24  }
0x1bc: {  	v45 =	vadd.s32 v0, v26;
	v15 =	vshrl.u32 v15, $0x10;
	vm9 =	veq.s32 v21, v6  }
0x1bd: {  	v52 =	vshrl.u32 v13, $0x10;
	v13 =	vshra.s32 v13, $0x18;
	v7 =	vadd.s32 v0, v7  }
0x1be: {  	[tilespmem:v22+s24+$0x0] =	vst.idx.add.s32.msk vm5, v4;
	v8 =	vand.u32 $0xFF, v8;
	vm15 =	veq.s32 v16, v6;
	vm10 =	veq.s32 v9, v6  }
0x1bf: {  	[tilespmem:v20+s24+$0x0] =	vst.idx.add.s32.msk vm6, v4;
	vm2 =	vmmov vm2;
	vm11 =	veq.s32 v25, v6;
	v8 =	vadd.s32 v0, v8  }
0x1c0: {  	[tilespmem:v12+s24+$0x0] =	vst.idx.add.s32.msk vm0, v4;
	vm3 =	veq.s32 v17, v6;
	v15 =	vand.u32 $0xFF, v15;
	v53 =	vand.u32 $0xFF, v52  }
0x1c1: {  	vm12 =	veq.s32 v13, v6;
	v49 =	vshra.s32 v27, $0x18;
	v50 =	vshrl.u32 v27, $0x10;
	[tilespmem:v45+s24+$0x0] =	vst.idx.add.s32.msk vm4, v4  }
0x1c2: {  	v15 =	vadd.s32 v0, v15;
	v19 =	vadd.s32 v0, v53;
	v46 =	vshra.s32 v29, $0x18;
	[tilespmem:v44+s24+$0x0] =	vst.idx.add.s32.msk vm7, v4  }
0x1c3: {  	v48 =	vshrl.u32 v29, $0x10;
	vm14 =	veq.s32 v49, v6;
	v55 =	vand.u32 $0xFF, v50;
	[tilespmem:v7+s24+$0x0] =	vst.idx.add.s32.msk vm9, v4  }
0x1c4: {  	v13 =	vand.u32 $0xFF, v48;
	vm13 =	veq.s32 v46, v6;
	v56 =	vadd.s32 v0, v55;
	[tilespmem:v8+s24+$0x0] =	vst.idx.add.s32.msk vm15, v4  }
0x1c5: {  	v47 =	vshra.s32 v28, $0x18;
	v51 =	vshrl.u32 v28, $0x10;
	v13 =	vadd.s32 v0, v13;
	[tilespmem:v14+s24+$0x0] =	vst.idx.add.s32.msk vm2, v4  }
0x1c6: {  	vm8 =	veq.s32 v47, v6;
	v28 =	vand.u32 $0xFF, v51;
	v6 =	vadd.s32 v0, v18;
	[tilespmem:v11+s24+$0x0] =	vst.idx.add.s32.msk vm11, v4  }
0x1c7: {  	v54 =	vadd.s32 v0, v28;
	[tilespmem:v15+s24+$0x0] =	vst.idx.add.s32.msk vm3, v4  }
0x1c8: {  	v7 =	vadd.s32 v0, v10;
	[tilespmem:v19+s24+$0x0] =	vst.idx.add.s32.msk vm12, v4  }
0x1c9: {  	[tilespmem:v56+s24+$0x0] =	vst.idx.add.s32.msk vm14, v4  }
0x1ca: {  	[tilespmem:v13+s24+$0x0] =	vst.idx.add.s32.msk vm13, v4  }
0x1cb: {  	[tilespmem:v6+s24+$0x0] =	vst.idx.add.s32.msk vm1, v4  }
0x1cc: {  	[tilespmem:v54+s24+$0x0] =	vst.idx.add.s32.msk vm8, v4  }
0x1cd: {  	s3 =	simm.s32 $0x188F8;
	[tilespmem:v7+s24+$0x0] =	vst.idx.add.s32.msk vm10, v4  }
0x1ce: {  	v7 =	vld [tilespmem:s3+$0xFFFFF7F8]  }
0x1cf: {  	v8 =	vld [tilespmem:s3+$0xFFFFF8F9]  }
0x1d0: {  	v9 =	vld [tilespmem:s3+$0xFFFFF9FA]  }
0x1d1: {  	v10 =	vld [tilespmem:s3+$0xFFFFFAFB]  }
0x1d2: {  	v11 =	vld [tilespmem:s3+$0xFFFFFBFC]  }
0x1d3: {  	[tilespmem:s3+$0xFFFFF7F8] =	vst v2;
	v12 =	vld [tilespmem:s3+$0xFFFFFCFD]  }
0x1d4: {  	[tilespmem:s3+$0xFFFFF8F9] =	vst v2;
	v13 =	vld [tilespmem:s3+$0xFFFFFDFE]  }
0x1d5: {  	s6 =	simm.s32 $0x188E8;
	v14 =	vld [tilespmem:s3+$0xFFFFFEFF];
	[tilespmem:s3+$0xFFFFFEFF] =	vst v2  }
0x1d6: {  	s4 =	simm.s32 $0x188D8;
	v15 =	vld [tilespmem:s6+$0xFFFFFEFF];
	[tilespmem:s6+$0xFFFFFEFF] =	vst v2  }
0x1d7: {  	[tilespmem:s3+$0xFFFFF9FA] =	vst v2;
	v59 =	vld [tilespmem:s4+$0xFFFFFEFF];
	v7 =	vadd.s32 v7, v8  }
0x1d8: {  	[tilespmem:s3+$0xFFFFFAFB] =	vst v2;
	v8 =	vld [tilespmem:s3+$0x0];
	v7 =	vadd.s32 v9, v7  }
0x1d9: {  	[tilespmem:s3+$0x0] =	vst v2;
	v9 =	vld [tilespmem:s3+$0x101];
	v7 =	vadd.s32 v10, v7  }
0x1da: {  	[tilespmem:s3+$0xFFFFFBFC] =	vst v2;
	v57 =	vld [tilespmem:s6+$0x0];
	v7 =	vadd.s32 v11, v7  }
0x1db: {  	[tilespmem:s3+$0xFFFFFCFD] =	vst v2;
	v10 =	vld [tilespmem:s3+$0x202];
	v7 =	vadd.s32 v12, v7  }
0x1dc: {  	[tilespmem:s3+$0xFFFFFDFE] =	vst v2;
	v11 =	vld [tilespmem:s3+$0x303];
	v7 =	vadd.s32 v13, v7  }
0x1dd: {  	[tilespmem:s4+$0xFFFFFEFF] =	vst v2;
	v12 =	vld [tilespmem:s3+$0x404];
	v7 =	vadd.s32 v14, v7  }
0x1de: {  	[tilespmem:s3+$0x101] =	vst v2;
	v13 =	vld [tilespmem:s3+$0x505];
	v7 =	vadd.s32 v8, v7  }
0x1df: {  	[tilespmem:s6+$0x0] =	vst v2;
	v14 =	vld [tilespmem:s3+$0x606];
	v7 =	vadd.s32 v9, v7  }
0x1e0: {  	[tilespmem:s3+$0x202] =	vst v2;
	v8 =	vld [tilespmem:s3+$0x707];
	v7 =	vadd.s32 v10, v7  }
0x1e1: {  	[tilespmem:s3+$0x707] =	vst v2;
	v9 =	vld [tilespmem:s6+$0xFFFFF7F8];
	v7 =	vadd.s32 v11, v7  }
0x1e2: {  	[tilespmem:s3+$0x303] =	vst v2;
	v17 =	vld [tilespmem:s6+$0x707];
	v7 =	vadd.s32 v12, v7  }
0x1e3: {  	[tilespmem:s3+$0x404] =	vst v2;
	v10 =	vld [tilespmem:s6+$0xFFFFF8F9];
	v7 =	vadd.s32 v13, v7  }
0x1e4: {  	[tilespmem:s3+$0x505] =	vst v2;
	v11 =	vld [tilespmem:s6+$0xFFFFF9FA];
	v7 =	vadd.s32 v14, v7  }
0x1e5: {  	[tilespmem:s3+$0x606] =	vst v2;
	v12 =	vld [tilespmem:s6+$0xFFFFFAFB];
	v7 =	vadd.s32 v8, v7  }
0x1e6: {  	[tilespmem:s6+$0xFFFFF7F8] =	vst v2;
	v13 =	vld [tilespmem:s6+$0xFFFFFBFC];
	v7 =	vperm.xlane v7, v5  }
0x1e7: {  	[tilespmem:s6+$0x707] =	vst v2;
	v14 =	vld [tilespmem:s6+$0xFFFFFCFD]  }
0x1e8: {  	[tilespmem:s6+$0xFFFFF8F9] =	vst v2;
	v8 =	vld [tilespmem:s6+$0xFFFFFDFE];
	v9 =	vadd.s32 v9, v10;
	(xrf0) =	vadd.scan.msk.s32 $0xffff, v7  }
0x1e9: {  	v58 =	vld [tilespmem:s4+$0xFFFFF7F8];
	[tilespmem:s4+$0xFFFFF7F8] =	vst v2;
	v9 =	vadd.s32 v11, v9  }
0x1ea: {  	s3 =	simm.s32 $0x188C8;
	[tilespmem:s6+$0xFFFFF9FA] =	vst v2;
	v9 =	vadd.s32 v12, v9  }
0x1eb: {  	v19 =	vld [tilespmem:s3+$0xFFFFF7F8];
	[tilespmem:s3+$0xFFFFF7F8] =	vst v2;
	v9 =	vadd.s32 v13, v9  }
0x1ec: {  	[tilespmem:s6+$0xFFFFFAFB] =	vst v2;
	v10 =	vld [tilespmem:s6+$0x101];
	v9 =	vadd.s32 v14, v9  }
0x1ed: {  	[tilespmem:s6+$0xFFFFFBFC] =	vst v2;
	v11 =	vld [tilespmem:s6+$0x202];
	v8 =	vadd.s32 v8, v9  }
0x1ee: {  	[tilespmem:s6+$0xFFFFFCFD] =	vst v2;
	v12 =	vld [tilespmem:s6+$0x303];
	v8 =	vadd.s32 v15, v8;
	v15, _, _ =	vpop (xrf0)  }
0x1ef: {  	[tilespmem:s6+$0xFFFFFDFE] =	vst v2;
	v13 =	vld [tilespmem:s6+$0x404];
	(v2sf) =	vpush v15, $0xF  }
0x1f0: {  	[tilespmem:s6+$0x101] =	vst v2;
	v14 =	vld [tilespmem:s6+$0x505];
	v8 =	vadd.s32 v57, v8  }
0x1f1: {  	s5 =	simm.s32 $0x0;
	v9 =	vld [tilespmem:s6+$0x606];
	[tilespmem:s6+$0x606] =	vst v2;
	v8 =	vadd.s32 v10, v8  }
0x1f2: {  	s0 =	ssub.s32 $0xCCD, s0;
	[tilespmem:s6+$0x202] =	vst v2;
	v60 =	vld [tilespmem:s4+$0x606];
	v8 =	vadd.s32 v11, v8;
	v15 =	vadd.s32 s5, v15  }
0x1f3: {  	v6 =	vmov s0;
	[tilespmem:s6+$0x303] =	vst v2;
	v10 =	vld [tilespmem:s4+$0xFFFFF8F9];
	v8 =	vadd.s32 v12, v8;
	v7 =	vsub.s32 v15, v7  }
0x1f4: {  	s1 =	simm.s32 $0xFF;
	[tilespmem:s6+$0x404] =	vst v2;
	v11 =	vld [tilespmem:s4+$0xFFFFF9FA];
	v8 =	vadd.s32 v13, v8;
	vm12 =	vge.s32 v15, v6;
	vm13 =	vlt.s32 v7, v6  }
0x1f5: {  	[tilespmem:s6+$0x505] =	vst v2;
	v12 =	vld [tilespmem:s4+$0xFFFFFAFB];
	v15 =	vadd.s32 s1, v1;
	v8 =	vadd.s32 v14, v8;
	vm0 =	vmand vm12, vm13  }
0x1f6: {  	[tilespmem:s4+$0x606] =	vst v2;
	v13 =	vld [tilespmem:s4+$0xFFFFFBFC];
	v8 =	vadd.s32 v9, v8;
	v15 =	vnsel vm0, $0x0, v15  }
0x1f7: {  	[tilespmem:s4+$0xFFFFF8F9] =	vst v2;
	v14 =	vld [tilespmem:s4+$0xFFFFFCFD];
	v7 =	vnsel vm0, $0x0, v7;
	v8 =	vadd.s32 v17, v8;
	(xrf0) =	vadd.scan.msk.s32 $0xffff, v15  }
0x1f8: {  	[tilespmem:s4+$0xFFFFF9FA] =	vst v2;
	v9 =	vld [tilespmem:s4+$0xFFFFFDFE];
	v10 =	vadd.s32 v58, v10;
	v8 =	vperm.xlane v8, v5;
	(xrf0) =	vadd.scan.msk.s32 $0xffff, v7  }
0x1f9: {  	v63 =	vld [tilespmem:s3+$0xFFFFF8F9];
	[tilespmem:s3+$0xFFFFF8F9] =	vst v2;
	v7 =	vadd.s32 v11, v10  }
0x1fa: {  	[tilespmem:s4+$0xFFFFFAFB] =	vst v2;
	(xrf0) =	vadd.scan.msk.s32 $0xffff, v8;
	v7 =	vadd.s32 v12, v7  }
0x1fb: {  	[tilespmem:s4+$0xFFFFFBFC] =	vst v2;
	v15 =	vld [tilespmem:s4+$0x0];
	v7 =	vadd.s32 v13, v7  }
0x1fc: {  	[tilespmem:s4+$0xFFFFFCFD] =	vst v2;
	v10 =	vld [tilespmem:s4+$0x101];
	v7 =	vadd.s32 v14, v7  }
0x1fd: {  	[tilespmem:s4+$0xFFFFFDFE] =	vst v2;
	v11 =	vld [tilespmem:s4+$0x202];
	v7 =	vadd.s32 v9, v7;
	v9, _, _ =	vpop (xrf0)  }
0x1fe: {  	[tilespmem:s4+$0x0] =	vst v2;
	v12 =	vld [tilespmem:s4+$0x303];
	v61, _, _ =	vpop (xrf0);
	s14 =	spop (v2sf);
	(v2sf) =	vpush v9, $0xF  }
0x1ff: {  	[tilespmem:s4+$0x101] =	vst v2;
	v13 =	vld [tilespmem:s4+$0x404];
	v7 =	vadd.s32 v59, v7;
	(v2sf) =	vpush v61, $0xF  }
0x200: {  	[tilespmem:s4+$0x202] =	vst v2;
	v14 =	vld [tilespmem:s4+$0x505];
	v7 =	vadd.s32 v15, v7;
	v62, _, _ =	vpop (xrf0)  }
0x201: {  	[tilespmem:s4+$0x303] =	vst v2;
	v7 =	vadd.s32 v10, v7;
	s8 =	sadd.s32 $0x0, s14;
	(v2sf) =	vpush v62, $0xF  }
0x202: {  	[tilespmem:s4+$0x404] =	vst v2;
	v15 =	vld [tilespmem:s4+$0x707];
	v7 =	vadd.s32 v11, v7;
	v9 =	vadd.s32 s8, v62  }
0x203: {  	[tilespmem:s4+$0x505] =	vst v2;
	v7 =	vadd.s32 v12, v7;
	v12 =	vsub.s32 v9, v8  }
0x204: {  	s20 =	simm.s32 $0xEF;
	[tilespmem:s4+$0x707] =	vst v2;
	v10 =	vld [tilespmem:s3+$0xFFFFFBFC];
	v7 =	vadd.s32 v13, v7;
	vm14 =	vge.s32 v9, v6;
	vm15 =	vlt.s32 v12, v6  }
0x205: {  	[tilespmem:s3+$0xFFFFFBFC] =	vst v2;
	v11 =	vadd.s32 s20, v1;
	v7 =	vadd.s32 v14, v7;
	v8 =	vld [tilespmem:s3+$0xFFFFF9FA];
	vm0 =	vmand vm14, vm15  }
0x206: {  	[tilespmem:s3+$0xFFFFF9FA] =	vst v2;
	v9 =	vld [tilespmem:s3+$0xFFFFFAFB];
	v7 =	vadd.s32 v60, v7;
	v13 =	vnsel vm0, $0x0, v11  }
0x207: {  	s9 =	simm.s32 $0xDF;
	[tilespmem:s3+$0xFFFFFAFB] =	vst v2;
	v7 =	vadd.s32 v15, v7;
	v14 =	vnsel vm0, $0x0, v12;
	(xrf0) =	vadd.scan.msk.s32 $0xffff, v13  }
0x208: {  	s31 =	simm.s32 $0xAF;
	s30 =	simm.s32 $0x9F;
	s7 =	simm.s32 $0x0;
	v7 =	vperm.xlane v7, v5;
	v11 =	vld [tilespmem:s3+$0xFFFFFCFD];
	[tilespmem:s3+$0xFFFFFCFD] =	vst v2;
	(xrf0) =	vadd.scan.msk.s32 $0xffff, v14  }
0x209: {  	s1 =	simm.s32 $0xCF;
	s4 =	simm.s32 $0x8F;
	s20 =	simm.s32 $0xBF;
	v12 =	vld [tilespmem:s3+$0xFFFFFDFE];
	[tilespmem:s3+$0xFFFFFDFE] =	vst v2;
	v13 =	vadd.s32 v19, v63  }
.LBB2_13:
0x20a: {  	p0 =	sne.s32 s4, $0xF;
	v8 =	vadd.s32 v8, v13;
	v13 =	vld [tilespmem:s3+$0xFFFFFEFF];
	[tilespmem:s3+$0xFFFFFEFF] =	vst v2;
	(xrf0) =	vadd.scan.msk.s32 $0xffff, v7  }
0x20b: {  	v8 =	vadd.s32 v9, v8;
	v9 =	vld [tilespmem:s3+$0x0];
	[tilespmem:s3+$0x0] =	vst v2  }
0x20c: {  	v8 =	vadd.s32 v10, v8;
	v10 =	vld [tilespmem:s3+$0x101];
	[tilespmem:s3+$0x101] =	vst v2  }
0x20d: {  	v8 =	vadd.s32 v11, v8;
	v11 =	vld [tilespmem:s3+$0x202];
	[tilespmem:s3+$0x202] =	vst v2;
	v14, _, _ =	vpop (xrf0);
	s6 =	spop (v2sf)  }
0x20e: {  	v8 =	vadd.s32 v12, v8;
	v12 =	vld [tilespmem:s3+$0x303];
	[tilespmem:s3+$0x303] =	vst v2;
	(v2sf) =	vpush v14, $0xF;
	v14, _, _ =	vpop (xrf0);
	s5 =	sadd.s32 s5, s6;
	s6 =	spop (v2sf)  }
0x20f: {  	v8 =	vadd.s32 v13, v8;
	v13 =	vld [tilespmem:s3+$0x404];
	[tilespmem:s3+$0x404] =	vst v2;
	(v2sf) =	vpush v14, $0xF;
	s7 =	sadd.s32 s7, s6  }
0x210: {  	v8 =	vadd.s32 v9, v8;
	v9 =	vld [tilespmem:s3+$0x505];
	[tilespmem:s3+$0x505] =	vst v2;
	v14, _, _ =	vpop (xrf0);
	s6 =	spop (v2sf)  }
0x211: {  	v8 =	vadd.s32 v10, v8;
	v10 =	vld [tilespmem:s3+$0x606];
	[tilespmem:s3+$0x606] =	vst v2;
	(v2sf) =	vpush v14, $0xF;
	s8 =	sadd.s32 s8, s6  }
0x212: {  	v8 =	vadd.s32 v11, v8;
	v11 =	vld [tilespmem:s3+$0x707];
	[tilespmem:s3+$0x707] =	vst v2;
	s3 =	sadd.s32 $0xFFFFFFF0, s3;
	v14 =	vadd.s32 s8, v14  }
0x213: {  	v15 =	vld [tilespmem:s3+$0xFFFFF7F8];
	[tilespmem:s3+$0xFFFFF7F8] =	vst v2;
	v8 =	vadd.s32 v12, v8;
	v7 =	vsub.s32 v14, v7;
	vm0 =	vge.s32 v14, v6  }
0x214: {  	v12 =	vld [tilespmem:s3+$0xFFFFF8F9];
	[tilespmem:s3+$0xFFFFF8F9] =	vst v2;
	v13 =	vadd.s32 v13, v8;
	vm1 =	vlt.s32 v7, v6  }
.Ltmp6:
0x215: {  	v14 =	vadd.s32 s9, v1;
	s9 =	smov.u32 s1;
	s1 =	smov.u32 s20;
	v8 =	vld [tilespmem:s3+$0xFFFFF9FA];
	[tilespmem:s3+$0xFFFFF9FA] =	vst v2;
	v13 =	vadd.s32 v9, v13;
	vm0 =	vmand vm0, vm1;
	(pc) =	sbr.rel @p0 .LBB2_13-.Ltmp6, $4  }
0x216: {  	s20 =	smov.u32 s31;
	s31 =	smov.u32 s30;
	s30 =	smov.u32 s4;
	v9 =	vld [tilespmem:s3+$0xFFFFFAFB];
	[tilespmem:s3+$0xFFFFFAFB] =	vst v2;
	v13 =	vadd.s32 v10, v13;
	v14 =	vnsel vm0, $0x0, v14;
	v16 =	vnsel vm0, $0x0, v7  }
0x217: {  	v10 =	vld [tilespmem:s3+$0xFFFFFBFC];
	[tilespmem:s3+$0xFFFFFBFC] =	vst v2;
	v7 =	vadd.s32 v11, v13;
	(xrf0) =	vadd.scan.msk.s32 $0xffff, v14  }
0x218: {  	v11 =	vld [tilespmem:s3+$0xFFFFFCFD];
	[tilespmem:s3+$0xFFFFFCFD] =	vst v2;
	v7 =	vperm.xlane v7, v5;
	(xrf0) =	vadd.scan.msk.s32 $0xffff, v16  }
0x219: {  	s4 =	sadd.s32 $0xFFFFFFF0, s4;
	v13 =	vadd.s32 v15, v12;
	v12 =	vld [tilespmem:s3+$0xFFFFFDFE];
	[tilespmem:s3+$0xFFFFFDFE] =	vst v2  }
0x21a: {  	v14 =	vld [tilespmem:s3+$0xFFFFFEFF]  }
0x21b: {  	v8 =	vadd.s32 v8, v13;
	v13 =	vld [tilespmem:s3+$0x0]  }
0x21c: {  	v8 =	vadd.s32 v9, v8;
	v9 =	vld [tilespmem:s3+$0x101]  }
0x21d: {  	(xrf0) =	vadd.scan.msk.s32 $0xffff, v7;
	v8 =	vadd.s32 v10, v8;
	v10 =	vld [tilespmem:s3+$0x202]  }
0x21e: {  	v8 =	vadd.s32 v11, v8;
	v11 =	vld [tilespmem:s3+$0x303]  }
0x21f: {  	v8 =	vadd.s32 v12, v8;
	v12 =	vld [tilespmem:s3+$0x404]  }
0x220: {  	s4 =	spop (v2sf);
	v8 =	vadd.s32 v14, v8;
	v14 =	vld [tilespmem:s3+$0x505]  }
0x221: {  	v15, _, _ =	vpop (xrf0);
	s6 =	spop (v2sf);
	v8 =	vadd.s32 v13, v8;
	v13 =	vld [tilespmem:s3+$0x606]  }
0x222: {  	s12 =	sadd.s32 $0xFFFFFFF0, s3;
	(v2sf) =	vpush v15, $0xF;
	v15, _, _ =	vpop (xrf0);
	s10 =	spop (v2sf);
	v8 =	vadd.s32 v9, v8;
	v9 =	vld [tilespmem:s3+$0x707]  }
0x223: {  	(v2sf) =	vpush v15, $0xF;
	v15, _, _ =	vpop (xrf0);
	s10 =	sadd.s32 s8, s10;
	v8 =	vadd.s32 v10, v8;
	v10 =	vld [tilespmem:s12+$0xFFFFF7F8]  }
0x224: {  	(v2sf) =	vpush v15, $0xF;
	v15 =	vadd.s32 s10, v15;
	v8 =	vadd.s32 v11, v8;
	v11 =	vld [tilespmem:s12+$0xFFFFF8F9]  }
0x225: {  	v7 =	vsub.s32 v15, v7;
	v8 =	vadd.s32 v12, v8;
	v12 =	vld [tilespmem:s12+$0xFFFFF9FA]  }
0x226: {  	vm0 =	vge.s32 v15, v6;
	vm1 =	vlt.s32 v7, v6;
	v8 =	vadd.s32 v14, v8;
	v14 =	vld [tilespmem:s12+$0xFFFFFAFB]  }
0x227: {  	[tilespmem:s3+$0xFFFFFEFF] =	vst v2;
	v15 =	vadd.s32 s9, v1;
	vm0 =	vmand vm0, vm1;
	v8 =	vadd.s32 v13, v8;
	v13 =	vld [tilespmem:s12+$0xFFFFFBFC]  }
0x228: {  	[tilespmem:s3+$0x404] =	vst v2;
	v15 =	vnsel vm0, $0x0, v15;
	v8 =	vadd.s32 v9, v8;
	v9 =	vld [tilespmem:s12+$0xFFFFFCFD]  }
0x229: {  	v7 =	vnsel vm0, $0x0, v7;
	(xrf0) =	vadd.scan.msk.s32 $0xffff, v15;
	v15 =	vld [tilespmem:s12+$0xFFFFFDFE];
	v8 =	vperm.xlane v8, v5;
	v10 =	vadd.s32 v10, v11  }
0x22a: {  	[tilespmem:s3+$0x0] =	vst v2;
	v16 =	vld [tilespmem:s12+$0x404];
	(xrf0) =	vadd.scan.msk.s32 $0xffff, v7;
	v10 =	vadd.s32 v12, v10  }
0x22b: {  	[tilespmem:s3+$0x101] =	vst v2;
	v7 =	vld [tilespmem:s12+$0xFFFFFEFF];
	(xrf0) =	vadd.scan.msk.s32 $0xffff, v8;
	v10 =	vadd.s32 v14, v10  }
0x22c: {  	[tilespmem:s3+$0x202] =	vst v2;
	v11 =	vld [tilespmem:s12+$0x0];
	v10 =	vadd.s32 v13, v10  }
0x22d: {  	[tilespmem:s3+$0x303] =	vst v2;
	v12 =	vld [tilespmem:s12+$0x101];
	v9 =	vadd.s32 v9, v10  }
0x22e: {  	[tilespmem:s3+$0x505] =	vst v2;
	v14 =	vld [tilespmem:s12+$0x202];
	v9 =	vadd.s32 v15, v9  }
0x22f: {  	[tilespmem:s3+$0x606] =	vst v2;
	v13 =	vld [tilespmem:s12+$0x303];
	v10, _, _ =	vpop (xrf0)  }
0x230: {  	[tilespmem:s3+$0x707] =	vst v2;
	v15 =	vld [tilespmem:s12+$0x505];
	v7 =	vadd.s32 v7, v9;
	(v2sf) =	vpush v10, $0xF;
	v10, _, _ =	vpop (xrf0)  }
0x231: {  	[tilespmem:s12+$0xFFFFF7F8] =	vst v2;
	s3 =	spop (v2sf);
	v7 =	vadd.s32 v11, v7;
	v11 =	vld [tilespmem:s12+$0x707];
	(v2sf) =	vpush v10, $0xF;
	v9, _, _ =	vpop (xrf0)  }
0x232: {  	s11 =	sadd.s32 $0xFFFFFFF0, s12;
	[tilespmem:s12+$0xFFFFF8F9] =	vst v2;
	s8 =	spop (v2sf);
	v10 =	vld [tilespmem:s12+$0x606];
	(v2sf) =	vpush v9, $0xF  }
0x233: {  	[tilespmem:s12+$0xFFFFF9FA] =	vst v2;
	s14 =	spop (v2sf);
	v7 =	vadd.s32 v12, v7;
	v12 =	vld [tilespmem:s11+$0xFFFFF7F8]  }
0x234: {  	[tilespmem:s12+$0xFFFFFAFB] =	vst v2;
	s9 =	sadd.s32 s10, s14;
	v7 =	vadd.s32 v14, v7;
	v14 =	vld [tilespmem:s11+$0xFFFFF8F9]  }
0x235: {  	[tilespmem:s12+$0xFFFFFBFC] =	vst v2;
	v9 =	vadd.s32 s9, v9;
	v7 =	vadd.s32 v13, v7;
	v13 =	vld [tilespmem:s11+$0xFFFFF9FA]  }
0x236: {  	[tilespmem:s12+$0xFFFFFCFD] =	vst v2;
	v8 =	vsub.s32 v9, v8;
	v7 =	vadd.s32 v16, v7;
	v16 =	vld [tilespmem:s11+$0xFFFFFAFB]  }
0x237: {  	[tilespmem:s12+$0xFFFFFDFE] =	vst v2;
	vm0 =	vge.s32 v9, v6;
	v9 =	vld [tilespmem:s11+$0xFFFFFBFC];
	vm1 =	vlt.s32 v8, v6;
	v7 =	vadd.s32 v15, v7  }
0x238: {  	[tilespmem:s12+$0xFFFFFEFF] =	vst v2;
	v15 =	vadd.s32 s1, v1;
	vm0 =	vmand vm0, vm1;
	v7 =	vadd.s32 v10, v7;
	v10 =	vld [tilespmem:s11+$0xFFFFFCFD]  }
0x239: {  	[tilespmem:s12+$0x0] =	vst v2;
	v7 =	vadd.s32 v11, v7;
	v11 =	vnsel vm0, $0x0, v15;
	v12 =	vadd.s32 v12, v14;
	v14 =	vld [tilespmem:s11+$0xFFFFFDFE]  }
0x23a: {  	v8 =	vnsel vm0, $0x0, v8;
	(xrf0) =	vadd.scan.msk.s32 $0xffff, v11;
	v7 =	vperm.xlane v7, v5;
	v11 =	vadd.s32 v13, v12;
	v12 =	vld [tilespmem:s11+$0xFFFFFEFF]  }
0x23b: {  	[tilespmem:s12+$0x101] =	vst v2;
	(xrf0) =	vadd.scan.msk.s32 $0xffff, v8;
	v8 =	vadd.s32 v16, v11;
	v11 =	vld [tilespmem:s11+$0x0]  }
0x23c: {  	[tilespmem:s12+$0x202] =	vst v2;
	(xrf0) =	vadd.scan.msk.s32 $0xffff, v7;
	v8 =	vadd.s32 v9, v8;
	v9 =	vld [tilespmem:s11+$0x101]  }
0x23d: {  	[tilespmem:s12+$0x303] =	vst v2;
	v8 =	vadd.s32 v10, v8;
	v10 =	vld [tilespmem:s11+$0x202]  }
0x23e: {  	[tilespmem:s12+$0x404] =	vst v2;
	v13 =	vld [tilespmem:s11+$0x303];
	v8 =	vadd.s32 v14, v8  }
0x23f: {  	[tilespmem:s12+$0x505] =	vst v2;
	v8 =	vadd.s32 v12, v8;
	v12 =	vld [tilespmem:s11+$0x404];
	s10 =	spop (v2sf)  }
0x240: {  	[tilespmem:s12+$0x606] =	vst v2;
	v14, _, _ =	vpop (xrf0);
	v8 =	vadd.s32 v11, v8;
	v11 =	vld [tilespmem:s11+$0x505];
	s1 =	spop (v2sf)  }
0x241: {  	[tilespmem:s12+$0x707] =	vst v2;
	v8 =	vadd.s32 v9, v8;
	v9 =	vld [tilespmem:s11+$0x606];
	(v2sf) =	vpush v14, $0xF;
	v14, _, _ =	vpop (xrf0);
	s13 =	spop (v2sf)  }
0x242: {  	v8 =	vadd.s32 v10, v8;
	v10 =	vld [tilespmem:s11+$0x707];
	(v2sf) =	vpush v14, $0xF;
	v14, _, _ =	vpop (xrf0);
	s13 =	sadd.s32 s9, s13  }
0x243: {  	[tilespmem:s11+$0xFFFFF7F8] =	vst v2;
	v8 =	vadd.s32 v13, v8;
	(v2sf) =	vpush v14, $0xF;
	s9 =	sadd.s32 $0xFFFFFFF0, s11;
	v14 =	vadd.s32 s13, v14  }
0x244: {  	[tilespmem:s11+$0xFFFFF8F9] =	vst v2;
	v8 =	vadd.s32 v12, v8;
	v13 =	vld [tilespmem:s9+$0xFFFFF7F8];
	v7 =	vsub.s32 v14, v7  }
0x245: {  	[tilespmem:s11+$0xFFFFF9FA] =	vst v2;
	v12 =	vld [tilespmem:s9+$0xFFFFF8F9];
	v8 =	vadd.s32 v11, v8;
	vm0 =	vge.s32 v14, v6;
	vm1 =	vlt.s32 v7, v6  }
0x246: {  	[tilespmem:s11+$0xFFFFFAFB] =	vst v2;
	v11 =	vld [tilespmem:s9+$0xFFFFF9FA];
	v14 =	vadd.s32 s20, v1;
	v8 =	vadd.s32 v9, v8;
	vm0 =	vmand vm0, vm1  }
0x247: {  	[tilespmem:s11+$0xFFFFFBFC] =	vst v2;
	v9 =	vld [tilespmem:s9+$0xFFFFFAFB];
	v8 =	vadd.s32 v10, v8;
	v14 =	vnsel vm0, $0x0, v14  }
0x248: {  	[tilespmem:s11+$0xFFFFFCFD] =	vst v2;
	v10 =	vld [tilespmem:s9+$0xFFFFFBFC];
	v8 =	vperm.xlane v8, v5;
	v7 =	vnsel vm0, $0x0, v7;
	(xrf0) =	vadd.scan.msk.s32 $0xffff, v14  }
0x249: {  	[tilespmem:s11+$0xFFFFFDFE] =	vst v2;
	v14 =	vld [tilespmem:s9+$0xFFFFFCFD];
	(xrf0) =	vadd.scan.msk.s32 $0xffff, v7  }
0x24a: {  	[tilespmem:s11+$0xFFFFFEFF] =	vst v2;
	v7 =	vadd.s32 v13, v12;
	v12 =	vld [tilespmem:s9+$0xFFFFFDFE];
	(xrf0) =	vadd.scan.msk.s32 $0xffff, v8  }
0x24b: {  	[tilespmem:s11+$0x0] =	vst v2;
	v7 =	vadd.s32 v11, v7;
	v11 =	vld [tilespmem:s9+$0xFFFFFEFF]  }
0x24c: {  	[tilespmem:s11+$0x101] =	vst v2;
	v7 =	vadd.s32 v9, v7;
	v9 =	vld [tilespmem:s9+$0x0]  }
0x24d: {  	[tilespmem:s11+$0x202] =	vst v2;
	v7 =	vadd.s32 v10, v7;
	v10 =	vld [tilespmem:s9+$0x101]  }
0x24e: {  	[tilespmem:s11+$0x303] =	vst v2;
	v13 =	vld [tilespmem:s9+$0x202];
	v7 =	vadd.s32 v14, v7;
	v14, _, _ =	vpop (xrf0)  }
0x24f: {  	[tilespmem:s11+$0x404] =	vst v2;
	v7 =	vadd.s32 v12, v7;
	v12 =	vld [tilespmem:s9+$0x303];
	(v2sf) =	vpush v14, $0xF;
	v14, _, _ =	vpop (xrf0)  }
0x250: {  	[tilespmem:s11+$0x505] =	vst v2;
	s12 =	spop (v2sf);
	v7 =	vadd.s32 v11, v7;
	v11 =	vld [tilespmem:s9+$0x404];
	(v2sf) =	vpush v14, $0xF;
	v14, _, _ =	vpop (xrf0)  }
0x251: {  	[tilespmem:s11+$0x606] =	vst v2;
	s20 =	spop (v2sf);
	v7 =	vadd.s32 v9, v7;
	v9 =	vld [tilespmem:s9+$0x505];
	(v2sf) =	vpush v14, $0xF  }
0x252: {  	[tilespmem:s11+$0x707] =	vst v2;
	s14 =	spop (v2sf);
	v7 =	vadd.s32 v10, v7;
	v10 =	vld [tilespmem:s9+$0x606]  }
0x253: {  	s11 =	sadd.s32 s13, s14;
	v7 =	vadd.s32 v13, v7;
	v13 =	vld [tilespmem:s9+$0x707]  }
0x254: {  	v14 =	vadd.s32 s11, v14;
	v7 =	vadd.s32 v12, v7  }
0x255: {  	v8 =	vsub.s32 v14, v8;
	v7 =	vadd.s32 v11, v7  }
0x256: {  	vm0 =	vge.s32 v14, v6;
	vm1 =	vlt.s32 v8, v6;
	v7 =	vadd.s32 v9, v7  }
0x257: {  	v9 =	vadd.s32 s31, v1;
	vm0 =	vmand vm0, vm1;
	v7 =	vadd.s32 v10, v7  }
0x258: {  	v9 =	vnsel vm0, $0x0, v9;
	v7 =	vadd.s32 v13, v7  }
0x259: {  	v8 =	vnsel vm0, $0x0, v8;
	(xrf0) =	vadd.scan.msk.s32 $0xffff, v9;
	v7 =	vperm.xlane v7, v5  }
0x25a: {  	(xrf0) =	vadd.scan.msk.s32 $0xffff, v8  }
0x25b: {  	(xrf0) =	vadd.scan.msk.s32 $0xffff, v7;
	_ =	sdelay $0x1  }
0x25c: {  	[tilespmem:s9+$0xFFFFF7F8] =	vst v2  }
0x25d: {  	[tilespmem:s9+$0xFFFFF8F9] =	vst v2;
	s13 =	spop (v2sf)  }
0x25e: {  	[tilespmem:s9+$0xFFFFF9FA] =	vst v2;
	v8, _, _ =	vpop (xrf0);
	s31 =	spop (v2sf)  }
0x25f: {  	[tilespmem:s9+$0xFFFFFAFB] =	vst v2;
	v9, _, _ =	vpop (xrf0);
	s14 =	spop (v2sf)  }
0x260: {  	[tilespmem:s9+$0xFFFFFBFC] =	vst v2;
	v10, _, _ =	vpop (xrf0);
	s11 =	sadd.s32 s11, s14  }
0x261: {  	[tilespmem:s9+$0xFFFFFCFD] =	vst v2;
	v11 =	vadd.s32 s11, v10  }
0x262: {  	[tilespmem:s9+$0xFFFFFDFE] =	vst v2;
	v7 =	vsub.s32 v11, v7  }
0x263: {  	[tilespmem:s9+$0x202] =	vst v2;
	vm0 =	vge.s32 v11, v6;
	vm1 =	vlt.s32 v7, v6  }
0x264: {  	[tilespmem:s9+$0xFFFFFEFF] =	vst v2;
	v6 =	vadd.s32 s30, v1;
	vm0 =	vmand vm0, vm1  }
0x265: {  	[tilespmem:s9+$0x0] =	vst v2;
	v6 =	vnsel vm0, $0x0, v6  }
0x266: {  	[tilespmem:s9+$0x101] =	vst v2;
	(xrf0) =	vadd.scan.msk.s32 $0xffff, v6  }
0x267: {  	s4 =	sadd.s32 s5, s4;
	s7 =	sadd.s32 s7, s6;
	[tilespmem:s9+$0x303] =	vst v2  }
0x268: {  	s3 =	sadd.s32 s4, s3;
	s4 =	sadd.s32 s7, s8;
	[tilespmem:s9+$0x404] =	vst v2  }
0x269: {  	s1 =	sadd.s32 s4, s1;
	[tilespmem:s9+$0x505] =	vst v2;
	v6 =	vnsel vm0, $0x0, v7  }
0x26a: {  	s1 =	sadd.s32 s1, s20;
	[tilespmem:s9+$0x606] =	vst v2;
	(v2sf) =	vpush v8, $0xF  }
0x26b: {  	[tilespmem:s9+$0x707] =	vst v2;
	(v2sf) =	vpush v9, $0xF;
	s1 =	sadd.s32 s1, s31;
	s31 =	simm.s32 $0x8080  }
0x26c: {  	(v2sf) =	vpush v10, $0xF;
	v12 =	vld [tilespmem:s31+$0xFFFFFFE0];
	(xrf0) =	vadd.scan.msk.s32 $0xffff, v6;
	v6, _, _ =	vpop (xrf0)  }
0x26d: {  	v9 =	vld [tilespmem:s31+$0x60];
	(v2sf) =	vpush v6, $0xF  }
0x26e: {  	v14 =	vld [tilespmem:s31+$0x30]  }
0x26f: {  	v13 =	vld [tilespmem:s31+$0x20]  }
0x270: {  	v15 =	vld [tilespmem:s31+$0xFFFFFFC0]  }
0x271: {  	v16 =	vld [tilespmem:s31+$0xFFFFFFD0]  }
0x272: {  	v18 =	vld [tilespmem:s31+$0x40]  }
0x273: {  	v20 =	vld [tilespmem:s31+$0xFFFFFFB0];
	v6, _, _ =	vpop (xrf0)  }
0x274: {  	v22 =	vld [tilespmem:s31+$0xFFFFFF90];
	(v2sf) =	vpush v6, $0xF  }
0x275: {  	v10 =	vld [tilespmem:s31+$0x70]  }
0x276: {  	v8 =	vshrl.u32 v12, $0x8  }
0x277: {  	v17 =	vshrl.u32 v9, $0x8;
	v30 =	vshra.s32 v9, $0x10;
	v19 =	vshra.s32 v13, $0x10  }
0x278: {  	v11 =	vld [tilespmem:s31+$0xFFFFFFA0];
	v13 =	vshrl.u32 v13, $0x8;
	v28 =	vshrl.u32 v15, $0x8;
	v9 =	vshra.s32 v16, $0x10  }
0x279: {  	s3 =	sadd.s32 s3, s10;
	v23 =	vshra.s32 v18, $0x10;
	v27 =	vshra.s32 v20, $0x10;
	v32 =	vshrl.u32 v20, $0x8;
	s10 =	spop (v2sf)  }
0x27a: {  	s3 =	sadd.s32 s3, s12;
	v20 =	vshrl.u32 v22, $0x8;
	v7 =	vshrl.u32 v14, $0x8;
	v21 =	vshrl.u32 v10, $0x8;
	s11 =	spop (v2sf)  }
0x27b: {  	s3 =	sadd.s32 s3, s13;
	v17 =	vand.u32 $0xFF, v17;
	v25 =	vshra.s32 v10, $0x10;
	v10 =	vshra.s32 v15, $0x10;
	s14 =	spop (v2sf)  }
0x27c: {  	v15 =	vshrl.u32 v16, $0x8;
	v16 =	vshrl.u32 v18, $0x8;
	v24 =	vand.u32 $0xFF, v13;
	s3 =	sadd.s32 s3, s10;
	s4 =	spop (v2sf)  }
0x27d: {  	s2 =	sshll.u32 s2, $0x8;
	v7 =	vand.u32 $0xFF, v7;
	v31 =	vand.u32 $0xFF, v21;
	v18 =	vshrl.u32 v11, $0x8;
	s3 =	sadd.s32 s3, s4  }
0x27e: {  	v26 =	vand.u32 $0xFF, v16;
	v16 =	vshra.s32 v12, $0x10;
	v21 =	vshra.s32 v14, $0x10;
	s2 =	sadd.s32 s2, s3  }
0x27f: {  	v12 =	vand.u32 $0xFF, v20;
	v20 =	vadd.s32 v0, v17;
	v6 =	vmov s2  }
0x280: {  	v29 =	vld [tilespmem:s31+$0xFFFFFF80];
	vm2 =	veq.s32 v10, v6;
	v10 =	vand.u32 $0xFF, v15;
	v15 =	vshra.s32 v22, $0x10  }
0x281: {  	v14 =	vand.u32 $0xFF, v28;
	v18 =	vand.u32 $0xFF, v18;
	vm0 =	veq.s32 v15, v6;
	v15 =	vld [tilespmem:s31+$0x10]  }
0x282: {  	v13 =	vld [tilespmem:s31+$0x0];
	v12 =	vadd.s32 v0, v12;
	v14 =	vadd.s32 v0, v14;
	vm1 =	veq.s32 v27, v6  }
0x283: {  	v28 =	vld [tilespmem:s31+$0xFFFFFFF0];
	s1 =	sadd.s32 s1, s11;
	s30 =	spop (v2sf);
	vm5 =	veq.s32 v25, v6;
	v25 =	vshra.s32 v11, $0x10;
	v11 =	vadd.s32 v0, v18  }
0x284: {  	s5 =	sadd.s32 s1, s30;
	s1 =	simm.s32 $0x0;
	s3 =	simm.s32 $0x8180;
	v27 =	vld [tilespmem:s31+$0x50];
	v22 =	vadd.s32 v0, v31;
	v18 =	vand.u32 $0xFF, v32;
	vm6 =	veq.s32 v30, v6  }
.LBB2_15:
0x285: {  	v17 =	vld [tilespmem:s3+$0xFFFFFFA0];
	s1 =	sadd.s32 $0x100, s1;
	vm3 =	veq.s32 v25, v6;
	vm9 =	veq.s32 v23, v6;
	vm4 =	vmmov vm2  }
0x286: {  	v23 =	vand.u32 $0xFF, v8;
	v8 =	vshra.s32 v15, $0x10;
	vm8 =	veq.s32 v19, v6;
	v25 =	vld [tilespmem:s3+$0xFFFFFF90];
	p0 =	slt.u32 s1, $0x7F00  }
0x287: {  	v19 =	vadd.s32 v0, v24;
	v24 =	vadd.s32 v0, v26;
	vm7 =	veq.s32 v8, v6;
	v30 =	vld [tilespmem:s3+$0xFFFFFFE0]  }
0x288: {  	v15 =	vshrl.u32 v15, $0x8;
	v26 =	vld [tilespmem:s3+$0x70];
	v31 =	vshra.s32 v29, $0x10;
	v8 =	vshrl.u32 v29, $0x8  }
0x289: {  	v15 =	vand.u32 $0xFF, v15;
	v32 =	vshra.s32 v27, $0x10;
	v27 =	vshrl.u32 v27, $0x8;
	v29 =	vld [tilespmem:s3+$0x20]  }
0x28a: {  	v34 =	vadd.s32 v0, v15;
	vm2 =	veq.s32 v32, v6;
	v15 =	vand.u32 $0xFF, v27;
	v33 =	vld [tilespmem:s3+$0x60]  }
0x28b: {  	v32 =	vand.u32 $0xFF, v8;
	v35 =	vshra.s32 v28, $0x10;
	v36 =	vadd.s32 v0, v15;
	v27 =	vld [tilespmem:s3+$0x0]  }
0x28c: {  	v38 =	vshrl.u32 v13, $0x8;
	v28 =	vshrl.u32 v28, $0x8;
	v8 =	vshrl.u32 v30, $0x8;
	v37 =	vld [tilespmem:s3+$0x30]  }
0x28d: {  	v39 =	vadd.s32 v0, v23;
	v23 =	vand.u32 $0xFF, v28;
	v28 =	vand.u32 $0xFF, v38;
	v15 =	vld [tilespmem:s3+$0x10]  }
0x28e: {  	vm11 =	veq.s32 v21, v6;
	vm10 =	veq.s32 v35, v6;
	[tilespmem:v24+s24+$0x0] =	vst.idx.add.s32.msk vm9, v4  }
0x28f: {  	v23 =	vadd.s32 v0, v23;
	v21 =	vshrl.u32 v33, $0x8;
	[tilespmem:v22+s24+$0x0] =	vst.idx.add.s32.msk vm5, v4  }
0x290: {  	v24 =	vadd.s32 v0, v7;
	v22 =	vshra.s32 v13, $0x10;
	[tilespmem:v20+s24+$0x0] =	vst.idx.add.s32.msk vm6, v4;
	v13 =	vmov v27  }
0x291: {  	vm5 =	veq.s32 v16, v6;
	vm6 =	veq.s32 v22, v6;
	v7 =	vshrl.u32 v37, $0x8;
	[tilespmem:v19+s24+$0x0] =	vst.idx.add.s32.msk vm8, v4  }
0x292: {  	v18 =	vadd.s32 v0, v18;
	vm8 =	veq.s32 v31, v6;
	v16 =	vld [tilespmem:s3+$0xFFFFFFC0];
	v7 =	vand.u32 $0xFF, v7  }
0x293: {  	v22 =	vadd.s32 v0, v32;
	v20 =	vld [tilespmem:s3+$0xFFFFFFB0]  }
0x294: {  	v27 =	vadd.s32 v0, v28;
	[tilespmem:v34+s24+$0x0] =	vst.idx.add.s32.msk vm7, v4  }
0x295: {  	[tilespmem:v24+s24+$0x0] =	vst.idx.add.s32.msk vm11, v4  }
0x296: {  	v28 =	vshrl.u32 v26, $0x8;
	vm7 =	veq.s32 v9, v6;
	v24 =	vld [tilespmem:s3+$0xFFFFFFD0]  }
0x297: {  	v32 =	vshra.s32 v33, $0x10;
	v33 =	vand.u32 $0xFF, v21;
	v34 =	vshra.s32 v26, $0x10;
	v31 =	vld [tilespmem:s3+$0x40]  }
0x298: {  	v21 =	vshrl.u32 v29, $0x8;
	v19 =	vshra.s32 v29, $0x10;
	v26 =	vadd.s32 v0, v10;
	[tilespmem:v23+s24+$0x0] =	vst.idx.add.s32.msk vm10, v4  }
0x299: {  	v28 =	vand.u32 $0xFF, v28;
	v35 =	vshrl.u32 v16, $0x8;
	[tilespmem:v27+s24+$0x0] =	vst.idx.add.s32.msk vm6, v4  }
0x29a: {  	[tilespmem:v22+s24+$0x0] =	vst.idx.add.s32.msk vm8, v4  }
0x29b: {  	v10 =	vshra.s32 v16, $0x10;
	v9 =	vshra.s32 v24, $0x10;
	v16 =	vshrl.u32 v24, $0x8;
	[tilespmem:v36+s24+$0x0] =	vst.idx.add.s32.msk vm2, v4  }
0x29c: {  	vm2 =	veq.s32 v10, v6;
	v23 =	vshra.s32 v31, $0x10;
	v22 =	vshrl.u32 v31, $0x8;
	[tilespmem:v39+s24+$0x0] =	vst.idx.add.s32.msk vm5, v4  }
0x29d: {  	v29 =	vshra.s32 v20, $0x10;
	v27 =	vshrl.u32 v17, $0x8;
	v10 =	vand.u32 $0xFF, v16;
	[tilespmem:v26+s24+$0x0] =	vst.idx.add.s32.msk vm7, v4  }
0x29e: {  	v24 =	vand.u32 $0xFF, v21;
	v16 =	vshra.s32 v25, $0x10;
	v31 =	vshrl.u32 v20, $0x8;
	[tilespmem:v12+s24+$0x0] =	vst.idx.add.s32.msk vm0, v4  }
0x29f: {  	v26 =	vand.u32 $0xFF, v22;
	vm0 =	veq.s32 v16, v6;
	v12 =	vshrl.u32 v25, $0x8;
	[tilespmem:v14+s24+$0x0] =	vst.idx.add.s32.msk vm4, v4  }
.Ltmp7:
0x2a0: {  	v21 =	vshra.s32 v37, $0x10;
	v16 =	vshra.s32 v30, $0x10;
	v14 =	vand.u32 $0xFF, v27;
	[tilespmem:v11+s24+$0x0] =	vst.idx.add.s32.msk vm3, v4;
	(pc) =	sbr.rel @p0 .LBB2_15-.Ltmp7, $4  }
0x2a1: {  	vm5 =	veq.s32 v34, v6;
	v11 =	vand.u32 $0xFF, v12;
	[tilespmem:v18+s24+$0x0] =	vst.idx.add.s32.msk vm1, v4;
	vm1 =	veq.s32 v29, v6  }
0x2a2: {  	v20 =	vadd.s32 v0, v33;
	v25 =	vshra.s32 v17, $0x10;
	v12 =	vadd.s32 v0, v11;
	v27 =	vld [tilespmem:s3+$0x50]  }
0x2a3: {  	v22 =	vadd.s32 v0, v28;
	v11 =	vadd.s32 v0, v14;
	v14 =	vand.u32 $0xFF, v35;
	v29 =	vld [tilespmem:s3+$0xFFFFFF80]  }
0x2a4: {  	vm6 =	veq.s32 v32, v6;
	v18 =	vand.u32 $0xFF, v31;
	v14 =	vadd.s32 v0, v14;
	v28 =	vld [tilespmem:s3+$0xFFFFFFF0];
	s3 =	sadd.s32 $0x100, s3  }
0x2a5: {  	_ = 	snop  }
0x2a6: {  	vm4 =	veq.s32 v23, v6  }
0x2a7: {  	v17 =	vshra.s32 v15, $0x10;
	vm7 =	veq.s32 v19, v6;
	v44 =	vadd.s32 v0, v24  }
0x2a8: {  	v45 =	vadd.s32 v0, v26;
	v15 =	vshrl.u32 v15, $0x8;
	vm9 =	veq.s32 v21, v6  }
0x2a9: {  	v52 =	vshrl.u32 v13, $0x8;
	v13 =	vshra.s32 v13, $0x10;
	v7 =	vadd.s32 v0, v7  }
0x2aa: {  	[tilespmem:v22+s24+$0x0] =	vst.idx.add.s32.msk vm5, v4;
	v8 =	vand.u32 $0xFF, v8;
	vm15 =	veq.s32 v16, v6;
	vm10 =	veq.s32 v9, v6  }
0x2ab: {  	[tilespmem:v20+s24+$0x0] =	vst.idx.add.s32.msk vm6, v4;
	vm2 =	vmmov vm2;
	vm11 =	veq.s32 v25, v6;
	v8 =	vadd.s32 v0, v8  }
0x2ac: {  	[tilespmem:v12+s24+$0x0] =	vst.idx.add.s32.msk vm0, v4;
	vm3 =	veq.s32 v17, v6;
	v15 =	vand.u32 $0xFF, v15;
	v53 =	vand.u32 $0xFF, v52  }
0x2ad: {  	vm12 =	veq.s32 v13, v6;
	v49 =	vshra.s32 v27, $0x10;
	v50 =	vshrl.u32 v27, $0x8;
	[tilespmem:v45+s24+$0x0] =	vst.idx.add.s32.msk vm4, v4  }
0x2ae: {  	v15 =	vadd.s32 v0, v15;
	v19 =	vadd.s32 v0, v53;
	v46 =	vshra.s32 v29, $0x10;
	[tilespmem:v44+s24+$0x0] =	vst.idx.add.s32.msk vm7, v4  }
0x2af: {  	v48 =	vshrl.u32 v29, $0x8;
	vm14 =	veq.s32 v49, v6;
	v55 =	vand.u32 $0xFF, v50;
	[tilespmem:v7+s24+$0x0] =	vst.idx.add.s32.msk vm9, v4  }
0x2b0: {  	v13 =	vand.u32 $0xFF, v48;
	vm13 =	veq.s32 v46, v6;
	v56 =	vadd.s32 v0, v55;
	[tilespmem:v8+s24+$0x0] =	vst.idx.add.s32.msk vm15, v4  }
0x2b1: {  	v47 =	vshra.s32 v28, $0x10;
	v51 =	vshrl.u32 v28, $0x8;
	v13 =	vadd.s32 v0, v13;
	[tilespmem:v14+s24+$0x0] =	vst.idx.add.s32.msk vm2, v4  }
0x2b2: {  	vm8 =	veq.s32 v47, v6;
	v28 =	vand.u32 $0xFF, v51;
	v6 =	vadd.s32 v0, v18;
	[tilespmem:v11+s24+$0x0] =	vst.idx.add.s32.msk vm11, v4  }
0x2b3: {  	v54 =	vadd.s32 v0, v28;
	[tilespmem:v15+s24+$0x0] =	vst.idx.add.s32.msk vm3, v4  }
0x2b4: {  	v7 =	vadd.s32 v0, v10;
	[tilespmem:v19+s24+$0x0] =	vst.idx.add.s32.msk vm12, v4  }
0x2b5: {  	[tilespmem:v56+s24+$0x0] =	vst.idx.add.s32.msk vm14, v4  }
0x2b6: {  	[tilespmem:v13+s24+$0x0] =	vst.idx.add.s32.msk vm13, v4  }
0x2b7: {  	[tilespmem:v6+s24+$0x0] =	vst.idx.add.s32.msk vm1, v4  }
0x2b8: {  	[tilespmem:v54+s24+$0x0] =	vst.idx.add.s32.msk vm8, v4  }
0x2b9: {  	s3 =	simm.s32 $0x188F8;
	[tilespmem:v7+s24+$0x0] =	vst.idx.add.s32.msk vm10, v4  }
0x2ba: {  	v7 =	vld [tilespmem:s3+$0xFFFFF7F8]  }
0x2bb: {  	v8 =	vld [tilespmem:s3+$0xFFFFF8F9]  }
0x2bc: {  	v9 =	vld [tilespmem:s3+$0xFFFFF9FA]  }
0x2bd: {  	v10 =	vld [tilespmem:s3+$0xFFFFFAFB]  }
0x2be: {  	v11 =	vld [tilespmem:s3+$0xFFFFFBFC]  }
0x2bf: {  	[tilespmem:s3+$0xFFFFF7F8] =	vst v2;
	v12 =	vld [tilespmem:s3+$0xFFFFFCFD]  }
0x2c0: {  	[tilespmem:s3+$0xFFFFF8F9] =	vst v2;
	v13 =	vld [tilespmem:s3+$0xFFFFFDFE]  }
0x2c1: {  	s6 =	simm.s32 $0x188E8;
	v14 =	vld [tilespmem:s3+$0xFFFFFEFF];
	[tilespmem:s3+$0xFFFFFEFF] =	vst v2  }
0x2c2: {  	s4 =	simm.s32 $0x188D8;
	v15 =	vld [tilespmem:s6+$0xFFFFFEFF];
	[tilespmem:s6+$0xFFFFFEFF] =	vst v2  }
0x2c3: {  	[tilespmem:s3+$0xFFFFF9FA] =	vst v2;
	v59 =	vld [tilespmem:s4+$0xFFFFFEFF];
	v7 =	vadd.s32 v7, v8  }
0x2c4: {  	[tilespmem:s3+$0xFFFFFAFB] =	vst v2;
	v8 =	vld [tilespmem:s3+$0x0];
	v7 =	vadd.s32 v9, v7  }
0x2c5: {  	[tilespmem:s3+$0x0] =	vst v2;
	v9 =	vld [tilespmem:s3+$0x101];
	v7 =	vadd.s32 v10, v7  }
0x2c6: {  	[tilespmem:s3+$0xFFFFFBFC] =	vst v2;
	v57 =	vld [tilespmem:s6+$0x0];
	v7 =	vadd.s32 v11, v7  }
0x2c7: {  	[tilespmem:s3+$0xFFFFFCFD] =	vst v2;
	v10 =	vld [tilespmem:s3+$0x202];
	v7 =	vadd.s32 v12, v7  }
0x2c8: {  	[tilespmem:s3+$0xFFFFFDFE] =	vst v2;
	v11 =	vld [tilespmem:s3+$0x303];
	v7 =	vadd.s32 v13, v7  }
0x2c9: {  	[tilespmem:s4+$0xFFFFFEFF] =	vst v2;
	v12 =	vld [tilespmem:s3+$0x404];
	v7 =	vadd.s32 v14, v7  }
0x2ca: {  	[tilespmem:s3+$0x101] =	vst v2;
	v13 =	vld [tilespmem:s3+$0x505];
	v7 =	vadd.s32 v8, v7  }
0x2cb: {  	[tilespmem:s6+$0x0] =	vst v2;
	v14 =	vld [tilespmem:s3+$0x606];
	v7 =	vadd.s32 v9, v7  }
0x2cc: {  	[tilespmem:s3+$0x202] =	vst v2;
	v8 =	vld [tilespmem:s3+$0x707];
	v7 =	vadd.s32 v10, v7  }
0x2cd: {  	[tilespmem:s3+$0x707] =	vst v2;
	v9 =	vld [tilespmem:s6+$0xFFFFF7F8];
	v7 =	vadd.s32 v11, v7  }
0x2ce: {  	[tilespmem:s3+$0x303] =	vst v2;
	v17 =	vld [tilespmem:s6+$0x707];
	v7 =	vadd.s32 v12, v7  }
0x2cf: {  	[tilespmem:s3+$0x404] =	vst v2;
	v10 =	vld [tilespmem:s6+$0xFFFFF8F9];
	v7 =	vadd.s32 v13, v7  }
0x2d0: {  	[tilespmem:s3+$0x505] =	vst v2;
	v11 =	vld [tilespmem:s6+$0xFFFFF9FA];
	v7 =	vadd.s32 v14, v7  }
0x2d1: {  	[tilespmem:s3+$0x606] =	vst v2;
	v12 =	vld [tilespmem:s6+$0xFFFFFAFB];
	v7 =	vadd.s32 v8, v7  }
0x2d2: {  	[tilespmem:s6+$0xFFFFF7F8] =	vst v2;
	v13 =	vld [tilespmem:s6+$0xFFFFFBFC];
	v7 =	vperm.xlane v7, v5  }
0x2d3: {  	[tilespmem:s6+$0x707] =	vst v2;
	v14 =	vld [tilespmem:s6+$0xFFFFFCFD]  }
0x2d4: {  	[tilespmem:s6+$0xFFFFF8F9] =	vst v2;
	v8 =	vld [tilespmem:s6+$0xFFFFFDFE];
	v9 =	vadd.s32 v9, v10;
	(xrf0) =	vadd.scan.msk.s32 $0xffff, v7  }
0x2d5: {  	v58 =	vld [tilespmem:s4+$0xFFFFF7F8];
	[tilespmem:s4+$0xFFFFF7F8] =	vst v2;
	v9 =	vadd.s32 v11, v9  }
0x2d6: {  	s3 =	simm.s32 $0x188C8;
	[tilespmem:s6+$0xFFFFF9FA] =	vst v2;
	v9 =	vadd.s32 v12, v9  }
0x2d7: {  	v19 =	vld [tilespmem:s3+$0xFFFFF7F8];
	[tilespmem:s3+$0xFFFFF7F8] =	vst v2;
	v9 =	vadd.s32 v13, v9  }
0x2d8: {  	[tilespmem:s6+$0xFFFFFAFB] =	vst v2;
	v10 =	vld [tilespmem:s6+$0x101];
	v9 =	vadd.s32 v14, v9  }
0x2d9: {  	[tilespmem:s6+$0xFFFFFBFC] =	vst v2;
	v11 =	vld [tilespmem:s6+$0x202];
	v8 =	vadd.s32 v8, v9  }
0x2da: {  	[tilespmem:s6+$0xFFFFFCFD] =	vst v2;
	v12 =	vld [tilespmem:s6+$0x303];
	v8 =	vadd.s32 v15, v8;
	v15, _, _ =	vpop (xrf0)  }
0x2db: {  	[tilespmem:s6+$0xFFFFFDFE] =	vst v2;
	v13 =	vld [tilespmem:s6+$0x404];
	(v2sf) =	vpush v15, $0xF  }
0x2dc: {  	[tilespmem:s6+$0x101] =	vst v2;
	v14 =	vld [tilespmem:s6+$0x505];
	v8 =	vadd.s32 v57, v8  }
0x2dd: {  	s0 =	ssub.s32 s0, s5;
	s5 =	simm.s32 $0x0;
	v9 =	vld [tilespmem:s6+$0x606];
	[tilespmem:s6+$0x606] =	vst v2;
	v8 =	vadd.s32 v10, v8  }
0x2de: {  	[tilespmem:s6+$0x202] =	vst v2;
	v60 =	vld [tilespmem:s4+$0x606];
	v8 =	vadd.s32 v11, v8;
	v15 =	vadd.s32 s5, v15  }
0x2df: {  	v6 =	vmov s0;
	[tilespmem:s6+$0x303] =	vst v2;
	v10 =	vld [tilespmem:s4+$0xFFFFF8F9];
	v8 =	vadd.s32 v12, v8;
	v7 =	vsub.s32 v15, v7  }
0x2e0: {  	s1 =	simm.s32 $0xFF;
	[tilespmem:s6+$0x404] =	vst v2;
	v11 =	vld [tilespmem:s4+$0xFFFFF9FA];
	v8 =	vadd.s32 v13, v8;
	vm12 =	vge.s32 v15, v6;
	vm13 =	vlt.s32 v7, v6  }
0x2e1: {  	[tilespmem:s6+$0x505] =	vst v2;
	v12 =	vld [tilespmem:s4+$0xFFFFFAFB];
	v15 =	vadd.s32 s1, v1;
	v8 =	vadd.s32 v14, v8;
	vm0 =	vmand vm12, vm13  }
0x2e2: {  	[tilespmem:s4+$0x606] =	vst v2;
	v13 =	vld [tilespmem:s4+$0xFFFFFBFC];
	v8 =	vadd.s32 v9, v8;
	v15 =	vnsel vm0, $0x0, v15  }
0x2e3: {  	[tilespmem:s4+$0xFFFFF8F9] =	vst v2;
	v14 =	vld [tilespmem:s4+$0xFFFFFCFD];
	v7 =	vnsel vm0, $0x0, v7;
	v8 =	vadd.s32 v17, v8;
	(xrf0) =	vadd.scan.msk.s32 $0xffff, v15  }
0x2e4: {  	[tilespmem:s4+$0xFFFFF9FA] =	vst v2;
	v9 =	vld [tilespmem:s4+$0xFFFFFDFE];
	v10 =	vadd.s32 v58, v10;
	v8 =	vperm.xlane v8, v5;
	(xrf0) =	vadd.scan.msk.s32 $0xffff, v7  }
0x2e5: {  	v63 =	vld [tilespmem:s3+$0xFFFFF8F9];
	[tilespmem:s3+$0xFFFFF8F9] =	vst v2;
	v7 =	vadd.s32 v11, v10  }
0x2e6: {  	[tilespmem:s4+$0xFFFFFAFB] =	vst v2;
	(xrf0) =	vadd.scan.msk.s32 $0xffff, v8;
	v7 =	vadd.s32 v12, v7  }
0x2e7: {  	[tilespmem:s4+$0xFFFFFBFC] =	vst v2;
	v15 =	vld [tilespmem:s4+$0x0];
	v7 =	vadd.s32 v13, v7  }
0x2e8: {  	[tilespmem:s4+$0xFFFFFCFD] =	vst v2;
	v10 =	vld [tilespmem:s4+$0x101];
	v7 =	vadd.s32 v14, v7  }
0x2e9: {  	[tilespmem:s4+$0xFFFFFDFE] =	vst v2;
	v11 =	vld [tilespmem:s4+$0x202];
	v7 =	vadd.s32 v9, v7;
	v9, _, _ =	vpop (xrf0)  }
0x2ea: {  	[tilespmem:s4+$0x0] =	vst v2;
	v12 =	vld [tilespmem:s4+$0x303];
	v61, _, _ =	vpop (xrf0);
	s14 =	spop (v2sf);
	(v2sf) =	vpush v9, $0xF  }
0x2eb: {  	[tilespmem:s4+$0x101] =	vst v2;
	v13 =	vld [tilespmem:s4+$0x404];
	v7 =	vadd.s32 v59, v7;
	(v2sf) =	vpush v61, $0xF  }
0x2ec: {  	[tilespmem:s4+$0x202] =	vst v2;
	v14 =	vld [tilespmem:s4+$0x505];
	v7 =	vadd.s32 v15, v7;
	v62, _, _ =	vpop (xrf0)  }
0x2ed: {  	[tilespmem:s4+$0x303] =	vst v2;
	v7 =	vadd.s32 v10, v7;
	s8 =	sadd.s32 $0x0, s14;
	(v2sf) =	vpush v62, $0xF  }
0x2ee: {  	[tilespmem:s4+$0x404] =	vst v2;
	v15 =	vld [tilespmem:s4+$0x707];
	v7 =	vadd.s32 v11, v7;
	v9 =	vadd.s32 s8, v62  }
0x2ef: {  	[tilespmem:s4+$0x505] =	vst v2;
	v7 =	vadd.s32 v12, v7;
	v12 =	vsub.s32 v9, v8  }
0x2f0: {  	s20 =	simm.s32 $0xEF;
	[tilespmem:s4+$0x707] =	vst v2;
	v10 =	vld [tilespmem:s3+$0xFFFFFBFC];
	v7 =	vadd.s32 v13, v7;
	vm14 =	vge.s32 v9, v6;
	vm15 =	vlt.s32 v12, v6  }
0x2f1: {  	[tilespmem:s3+$0xFFFFFBFC] =	vst v2;
	v11 =	vadd.s32 s20, v1;
	v7 =	vadd.s32 v14, v7;
	v8 =	vld [tilespmem:s3+$0xFFFFF9FA];
	vm0 =	vmand vm14, vm15  }
0x2f2: {  	[tilespmem:s3+$0xFFFFF9FA] =	vst v2;
	v9 =	vld [tilespmem:s3+$0xFFFFFAFB];
	v7 =	vadd.s32 v60, v7;
	v13 =	vnsel vm0, $0x0, v11  }
0x2f3: {  	s9 =	simm.s32 $0xDF;
	[tilespmem:s3+$0xFFFFFAFB] =	vst v2;
	v7 =	vadd.s32 v15, v7;
	v14 =	vnsel vm0, $0x0, v12;
	(xrf0) =	vadd.scan.msk.s32 $0xffff, v13  }
0x2f4: {  	s31 =	simm.s32 $0xAF;
	s30 =	simm.s32 $0x9F;
	s7 =	simm.s32 $0x0;
	v7 =	vperm.xlane v7, v5;
	v11 =	vld [tilespmem:s3+$0xFFFFFCFD];
	[tilespmem:s3+$0xFFFFFCFD] =	vst v2;
	(xrf0) =	vadd.scan.msk.s32 $0xffff, v14  }
0x2f5: {  	s1 =	simm.s32 $0xCF;
	s4 =	simm.s32 $0x8F;
	s20 =	simm.s32 $0xBF;
	v12 =	vld [tilespmem:s3+$0xFFFFFDFE];
	[tilespmem:s3+$0xFFFFFDFE] =	vst v2;
	v13 =	vadd.s32 v19, v63  }
.LBB2_17:
0x2f6: {  	p0 =	sne.s32 s4, $0xF;
	v8 =	vadd.s32 v8, v13;
	v13 =	vld [tilespmem:s3+$0xFFFFFEFF];
	[tilespmem:s3+$0xFFFFFEFF] =	vst v2;
	(xrf0) =	vadd.scan.msk.s32 $0xffff, v7  }
0x2f7: {  	v8 =	vadd.s32 v9, v8;
	v9 =	vld [tilespmem:s3+$0x0];
	[tilespmem:s3+$0x0] =	vst v2  }
0x2f8: {  	v8 =	vadd.s32 v10, v8;
	v10 =	vld [tilespmem:s3+$0x101];
	[tilespmem:s3+$0x101] =	vst v2  }
0x2f9: {  	v8 =	vadd.s32 v11, v8;
	v11 =	vld [tilespmem:s3+$0x202];
	[tilespmem:s3+$0x202] =	vst v2;
	v14, _, _ =	vpop (xrf0);
	s6 =	spop (v2sf)  }
0x2fa: {  	v8 =	vadd.s32 v12, v8;
	v12 =	vld [tilespmem:s3+$0x303];
	[tilespmem:s3+$0x303] =	vst v2;
	(v2sf) =	vpush v14, $0xF;
	v14, _, _ =	vpop (xrf0);
	s5 =	sadd.s32 s5, s6;
	s6 =	spop (v2sf)  }
0x2fb: {  	v8 =	vadd.s32 v13, v8;
	v13 =	vld [tilespmem:s3+$0x404];
	[tilespmem:s3+$0x404] =	vst v2;
	(v2sf) =	vpush v14, $0xF;
	s7 =	sadd.s32 s7, s6  }
0x2fc: {  	v8 =	vadd.s32 v9, v8;
	v9 =	vld [tilespmem:s3+$0x505];
	[tilespmem:s3+$0x505] =	vst v2;
	v14, _, _ =	vpop (xrf0);
	s6 =	spop (v2sf)  }
0x2fd: {  	v8 =	vadd.s32 v10, v8;
	v10 =	vld [tilespmem:s3+$0x606];
	[tilespmem:s3+$0x606] =	vst v2;
	(v2sf) =	vpush v14, $0xF;
	s8 =	sadd.s32 s8, s6  }
0x2fe: {  	v8 =	vadd.s32 v11, v8;
	v11 =	vld [tilespmem:s3+$0x707];
	[tilespmem:s3+$0x707] =	vst v2;
	s3 =	sadd.s32 $0xFFFFFFF0, s3;
	v14 =	vadd.s32 s8, v14  }
0x2ff: {  	v15 =	vld [tilespmem:s3+$0xFFFFF7F8];
	[tilespmem:s3+$0xFFFFF7F8] =	vst v2;
	v8 =	vadd.s32 v12, v8;
	v7 =	vsub.s32 v14, v7;
	vm0 =	vge.s32 v14, v6  }
0x300: {  	v12 =	vld [tilespmem:s3+$0xFFFFF8F9];
	[tilespmem:s3+$0xFFFFF8F9] =	vst v2;
	v13 =	vadd.s32 v13, v8;
	vm1 =	vlt.s32 v7, v6  }
.Ltmp8:
0x301: {  	v14 =	vadd.s32 s9, v1;
	s9 =	smov.u32 s1;
	s1 =	smov.u32 s20;
	v8 =	vld [tilespmem:s3+$0xFFFFF9FA];
	[tilespmem:s3+$0xFFFFF9FA] =	vst v2;
	v13 =	vadd.s32 v9, v13;
	vm0 =	vmand vm0, vm1;
	(pc) =	sbr.rel @p0 .LBB2_17-.Ltmp8, $4  }
0x302: {  	s20 =	smov.u32 s31;
	s31 =	smov.u32 s30;
	s30 =	smov.u32 s4;
	v9 =	vld [tilespmem:s3+$0xFFFFFAFB];
	[tilespmem:s3+$0xFFFFFAFB] =	vst v2;
	v13 =	vadd.s32 v10, v13;
	v14 =	vnsel vm0, $0x0, v14;
	v16 =	vnsel vm0, $0x0, v7  }
0x303: {  	v10 =	vld [tilespmem:s3+$0xFFFFFBFC];
	[tilespmem:s3+$0xFFFFFBFC] =	vst v2;
	v7 =	vadd.s32 v11, v13;
	(xrf0) =	vadd.scan.msk.s32 $0xffff, v14  }
0x304: {  	v11 =	vld [tilespmem:s3+$0xFFFFFCFD];
	[tilespmem:s3+$0xFFFFFCFD] =	vst v2;
	v7 =	vperm.xlane v7, v5;
	(xrf0) =	vadd.scan.msk.s32 $0xffff, v16  }
0x305: {  	s4 =	sadd.s32 $0xFFFFFFF0, s4;
	v13 =	vadd.s32 v15, v12;
	v12 =	vld [tilespmem:s3+$0xFFFFFDFE];
	[tilespmem:s3+$0xFFFFFDFE] =	vst v2  }
0x306: {  	v14 =	vld [tilespmem:s3+$0xFFFFFEFF]  }
0x307: {  	v8 =	vadd.s32 v8, v13;
	v13 =	vld [tilespmem:s3+$0x0]  }
0x308: {  	v8 =	vadd.s32 v9, v8;
	v9 =	vld [tilespmem:s3+$0x101]  }
0x309: {  	(xrf0) =	vadd.scan.msk.s32 $0xffff, v7;
	v8 =	vadd.s32 v10, v8;
	v10 =	vld [tilespmem:s3+$0x202]  }
0x30a: {  	v8 =	vadd.s32 v11, v8;
	v11 =	vld [tilespmem:s3+$0x303]  }
0x30b: {  	v8 =	vadd.s32 v12, v8;
	v12 =	vld [tilespmem:s3+$0x404]  }
0x30c: {  	s4 =	spop (v2sf);
	v8 =	vadd.s32 v14, v8;
	v14 =	vld [tilespmem:s3+$0x505]  }
0x30d: {  	v15, _, _ =	vpop (xrf0);
	s6 =	spop (v2sf);
	v8 =	vadd.s32 v13, v8;
	v13 =	vld [tilespmem:s3+$0x606]  }
0x30e: {  	s12 =	sadd.s32 $0xFFFFFFF0, s3;
	(v2sf) =	vpush v15, $0xF;
	v15, _, _ =	vpop (xrf0);
	s10 =	spop (v2sf);
	v8 =	vadd.s32 v9, v8;
	v9 =	vld [tilespmem:s3+$0x707]  }
0x30f: {  	(v2sf) =	vpush v15, $0xF;
	v15, _, _ =	vpop (xrf0);
	s10 =	sadd.s32 s8, s10;
	v8 =	vadd.s32 v10, v8;
	v10 =	vld [tilespmem:s12+$0xFFFFF7F8]  }
0x310: {  	(v2sf) =	vpush v15, $0xF;
	v15 =	vadd.s32 s10, v15;
	v8 =	vadd.s32 v11, v8;
	v11 =	vld [tilespmem:s12+$0xFFFFF8F9]  }
0x311: {  	v7 =	vsub.s32 v15, v7;
	v8 =	vadd.s32 v12, v8;
	v12 =	vld [tilespmem:s12+$0xFFFFF9FA]  }
0x312: {  	vm0 =	vge.s32 v15, v6;
	vm1 =	vlt.s32 v7, v6;
	v8 =	vadd.s32 v14, v8;
	v14 =	vld [tilespmem:s12+$0xFFFFFAFB]  }
0x313: {  	[tilespmem:s3+$0xFFFFFEFF] =	vst v2;
	v15 =	vadd.s32 s9, v1;
	vm0 =	vmand vm0, vm1;
	v8 =	vadd.s32 v13, v8;
	v13 =	vld [tilespmem:s12+$0xFFFFFBFC]  }
0x314: {  	[tilespmem:s3+$0x404] =	vst v2;
	v15 =	vnsel vm0, $0x0, v15;
	v8 =	vadd.s32 v9, v8;
	v9 =	vld [tilespmem:s12+$0xFFFFFCFD]  }
0x315: {  	v7 =	vnsel vm0, $0x0, v7;
	(xrf0) =	vadd.scan.msk.s32 $0xffff, v15;
	v15 =	vld [tilespmem:s12+$0xFFFFFDFE];
	v8 =	vperm.xlane v8, v5;
	v10 =	vadd.s32 v10, v11  }
0x316: {  	[tilespmem:s3+$0x0] =	vst v2;
	v16 =	vld [tilespmem:s12+$0x404];
	(xrf0) =	vadd.scan.msk.s32 $0xffff, v7;
	v10 =	vadd.s32 v12, v10  }
0x317: {  	[tilespmem:s3+$0x101] =	vst v2;
	v7 =	vld [tilespmem:s12+$0xFFFFFEFF];
	(xrf0) =	vadd.scan.msk.s32 $0xffff, v8;
	v10 =	vadd.s32 v14, v10  }
0x318: {  	[tilespmem:s3+$0x202] =	vst v2;
	v11 =	vld [tilespmem:s12+$0x0];
	v10 =	vadd.s32 v13, v10  }
0x319: {  	[tilespmem:s3+$0x303] =	vst v2;
	v12 =	vld [tilespmem:s12+$0x101];
	v9 =	vadd.s32 v9, v10  }
0x31a: {  	[tilespmem:s3+$0x505] =	vst v2;
	v14 =	vld [tilespmem:s12+$0x202];
	v9 =	vadd.s32 v15, v9  }
0x31b: {  	[tilespmem:s3+$0x606] =	vst v2;
	v13 =	vld [tilespmem:s12+$0x303];
	v10, _, _ =	vpop (xrf0)  }
0x31c: {  	[tilespmem:s3+$0x707] =	vst v2;
	v15 =	vld [tilespmem:s12+$0x505];
	v7 =	vadd.s32 v7, v9;
	(v2sf) =	vpush v10, $0xF;
	v10, _, _ =	vpop (xrf0)  }
0x31d: {  	[tilespmem:s12+$0xFFFFF7F8] =	vst v2;
	s3 =	spop (v2sf);
	v7 =	vadd.s32 v11, v7;
	v11 =	vld [tilespmem:s12+$0x707];
	(v2sf) =	vpush v10, $0xF;
	v9, _, _ =	vpop (xrf0)  }
0x31e: {  	s11 =	sadd.s32 $0xFFFFFFF0, s12;
	[tilespmem:s12+$0xFFFFF8F9] =	vst v2;
	s8 =	spop (v2sf);
	v10 =	vld [tilespmem:s12+$0x606];
	(v2sf) =	vpush v9, $0xF  }
0x31f: {  	[tilespmem:s12+$0xFFFFF9FA] =	vst v2;
	s14 =	spop (v2sf);
	v7 =	vadd.s32 v12, v7;
	v12 =	vld [tilespmem:s11+$0xFFFFF7F8]  }
0x320: {  	[tilespmem:s12+$0xFFFFFAFB] =	vst v2;
	s9 =	sadd.s32 s10, s14;
	v7 =	vadd.s32 v14, v7;
	v14 =	vld [tilespmem:s11+$0xFFFFF8F9]  }
0x321: {  	[tilespmem:s12+$0xFFFFFBFC] =	vst v2;
	v9 =	vadd.s32 s9, v9;
	v7 =	vadd.s32 v13, v7;
	v13 =	vld [tilespmem:s11+$0xFFFFF9FA]  }
0x322: {  	[tilespmem:s12+$0xFFFFFCFD] =	vst v2;
	v8 =	vsub.s32 v9, v8;
	v7 =	vadd.s32 v16, v7;
	v16 =	vld [tilespmem:s11+$0xFFFFFAFB]  }
0x323: {  	[tilespmem:s12+$0xFFFFFDFE] =	vst v2;
	vm0 =	vge.s32 v9, v6;
	v9 =	vld [tilespmem:s11+$0xFFFFFBFC];
	vm1 =	vlt.s32 v8, v6;
	v7 =	vadd.s32 v15, v7  }
0x324: {  	[tilespmem:s12+$0xFFFFFEFF] =	vst v2;
	v15 =	vadd.s32 s1, v1;
	vm0 =	vmand vm0, vm1;
	v7 =	vadd.s32 v10, v7;
	v10 =	vld [tilespmem:s11+$0xFFFFFCFD]  }
0x325: {  	[tilespmem:s12+$0x0] =	vst v2;
	v7 =	vadd.s32 v11, v7;
	v11 =	vnsel vm0, $0x0, v15;
	v12 =	vadd.s32 v12, v14;
	v14 =	vld [tilespmem:s11+$0xFFFFFDFE]  }
0x326: {  	v8 =	vnsel vm0, $0x0, v8;
	(xrf0) =	vadd.scan.msk.s32 $0xffff, v11;
	v7 =	vperm.xlane v7, v5;
	v11 =	vadd.s32 v13, v12;
	v12 =	vld [tilespmem:s11+$0xFFFFFEFF]  }
0x327: {  	[tilespmem:s12+$0x101] =	vst v2;
	(xrf0) =	vadd.scan.msk.s32 $0xffff, v8;
	v8 =	vadd.s32 v16, v11;
	v11 =	vld [tilespmem:s11+$0x0]  }
0x328: {  	[tilespmem:s12+$0x202] =	vst v2;
	(xrf0) =	vadd.scan.msk.s32 $0xffff, v7;
	v8 =	vadd.s32 v9, v8;
	v9 =	vld [tilespmem:s11+$0x101]  }
0x329: {  	[tilespmem:s12+$0x303] =	vst v2;
	v8 =	vadd.s32 v10, v8;
	v10 =	vld [tilespmem:s11+$0x202]  }
0x32a: {  	[tilespmem:s12+$0x404] =	vst v2;
	v13 =	vld [tilespmem:s11+$0x303];
	v8 =	vadd.s32 v14, v8  }
0x32b: {  	[tilespmem:s12+$0x505] =	vst v2;
	v8 =	vadd.s32 v12, v8;
	v12 =	vld [tilespmem:s11+$0x404];
	s10 =	spop (v2sf)  }
0x32c: {  	[tilespmem:s12+$0x606] =	vst v2;
	v14, _, _ =	vpop (xrf0);
	v8 =	vadd.s32 v11, v8;
	v11 =	vld [tilespmem:s11+$0x505];
	s1 =	spop (v2sf)  }
0x32d: {  	[tilespmem:s12+$0x707] =	vst v2;
	v8 =	vadd.s32 v9, v8;
	v9 =	vld [tilespmem:s11+$0x606];
	(v2sf) =	vpush v14, $0xF;
	v14, _, _ =	vpop (xrf0);
	s13 =	spop (v2sf)  }
0x32e: {  	v8 =	vadd.s32 v10, v8;
	v10 =	vld [tilespmem:s11+$0x707];
	(v2sf) =	vpush v14, $0xF;
	v14, _, _ =	vpop (xrf0);
	s13 =	sadd.s32 s9, s13  }
0x32f: {  	[tilespmem:s11+$0xFFFFF7F8] =	vst v2;
	v8 =	vadd.s32 v13, v8;
	(v2sf) =	vpush v14, $0xF;
	s9 =	sadd.s32 $0xFFFFFFF0, s11;
	v14 =	vadd.s32 s13, v14  }
0x330: {  	[tilespmem:s11+$0xFFFFF8F9] =	vst v2;
	v8 =	vadd.s32 v12, v8;
	v13 =	vld [tilespmem:s9+$0xFFFFF7F8];
	v7 =	vsub.s32 v14, v7  }
0x331: {  	[tilespmem:s11+$0xFFFFF9FA] =	vst v2;
	v12 =	vld [tilespmem:s9+$0xFFFFF8F9];
	v8 =	vadd.s32 v11, v8;
	vm0 =	vge.s32 v14, v6;
	vm1 =	vlt.s32 v7, v6  }
0x332: {  	[tilespmem:s11+$0xFFFFFAFB] =	vst v2;
	v11 =	vld [tilespmem:s9+$0xFFFFF9FA];
	v14 =	vadd.s32 s20, v1;
	v8 =	vadd.s32 v9, v8;
	vm0 =	vmand vm0, vm1  }
0x333: {  	[tilespmem:s11+$0xFFFFFBFC] =	vst v2;
	v9 =	vld [tilespmem:s9+$0xFFFFFAFB];
	v8 =	vadd.s32 v10, v8;
	v14 =	vnsel vm0, $0x0, v14  }
0x334: {  	[tilespmem:s11+$0xFFFFFCFD] =	vst v2;
	v10 =	vld [tilespmem:s9+$0xFFFFFBFC];
	v8 =	vperm.xlane v8, v5;
	v7 =	vnsel vm0, $0x0, v7;
	(xrf0) =	vadd.scan.msk.s32 $0xffff, v14  }
0x335: {  	[tilespmem:s11+$0xFFFFFDFE] =	vst v2;
	v14 =	vld [tilespmem:s9+$0xFFFFFCFD];
	(xrf0) =	vadd.scan.msk.s32 $0xffff, v7  }
0x336: {  	[tilespmem:s11+$0xFFFFFEFF] =	vst v2;
	v7 =	vadd.s32 v13, v12;
	v12 =	vld [tilespmem:s9+$0xFFFFFDFE];
	(xrf0) =	vadd.scan.msk.s32 $0xffff, v8  }
0x337: {  	[tilespmem:s11+$0x0] =	vst v2;
	v7 =	vadd.s32 v11, v7;
	v11 =	vld [tilespmem:s9+$0xFFFFFEFF]  }
0x338: {  	[tilespmem:s11+$0x101] =	vst v2;
	v7 =	vadd.s32 v9, v7;
	v9 =	vld [tilespmem:s9+$0x0]  }
0x339: {  	[tilespmem:s11+$0x202] =	vst v2;
	v7 =	vadd.s32 v10, v7;
	v10 =	vld [tilespmem:s9+$0x101]  }
0x33a: {  	[tilespmem:s11+$0x303] =	vst v2;
	v13 =	vld [tilespmem:s9+$0x202];
	v7 =	vadd.s32 v14, v7;
	v14, _, _ =	vpop (xrf0)  }
0x33b: {  	[tilespmem:s11+$0x404] =	vst v2;
	v7 =	vadd.s32 v12, v7;
	v12 =	vld [tilespmem:s9+$0x303];
	(v2sf) =	vpush v14, $0xF;
	v14, _, _ =	vpop (xrf0)  }
0x33c: {  	[tilespmem:s11+$0x505] =	vst v2;
	s12 =	spop (v2sf);
	v7 =	vadd.s32 v11, v7;
	v11 =	vld [tilespmem:s9+$0x404];
	(v2sf) =	vpush v14, $0xF;
	v14, _, _ =	vpop (xrf0)  }
0x33d: {  	[tilespmem:s11+$0x606] =	vst v2;
	s20 =	spop (v2sf);
	v7 =	vadd.s32 v9, v7;
	v9 =	vld [tilespmem:s9+$0x505];
	(v2sf) =	vpush v14, $0xF  }
0x33e: {  	[tilespmem:s11+$0x707] =	vst v2;
	s14 =	spop (v2sf);
	v7 =	vadd.s32 v10, v7;
	v10 =	vld [tilespmem:s9+$0x606]  }
0x33f: {  	s11 =	sadd.s32 s13, s14;
	v7 =	vadd.s32 v13, v7;
	v13 =	vld [tilespmem:s9+$0x707]  }
0x340: {  	v14 =	vadd.s32 s11, v14;
	v7 =	vadd.s32 v12, v7  }
0x341: {  	v8 =	vsub.s32 v14, v8;
	v7 =	vadd.s32 v11, v7  }
0x342: {  	vm0 =	vge.s32 v14, v6;
	vm1 =	vlt.s32 v8, v6;
	v7 =	vadd.s32 v9, v7  }
0x343: {  	v9 =	vadd.s32 s31, v1;
	vm0 =	vmand vm0, vm1;
	v7 =	vadd.s32 v10, v7  }
0x344: {  	v9 =	vnsel vm0, $0x0, v9;
	v7 =	vadd.s32 v13, v7  }
0x345: {  	v8 =	vnsel vm0, $0x0, v8;
	(xrf0) =	vadd.scan.msk.s32 $0xffff, v9;
	v7 =	vperm.xlane v7, v5  }
0x346: {  	(xrf0) =	vadd.scan.msk.s32 $0xffff, v8  }
0x347: {  	(xrf0) =	vadd.scan.msk.s32 $0xffff, v7;
	_ =	sdelay $0x2  }
0x348: {  	s13 =	spop (v2sf)  }
0x349: {  	v8, _, _ =	vpop (xrf0);
	s14 =	spop (v2sf)  }
0x34a: {  	v9, _, _ =	vpop (xrf0);
	s31 =	spop (v2sf)  }
0x34b: {  	v10, _, _ =	vpop (xrf0);
	s11 =	sadd.s32 s11, s31  }
0x34c: {  	v11 =	vadd.s32 s11, v10  }
0x34d: {  	v7 =	vsub.s32 v11, v7  }
0x34e: {  	vm0 =	vge.s32 v11, v6;
	vm1 =	vlt.s32 v7, v6  }
0x34f: {  	v6 =	vadd.s32 s30, v1;
	vm0 =	vmand vm0, vm1  }
0x350: {  	[tilespmem:s9+$0xFFFFF7F8] =	vst v2;
	v6 =	vnsel vm0, $0x0, v6  }
0x351: {  	[tilespmem:s9+$0xFFFFF8F9] =	vst v2;
	(xrf0) =	vadd.scan.msk.s32 $0xffff, v6  }
0x352: {  	[tilespmem:s9+$0xFFFFF9FA] =	vst v2  }
0x353: {  	[tilespmem:s9+$0xFFFFFAFB] =	vst v2  }
0x354: {  	[tilespmem:s9+$0xFFFFFBFC] =	vst v2;
	v6 =	vnsel vm0, $0x0, v7  }
0x355: {  	[tilespmem:s9+$0xFFFFFCFD] =	vst v2;
	(v2sf) =	vpush v8, $0xF  }
0x356: {  	[tilespmem:s9+$0xFFFFFDFE] =	vst v2;
	(v2sf) =	vpush v9, $0xF  }
0x357: {  	[tilespmem:s9+$0x202] =	vst v2;
	(v2sf) =	vpush v10, $0xF;
	(xrf0) =	vadd.scan.msk.s32 $0xffff, v6;
	v6, _, _ =	vpop (xrf0)  }
0x358: {  	[tilespmem:s9+$0xFFFFFEFF] =	vst v2;
	(v2sf) =	vpush v6, $0xF  }
0x359: {  	[tilespmem:s9+$0x0] =	vst v2  }
0x35a: {  	[tilespmem:s9+$0x101] =	vst v2  }
0x35b: {  	[tilespmem:s9+$0x303] =	vst v2  }
0x35c: {  	[tilespmem:s9+$0x404] =	vst v2  }
0x35d: {  	[tilespmem:s9+$0x505] =	vst v2  }
0x35e: {  	[tilespmem:s9+$0x606] =	vst v2  }
0x35f: {  	[tilespmem:s9+$0x707] =	vst v2;
	s31 =	simm.s32 $0x8080  }
0x360: {  	v8 =	vld [tilespmem:s31+$0x10]  }
0x361: {  	v9 =	vld [tilespmem:s31+$0x0]  }
0x362: {  	s4 =	sadd.s32 s5, s4;
	v10 =	vld [tilespmem:s31+$0xFFFFFFE0]  }
0x363: {  	s3 =	sadd.s32 s4, s3;
	v12 =	vld [tilespmem:s31+$0xFFFFFFF0]  }
0x364: {  	s3 =	sadd.s32 s3, s10;
	v15 =	vld [tilespmem:s31+$0x30];
	s10 =	spop (v2sf)  }
0x365: {  	s7 =	sadd.s32 s7, s6;
	s3 =	sadd.s32 s3, s12;
	v17 =	vld [tilespmem:s31+$0xFFFFFFB0];
	v6, _, _ =	vpop (xrf0);
	s11 =	spop (v2sf)  }
0x366: {  	s4 =	sadd.s32 s7, s8;
	s3 =	sadd.s32 s3, s13;
	v11 =	vld [tilespmem:s31+$0xFFFFFFD0];
	(v2sf) =	vpush v6, $0xF;
	s13 =	spop (v2sf)  }
0x367: {  	s1 =	sadd.s32 s4, s1;
	v13 =	vld [tilespmem:s31+$0x20];
	v7 =	vshra.s32 v10, $0x8;
	s3 =	sadd.s32 s3, s10;
	s4 =	spop (v2sf)  }
0x368: {  	s2 =	sshll.u32 s2, $0x8;
	v14 =	vld [tilespmem:s31+$0xFFFFFFC0];
	v16 =	vshra.s32 v8, $0x8;
	v8 =	vand.u32 $0xFF, v8;
	v20 =	vshra.s32 v9, $0x8;
	s3 =	sadd.s32 s3, s4  }
0x369: {  	v21 =	vld [tilespmem:s31+$0xFFFFFFA0];
	v19 =	vand.u32 $0xFF, v9;
	v9 =	vshra.s32 v12, $0x8;
	v12 =	vand.u32 $0xFF, v12;
	s2 =	sadd.s32 s2, s3  }
0x36a: {  	v23 =	vshra.s32 v17, $0x8;
	v17 =	vand.u32 $0xFF, v17;
	v6 =	vmov s2  }
0x36b: {  	v25 =	vand.u32 $0xFF, v15;
	v22 =	vand.u32 $0xFF, v11;
	vm2 =	veq.s32 v9, v6  }
0x36c: {  	v18 =	vshra.s32 v11, $0x8;
	vm6 =	veq.s32 v16, v6;
	v16 =	vld [tilespmem:s31+$0xFFFFFF90];
	v9 =	vadd.s32 v0, v12  }
0x36d: {  	v11 =	vand.u32 $0xFF, v10;
	v10 =	vand.u32 $0xFF, v13;
	v24 =	vadd.s32 v0, v8  }
0x36e: {  	v8 =	vshra.s32 v21, $0x8;
	v12 =	vshra.s32 v13, $0x8;
	v13 =	vshra.s32 v14, $0x8  }
0x36f: {  	vm1 =	veq.s32 v18, v6;
	v18 =	vshra.s32 v15, $0x8;
	vm0 =	veq.s32 v23, v6  }
0x370: {  	v23 =	vld [tilespmem:s31+$0xFFFFFF80];
	vm4 =	veq.s32 v8, v6;
	v15 =	vadd.s32 v0, v10;
	v10 =	vand.u32 $0xFF, v14  }
0x371: {  	v14 =	vadd.s32 v0, v19;
	vm5 =	veq.s32 v18, v6;
	v18 =	vshra.s32 v16, $0x8;
	[tilespmem:v9+s24+$0x0] =	vst.idx.add.s32.msk vm2, v4  }
0x372: {  	vm7 =	veq.s32 v20, v6;
	vm8 =	veq.s32 v12, v6;
	vm3 =	veq.s32 v18, v6;
	v18 =	vld [tilespmem:s31+$0x50]  }
0x373: {  	s1 =	sadd.s32 s1, s20;
	v12 =	vadd.s32 v0, v22;
	v8 =	vand.u32 $0xFF, v16;
	v9 =	vadd.s32 v0, v17;
	v17 =	vld [tilespmem:s31+$0x70]  }
0x374: {  	s1 =	sadd.s32 s1, s14;
	v19 =	vld [tilespmem:s31+$0x60];
	v10 =	vadd.s32 v0, v10;
	v16 =	vadd.s32 v0, v25;
	v8 =	vadd.s32 v0, v8  }
0x375: {  	s1 =	sadd.s32 s1, s11;
	s30 =	spop (v2sf);
	v20 =	vld [tilespmem:s31+$0x40];
	vm2 =	veq.s32 v13, v6;
	v13 =	vand.u32 $0xFF, v21;
	v21 =	vshra.s32 v23, $0x8  }
0x376: {  	s4 =	sadd.s32 s1, s30;
	s1 =	simm.s32 $0x0;
	s3 =	simm.s32 $0x8180;
	[tilespmem:v24+s24+$0x0] =	vst.idx.add.s32.msk vm6, v4;
	v13 =	vadd.s32 v0, v13;
	vm6 =	veq.s32 v21, v6;
	v21 =	vand.u32 $0xFF, v23  }
.LBB2_19:
0x377: {  	v22 =	vld [tilespmem:s3+$0x10];
	s1 =	sadd.s32 $0x100, s1;
	v21 =	vadd.s32 v0, v21;
	v23 =	vshra.s32 v18, $0x8;
	v18 =	vand.u32 $0xFF, v18  }
0x378: {  	p0 =	slt.u32 s1, $0x7F00;
	[tilespmem:v15+s24+$0x0] =	vst.idx.add.s32.msk vm8, v4;
	vm9 =	veq.s32 v23, v6;
	v15 =	vshra.s32 v17, $0x8;
	v17 =	vand.u32 $0xFF, v17  }
0x379: {  	vm8 =	veq.s32 v7, v6;
	[tilespmem:v16+s24+$0x0] =	vst.idx.add.s32.msk vm5, v4;
	vm5 =	veq.s32 v15, v6  }
0x37a: {  	v11 =	vadd.s32 v0, v11;
	v16 =	vadd.s32 v0, v17;
	v15 =	vld [tilespmem:s3+$0xFFFFFF90];
	v7 =	vshra.s32 v19, $0x8  }
0x37b: {  	v17 =	vld [tilespmem:s3+$0x0];
	v23 =	vshra.s32 v20, $0x8;
	vm10 =	veq.s32 v7, v6;
	v7 =	vand.u32 $0xFF, v19  }
0x37c: {  	v20 =	vand.u32 $0xFF, v20;
	v19 =	vld [tilespmem:s3+$0xFFFFFFA0];
	vm11 =	veq.s32 v23, v6;
	v7 =	vadd.s32 v0, v7  }
0x37d: {  	v20 =	vadd.s32 v0, v20;
	v23 =	vld [tilespmem:s3+$0xFFFFFFB0]  }
0x37e: {  	v24 =	vld [tilespmem:s3+$0xFFFFFFC0]  }
0x37f: {  	v18 =	vadd.s32 v0, v18;
	v25 =	vld [tilespmem:s3+$0xFFFFFFD0]  }
0x380: {  	v26 =	vld [tilespmem:s3+$0xFFFFFFE0]  }
0x381: {  	v27 =	vld [tilespmem:s3+$0xFFFFFFF0]  }
0x382: {  	[tilespmem:v14+s24+$0x0] =	vst.idx.add.s32.msk vm7, v4  }
0x383: {  	[tilespmem:v20+s24+$0x0] =	vst.idx.add.s32.msk vm11, v4  }
0x384: {  	[tilespmem:v7+s24+$0x0] =	vst.idx.add.s32.msk vm10, v4  }
0x385: {  	[tilespmem:v18+s24+$0x0] =	vst.idx.add.s32.msk vm9, v4  }
0x386: {  	v14 =	vld [tilespmem:s3+$0x20]  }
0x387: {  	v18 =	vld [tilespmem:s3+$0x30]  }
0x388: {  	v20 =	vshra.s32 v22, $0x8;
	v22 =	vand.u32 $0xFF, v22;
	v7 =	vshra.s32 v26, $0x8;
	[tilespmem:v21+s24+$0x0] =	vst.idx.add.s32.msk vm6, v4  }
0x389: {  	v28 =	vshra.s32 v17, $0x8;
	v21 =	vand.u32 $0xFF, v17;
	vm6 =	veq.s32 v20, v6;
	[tilespmem:v16+s24+$0x0] =	vst.idx.add.s32.msk vm5, v4  }
0x38a: {  	v20 =	vand.u32 $0xFF, v25;
	v17 =	vand.u32 $0xFF, v27;
	v16 =	vshra.s32 v27, $0x8;
	[tilespmem:v11+s24+$0x0] =	vst.idx.add.s32.msk vm8, v4  }
0x38b: {  	vm7 =	veq.s32 v16, v6;
	v16 =	vadd.s32 v0, v17;
	v17 =	vshra.s32 v14, $0x8;
	[tilespmem:v12+s24+$0x0] =	vst.idx.add.s32.msk vm1, v4  }
0x38c: {  	v11 =	vand.u32 $0xFF, v26;
	v12 =	vshra.s32 v25, $0x8;
	v14 =	vand.u32 $0xFF, v14;
	[tilespmem:v13+s24+$0x0] =	vst.idx.add.s32.msk vm4, v4  }
0x38d: {  	v13 =	vshra.s32 v24, $0x8;
	vm1 =	veq.s32 v12, v6;
	v12 =	vshra.s32 v18, $0x8;
	[tilespmem:v8+s24+$0x0] =	vst.idx.add.s32.msk vm3, v4  }
0x38e: {  	v22 =	vadd.s32 v0, v22;
	v8 =	vshra.s32 v23, $0x8;
	v23 =	vand.u32 $0xFF, v23;
	[tilespmem:v9+s24+$0x0] =	vst.idx.add.s32.msk vm0, v4  }
0x38f: {  	vm5 =	veq.s32 v12, v6;
	v9 =	vshra.s32 v19, $0x8;
	vm0 =	veq.s32 v8, v6;
	[tilespmem:v10+s24+$0x0] =	vst.idx.add.s32.msk vm2, v4  }
0x390: {  	v8 =	vshra.s32 v15, $0x8;
	vm4 =	veq.s32 v9, v6;
	v10 =	vand.u32 $0xFF, v18;
	v25 =	vld [tilespmem:s3+$0xFFFFFF80]  }
0x391: {  	vm3 =	veq.s32 v8, v6;
	v8 =	vand.u32 $0xFF, v15;
	v15 =	vadd.s32 v0, v14;
	[tilespmem:v16+s24+$0x0] =	vst.idx.add.s32.msk vm7, v4  }
.Ltmp9:
0x392: {  	vm8 =	veq.s32 v17, v6;
	vm2 =	veq.s32 v13, v6;
	v8 =	vadd.s32 v0, v8;
	v18 =	vld [tilespmem:s3+$0x50];
	(pc) =	sbr.rel @p0 .LBB2_19-.Ltmp9, $4  }
0x393: {  	v9 =	vadd.s32 v0, v23;
	v23 =	vand.u32 $0xFF, v24;
	v16 =	vadd.s32 v0, v10;
	v17 =	vld [tilespmem:s3+$0x70]  }
0x394: {  	v12 =	vadd.s32 v0, v20;
	v14 =	vadd.s32 v0, v21;
	v10 =	vand.u32 $0xFF, v19;
	[tilespmem:v22+s24+$0x0] =	vst.idx.add.s32.msk vm6, v4  }
0x395: {  	v13 =	vadd.s32 v0, v10;
	v10 =	vadd.s32 v0, v23;
	v20 =	vshra.s32 v25, $0x8;
	v19 =	vld [tilespmem:s3+$0x60]  }
0x396: {  	vm7 =	veq.s32 v28, v6;
	v21 =	vand.u32 $0xFF, v25;
	vm6 =	veq.s32 v20, v6;
	v20 =	vld [tilespmem:s3+$0x40];
	s3 =	sadd.s32 $0x100, s3  }
0x397: {  	_ =	sdelay $0x4  }
0x398: {  	[tilespmem:v15+s24+$0x0] =	vst.idx.add.s32.msk vm8, v4  }
0x399: {  	[tilespmem:v16+s24+$0x0] =	vst.idx.add.s32.msk vm5, v4  }
0x39a: {  	v52 =	vshra.s32 v18, $0x8;
	v55 =	vadd.s32 v0, v21;
	vm15 =	veq.s32 v7, v6;
	[tilespmem:v14+s24+$0x0] =	vst.idx.add.s32.msk vm7, v4  }
0x39b: {  	v54 =	vand.u32 $0xFF, v18;
	v7 =	vadd.s32 v0, v11;
	[tilespmem:v12+s24+$0x0] =	vst.idx.add.s32.msk vm1, v4;
	vm11 =	veq.s32 v52, v6  }
0x39c: {  	[tilespmem:v13+s24+$0x0] =	vst.idx.add.s32.msk vm4, v4;
	v15 =	vshra.s32 v17, $0x8;
	v18 =	vadd.s32 v0, v54;
	v22 =	vshra.s32 v19, $0x8  }
0x39d: {  	[tilespmem:v8+s24+$0x0] =	vst.idx.add.s32.msk vm3, v4;
	v56 =	vand.u32 $0xFF, v17;
	v53 =	vand.u32 $0xFF, v19;
	vm9 =	veq.s32 v22, v6  }
0x39e: {  	[tilespmem:v9+s24+$0x0] =	vst.idx.add.s32.msk vm0, v4;
	vm14 =	veq.s32 v15, v6;
	v23 =	vshra.s32 v20, $0x8;
	v19 =	vadd.s32 v0, v53  }
0x39f: {  	[tilespmem:v10+s24+$0x0] =	vst.idx.add.s32.msk vm2, v4;
	v51 =	vand.u32 $0xFF, v20;
	vm10 =	veq.s32 v23, v6;
	v6 =	vadd.s32 v0, v56  }
0x3a0: {  	v20 =	vadd.s32 v0, v51;
	[tilespmem:v55+s24+$0x0] =	vst.idx.add.s32.msk vm6, v4  }
0x3a1: {  	[tilespmem:v7+s24+$0x0] =	vst.idx.add.s32.msk vm15, v4  }
0x3a2: {  	[tilespmem:v18+s24+$0x0] =	vst.idx.add.s32.msk vm11, v4  }
0x3a3: {  	[tilespmem:v19+s24+$0x0] =	vst.idx.add.s32.msk vm9, v4  }
0x3a4: {  	[tilespmem:v6+s24+$0x0] =	vst.idx.add.s32.msk vm14, v4  }
0x3a5: {  	s3 =	simm.s32 $0x188F8;
	[tilespmem:v20+s24+$0x0] =	vst.idx.add.s32.msk vm10, v4  }
0x3a6: {  	v7 =	vld [tilespmem:s3+$0xFFFFF7F8]  }
0x3a7: {  	v8 =	vld [tilespmem:s3+$0xFFFFF8F9]  }
0x3a8: {  	v9 =	vld [tilespmem:s3+$0xFFFFF9FA]  }
0x3a9: {  	v10 =	vld [tilespmem:s3+$0xFFFFFAFB]  }
0x3aa: {  	v11 =	vld [tilespmem:s3+$0xFFFFFBFC]  }
0x3ab: {  	v12 =	vld [tilespmem:s3+$0xFFFFFCFD]  }
0x3ac: {  	[tilespmem:s3+$0xFFFFF7F8] =	vst v2;
	v13 =	vld [tilespmem:s3+$0xFFFFFDFE]  }
0x3ad: {  	[tilespmem:s3+$0xFFFFF8F9] =	vst v2;
	v14 =	vld [tilespmem:s3+$0xFFFFFEFF]  }
0x3ae: {  	s5 =	simm.s32 $0x188E8;
	v15 =	vld [tilespmem:s3+$0x0];
	[tilespmem:s3+$0x0] =	vst v2  }
0x3af: {  	[tilespmem:s3+$0xFFFFF9FA] =	vst v2;
	v16 =	vld [tilespmem:s5+$0x0]  }
0x3b0: {  	[tilespmem:s3+$0xFFFFFAFB] =	vst v2;
	v7 =	vadd.s32 v7, v8;
	v8 =	vld [tilespmem:s3+$0x101]  }
0x3b1: {  	[tilespmem:s3+$0x101] =	vst v2;
	v7 =	vadd.s32 v9, v7;
	v9 =	vld [tilespmem:s3+$0x202]  }
0x3b2: {  	[tilespmem:s3+$0xFFFFFBFC] =	vst v2;
	v57 =	vld [tilespmem:s5+$0x101];
	v7 =	vadd.s32 v10, v7  }
0x3b3: {  	s20 =	simm.s32 $0x188D8;
	[tilespmem:s5+$0x101] =	vst v2;
	v10 =	vld [tilespmem:s3+$0x303];
	v7 =	vadd.s32 v11, v7  }
0x3b4: {  	[tilespmem:s3+$0xFFFFFCFD] =	vst v2;
	v60 =	vld [tilespmem:s20+$0x101];
	v7 =	vadd.s32 v12, v7  }
0x3b5: {  	[tilespmem:s3+$0xFFFFFDFE] =	vst v2;
	v11 =	vld [tilespmem:s3+$0x404];
	v7 =	vadd.s32 v13, v7  }
0x3b6: {  	[tilespmem:s3+$0xFFFFFEFF] =	vst v2;
	v12 =	vld [tilespmem:s3+$0x505];
	v7 =	vadd.s32 v14, v7  }
0x3b7: {  	[tilespmem:s5+$0x0] =	vst v2;
	v13 =	vld [tilespmem:s3+$0x606];
	v7 =	vadd.s32 v15, v7  }
0x3b8: {  	[tilespmem:s3+$0x202] =	vst v2;
	v14 =	vld [tilespmem:s3+$0x707];
	v7 =	vadd.s32 v8, v7  }
0x3b9: {  	[tilespmem:s3+$0x303] =	vst v2;
	v15 =	vld [tilespmem:s5+$0xFFFFF7F8];
	v7 =	vadd.s32 v9, v7  }
0x3ba: {  	[tilespmem:s5+$0xFFFFF7F8] =	vst v2;
	v8 =	vld [tilespmem:s5+$0xFFFFF8F9];
	v7 =	vadd.s32 v10, v7  }
0x3bb: {  	[tilespmem:s20+$0x101] =	vst v2;
	v18 =	vld [tilespmem:s20+$0xFFFFF7F8];
	v7 =	vadd.s32 v11, v7  }
0x3bc: {  	[tilespmem:s5+$0xFFFFF8F9] =	vst v2;
	v9 =	vld [tilespmem:s5+$0xFFFFF9FA];
	v7 =	vadd.s32 v12, v7  }
0x3bd: {  	[tilespmem:s3+$0x404] =	vst v2;
	v58 =	vld [tilespmem:s20+$0xFFFFF8F9];
	v7 =	vadd.s32 v13, v7  }
0x3be: {  	[tilespmem:s3+$0x505] =	vst v2;
	v10 =	vld [tilespmem:s5+$0xFFFFFAFB];
	v7 =	vadd.s32 v14, v7  }
0x3bf: {  	[tilespmem:s3+$0x606] =	vst v2;
	v11 =	vld [tilespmem:s5+$0xFFFFFBFC];
	v7 =	vperm.xlane v7, v5  }
0x3c0: {  	[tilespmem:s3+$0x707] =	vst v2;
	v12 =	vld [tilespmem:s5+$0xFFFFFCFD]  }
0x3c1: {  	[tilespmem:s20+$0xFFFFF7F8] =	vst v2;
	v13 =	vld [tilespmem:s5+$0xFFFFFDFE];
	v8 =	vadd.s32 v15, v8;
	(xrf0) =	vadd.scan.msk.s32 $0xffff, v7  }
0x3c2: {  	s3 =	simm.s32 $0x188C8;
	[tilespmem:s5+$0xFFFFF9FA] =	vst v2;
	v14 =	vld [tilespmem:s5+$0xFFFFFEFF];
	v8 =	vadd.s32 v9, v8  }
0x3c3: {  	[tilespmem:s20+$0xFFFFF8F9] =	vst v2;
	v61 =	vld [tilespmem:s3+$0xFFFFF7F8];
	v8 =	vadd.s32 v10, v8  }
0x3c4: {  	[tilespmem:s3+$0xFFFFF7F8] =	vst v2;
	v59 =	vld [tilespmem:s20+$0xFFFFF9FA];
	v8 =	vadd.s32 v11, v8  }
0x3c5: {  	[tilespmem:s5+$0xFFFFFAFB] =	vst v2;
	v15 =	vld [tilespmem:s5+$0x202];
	v8 =	vadd.s32 v12, v8  }
0x3c6: {  	[tilespmem:s20+$0xFFFFF9FA] =	vst v2;
	v9 =	vld [tilespmem:s5+$0x303];
	v8 =	vadd.s32 v13, v8  }
0x3c7: {  	[tilespmem:s5+$0xFFFFFBFC] =	vst v2;
	v10 =	vld [tilespmem:s5+$0x404];
	v8 =	vadd.s32 v14, v8;
	v14, _, _ =	vpop (xrf0)  }
0x3c8: {  	[tilespmem:s5+$0xFFFFFCFD] =	vst v2;
	v11 =	vld [tilespmem:s5+$0x505];
	v8 =	vadd.s32 v16, v8;
	(v2sf) =	vpush v14, $0xF  }
0x3c9: {  	s0 =	ssub.s32 s0, s4;
	[tilespmem:s5+$0xFFFFFDFE] =	vst v2;
	v12 =	vld [tilespmem:s5+$0x606];
	v8 =	vadd.s32 v57, v8  }
0x3ca: {  	v6 =	vmov s0;
	s0 =	simm.s32 $0x0;
	[tilespmem:s5+$0x202] =	vst v2;
	v13 =	vld [tilespmem:s5+$0x707];
	v8 =	vadd.s32 v15, v8  }
0x3cb: {  	[tilespmem:s5+$0xFFFFFEFF] =	vst v2;
	v8 =	vadd.s32 v9, v8;
	v14 =	vadd.s32 s0, v14  }
0x3cc: {  	[tilespmem:s5+$0x303] =	vst v2;
	v15 =	vld [tilespmem:s20+$0xFFFFFAFB];
	v8 =	vadd.s32 v10, v8;
	v7 =	vsub.s32 v14, v7  }
0x3cd: {  	s1 =	simm.s32 $0xFF;
	[tilespmem:s5+$0x404] =	vst v2;
	v9 =	vld [tilespmem:s20+$0xFFFFFBFC];
	vm12 =	vge.s32 v14, v6;
	vm13 =	vlt.s32 v7, v6;
	v7 =	vadd.s32 v11, v8  }
0x3ce: {  	[tilespmem:s5+$0x505] =	vst v2;
	v10 =	vld [tilespmem:s20+$0xFFFFFCFD];
	vm0 =	vmand vm12, vm13;
	v7 =	vadd.s32 v12, v7;
	v12 =	vadd.s32 s1, v1  }
0x3cf: {  	[tilespmem:s5+$0x606] =	vst v2;
	v7 =	vadd.s32 v13, v7;
	v13 =	vadd.s32 v18, v58;
	v12 =	vnsel vm0, $0x0, v12  }
0x3d0: {  	[tilespmem:s5+$0x707] =	vst v2;
	v13 =	vadd.s32 v59, v13;
	(xrf0) =	vadd.scan.msk.s32 $0xffff, v12  }
0x3d1: {  	[tilespmem:s20+$0xFFFFFAFB] =	vst v2;
	v8 =	vld [tilespmem:s20+$0xFFFFFDFE];
	v7 =	vperm.xlane v7, v5;
	v12 =	vadd.s32 v15, v13  }
0x3d2: {  	[tilespmem:s20+$0xFFFFFBFC] =	vst v2;
	v9 =	vadd.s32 v9, v12  }
0x3d3: {  	[tilespmem:s20+$0xFFFFFCFD] =	vst v2;
	v11 =	vld [tilespmem:s20+$0xFFFFFEFF];
	(xrf0) =	vadd.scan.msk.s32 $0xffff, v7;
	v9 =	vadd.s32 v10, v9  }
0x3d4: {  	v14 =	vld [tilespmem:s20+$0x0];
	[tilespmem:s20+$0x0] =	vst v2  }
0x3d5: {  	[tilespmem:s20+$0xFFFFFDFE] =	vst v2;
	v13 =	vld [tilespmem:s20+$0x202]  }
0x3d6: {  	[tilespmem:s20+$0xFFFFFEFF] =	vst v2;
	v15 =	vld [tilespmem:s20+$0x505];
	v8 =	vadd.s32 v8, v9;
	v9, _, _ =	vpop (xrf0)  }
0x3d7: {  	[tilespmem:s20+$0x202] =	vst v2;
	v12 =	vld [tilespmem:s20+$0x303];
	s30 =	spop (v2sf);
	(v2sf) =	vpush v9, $0xF  }
0x3d8: {  	[tilespmem:s20+$0x505] =	vst v2;
	v10 =	vld [tilespmem:s20+$0x404];
	v8 =	vadd.s32 v11, v8  }
0x3d9: {  	[tilespmem:s20+$0x303] =	vst v2;
	v8 =	vadd.s32 v14, v8;
	v62, _, _ =	vpop (xrf0)  }
0x3da: {  	[tilespmem:s20+$0x404] =	vst v2;
	v11 =	vld [tilespmem:s20+$0x606];
	v8 =	vadd.s32 v60, v8;
	s8 =	sadd.s32 $0x0, s30;
	(v2sf) =	vpush v62, $0xF  }
0x3db: {  	[tilespmem:s20+$0x606] =	vst v2;
	v14 =	vld [tilespmem:s20+$0x707];
	v8 =	vadd.s32 v13, v8;
	v63 =	vadd.s32 s8, v62  }
0x3dc: {  	[tilespmem:s20+$0x707] =	vst v2;
	v12 =	vadd.s32 v12, v8;
	v7 =	vsub.s32 v63, v7  }
0x3dd: {  	s31 =	simm.s32 $0xEF;
	v13 =	vld [tilespmem:s3+$0xFFFFF8F9];
	[tilespmem:s3+$0xFFFFF8F9] =	vst v2;
	v10 =	vadd.s32 v10, v12;
	vm14 =	vge.s32 v63, v6;
	vm15 =	vlt.s32 v7, v6  }
0x3de: {  	v8 =	vld [tilespmem:s3+$0xFFFFF9FA];
	[tilespmem:s3+$0xFFFFF9FA] =	vst v2;
	v12 =	vadd.s32 s31, v1;
	v7 =	vadd.s32 v15, v10;
	vm0 =	vmand vm14, vm15  }
0x3df: {  	v9 =	vld [tilespmem:s3+$0xFFFFFAFB];
	[tilespmem:s3+$0xFFFFFAFB] =	vst v2;
	v7 =	vadd.s32 v11, v7;
	v15 =	vnsel vm0, $0x0, v12  }
0x3e0: {  	v10 =	vld [tilespmem:s3+$0xFFFFFBFC];
	[tilespmem:s3+$0xFFFFFBFC] =	vst v2;
	v7 =	vadd.s32 v14, v7;
	(xrf0) =	vadd.scan.msk.s32 $0xffff, v15  }
0x3e1: {  	s9 =	simm.s32 $0xDF;
	s4 =	simm.s32 $0xBF;
	s7 =	simm.s32 $0xAF;
	v11 =	vld [tilespmem:s3+$0xFFFFFCFD];
	[tilespmem:s3+$0xFFFFFCFD] =	vst v2;
	v7 =	vperm.xlane v7, v5  }
0x3e2: {  	s6 =	simm.s32 $0x8F;
	s5 =	simm.s32 $0x9F;
	s1 =	simm.s32 $0xCF;
	v13 =	vadd.s32 v61, v13;
	v12 =	vld [tilespmem:s3+$0xFFFFFDFE];
	[tilespmem:s3+$0xFFFFFDFE] =	vst v2  }
.LBB2_21:
0x3e3: {  	p0 =	sne.s32 s6, $0xF;
	v8 =	vadd.s32 v8, v13;
	v13 =	vld [tilespmem:s3+$0xFFFFFEFF];
	[tilespmem:s3+$0xFFFFFEFF] =	vst v2;
	(xrf0) =	vadd.scan.msk.s32 $0xffff, v7  }
0x3e4: {  	v8 =	vadd.s32 v9, v8;
	v9 =	vld [tilespmem:s3+$0x0];
	[tilespmem:s3+$0x0] =	vst v2  }
0x3e5: {  	v8 =	vadd.s32 v10, v8;
	v10 =	vld [tilespmem:s3+$0x101];
	[tilespmem:s3+$0x101] =	vst v2  }
0x3e6: {  	v8 =	vadd.s32 v11, v8;
	v11 =	vld [tilespmem:s3+$0x202];
	[tilespmem:s3+$0x202] =	vst v2;
	v14, _, _ =	vpop (xrf0);
	s10 =	spop (v2sf)  }
0x3e7: {  	v8 =	vadd.s32 v12, v8;
	v12 =	vld [tilespmem:s3+$0x303];
	[tilespmem:s3+$0x303] =	vst v2;
	(v2sf) =	vpush v14, $0xF;
	s0 =	sadd.s32 s0, s10  }
0x3e8: {  	v8 =	vadd.s32 v13, v8;
	v13 =	vld [tilespmem:s3+$0x404];
	[tilespmem:s3+$0x404] =	vst v2  }
0x3e9: {  	v8 =	vadd.s32 v9, v8;
	v9 =	vld [tilespmem:s3+$0x505];
	[tilespmem:s3+$0x505] =	vst v2;
	v14, _, _ =	vpop (xrf0);
	s10 =	spop (v2sf)  }
0x3ea: {  	v8 =	vadd.s32 v10, v8;
	v10 =	vld [tilespmem:s3+$0x606];
	[tilespmem:s3+$0x606] =	vst v2;
	(v2sf) =	vpush v14, $0xF;
	s8 =	sadd.s32 s8, s10  }
0x3eb: {  	v8 =	vadd.s32 v11, v8;
	v11 =	vld [tilespmem:s3+$0x707];
	[tilespmem:s3+$0x707] =	vst v2;
	s3 =	sadd.s32 $0xFFFFFFF0, s3;
	v14 =	vadd.s32 s8, v14  }
0x3ec: {  	v15 =	vld [tilespmem:s3+$0xFFFFF7F8];
	[tilespmem:s3+$0xFFFFF7F8] =	vst v2;
	v8 =	vadd.s32 v12, v8;
	v7 =	vsub.s32 v14, v7;
	vm0 =	vge.s32 v14, v6  }
0x3ed: {  	v12 =	vld [tilespmem:s3+$0xFFFFF8F9];
	[tilespmem:s3+$0xFFFFF8F9] =	vst v2;
	v13 =	vadd.s32 v13, v8;
	vm1 =	vlt.s32 v7, v6  }
.Ltmp10:
0x3ee: {  	v8 =	vld [tilespmem:s3+$0xFFFFF9FA];
	[tilespmem:s3+$0xFFFFF9FA] =	vst v2;
	v7 =	vadd.s32 v9, v13;
	vm0 =	vmand vm0, vm1;
	v13 =	vadd.s32 s9, v1;
	s9 =	smov.u32 s1;
	s1 =	smov.u32 s4;
	(pc) =	sbr.rel @p0 .LBB2_21-.Ltmp10, $4  }
0x3ef: {  	s4 =	smov.u32 s7;
	s7 =	smov.u32 s5;
	s5 =	smov.u32 s6;
	v9 =	vld [tilespmem:s3+$0xFFFFFAFB];
	[tilespmem:s3+$0xFFFFFAFB] =	vst v2;
	v7 =	vadd.s32 v10, v7;
	v13 =	vnsel vm0, $0x0, v13  }
0x3f0: {  	v10 =	vld [tilespmem:s3+$0xFFFFFBFC];
	[tilespmem:s3+$0xFFFFFBFC] =	vst v2;
	v7 =	vadd.s32 v11, v7;
	(xrf0) =	vadd.scan.msk.s32 $0xffff, v13  }
0x3f1: {  	v11 =	vld [tilespmem:s3+$0xFFFFFCFD];
	[tilespmem:s3+$0xFFFFFCFD] =	vst v2;
	v7 =	vperm.xlane v7, v5  }
0x3f2: {  	s6 =	sadd.s32 $0xFFFFFFF0, s6;
	v13 =	vadd.s32 v15, v12;
	v12 =	vld [tilespmem:s3+$0xFFFFFDFE];
	[tilespmem:s3+$0xFFFFFDFE] =	vst v2  }
0x3f3: {  	v14 =	vld [tilespmem:s3+$0xFFFFFEFF]  }
0x3f4: {  	v15 =	vld [tilespmem:s3+$0x0]  }
0x3f5: {  	v8 =	vadd.s32 v8, v13;
	v13 =	vld [tilespmem:s3+$0x101]  }
0x3f6: {  	s10 =	sadd.s32 $0xFFFFFFF0, s3;
	[tilespmem:s3+$0xFFFFFEFF] =	vst v2;
	v8 =	vadd.s32 v9, v8;
	v9 =	vld [tilespmem:s3+$0x202]  }
0x3f7: {  	(xrf0) =	vadd.scan.msk.s32 $0xffff, v7;
	v58 =	vld [tilespmem:s10+$0xFFFFFEFF];
	v8 =	vadd.s32 v10, v8  }
0x3f8: {  	v10 =	vld [tilespmem:s3+$0x303];
	v8 =	vadd.s32 v11, v8  }
0x3f9: {  	v11 =	vld [tilespmem:s3+$0x404];
	v8 =	vadd.s32 v12, v8  }
0x3fa: {  	v12 =	vld [tilespmem:s3+$0x505];
	v8 =	vadd.s32 v14, v8  }
0x3fb: {  	v14 =	vld [tilespmem:s3+$0x606];
	v8 =	vadd.s32 v15, v8  }
0x3fc: {  	v16, _, _ =	vpop (xrf0);
	s6 =	spop (v2sf);
	v15 =	vld [tilespmem:s3+$0x707];
	v8 =	vadd.s32 v13, v8  }
0x3fd: {  	(v2sf) =	vpush v16, $0xF;
	v57, _, _ =	vpop (xrf0);
	s11 =	spop (v2sf);
	[tilespmem:s3+$0x707] =	vst v2;
	v13 =	vld [tilespmem:s10+$0xFFFFF7F8];
	v8 =	vadd.s32 v9, v8  }
0x3fe: {  	(v2sf) =	vpush v57, $0xF;
	s8 =	sadd.s32 s8, s11;
	v60 =	vld [tilespmem:s10+$0x707];
	v8 =	vadd.s32 v10, v8  }
0x3ff: {  	v9 =	vld [tilespmem:s10+$0xFFFFF8F9];
	v16 =	vadd.s32 s8, v57;
	v8 =	vadd.s32 v11, v8  }
0x400: {  	v10 =	vld [tilespmem:s10+$0xFFFFF9FA];
	v7 =	vsub.s32 v16, v7;
	v8 =	vadd.s32 v12, v8  }
0x401: {  	vm0 =	vge.s32 v16, v6;
	v11 =	vld [tilespmem:s10+$0xFFFFFAFB];
	vm1 =	vlt.s32 v7, v6;
	v7 =	vadd.s32 v14, v8  }
0x402: {  	v12 =	vld [tilespmem:s10+$0xFFFFFBFC];
	vm0 =	vmand vm0, vm1;
	v14 =	vadd.s32 s9, v1;
	v7 =	vadd.s32 v15, v7  }
0x403: {  	v8 =	vld [tilespmem:s10+$0xFFFFFCFD];
	v14 =	vnsel vm0, $0x0, v14;
	v7 =	vperm.xlane v7, v5  }
0x404: {  	[tilespmem:s3+$0x101] =	vst v2;
	v15 =	vld [tilespmem:s10+$0xFFFFFDFE];
	(xrf0) =	vadd.scan.msk.s32 $0xffff, v14  }
0x405: {  	[tilespmem:s3+$0x0] =	vst v2;
	v9 =	vadd.s32 v13, v9;
	v13 =	vld [tilespmem:s10+$0x101];
	(xrf0) =	vadd.scan.msk.s32 $0xffff, v7  }
0x406: {  	[tilespmem:s3+$0x202] =	vst v2;
	v14 =	vld [tilespmem:s10+$0x0];
	v9 =	vadd.s32 v10, v9  }
0x407: {  	[tilespmem:s3+$0x303] =	vst v2;
	v10 =	vld [tilespmem:s10+$0x202];
	v9 =	vadd.s32 v11, v9  }
0x408: {  	[tilespmem:s3+$0x404] =	vst v2;
	v11 =	vld [tilespmem:s10+$0x303];
	v9 =	vadd.s32 v12, v9  }
0x409: {  	[tilespmem:s3+$0x505] =	vst v2;
	v12 =	vld [tilespmem:s10+$0x404];
	v8 =	vadd.s32 v8, v9  }
0x40a: {  	[tilespmem:s3+$0x606] =	vst v2;
	v9 =	vld [tilespmem:s10+$0x505];
	v8 =	vadd.s32 v15, v8;
	v17, _, _ =	vpop (xrf0)  }
0x40b: {  	s12 =	sadd.s32 $0xFFFFFFF0, s10;
	[tilespmem:s10+$0xFFFFF7F8] =	vst v2;
	v15 =	vld [tilespmem:s10+$0x606];
	v8 =	vadd.s32 v58, v8;
	(v2sf) =	vpush v17, $0xF;
	v59, _, _ =	vpop (xrf0)  }
0x40c: {  	[tilespmem:s10+$0xFFFFF8F9] =	vst v2;
	s3 =	spop (v2sf);
	v8 =	vadd.s32 v14, v8;
	v14 =	vld [tilespmem:s12+$0xFFFFF7F8];
	(v2sf) =	vpush v59, $0xF  }
0x40d: {  	[tilespmem:s10+$0xFFFFF9FA] =	vst v2;
	v8 =	vadd.s32 v13, v8;
	v13 =	vld [tilespmem:s12+$0xFFFFF8F9];
	s13 =	spop (v2sf)  }
0x40e: {  	[tilespmem:s10+$0xFFFFFAFB] =	vst v2;
	v8 =	vadd.s32 v10, v8;
	v10 =	vld [tilespmem:s12+$0xFFFFF9FA];
	s11 =	sadd.s32 s8, s13  }
0x40f: {  	[tilespmem:s10+$0xFFFFFBFC] =	vst v2;
	v8 =	vadd.s32 v11, v8;
	v11 =	vld [tilespmem:s12+$0xFFFFFAFB];
	v16 =	vadd.s32 s11, v59  }
0x410: {  	[tilespmem:s10+$0xFFFFFCFD] =	vst v2;
	v8 =	vadd.s32 v12, v8;
	v12 =	vld [tilespmem:s12+$0xFFFFFBFC];
	v7 =	vsub.s32 v16, v7  }
0x411: {  	[tilespmem:s10+$0xFFFFFDFE] =	vst v2;
	vm0 =	vge.s32 v16, v6;
	vm1 =	vlt.s32 v7, v6;
	v7 =	vadd.s32 v9, v8;
	v8 =	vld [tilespmem:s12+$0xFFFFFCFD]  }
0x412: {  	[tilespmem:s10+$0xFFFFFEFF] =	vst v2;
	v9 =	vadd.s32 v14, v13;
	v13 =	vld [tilespmem:s12+$0xFFFFFDFE];
	v14 =	vadd.s32 s1, v1;
	v7 =	vadd.s32 v15, v7  }
0x413: {  	[tilespmem:s10+$0x0] =	vst v2;
	vm0 =	vmand vm0, vm1;
	v9 =	vadd.s32 v10, v9;
	v10 =	vld [tilespmem:s12+$0xFFFFFEFF];
	v7 =	vadd.s32 v60, v7  }
0x414: {  	[tilespmem:s10+$0x101] =	vst v2;
	v14 =	vnsel vm0, $0x0, v14;
	v9 =	vadd.s32 v11, v9;
	v11 =	vld [tilespmem:s12+$0x0];
	v7 =	vperm.xlane v7, v5  }
0x415: {  	[tilespmem:s10+$0x202] =	vst v2;
	(xrf0) =	vadd.scan.msk.s32 $0xffff, v14;
	v9 =	vadd.s32 v12, v9;
	v12 =	vld [tilespmem:s12+$0x101]  }
0x416: {  	[tilespmem:s10+$0x303] =	vst v2;
	(xrf0) =	vadd.scan.msk.s32 $0xffff, v7;
	v8 =	vadd.s32 v8, v9;
	v9 =	vld [tilespmem:s12+$0x202]  }
0x417: {  	[tilespmem:s10+$0x404] =	vst v2;
	v8 =	vadd.s32 v13, v8;
	v13 =	vld [tilespmem:s12+$0x303]  }
0x418: {  	[tilespmem:s10+$0x505] =	vst v2;
	v8 =	vadd.s32 v10, v8;
	v10 =	vld [tilespmem:s12+$0x404]  }
0x419: {  	[tilespmem:s10+$0x606] =	vst v2;
	v8 =	vadd.s32 v11, v8;
	v11 =	vld [tilespmem:s12+$0x505]  }
0x41a: {  	[tilespmem:s10+$0x707] =	vst v2;
	v8 =	vadd.s32 v12, v8;
	v12 =	vld [tilespmem:s12+$0x606];
	s8 =	spop (v2sf)  }
0x41b: {  	v14, _, _ =	vpop (xrf0);
	v8 =	vadd.s32 v9, v8;
	v9 =	vld [tilespmem:s12+$0x707];
	s14 =	spop (v2sf)  }
0x41c: {  	s30 =	sadd.s32 $0xFFFFFFF0, s12;
	[tilespmem:s12+$0xFFFFF8F9] =	vst v2;
	(v2sf) =	vpush v14, $0xF;
	v14, _, _ =	vpop (xrf0);
	v8 =	vadd.s32 v13, v8;
	s20 =	sadd.s32 s11, s14  }
0x41d: {  	[tilespmem:s12+$0xFFFFF7F8] =	vst v2;
	(v2sf) =	vpush v14, $0xF;
	v8 =	vadd.s32 v10, v8;
	v10 =	vld [tilespmem:s30+$0xFFFFF8F9];
	v13 =	vadd.s32 s20, v14  }
0x41e: {  	[tilespmem:s12+$0xFFFFF9FA] =	vst v2;
	v8 =	vadd.s32 v11, v8;
	v14 =	vld [tilespmem:s30+$0xFFFFF7F8];
	v7 =	vsub.s32 v13, v7  }
0x41f: {  	[tilespmem:s12+$0xFFFFFAFB] =	vst v2;
	v8 =	vadd.s32 v12, v8;
	vm0 =	vge.s32 v13, v6;
	vm1 =	vlt.s32 v7, v6;
	v7 =	vld [tilespmem:s30+$0xFFFFF9FA]  }
0x420: {  	[tilespmem:s12+$0xFFFFFBFC] =	vst v2;
	v11 =	vadd.s32 s4, v1;
	v12 =	vld [tilespmem:s30+$0xFFFFFAFB];
	v8 =	vadd.s32 v9, v8;
	vm0 =	vmand vm0, vm1  }
0x421: {  	[tilespmem:s12+$0xFFFFFCFD] =	vst v2;
	v8 =	vperm.xlane v8, v5;
	v9 =	vnsel vm0, $0x0, v11;
	v11 =	vld [tilespmem:s30+$0xFFFFFBFC]  }
0x422: {  	[tilespmem:s12+$0xFFFFFDFE] =	vst v2;
	(xrf0) =	vadd.scan.msk.s32 $0xffff, v9;
	v9 =	vld [tilespmem:s30+$0xFFFFFCFD]  }
0x423: {  	[tilespmem:s12+$0xFFFFFEFF] =	vst v2;
	v13 =	vld [tilespmem:s30+$0xFFFFFDFE];
	v10 =	vadd.s32 v14, v10;
	(xrf0) =	vadd.scan.msk.s32 $0xffff, v8  }
0x424: {  	[tilespmem:s12+$0x0] =	vst v2;
	v7 =	vadd.s32 v7, v10;
	v10 =	vld [tilespmem:s30+$0xFFFFFEFF]  }
0x425: {  	[tilespmem:s12+$0x101] =	vst v2;
	v7 =	vadd.s32 v12, v7;
	v12 =	vld [tilespmem:s30+$0x0]  }
0x426: {  	[tilespmem:s12+$0x202] =	vst v2;
	v7 =	vadd.s32 v11, v7;
	v11 =	vld [tilespmem:s30+$0x101]  }
0x427: {  	[tilespmem:s12+$0x303] =	vst v2;
	v7 =	vadd.s32 v9, v7;
	v9 =	vld [tilespmem:s30+$0x202]  }
0x428: {  	[tilespmem:s12+$0x404] =	vst v2;
	v14, _, _ =	vpop (xrf0);
	v7 =	vadd.s32 v13, v7;
	v13 =	vld [tilespmem:s30+$0x303]  }
0x429: {  	[tilespmem:s12+$0x505] =	vst v2;
	(v2sf) =	vpush v14, $0xF;
	v7 =	vadd.s32 v10, v7;
	v10 =	vld [tilespmem:s30+$0x404];
	v14, _, _ =	vpop (xrf0)  }
0x42a: {  	[tilespmem:s12+$0x606] =	vst v2;
	v7 =	vadd.s32 v12, v7;
	v12 =	vld [tilespmem:s30+$0x505];
	(v2sf) =	vpush v14, $0xF  }
0x42b: {  	[tilespmem:s12+$0x707] =	vst v2;
	s31 =	spop (v2sf);
	v7 =	vadd.s32 v11, v7;
	v11 =	vld [tilespmem:s30+$0x606]  }
0x42c: {  	s11 =	spop (v2sf);
	v7 =	vadd.s32 v9, v7;
	v9 =	vld [tilespmem:s30+$0x707]  }
0x42d: {  	s9 =	sadd.s32 s20, s11;
	v7 =	vadd.s32 v13, v7  }
0x42e: {  	v13 =	vadd.s32 s9, v14;
	v7 =	vadd.s32 v10, v7  }
0x42f: {  	v8 =	vsub.s32 v13, v8;
	v7 =	vadd.s32 v12, v7  }
0x430: {  	vm0 =	vge.s32 v13, v6;
	vm1 =	vlt.s32 v8, v6;
	v7 =	vadd.s32 v11, v7  }
0x431: {  	v8 =	vadd.s32 s7, v1;
	vm0 =	vmand vm0, vm1;
	v7 =	vadd.s32 v9, v7  }
0x432: {  	v8 =	vnsel vm0, $0x0, v8;
	v7 =	vperm.xlane v7, v5  }
0x433: {  	(xrf0) =	vadd.scan.msk.s32 $0xffff, v8  }
0x434: {  	(xrf0) =	vadd.scan.msk.s32 $0xffff, v7;
	_ =	sdelay $0x1  }
0x435: {  	[tilespmem:s30+$0xFFFFF8F9] =	vst v2  }
0x436: {  	[tilespmem:s30+$0xFFFFF7F8] =	vst v2  }
0x437: {  	[tilespmem:s30+$0xFFFFFAFB] =	vst v2;
	s12 =	spop (v2sf)  }
0x438: {  	[tilespmem:s30+$0xFFFFFDFE] =	vst v2;
	v8, _, _ =	vpop (xrf0);
	s13 =	spop (v2sf)  }
0x439: {  	[tilespmem:s30+$0xFFFFF9FA] =	vst v2;
	s9 =	sadd.s32 s9, s13;
	v9, _, _ =	vpop (xrf0)  }
0x43a: {  	[tilespmem:s30+$0xFFFFFBFC] =	vst v2;
	v10 =	vadd.s32 s9, v9  }
0x43b: {  	[tilespmem:s30+$0xFFFFFCFD] =	vst v2;
	v7 =	vsub.s32 v10, v7  }
0x43c: {  	[tilespmem:s30+$0xFFFFFEFF] =	vst v2;
	vm0 =	vge.s32 v10, v6;
	vm1 =	vlt.s32 v7, v6  }
0x43d: {  	[tilespmem:s30+$0x0] =	vst v2;
	v6 =	vadd.s32 s5, v1;
	vm0 =	vmand vm0, vm1  }
0x43e: {  	[tilespmem:s30+$0x101] =	vst v2;
	v6 =	vnsel vm0, $0x0, v6  }
0x43f: {  	[tilespmem:s30+$0x202] =	vst v2;
	(xrf0) =	vadd.scan.msk.s32 $0xffff, v6  }
0x440: {  	[tilespmem:s30+$0x303] =	vst v2  }
0x441: {  	[tilespmem:s30+$0x404] =	vst v2  }
0x442: {  	[tilespmem:s30+$0x505] =	vst v2  }
0x443: {  	[tilespmem:s30+$0x606] =	vst v2  }
0x444: {  	s14 =	simm.s32 $0x8080;
	[tilespmem:s30+$0x707] =	vst v2;
	(v2sf) =	vpush v8, $0xF  }
0x445: {  	v14 =	vld [tilespmem:s14+$0xFFFFFFE0];
	(v2sf) =	vpush v9, $0xF;
	v6, _, _ =	vpop (xrf0)  }
0x446: {  	v15 =	vld [tilespmem:s14+$0xFFFFFFF0];
	(v2sf) =	vpush v6, $0xF  }
0x447: {  	v61 =	vld [tilespmem:s14+$0x0]  }
0x448: {  	v62 =	vld [tilespmem:s14+$0x10]  }
0x449: {  	v18 =	vld [tilespmem:s14+$0x20]  }
0x44a: {  	v19 =	vld [tilespmem:s14+$0x30]  }
0x44b: {  	v20 =	vld [tilespmem:s14+$0x40]  }
0x44c: {  	v21 =	vld [tilespmem:s14+$0x50]  }
0x44d: {  	v22 =	vld [tilespmem:s14+$0x60]  }
0x44e: {  	s1 =	simm.s32 $0x80;
	v23 =	vld [tilespmem:s14+$0xFFFFFF80]  }
0x44f: {  	v24 =	vld [tilespmem:s1+$0xFFFFFF80]  }
0x450: {  	s0 =	sadd.s32 s0, s6;
	v25 =	vld [tilespmem:s1+$0xFFFFFF90]  }
0x451: {  	s0 =	sadd.s32 s0, s3;
	v26 =	vld [tilespmem:s1+$0xFFFFFFA0]  }
0x452: {  	s0 =	sadd.s32 s0, s8;
	v63 =	vld [tilespmem:s1+$0xFFFFFFC0]  }
0x453: {  	s0 =	sadd.s32 s0, s31;
	v12 =	vld [tilespmem:s14+$0xFFFFFFC0];
	s20 =	spop (v2sf)  }
0x454: {  	s0 =	sadd.s32 s0, s12;
	v7 =	vld [tilespmem:s14+$0x70];
	s30 =	spop (v2sf)  }
0x455: {  	v8 =	vld [tilespmem:s1+$0x70];
	s0 =	sadd.s32 s0, s20;
	s31 =	spop (v2sf)  }
0x456: {  	s2 =	sshll.u32 s2, $0x8;
	v9 =	vld [tilespmem:s14+$0xFFFFFF90];
	s0 =	sadd.s32 s0, s31  }
0x457: {  	v10 =	vld [tilespmem:s14+$0xFFFFFFA0];
	s0 =	sadd.s32 s2, s0  }
0x458: {  	v11 =	vld [tilespmem:s14+$0xFFFFFFB0];
	v6 =	vmov s0  }
0x459: {  	vm0 =	vlt.s32 v7, v6;
	v7 =	vld [tilespmem:s1+$0xFFFFFFB0]  }
0x45a: {  	v13 =	vld [tilespmem:s14+$0xFFFFFFD0];
	s2 =	simm.s32 $0x19100;
	v8 =	vsel vm0, $0x0, v8;
	vm0 =	vlt.s32 v23, v6  }
0x45b: {  	vm1 =	vlt.s32 v9, v6;
	v9 =	vld [tilespmem:s1+$0xFFFFFFD0];
	[tilespmem:s2+$0x70] =	vst v8;
	v8 =	vsel vm0, $0x0, v24  }
0x45c: {  	vm0 =	vlt.s32 v10, v6;
	v10 =	vld [tilespmem:s1+$0xFFFFFFE0];
	[tilespmem:s2+$0xFFFFFF80] =	vst v8;
	v8 =	vsel vm1, $0x0, v25  }
0x45d: {  	vm1 =	vlt.s32 v11, v6;
	v11 =	vld [tilespmem:s1+$0xFFFFFFF0];
	[tilespmem:s2+$0xFFFFFF90] =	vst v8;
	v8 =	vsel vm0, $0x0, v26  }
0x45e: {  	vm0 =	vlt.s32 v12, v6;
	v12 =	vld [tilespmem:s1+$0x0];
	[tilespmem:s2+$0xFFFFFFA0] =	vst v8;
	v7 =	vsel vm1, $0x0, v7  }
0x45f: {  	vm1 =	vlt.s32 v13, v6;
	v13 =	vld [tilespmem:s1+$0x10];
	[tilespmem:s2+$0xFFFFFFB0] =	vst v7;
	v7 =	vsel vm0, $0x0, v63  }
0x460: {  	vm0 =	vlt.s32 v14, v6;
	v8 =	vsel vm1, $0x0, v9;
	[tilespmem:s2+$0xFFFFFFC0] =	vst v7;
	v7 =	vld [tilespmem:s1+$0x20]  }
0x461: {  	vm2 =	vlt.s32 v61, v6;
	vm1 =	vlt.s32 v15, v6;
	[tilespmem:s2+$0xFFFFFFD0] =	vst v8;
	v9 =	vsel vm0, $0x0, v10;
	v8 =	vld [tilespmem:s1+$0x30]  }
0x462: {  	vm5 =	vlt.s32 v62, v6;
	vm4 =	vlt.s32 v18, v6;
	[tilespmem:s2+$0xFFFFFFE0] =	vst v9;
	v10 =	vsel vm1, $0x0, v11;
	v9 =	vld [tilespmem:s1+$0x40]  }
0x463: {  	vm3 =	vlt.s32 v19, v6;
	vm0 =	vlt.s32 v22, v6;
	[tilespmem:s2+$0xFFFFFFF0] =	vst v10;
	v11 =	vsel vm2, $0x0, v12;
	v10 =	vld [tilespmem:s1+$0x50]  }
0x464: {  	s3 =	simm.s32 $0x8180;
	s0 =	simm.s32 $0x0;
	vm1 =	vlt.s32 v20, v6;
	vm2 =	vlt.s32 v21, v6;
	[tilespmem:s2+$0x0] =	vst v11;
	v12 =	vsel vm5, $0x0, v13;
	v11 =	vld [tilespmem:s1+$0x60]  }
.LBB2_23:
0x465: {  	v13 =	vld [tilespmem:s3+$0x70];
	s0 =	sadd.s32 $0x100, s0;
	[tilespmem:s2+$0x10] =	vst v12;
	v7 =	vsel vm4, $0x0, v7;
	s1 =	sadd.s32 $0x100, s1  }
0x466: {  	v12 =	vld [tilespmem:s1+$0x70];
	p0 =	slt.u32 s0, $0xF00;
	[tilespmem:s2+$0x20] =	vst v7;
	v7 =	vsel vm3, $0x0, v8  }
0x467: {  	v8 =	vld [tilespmem:s3+$0xFFFFFF90];
	[tilespmem:s2+$0x30] =	vst v7;
	v7 =	vsel vm1, $0x0, v9  }
0x468: {  	v9 =	vld [tilespmem:s3+$0xFFFFFFA0];
	[tilespmem:s2+$0x40] =	vst v7;
	v7 =	vsel vm2, $0x0, v10  }
0x469: {  	v10 =	vld [tilespmem:s3+$0xFFFFFFB0];
	[tilespmem:s2+$0x50] =	vst v7;
	v7 =	vsel vm0, $0x0, v11  }
0x46a: {  	v11 =	vld [tilespmem:s3+$0xFFFFFFC0];
	vm0 =	vlt.s32 v13, v6;
	[tilespmem:s2+$0x60] =	vst v7  }
0x46b: {  	s2 =	sadd.s32 $0x100, s2;
	v7 =	vld [tilespmem:s3+$0xFFFFFFD0];
	v12 =	vsel vm0, $0x0, v12  }
0x46c: {  	vm12 =	vlt.s32 v8, v6;
	v8 =	vld [tilespmem:s3+$0xFFFFFFE0];
	[tilespmem:s2+$0x70] =	vst v12  }
0x46d: {  	vm13 =	vlt.s32 v9, v6;
	v9 =	vld [tilespmem:s3+$0xFFFFFFF0]  }
0x46e: {  	vm11 =	vlt.s32 v10, v6;
	v10 =	vld [tilespmem:s3+$0x0]  }
0x46f: {  	vm10 =	vlt.s32 v11, v6;
	v11 =	vld [tilespmem:s3+$0x10]  }
0x470: {  	vm9 =	vlt.s32 v7, v6;
	v7 =	vld [tilespmem:s3+$0x20]  }
0x471: {  	vm8 =	vlt.s32 v8, v6;
	v8 =	vld [tilespmem:s3+$0x30]  }
0x472: {  	vm7 =	vlt.s32 v9, v6;
	v9 =	vld [tilespmem:s3+$0x40]  }
0x473: {  	vm6 =	vlt.s32 v10, v6;
	v10 =	vld [tilespmem:s3+$0x50]  }
0x474: {  	vm5 =	vlt.s32 v11, v6;
	v11 =	vld [tilespmem:s3+$0x60]  }
0x475: {  	v12 =	vld [tilespmem:s3+$0xFFFFFF80];
	vm4 =	vlt.s32 v7, v6  }
0x476: {  	v7 =	vld [tilespmem:s1+$0xFFFFFF80];
	vm3 =	vlt.s32 v8, v6  }
0x477: {  	v8 =	vld [tilespmem:s1+$0xFFFFFF90];
	vm1 =	vlt.s32 v9, v6  }
0x478: {  	v9 =	vld [tilespmem:s1+$0xFFFFFFA0];
	vm2 =	vlt.s32 v10, v6  }
0x479: {  	v10 =	vld [tilespmem:s1+$0xFFFFFFB0];
	vm0 =	vlt.s32 v11, v6  }
0x47a: {  	vm14 =	vlt.s32 v12, v6;
	v11 =	vld [tilespmem:s1+$0xFFFFFFC0]  }
0x47b: {  	v7 =	vsel vm14, $0x0, v7;
	v12 =	vld [tilespmem:s1+$0xFFFFFFD0]  }
0x47c: {  	[tilespmem:s2+$0xFFFFFF80] =	vst v7;
	v7 =	vsel vm12, $0x0, v8;
	v8 =	vld [tilespmem:s1+$0xFFFFFFE0]  }
0x47d: {  	[tilespmem:s2+$0xFFFFFF90] =	vst v7;
	v7 =	vsel vm13, $0x0, v9;
	v9 =	vld [tilespmem:s1+$0xFFFFFFF0]  }
0x47e: {  	[tilespmem:s2+$0xFFFFFFA0] =	vst v7;
	v7 =	vsel vm11, $0x0, v10;
	v10 =	vld [tilespmem:s1+$0x0]  }
0x47f: {  	[tilespmem:s2+$0xFFFFFFB0] =	vst v7;
	v7 =	vsel vm10, $0x0, v11;
	v11 =	vld [tilespmem:s1+$0x10]  }
.Ltmp11:
0x480: {  	[tilespmem:s2+$0xFFFFFFC0] =	vst v7;
	v12 =	vsel vm9, $0x0, v12;
	v7 =	vld [tilespmem:s1+$0x20];
	(pc) =	sbr.rel @p0 .LBB2_23-.Ltmp11, $4  }
0x481: {  	[tilespmem:s2+$0xFFFFFFD0] =	vst v12;
	v12 =	vsel vm8, $0x0, v8;
	v8 =	vld [tilespmem:s1+$0x30]  }
0x482: {  	[tilespmem:s2+$0xFFFFFFE0] =	vst v12;
	v12 =	vsel vm7, $0x0, v9;
	v9 =	vld [tilespmem:s1+$0x40]  }
0x483: {  	[tilespmem:s2+$0xFFFFFFF0] =	vst v12;
	v12 =	vsel vm6, $0x0, v10;
	v10 =	vld [tilespmem:s1+$0x50]  }
0x484: {  	s3 =	sadd.s32 $0x100, s3;
	[tilespmem:s2+$0x0] =	vst v12;
	v12 =	vsel vm5, $0x0, v11;
	v11 =	vld [tilespmem:s1+$0x60]  }
0x485: {  	[tilespmem:s2+$0x10] =	vst v12  }
0x486: {  	s0 =	rddreg [dreg:$0x4]  }
0x487: {  	v7 =	vsel vm4, $0x0, v7;
	s0 =	sadd.s32 s0, s21  }
0x488: {  	[tilespmem:s2+$0x20] =	vst v7;
	v7 =	vsel vm3, $0x0, v8;
	s30 =	sshll.u32 s0, $0xF;
	s1 =	sshll.u32 s0, $0x7  }
0x489: {  	[tilespmem:s2+$0x30] =	vst v7;
	v7 =	vsel vm1, $0x0, v9;
	s3 =	sand.u32 $0x3C0000, s30;
	s31 =	sand.u32 $0x380, s1  }
0x48a: {  	[tilespmem:s2+$0x40] =	vst v7;
	v7 =	vsel vm2, $0x0, v10;
	s1 =	sor.u32 s31, s3  }
0x48b: {  	[tilespmem:s2+$0x50] =	vst v7;
	v7 =	vsel vm0, $0x0, v11;
	s5 =	sshrl.u32 s1, $0x3  }
0x48c: {  	s20 =	simm.s32 $0x90F0;
	[tilespmem:s2+$0x60] =	vst v7;
	s1 =	sadd.s32 s16, s5  }
0x48d: {  	[hbm4b:s1+s22] =	stream.strided.scatter [tilespmem:s25], [sflag:$0x2], $0x1000, s23, s22, $0x38;
	[tilespmem:$0x1B080] =	vst v63  }
0x48e: {  	s1 =	simm.s32 $0x10F0;
	v7 =	vld [tilespmem:s20+$0x0]  }
0x48f: {  	v8 =	vld [tilespmem:s1+$0x0]  }
0x490: {  	v9 =	vld [tilespmem:s20+$0xFFFFFF20]  }
0x491: {  	v10 =	vld [tilespmem:s20+$0xFFFFFF30]  }
0x492: {  	v11 =	vld [tilespmem:s20+$0xFFFFFF40]  }
0x493: {  	v12 =	vld [tilespmem:s20+$0xFFFFFF50]  }
0x494: {  	v13 =	vld [tilespmem:s20+$0xFFFFFF60]  }
0x495: {  	v14 =	vld [tilespmem:s20+$0xFFFFFF70]  }
0x496: {  	v15 =	vld [tilespmem:s20+$0xFFFFFF80]  }
0x497: {  	v16 =	vld [tilespmem:s20+$0xFFFFFF90]  }
0x498: {  	v17 =	vld [tilespmem:s20+$0xFFFFFFA0]  }
0x499: {  	v18 =	vld [tilespmem:s20+$0xFFFFFFB0]  }
0x49a: {  	v19 =	vld [tilespmem:s20+$0xFFFFFFC0]  }
0x49b: {  	v20 =	vld [tilespmem:s20+$0xFFFFFFD0]  }
0x49c: {  	v21 =	vld [tilespmem:s20+$0xFFFFFFE0]  }
0x49d: {  	v22 =	vld [tilespmem:s20+$0xFFFFFFF0]  }
0x49e: {  	v23 =	vld [tilespmem:s20+$0xFFFFFF10]  }
0x49f: {  	v24 =	vld [tilespmem:s1+$0xFFFFFF10]  }
0x4a0: {  	v25 =	vld [tilespmem:s1+$0xFFFFFF20]  }
0x4a1: {  	v26 =	vld [tilespmem:s1+$0xFFFFFF30]  }
0x4a2: {  	vm0 =	vlt.s32 v7, v6;
	v7 =	vld [tilespmem:s1+$0xFFFFFF40]  }
0x4a3: {  	s2 =	simm.s32 $0x1A170;
	v63 =	vld [tilespmem:s1+$0xFFFFFF50];
	v8 =	vsel vm0, $0x0, v8;
	vm0 =	vlt.s32 v23, v6  }
0x4a4: {  	vm1 =	vlt.s32 v9, v6;
	v9 =	vld [tilespmem:s1+$0xFFFFFF60];
	[tilespmem:s2+$0x0] =	vst v8;
	v8 =	vsel vm0, $0x0, v24  }
0x4a5: {  	vm0 =	vlt.s32 v10, v6;
	v10 =	vld [tilespmem:s1+$0xFFFFFF70];
	[tilespmem:s2+$0xFFFFFF10] =	vst v8;
	v8 =	vsel vm1, $0x0, v25  }
0x4a6: {  	vm1 =	vlt.s32 v11, v6;
	v11 =	vld [tilespmem:s1+$0xFFFFFF80];
	[tilespmem:s2+$0xFFFFFF20] =	vst v8;
	v8 =	vsel vm0, $0x0, v26  }
0x4a7: {  	vm0 =	vlt.s32 v12, v6;
	v12 =	vld [tilespmem:s1+$0xFFFFFF90];
	[tilespmem:s2+$0xFFFFFF30] =	vst v8;
	v7 =	vsel vm1, $0x0, v7  }
0x4a8: {  	vm1 =	vlt.s32 v13, v6;
	v13 =	vld [tilespmem:s1+$0xFFFFFFA0];
	[tilespmem:s2+$0xFFFFFF40] =	vst v7;
	v7 =	vsel vm0, $0x0, v63  }
0x4a9: {  	vm0 =	vlt.s32 v14, v6;
	v8 =	vsel vm1, $0x0, v9;
	[tilespmem:s2+$0xFFFFFF50] =	vst v7;
	v7 =	vld [tilespmem:s1+$0xFFFFFFB0]  }
0x4aa: {  	vm2 =	vlt.s32 v16, v6;
	vm1 =	vlt.s32 v15, v6;
	[tilespmem:s2+$0xFFFFFF60] =	vst v8;
	v9 =	vsel vm0, $0x0, v10;
	v8 =	vld [tilespmem:s1+$0xFFFFFFC0]  }
0x4ab: {  	vm5 =	vlt.s32 v17, v6;
	vm4 =	vlt.s32 v18, v6;
	[tilespmem:s2+$0xFFFFFF70] =	vst v9;
	v10 =	vsel vm1, $0x0, v11;
	v9 =	vld [tilespmem:s1+$0xFFFFFFD0]  }
0x4ac: {  	vm3 =	vlt.s32 v19, v6;
	vm0 =	vlt.s32 v22, v6;
	[tilespmem:s2+$0xFFFFFF80] =	vst v10;
	v11 =	vsel vm2, $0x0, v12;
	v10 =	vld [tilespmem:s1+$0xFFFFFFE0]  }
0x4ad: {  	s4 =	simm.s32 $0x91F0;
	s3 =	simm.s32 $0x1000;
	vm1 =	vlt.s32 v20, v6;
	vm2 =	vlt.s32 v21, v6;
	[tilespmem:s2+$0xFFFFFF90] =	vst v11;
	v12 =	vsel vm5, $0x0, v13;
	v11 =	vld [tilespmem:s1+$0xFFFFFFF0]  }
.LBB2_25:
0x4ae: {  	v13 =	vld [tilespmem:s4+$0x0];
	s3 =	sadd.s32 $0x100, s3;
	[tilespmem:s2+$0xFFFFFFA0] =	vst v12;
	v7 =	vsel vm4, $0x0, v7;
	s1 =	sadd.s32 $0x100, s1  }
0x4af: {  	v12 =	vld [tilespmem:s1+$0x0];
	p0 =	slt.u32 s3, $0x1F00;
	[tilespmem:s2+$0xFFFFFFB0] =	vst v7;
	v7 =	vsel vm3, $0x0, v8  }
0x4b0: {  	v8 =	vld [tilespmem:s4+$0xFFFFFF20];
	[tilespmem:s2+$0xFFFFFFC0] =	vst v7;
	v7 =	vsel vm1, $0x0, v9  }
0x4b1: {  	v9 =	vld [tilespmem:s4+$0xFFFFFF30];
	[tilespmem:s2+$0xFFFFFFD0] =	vst v7;
	v7 =	vsel vm2, $0x0, v10  }
0x4b2: {  	v10 =	vld [tilespmem:s4+$0xFFFFFF40];
	[tilespmem:s2+$0xFFFFFFE0] =	vst v7;
	v7 =	vsel vm0, $0x0, v11  }
0x4b3: {  	v11 =	vld [tilespmem:s4+$0xFFFFFF50];
	vm0 =	vlt.s32 v13, v6;
	[tilespmem:s2+$0xFFFFFFF0] =	vst v7  }
0x4b4: {  	s2 =	sadd.s32 $0x100, s2;
	v7 =	vld [tilespmem:s4+$0xFFFFFF60];
	v12 =	vsel vm0, $0x0, v12  }
0x4b5: {  	vm12 =	vlt.s32 v8, v6;
	v8 =	vld [tilespmem:s4+$0xFFFFFF70];
	[tilespmem:s2+$0x0] =	vst v12  }
0x4b6: {  	vm13 =	vlt.s32 v9, v6;
	v9 =	vld [tilespmem:s4+$0xFFFFFF80]  }
0x4b7: {  	vm11 =	vlt.s32 v10, v6;
	v10 =	vld [tilespmem:s4+$0xFFFFFF90]  }
0x4b8: {  	vm10 =	vlt.s32 v11, v6;
	v11 =	vld [tilespmem:s4+$0xFFFFFFA0]  }
0x4b9: {  	vm9 =	vlt.s32 v7, v6;
	v7 =	vld [tilespmem:s4+$0xFFFFFFB0]  }
0x4ba: {  	vm8 =	vlt.s32 v8, v6;
	v8 =	vld [tilespmem:s4+$0xFFFFFFC0]  }
0x4bb: {  	vm7 =	vlt.s32 v9, v6;
	v9 =	vld [tilespmem:s4+$0xFFFFFFD0]  }
0x4bc: {  	vm6 =	vlt.s32 v10, v6;
	v10 =	vld [tilespmem:s4+$0xFFFFFFE0]  }
0x4bd: {  	vm5 =	vlt.s32 v11, v6;
	v11 =	vld [tilespmem:s4+$0xFFFFFFF0]  }
0x4be: {  	v12 =	vld [tilespmem:s4+$0xFFFFFF10];
	vm4 =	vlt.s32 v7, v6  }
0x4bf: {  	v7 =	vld [tilespmem:s1+$0xFFFFFF10];
	vm3 =	vlt.s32 v8, v6  }
0x4c0: {  	v8 =	vld [tilespmem:s1+$0xFFFFFF20];
	vm1 =	vlt.s32 v9, v6  }
0x4c1: {  	v9 =	vld [tilespmem:s1+$0xFFFFFF30];
	vm2 =	vlt.s32 v10, v6  }
0x4c2: {  	v10 =	vld [tilespmem:s1+$0xFFFFFF40];
	vm0 =	vlt.s32 v11, v6  }
0x4c3: {  	vm14 =	vlt.s32 v12, v6;
	v11 =	vld [tilespmem:s1+$0xFFFFFF50]  }
0x4c4: {  	v7 =	vsel vm14, $0x0, v7;
	v12 =	vld [tilespmem:s1+$0xFFFFFF60]  }
0x4c5: {  	[tilespmem:s2+$0xFFFFFF10] =	vst v7;
	v7 =	vsel vm12, $0x0, v8;
	v8 =	vld [tilespmem:s1+$0xFFFFFF70]  }
0x4c6: {  	[tilespmem:s2+$0xFFFFFF20] =	vst v7;
	v7 =	vsel vm13, $0x0, v9;
	v9 =	vld [tilespmem:s1+$0xFFFFFF80]  }
0x4c7: {  	[tilespmem:s2+$0xFFFFFF30] =	vst v7;
	v7 =	vsel vm11, $0x0, v10;
	v10 =	vld [tilespmem:s1+$0xFFFFFF90]  }
0x4c8: {  	[tilespmem:s2+$0xFFFFFF40] =	vst v7;
	v7 =	vsel vm10, $0x0, v11;
	v11 =	vld [tilespmem:s1+$0xFFFFFFA0]  }
.Ltmp12:
0x4c9: {  	[tilespmem:s2+$0xFFFFFF50] =	vst v7;
	v12 =	vsel vm9, $0x0, v12;
	v7 =	vld [tilespmem:s1+$0xFFFFFFB0];
	(pc) =	sbr.rel @p0 .LBB2_25-.Ltmp12, $4  }
0x4ca: {  	[tilespmem:s2+$0xFFFFFF60] =	vst v12;
	v12 =	vsel vm8, $0x0, v8;
	v8 =	vld [tilespmem:s1+$0xFFFFFFC0]  }
0x4cb: {  	[tilespmem:s2+$0xFFFFFF70] =	vst v12;
	v12 =	vsel vm7, $0x0, v9;
	v9 =	vld [tilespmem:s1+$0xFFFFFFD0]  }
0x4cc: {  	[tilespmem:s2+$0xFFFFFF80] =	vst v12;
	v12 =	vsel vm6, $0x0, v10;
	v10 =	vld [tilespmem:s1+$0xFFFFFFE0]  }
0x4cd: {  	s4 =	sadd.s32 $0x100, s4;
	[tilespmem:s2+$0xFFFFFF90] =	vst v12;
	v12 =	vsel vm5, $0x0, v11;
	v11 =	vld [tilespmem:s1+$0xFFFFFFF0]  }
0x4ce: {  	[tilespmem:s2+$0xFFFFFFA0] =	vst v12;
	v7 =	vsel vm4, $0x0, v7  }
0x4cf: {  	[tilespmem:s2+$0xFFFFFFB0] =	vst v7;
	v7 =	vsel vm3, $0x0, v8  }
0x4d0: {  	[tilespmem:s2+$0xFFFFFFC0] =	vst v7;
	v7 =	vsel vm1, $0x0, v9  }
0x4d1: {  	[tilespmem:s2+$0xFFFFFFD0] =	vst v7;
	v7 =	vsel vm2, $0x0, v10  }
0x4d2: {  	[tilespmem:s2+$0xFFFFFFE0] =	vst v7;
	v7 =	vsel vm0, $0x0, v11  }
0x4d3: {  	p0 =	sne.s32 s21, $0x3;
	s1 =	simm.s32 $0x1;
	[tilespmem:s2+$0xFFFFFFF0] =	vst v7  }
0x4d4: {  	s1 =	simm.s32 @!p0 $0x0;
	s13 =	rddreg [dreg:$0x6]  }
0x4d5: {  	s1 =	sadd.s32 s1, s0;
	s0 =	sadd.s32 s5, s13  }
0x4d6: {  	[hbm4b:s0+s22] =	stream.strided.scatter [tilespmem:s28], [sflag:$0x2], $0x1000, s23, s22, $0x38;
	[tilespmem:$0x1B080] =	vst v63  }
0x4d7: {  	s0 =	sshll.u32 s1, $0xF;
	s1 =	sshll.u32 s1, $0x7  }
0x4d8: {  	s3 =	sand.u32 $0x7FFC0000, s0;
	s2 =	sand.u32 $0x380, s1  }
0x4d9: {  	s1 =	sor.u32 s2, s3  }
0x4da: {  	s7 =	sshrl.u32 s1, $0x3  }
0x4db: {  	s14 =	simm.s32 $0x0;
	s1 =	sadd.s32 s15, s7  }
0x4dc: {  	[tilespmem:s14], [sflag:$0x1] =	stream.strided.gather [hbm4b:s1+s22], $0x1000, s23, s22, $0x38;
	[tilespmem:$0x1B080] =	vst v63  }
0x4dd: {  	_ =	swait.ge [sflag:s29], $0x1000  }
0x4de: {  	[sflag:s29] =	ssyncset.done $0x0  }
0x4df: {  	s20 =	simm.s32 $0xA0F0;
	[sflag:s29] =	ssyncadd.s32 $0xFFFFF000  }
0x4e0: {  	s1 =	simm.s32 $0x20F0;
	v7 =	vld [tilespmem:s20+$0x0]  }
0x4e1: {  	v8 =	vld [tilespmem:s1+$0x0]  }
0x4e2: {  	v9 =	vld [tilespmem:s20+$0xFFFFFF20]  }
0x4e3: {  	v10 =	vld [tilespmem:s20+$0xFFFFFF30]  }
0x4e4: {  	v11 =	vld [tilespmem:s20+$0xFFFFFF40]  }
0x4e5: {  	v12 =	vld [tilespmem:s20+$0xFFFFFF50]  }
0x4e6: {  	v13 =	vld [tilespmem:s20+$0xFFFFFF60]  }
0x4e7: {  	v14 =	vld [tilespmem:s20+$0xFFFFFF70]  }
0x4e8: {  	v15 =	vld [tilespmem:s20+$0xFFFFFF80]  }
0x4e9: {  	v16 =	vld [tilespmem:s20+$0xFFFFFF90]  }
0x4ea: {  	v17 =	vld [tilespmem:s20+$0xFFFFFFA0]  }
0x4eb: {  	v18 =	vld [tilespmem:s20+$0xFFFFFFB0]  }
0x4ec: {  	v19 =	vld [tilespmem:s20+$0xFFFFFFC0]  }
0x4ed: {  	v20 =	vld [tilespmem:s20+$0xFFFFFFD0]  }
0x4ee: {  	v21 =	vld [tilespmem:s20+$0xFFFFFFE0]  }
0x4ef: {  	v22 =	vld [tilespmem:s20+$0xFFFFFFF0]  }
0x4f0: {  	v23 =	vld [tilespmem:s20+$0xFFFFFF10]  }
0x4f1: {  	v24 =	vld [tilespmem:s1+$0xFFFFFF10]  }
0x4f2: {  	v25 =	vld [tilespmem:s1+$0xFFFFFF20]  }
0x4f3: {  	v26 =	vld [tilespmem:s1+$0xFFFFFF30]  }
0x4f4: {  	vm0 =	vlt.s32 v7, v6;
	v7 =	vld [tilespmem:s1+$0xFFFFFF40]  }
0x4f5: {  	s3 =	simm.s32 $0x19100;
	v63 =	vld [tilespmem:s1+$0xFFFFFF50];
	v8 =	vsel vm0, $0x0, v8;
	vm0 =	vlt.s32 v23, v6  }
0x4f6: {  	vm1 =	vlt.s32 v9, v6;
	v9 =	vld [tilespmem:s1+$0xFFFFFF60];
	[tilespmem:s3+$0x70] =	vst v8;
	v8 =	vsel vm0, $0x0, v24  }
0x4f7: {  	vm0 =	vlt.s32 v10, v6;
	v10 =	vld [tilespmem:s1+$0xFFFFFF70];
	[tilespmem:s3+$0xFFFFFF80] =	vst v8;
	v8 =	vsel vm1, $0x0, v25  }
0x4f8: {  	vm1 =	vlt.s32 v11, v6;
	v11 =	vld [tilespmem:s1+$0xFFFFFF80];
	[tilespmem:s3+$0xFFFFFF90] =	vst v8;
	v8 =	vsel vm0, $0x0, v26  }
0x4f9: {  	vm0 =	vlt.s32 v12, v6;
	v12 =	vld [tilespmem:s1+$0xFFFFFF90];
	[tilespmem:s3+$0xFFFFFFA0] =	vst v8;
	v7 =	vsel vm1, $0x0, v7  }
0x4fa: {  	vm1 =	vlt.s32 v13, v6;
	v13 =	vld [tilespmem:s1+$0xFFFFFFA0];
	[tilespmem:s3+$0xFFFFFFB0] =	vst v7;
	v7 =	vsel vm0, $0x0, v63  }
0x4fb: {  	vm0 =	vlt.s32 v14, v6;
	v8 =	vsel vm1, $0x0, v9;
	[tilespmem:s3+$0xFFFFFFC0] =	vst v7;
	v7 =	vld [tilespmem:s1+$0xFFFFFFB0]  }
0x4fc: {  	vm2 =	vlt.s32 v16, v6;
	vm1 =	vlt.s32 v15, v6;
	[tilespmem:s3+$0xFFFFFFD0] =	vst v8;
	v9 =	vsel vm0, $0x0, v10;
	v8 =	vld [tilespmem:s1+$0xFFFFFFC0]  }
0x4fd: {  	vm5 =	vlt.s32 v17, v6;
	vm4 =	vlt.s32 v18, v6;
	[tilespmem:s3+$0xFFFFFFE0] =	vst v9;
	v10 =	vsel vm1, $0x0, v11;
	v9 =	vld [tilespmem:s1+$0xFFFFFFD0]  }
0x4fe: {  	vm3 =	vlt.s32 v19, v6;
	vm0 =	vlt.s32 v22, v6;
	[tilespmem:s3+$0xFFFFFFF0] =	vst v10;
	v11 =	vsel vm2, $0x0, v12;
	v10 =	vld [tilespmem:s1+$0xFFFFFFE0]  }
0x4ff: {  	s4 =	simm.s32 $0x2000;
	s6 =	simm.s32 $0xA1F0;
	vm1 =	vlt.s32 v20, v6;
	vm2 =	vlt.s32 v21, v6;
	[tilespmem:s3+$0x0] =	vst v11;
	v12 =	vsel vm5, $0x0, v13;
	v11 =	vld [tilespmem:s1+$0xFFFFFFF0]  }
.LBB2_27:
0x500: {  	v13 =	vld [tilespmem:s6+$0x0];
	s4 =	sadd.s32 $0x100, s4;
	[tilespmem:s3+$0x10] =	vst v12;
	v7 =	vsel vm4, $0x0, v7;
	s1 =	sadd.s32 $0x100, s1  }
0x501: {  	v12 =	vld [tilespmem:s1+$0x0];
	p0 =	slt.u32 s4, $0x2F00;
	[tilespmem:s3+$0x20] =	vst v7;
	v7 =	vsel vm3, $0x0, v8  }
0x502: {  	v8 =	vld [tilespmem:s6+$0xFFFFFF20];
	[tilespmem:s3+$0x30] =	vst v7;
	v7 =	vsel vm1, $0x0, v9  }
0x503: {  	v9 =	vld [tilespmem:s6+$0xFFFFFF30];
	[tilespmem:s3+$0x40] =	vst v7;
	v7 =	vsel vm2, $0x0, v10  }
0x504: {  	v10 =	vld [tilespmem:s6+$0xFFFFFF40];
	[tilespmem:s3+$0x50] =	vst v7;
	v7 =	vsel vm0, $0x0, v11  }
0x505: {  	v11 =	vld [tilespmem:s6+$0xFFFFFF50];
	vm0 =	vlt.s32 v13, v6;
	[tilespmem:s3+$0x60] =	vst v7  }
0x506: {  	s3 =	sadd.s32 $0x100, s3;
	v7 =	vld [tilespmem:s6+$0xFFFFFF60];
	v12 =	vsel vm0, $0x0, v12  }
0x507: {  	vm12 =	vlt.s32 v8, v6;
	v8 =	vld [tilespmem:s6+$0xFFFFFF70];
	[tilespmem:s3+$0x70] =	vst v12  }
0x508: {  	vm13 =	vlt.s32 v9, v6;
	v9 =	vld [tilespmem:s6+$0xFFFFFF80]  }
0x509: {  	vm11 =	vlt.s32 v10, v6;
	v10 =	vld [tilespmem:s6+$0xFFFFFF90]  }
0x50a: {  	vm10 =	vlt.s32 v11, v6;
	v11 =	vld [tilespmem:s6+$0xFFFFFFA0]  }
0x50b: {  	vm9 =	vlt.s32 v7, v6;
	v7 =	vld [tilespmem:s6+$0xFFFFFFB0]  }
0x50c: {  	vm8 =	vlt.s32 v8, v6;
	v8 =	vld [tilespmem:s6+$0xFFFFFFC0]  }
0x50d: {  	vm7 =	vlt.s32 v9, v6;
	v9 =	vld [tilespmem:s6+$0xFFFFFFD0]  }
0x50e: {  	vm6 =	vlt.s32 v10, v6;
	v10 =	vld [tilespmem:s6+$0xFFFFFFE0]  }
0x50f: {  	vm5 =	vlt.s32 v11, v6;
	v11 =	vld [tilespmem:s6+$0xFFFFFFF0]  }
0x510: {  	v12 =	vld [tilespmem:s6+$0xFFFFFF10];
	vm4 =	vlt.s32 v7, v6  }
0x511: {  	v7 =	vld [tilespmem:s1+$0xFFFFFF10];
	vm3 =	vlt.s32 v8, v6  }
0x512: {  	v8 =	vld [tilespmem:s1+$0xFFFFFF20];
	vm1 =	vlt.s32 v9, v6  }
0x513: {  	v9 =	vld [tilespmem:s1+$0xFFFFFF30];
	vm2 =	vlt.s32 v10, v6  }
0x514: {  	v10 =	vld [tilespmem:s1+$0xFFFFFF40];
	vm0 =	vlt.s32 v11, v6  }
0x515: {  	vm14 =	vlt.s32 v12, v6;
	v11 =	vld [tilespmem:s1+$0xFFFFFF50]  }
0x516: {  	v7 =	vsel vm14, $0x0, v7;
	v12 =	vld [tilespmem:s1+$0xFFFFFF60]  }
0x517: {  	[tilespmem:s3+$0xFFFFFF80] =	vst v7;
	v7 =	vsel vm12, $0x0, v8;
	v8 =	vld [tilespmem:s1+$0xFFFFFF70]  }
0x518: {  	[tilespmem:s3+$0xFFFFFF90] =	vst v7;
	v7 =	vsel vm13, $0x0, v9;
	v9 =	vld [tilespmem:s1+$0xFFFFFF80]  }
0x519: {  	[tilespmem:s3+$0xFFFFFFA0] =	vst v7;
	v7 =	vsel vm11, $0x0, v10;
	v10 =	vld [tilespmem:s1+$0xFFFFFF90]  }
0x51a: {  	[tilespmem:s3+$0xFFFFFFB0] =	vst v7;
	v7 =	vsel vm10, $0x0, v11;
	v11 =	vld [tilespmem:s1+$0xFFFFFFA0]  }
.Ltmp13:
0x51b: {  	[tilespmem:s3+$0xFFFFFFC0] =	vst v7;
	v12 =	vsel vm9, $0x0, v12;
	v7 =	vld [tilespmem:s1+$0xFFFFFFB0];
	(pc) =	sbr.rel @p0 .LBB2_27-.Ltmp13, $4  }
0x51c: {  	[tilespmem:s3+$0xFFFFFFD0] =	vst v12;
	v12 =	vsel vm8, $0x0, v8;
	v8 =	vld [tilespmem:s1+$0xFFFFFFC0]  }
0x51d: {  	[tilespmem:s3+$0xFFFFFFE0] =	vst v12;
	v12 =	vsel vm7, $0x0, v9;
	v9 =	vld [tilespmem:s1+$0xFFFFFFD0]  }
0x51e: {  	[tilespmem:s3+$0xFFFFFFF0] =	vst v12;
	v12 =	vsel vm6, $0x0, v10;
	v10 =	vld [tilespmem:s1+$0xFFFFFFE0]  }
0x51f: {  	s6 =	sadd.s32 $0x100, s6;
	[tilespmem:s3+$0x0] =	vst v12;
	v12 =	vsel vm5, $0x0, v11;
	v11 =	vld [tilespmem:s1+$0xFFFFFFF0]  }
0x520: {  	[tilespmem:s3+$0x10] =	vst v12;
	v7 =	vsel vm4, $0x0, v7  }
0x521: {  	[tilespmem:s3+$0x20] =	vst v7;
	v7 =	vsel vm3, $0x0, v8  }
0x522: {  	[tilespmem:s3+$0x30] =	vst v7;
	v7 =	vsel vm1, $0x0, v9  }
0x523: {  	[tilespmem:s3+$0x40] =	vst v7;
	v7 =	vsel vm2, $0x0, v10  }
0x524: {  	[tilespmem:s3+$0x50] =	vst v7;
	v7 =	vsel vm0, $0x0, v11  }
0x525: {  	[tilespmem:s3+$0x60] =	vst v7  }
0x526: {  	s1 =	rddreg [dreg:$0x7]  }
0x527: {  	s13 =	rddreg [dreg:$0x8];
	s1 =	sadd.s32 s5, s1  }
0x528: {  	[hbm4b:s1+s22] =	stream.strided.scatter [tilespmem:s25], [sflag:$0x2], $0x1000, s23, s22, $0x38;
	[tilespmem:$0x1B080] =	vst v63  }
0x529: {  	s14 =	simm.s32 $0x1000;
	s1 =	sadd.s32 s7, s13  }
0x52a: {  	[tilespmem:s14], [sflag:$0x1] =	stream.strided.gather [hbm4b:s1+s22], $0x1000, s23, s22, $0x38;
	[tilespmem:$0x1B080] =	vst v63  }
0x52b: {  	_ =	swait.ge [sflag:s29], $0x1000  }
0x52c: {  	[sflag:s29] =	ssyncset.done $0x0  }
0x52d: {  	s20 =	simm.s32 $0xB0F0;
	[sflag:s29] =	ssyncadd.s32 $0xFFFFF000  }
0x52e: {  	s1 =	simm.s32 $0x30F0;
	v7 =	vld [tilespmem:s20+$0x0]  }
0x52f: {  	v8 =	vld [tilespmem:s1+$0x0]  }
0x530: {  	v9 =	vld [tilespmem:s20+$0xFFFFFF20]  }
0x531: {  	v10 =	vld [tilespmem:s20+$0xFFFFFF30]  }
0x532: {  	v11 =	vld [tilespmem:s20+$0xFFFFFF40]  }
0x533: {  	v12 =	vld [tilespmem:s20+$0xFFFFFF50]  }
0x534: {  	v13 =	vld [tilespmem:s20+$0xFFFFFF60]  }
0x535: {  	v14 =	vld [tilespmem:s20+$0xFFFFFF70]  }
0x536: {  	v15 =	vld [tilespmem:s20+$0xFFFFFF80]  }
0x537: {  	v16 =	vld [tilespmem:s20+$0xFFFFFF90]  }
0x538: {  	v17 =	vld [tilespmem:s20+$0xFFFFFFA0]  }
0x539: {  	v18 =	vld [tilespmem:s20+$0xFFFFFFB0]  }
0x53a: {  	v19 =	vld [tilespmem:s20+$0xFFFFFFC0]  }
0x53b: {  	v20 =	vld [tilespmem:s20+$0xFFFFFFD0]  }
0x53c: {  	v21 =	vld [tilespmem:s20+$0xFFFFFFE0]  }
0x53d: {  	v22 =	vld [tilespmem:s20+$0xFFFFFFF0]  }
0x53e: {  	v23 =	vld [tilespmem:s20+$0xFFFFFF10]  }
0x53f: {  	v24 =	vld [tilespmem:s1+$0xFFFFFF10]  }
0x540: {  	v25 =	vld [tilespmem:s1+$0xFFFFFF20]  }
0x541: {  	v26 =	vld [tilespmem:s1+$0xFFFFFF30]  }
0x542: {  	vm0 =	vlt.s32 v7, v6;
	v7 =	vld [tilespmem:s1+$0xFFFFFF40]  }
0x543: {  	s3 =	simm.s32 $0x1A170;
	v63 =	vld [tilespmem:s1+$0xFFFFFF50];
	v8 =	vsel vm0, $0x0, v8;
	vm0 =	vlt.s32 v23, v6  }
0x544: {  	vm1 =	vlt.s32 v9, v6;
	v9 =	vld [tilespmem:s1+$0xFFFFFF60];
	[tilespmem:s3+$0x0] =	vst v8;
	v8 =	vsel vm0, $0x0, v24  }
0x545: {  	vm0 =	vlt.s32 v10, v6;
	v10 =	vld [tilespmem:s1+$0xFFFFFF70];
	[tilespmem:s3+$0xFFFFFF10] =	vst v8;
	v8 =	vsel vm1, $0x0, v25  }
0x546: {  	vm1 =	vlt.s32 v11, v6;
	v11 =	vld [tilespmem:s1+$0xFFFFFF80];
	[tilespmem:s3+$0xFFFFFF20] =	vst v8;
	v8 =	vsel vm0, $0x0, v26  }
0x547: {  	vm0 =	vlt.s32 v12, v6;
	v12 =	vld [tilespmem:s1+$0xFFFFFF90];
	[tilespmem:s3+$0xFFFFFF30] =	vst v8;
	v7 =	vsel vm1, $0x0, v7  }
0x548: {  	vm1 =	vlt.s32 v13, v6;
	v13 =	vld [tilespmem:s1+$0xFFFFFFA0];
	[tilespmem:s3+$0xFFFFFF40] =	vst v7;
	v7 =	vsel vm0, $0x0, v63  }
0x549: {  	vm0 =	vlt.s32 v14, v6;
	v8 =	vsel vm1, $0x0, v9;
	[tilespmem:s3+$0xFFFFFF50] =	vst v7;
	v7 =	vld [tilespmem:s1+$0xFFFFFFB0]  }
0x54a: {  	vm2 =	vlt.s32 v16, v6;
	vm1 =	vlt.s32 v15, v6;
	[tilespmem:s3+$0xFFFFFF60] =	vst v8;
	v9 =	vsel vm0, $0x0, v10;
	v8 =	vld [tilespmem:s1+$0xFFFFFFC0]  }
0x54b: {  	vm5 =	vlt.s32 v17, v6;
	vm4 =	vlt.s32 v18, v6;
	[tilespmem:s3+$0xFFFFFF70] =	vst v9;
	v10 =	vsel vm1, $0x0, v11;
	v9 =	vld [tilespmem:s1+$0xFFFFFFD0]  }
0x54c: {  	vm3 =	vlt.s32 v19, v6;
	vm0 =	vlt.s32 v22, v6;
	[tilespmem:s3+$0xFFFFFF80] =	vst v10;
	v11 =	vsel vm2, $0x0, v12;
	v10 =	vld [tilespmem:s1+$0xFFFFFFE0]  }
0x54d: {  	s4 =	simm.s32 $0x3000;
	s6 =	simm.s32 $0xB1F0;
	vm1 =	vlt.s32 v20, v6;
	vm2 =	vlt.s32 v21, v6;
	[tilespmem:s3+$0xFFFFFF90] =	vst v11;
	v12 =	vsel vm5, $0x0, v13;
	v11 =	vld [tilespmem:s1+$0xFFFFFFF0]  }
.LBB2_29:
0x54e: {  	v13 =	vld [tilespmem:s6+$0x0];
	s4 =	sadd.s32 $0x100, s4;
	[tilespmem:s3+$0xFFFFFFA0] =	vst v12;
	v7 =	vsel vm4, $0x0, v7;
	s1 =	sadd.s32 $0x100, s1  }
0x54f: {  	v12 =	vld [tilespmem:s1+$0x0];
	p0 =	slt.u32 s4, $0x3F00;
	[tilespmem:s3+$0xFFFFFFB0] =	vst v7;
	v7 =	vsel vm3, $0x0, v8  }
0x550: {  	v8 =	vld [tilespmem:s6+$0xFFFFFF20];
	[tilespmem:s3+$0xFFFFFFC0] =	vst v7;
	v7 =	vsel vm1, $0x0, v9  }
0x551: {  	v9 =	vld [tilespmem:s6+$0xFFFFFF30];
	[tilespmem:s3+$0xFFFFFFD0] =	vst v7;
	v7 =	vsel vm2, $0x0, v10  }
0x552: {  	v10 =	vld [tilespmem:s6+$0xFFFFFF40];
	[tilespmem:s3+$0xFFFFFFE0] =	vst v7;
	v7 =	vsel vm0, $0x0, v11  }
0x553: {  	v11 =	vld [tilespmem:s6+$0xFFFFFF50];
	vm0 =	vlt.s32 v13, v6;
	[tilespmem:s3+$0xFFFFFFF0] =	vst v7  }
0x554: {  	s3 =	sadd.s32 $0x100, s3;
	v7 =	vld [tilespmem:s6+$0xFFFFFF60];
	v12 =	vsel vm0, $0x0, v12  }
0x555: {  	vm12 =	vlt.s32 v8, v6;
	v8 =	vld [tilespmem:s6+$0xFFFFFF70];
	[tilespmem:s3+$0x0] =	vst v12  }
0x556: {  	vm13 =	vlt.s32 v9, v6;
	v9 =	vld [tilespmem:s6+$0xFFFFFF80]  }
0x557: {  	vm11 =	vlt.s32 v10, v6;
	v10 =	vld [tilespmem:s6+$0xFFFFFF90]  }
0x558: {  	vm10 =	vlt.s32 v11, v6;
	v11 =	vld [tilespmem:s6+$0xFFFFFFA0]  }
0x559: {  	vm9 =	vlt.s32 v7, v6;
	v7 =	vld [tilespmem:s6+$0xFFFFFFB0]  }
0x55a: {  	vm8 =	vlt.s32 v8, v6;
	v8 =	vld [tilespmem:s6+$0xFFFFFFC0]  }
0x55b: {  	vm7 =	vlt.s32 v9, v6;
	v9 =	vld [tilespmem:s6+$0xFFFFFFD0]  }
0x55c: {  	vm6 =	vlt.s32 v10, v6;
	v10 =	vld [tilespmem:s6+$0xFFFFFFE0]  }
0x55d: {  	vm5 =	vlt.s32 v11, v6;
	v11 =	vld [tilespmem:s6+$0xFFFFFFF0]  }
0x55e: {  	v12 =	vld [tilespmem:s6+$0xFFFFFF10];
	vm4 =	vlt.s32 v7, v6  }
0x55f: {  	v7 =	vld [tilespmem:s1+$0xFFFFFF10];
	vm3 =	vlt.s32 v8, v6  }
0x560: {  	v8 =	vld [tilespmem:s1+$0xFFFFFF20];
	vm1 =	vlt.s32 v9, v6  }
0x561: {  	v9 =	vld [tilespmem:s1+$0xFFFFFF30];
	vm2 =	vlt.s32 v10, v6  }
0x562: {  	v10 =	vld [tilespmem:s1+$0xFFFFFF40];
	vm0 =	vlt.s32 v11, v6  }
0x563: {  	vm14 =	vlt.s32 v12, v6;
	v11 =	vld [tilespmem:s1+$0xFFFFFF50]  }
0x564: {  	v7 =	vsel vm14, $0x0, v7;
	v12 =	vld [tilespmem:s1+$0xFFFFFF60]  }
0x565: {  	[tilespmem:s3+$0xFFFFFF10] =	vst v7;
	v7 =	vsel vm12, $0x0, v8;
	v8 =	vld [tilespmem:s1+$0xFFFFFF70]  }
0x566: {  	[tilespmem:s3+$0xFFFFFF20] =	vst v7;
	v7 =	vsel vm13, $0x0, v9;
	v9 =	vld [tilespmem:s1+$0xFFFFFF80]  }
0x567: {  	[tilespmem:s3+$0xFFFFFF30] =	vst v7;
	v7 =	vsel vm11, $0x0, v10;
	v10 =	vld [tilespmem:s1+$0xFFFFFF90]  }
0x568: {  	[tilespmem:s3+$0xFFFFFF40] =	vst v7;
	v7 =	vsel vm10, $0x0, v11;
	v11 =	vld [tilespmem:s1+$0xFFFFFFA0]  }
.Ltmp14:
0x569: {  	[tilespmem:s3+$0xFFFFFF50] =	vst v7;
	v12 =	vsel vm9, $0x0, v12;
	v7 =	vld [tilespmem:s1+$0xFFFFFFB0];
	(pc) =	sbr.rel @p0 .LBB2_29-.Ltmp14, $4  }
0x56a: {  	[tilespmem:s3+$0xFFFFFF60] =	vst v12;
	v12 =	vsel vm8, $0x0, v8;
	v8 =	vld [tilespmem:s1+$0xFFFFFFC0]  }
0x56b: {  	[tilespmem:s3+$0xFFFFFF70] =	vst v12;
	v12 =	vsel vm7, $0x0, v9;
	v9 =	vld [tilespmem:s1+$0xFFFFFFD0]  }
0x56c: {  	[tilespmem:s3+$0xFFFFFF80] =	vst v12;
	v12 =	vsel vm6, $0x0, v10;
	v10 =	vld [tilespmem:s1+$0xFFFFFFE0]  }
0x56d: {  	s6 =	sadd.s32 $0x100, s6;
	[tilespmem:s3+$0xFFFFFF90] =	vst v12;
	v12 =	vsel vm5, $0x0, v11;
	v11 =	vld [tilespmem:s1+$0xFFFFFFF0]  }
0x56e: {  	[tilespmem:s3+$0xFFFFFFA0] =	vst v12;
	v7 =	vsel vm4, $0x0, v7  }
0x56f: {  	[tilespmem:s3+$0xFFFFFFB0] =	vst v7;
	v7 =	vsel vm3, $0x0, v8  }
0x570: {  	[tilespmem:s3+$0xFFFFFFC0] =	vst v7;
	v7 =	vsel vm1, $0x0, v9  }
0x571: {  	[tilespmem:s3+$0xFFFFFFD0] =	vst v7;
	v7 =	vsel vm2, $0x0, v10  }
0x572: {  	[tilespmem:s3+$0xFFFFFFE0] =	vst v7;
	v7 =	vsel vm0, $0x0, v11  }
0x573: {  	[tilespmem:s3+$0xFFFFFFF0] =	vst v7  }
0x574: {  	s1 =	rddreg [dreg:$0x9]  }
0x575: {  	s14 =	rddreg [dreg:$0xa];
	s1 =	sadd.s32 s5, s1  }
0x576: {  	[hbm4b:s1+s22] =	stream.strided.scatter [tilespmem:s28], [sflag:$0x2], $0x1000, s23, s22, $0x38;
	[tilespmem:$0x1B080] =	vst v63  }
0x577: {  	s20 =	simm.s32 $0x2000;
	s1 =	sadd.s32 s7, s14  }
0x578: {  	[tilespmem:s20], [sflag:$0x1] =	stream.strided.gather [hbm4b:s1+s22], $0x1000, s23, s22, $0x38;
	[tilespmem:$0x1B080] =	vst v63  }
0x579: {  	_ =	swait.ge [sflag:s29], $0x1000  }
0x57a: {  	[sflag:s29] =	ssyncset.done $0x0  }
0x57b: {  	s1 =	simm.s32 $0x0;
	[sflag:s29] =	ssyncadd.s32 $0xFFFFF000  }
0x57c: {  	v7 =	vld [tilespmem:s1+$0xC0F0]  }
0x57d: {  	v8 =	vld [tilespmem:s1+$0x40F0]  }
0x57e: {  	v9 =	vld [tilespmem:s1+$0xC000]  }
0x57f: {  	v10 =	vld [tilespmem:s1+$0xC010]  }
0x580: {  	v11 =	vld [tilespmem:s1+$0xC020]  }
0x581: {  	v12 =	vld [tilespmem:s1+$0xC030]  }
0x582: {  	v13 =	vld [tilespmem:s1+$0xC040]  }
0x583: {  	v14 =	vld [tilespmem:s1+$0xC050]  }
0x584: {  	v15 =	vld [tilespmem:s1+$0xC060]  }
0x585: {  	v16 =	vld [tilespmem:s1+$0xC070]  }
0x586: {  	v17 =	vld [tilespmem:s1+$0xC080]  }
0x587: {  	v18 =	vld [tilespmem:s1+$0xC090]  }
0x588: {  	v19 =	vld [tilespmem:s1+$0xC0A0]  }
0x589: {  	v20 =	vld [tilespmem:s1+$0xC0B0]  }
0x58a: {  	v21 =	vld [tilespmem:s1+$0xC0C0]  }
0x58b: {  	v22 =	vld [tilespmem:s1+$0xC0D0]  }
0x58c: {  	v23 =	vld [tilespmem:s1+$0xC0E0]  }
0x58d: {  	v24 =	vld [tilespmem:s1+$0x4000]  }
0x58e: {  	v25 =	vld [tilespmem:s1+$0x4010]  }
0x58f: {  	v26 =	vld [tilespmem:s1+$0x4020]  }
0x590: {  	vm0 =	vlt.s32 v7, v6;
	v7 =	vld [tilespmem:s1+$0x4030]  }
0x591: {  	v8 =	vsel vm0, $0x0, v8;
	vm0 =	vlt.s32 v9, v6;
	v9 =	vld [tilespmem:s1+$0x4040]  }
0x592: {  	vm1 =	vlt.s32 v10, v6;
	v10 =	vld [tilespmem:s1+$0x4050];
	[tilespmem:s1+$0x19170] =	vst v8;
	v8 =	vsel vm0, $0x0, v24  }
0x593: {  	vm0 =	vlt.s32 v11, v6;
	v11 =	vld [tilespmem:s1+$0x4060];
	[tilespmem:s1+$0x19080] =	vst v8;
	v8 =	vsel vm1, $0x0, v25  }
0x594: {  	vm1 =	vlt.s32 v12, v6;
	v12 =	vld [tilespmem:s1+$0x4070];
	[tilespmem:s1+$0x19090] =	vst v8;
	v8 =	vsel vm0, $0x0, v26  }
0x595: {  	vm0 =	vlt.s32 v13, v6;
	v13 =	vld [tilespmem:s1+$0x4080];
	[tilespmem:s1+$0x190A0] =	vst v8;
	v7 =	vsel vm1, $0x0, v7  }
0x596: {  	vm3 =	vlt.s32 v15, v6;
	vm1 =	vlt.s32 v14, v6;
	[tilespmem:s1+$0x190B0] =	vst v7;
	v8 =	vsel vm0, $0x0, v9;
	v7 =	vld [tilespmem:s1+$0x4090]  }
0x597: {  	vm6 =	vlt.s32 v17, v6;
	vm5 =	vlt.s32 v18, v6;
	v9 =	vsel vm1, $0x0, v10;
	[tilespmem:s1+$0x190C0] =	vst v8;
	v8 =	vld [tilespmem:s1+$0x40A0]  }
0x598: {  	vm2 =	vlt.s32 v19, v6;
	vm0 =	vlt.s32 v16, v6;
	[tilespmem:s1+$0x190D0] =	vst v9;
	v10 =	vsel vm3, $0x0, v11;
	v9 =	vld [tilespmem:s1+$0x40B0]  }
0x599: {  	vm4 =	vlt.s32 v20, v6;
	vm1 =	vlt.s32 v21, v6;
	[tilespmem:s1+$0x190E0] =	vst v10;
	v11 =	vsel vm0, $0x0, v12;
	v10 =	vld [tilespmem:s1+$0x40C0]  }
0x59a: {  	s4 =	simm.s32 $0x400;
	s3 =	simm.s32 $0x4000;
	vm3 =	vlt.s32 v22, v6;
	vm0 =	vlt.s32 v23, v6;
	[tilespmem:s1+$0x190F0] =	vst v11;
	v12 =	vsel vm6, $0x0, v13;
	v11 =	vld [tilespmem:s1+$0x40D0]  }
.LBB2_31:
0x59b: {  	s6 =	sshra.s32 s4, $0x2;
	s3 =	sadd.s32 $0x100, s3;
	[tilespmem:s1+$0x19100] =	vst v12;
	v7 =	vsel vm5, $0x0, v7;
	v12 =	vld [tilespmem:s1+$0x40E0]  }
0x59c: {  	v13 =	vld [tilespmem:s6+$0xC0F0];
	p0 =	slt.u32 s3, $0x4F00;
	[tilespmem:s1+$0x19110] =	vst v7;
	v7 =	vsel vm2, $0x0, v8  }
0x59d: {  	v8 =	vld [tilespmem:s6+$0x40F0];
	[tilespmem:s1+$0x19120] =	vst v7;
	v7 =	vsel vm4, $0x0, v9  }
0x59e: {  	v9 =	vld [tilespmem:s6+$0xC000];
	[tilespmem:s1+$0x19130] =	vst v7;
	v7 =	vsel vm1, $0x0, v10  }
0x59f: {  	v10 =	vld [tilespmem:s6+$0xC010];
	[tilespmem:s1+$0x19140] =	vst v7;
	v7 =	vsel vm3, $0x0, v11  }
0x5a0: {  	v11 =	vld [tilespmem:s6+$0xC020];
	[tilespmem:s1+$0x19150] =	vst v7;
	v7 =	vsel vm0, $0x0, v12  }
0x5a1: {  	v12 =	vld [tilespmem:s6+$0xC030];
	vm0 =	vlt.s32 v13, v6;
	[tilespmem:s1+$0x19160] =	vst v7;
	s1 =	smov.u32 s6  }
0x5a2: {  	v7 =	vld [tilespmem:s1+$0xC040];
	v8 =	vsel vm0, $0x0, v8  }
0x5a3: {  	vm13 =	vlt.s32 v9, v6;
	v9 =	vld [tilespmem:s1+$0xC050];
	[tilespmem:s1+$0x19170] =	vst v8  }
0x5a4: {  	vm14 =	vlt.s32 v10, v6;
	v8 =	vld [tilespmem:s1+$0xC060]  }
0x5a5: {  	vm12 =	vlt.s32 v11, v6;
	v10 =	vld [tilespmem:s1+$0xC070]  }
0x5a6: {  	vm11 =	vlt.s32 v12, v6;
	v11 =	vld [tilespmem:s1+$0xC080]  }
0x5a7: {  	vm10 =	vlt.s32 v7, v6;
	v7 =	vld [tilespmem:s1+$0xC090]  }
0x5a8: {  	vm9 =	vlt.s32 v9, v6;
	v9 =	vld [tilespmem:s1+$0xC0A0]  }
0x5a9: {  	vm8 =	vlt.s32 v8, v6;
	v8 =	vld [tilespmem:s1+$0xC0B0]  }
0x5aa: {  	vm7 =	vlt.s32 v10, v6;
	v10 =	vld [tilespmem:s1+$0xC0C0]  }
0x5ab: {  	vm6 =	vlt.s32 v11, v6;
	v11 =	vld [tilespmem:s1+$0xC0D0]  }
0x5ac: {  	vm5 =	vlt.s32 v7, v6;
	v7 =	vld [tilespmem:s1+$0xC0E0]  }
0x5ad: {  	v12 =	vld [tilespmem:s1+$0x4000];
	vm2 =	vlt.s32 v9, v6  }
0x5ae: {  	v9 =	vld [tilespmem:s1+$0x4010];
	vm4 =	vlt.s32 v8, v6  }
0x5af: {  	v8 =	vld [tilespmem:s1+$0x4020];
	vm1 =	vlt.s32 v10, v6  }
0x5b0: {  	v10 =	vld [tilespmem:s1+$0x4030];
	vm3 =	vlt.s32 v11, v6  }
0x5b1: {  	v11 =	vld [tilespmem:s1+$0x4040];
	vm0 =	vlt.s32 v7, v6  }
0x5b2: {  	v7 =	vsel vm13, $0x0, v12;
	v12 =	vld [tilespmem:s1+$0x4050]  }
0x5b3: {  	[tilespmem:s1+$0x19080] =	vst v7;
	v7 =	vsel vm14, $0x0, v9;
	v9 =	vld [tilespmem:s1+$0x4060]  }
0x5b4: {  	[tilespmem:s1+$0x19090] =	vst v7;
	v7 =	vsel vm12, $0x0, v8;
	v13 =	vld [tilespmem:s1+$0x4070]  }
0x5b5: {  	[tilespmem:s1+$0x190A0] =	vst v7;
	v7 =	vsel vm11, $0x0, v10;
	v14 =	vld [tilespmem:s1+$0x4080]  }
.Ltmp15:
0x5b6: {  	[tilespmem:s1+$0x190B0] =	vst v7;
	v8 =	vsel vm10, $0x0, v11;
	v7 =	vld [tilespmem:s1+$0x4090];
	(pc) =	sbr.rel @p0 .LBB2_31-.Ltmp15, $4  }
0x5b7: {  	[tilespmem:s1+$0x190C0] =	vst v8;
	v10 =	vsel vm9, $0x0, v12;
	v8 =	vld [tilespmem:s1+$0x40A0]  }
0x5b8: {  	[tilespmem:s1+$0x190D0] =	vst v10;
	v10 =	vsel vm8, $0x0, v9;
	v9 =	vld [tilespmem:s1+$0x40B0]  }
0x5b9: {  	[tilespmem:s1+$0x190E0] =	vst v10;
	v11 =	vsel vm7, $0x0, v13;
	v10 =	vld [tilespmem:s1+$0x40C0]  }
0x5ba: {  	s4 =	sadd.s32 $0x400, s4;
	[tilespmem:s1+$0x190F0] =	vst v11;
	v12 =	vsel vm6, $0x0, v14;
	v11 =	vld [tilespmem:s1+$0x40D0]  }
0x5bb: {  	[tilespmem:s1+$0x19100] =	vst v12;
	v7 =	vsel vm5, $0x0, v7;
	v12 =	vld [tilespmem:s1+$0x40E0]  }
0x5bc: {  	[tilespmem:s1+$0x19110] =	vst v7;
	v7 =	vsel vm2, $0x0, v8  }
0x5bd: {  	[tilespmem:s1+$0x19120] =	vst v7;
	v7 =	vsel vm4, $0x0, v9  }
0x5be: {  	[tilespmem:s1+$0x19130] =	vst v7;
	v7 =	vsel vm1, $0x0, v10  }
0x5bf: {  	[tilespmem:s1+$0x19140] =	vst v7;
	v7 =	vsel vm3, $0x0, v11  }
0x5c0: {  	[tilespmem:s1+$0x19150] =	vst v7;
	v7 =	vsel vm0, $0x0, v12  }
0x5c1: {  	[tilespmem:s1+$0x19160] =	vst v7  }
0x5c2: {  	s1 =	rddreg [dreg:$0xb]  }
0x5c3: {  	s20 =	rddreg [dreg:$0xc];
	s1 =	sadd.s32 s5, s1  }
0x5c4: {  	[hbm4b:s1+s22] =	stream.strided.scatter [tilespmem:s25], [sflag:$0x2], $0x1000, s23, s22, $0x38;
	[tilespmem:$0x1B080] =	vst v63  }
0x5c5: {  	s3 =	simm.s32 $0x3000;
	s1 =	sadd.s32 s7, s20  }
0x5c6: {  	[tilespmem:s3], [sflag:$0x1] =	stream.strided.gather [hbm4b:s1+s22], $0x1000, s23, s22, $0x38;
	[tilespmem:$0x1B080] =	vst v63  }
0x5c7: {  	_ =	swait.ge [sflag:s29], $0x1000  }
0x5c8: {  	[sflag:s29] =	ssyncset.done $0x0  }
0x5c9: {  	s1 =	simm.s32 $0x0;
	[sflag:s29] =	ssyncadd.s32 $0xFFFFF000  }
0x5ca: {  	v7 =	vld [tilespmem:s1+$0xD0F0]  }
0x5cb: {  	v8 =	vld [tilespmem:s1+$0x50F0]  }
0x5cc: {  	v9 =	vld [tilespmem:s1+$0xD000]  }
0x5cd: {  	v10 =	vld [tilespmem:s1+$0xD010]  }
0x5ce: {  	v11 =	vld [tilespmem:s1+$0xD020]  }
0x5cf: {  	v12 =	vld [tilespmem:s1+$0xD030]  }
0x5d0: {  	v13 =	vld [tilespmem:s1+$0xD040]  }
0x5d1: {  	v14 =	vld [tilespmem:s1+$0xD050]  }
0x5d2: {  	v15 =	vld [tilespmem:s1+$0xD060]  }
0x5d3: {  	v16 =	vld [tilespmem:s1+$0xD070]  }
0x5d4: {  	v17 =	vld [tilespmem:s1+$0xD080]  }
0x5d5: {  	v18 =	vld [tilespmem:s1+$0xD090]  }
0x5d6: {  	v19 =	vld [tilespmem:s1+$0xD0A0]  }
0x5d7: {  	v20 =	vld [tilespmem:s1+$0xD0B0]  }
0x5d8: {  	v21 =	vld [tilespmem:s1+$0xD0C0]  }
0x5d9: {  	v22 =	vld [tilespmem:s1+$0xD0D0]  }
0x5da: {  	v23 =	vld [tilespmem:s1+$0xD0E0]  }
0x5db: {  	v24 =	vld [tilespmem:s1+$0x5000]  }
0x5dc: {  	v25 =	vld [tilespmem:s1+$0x5010]  }
0x5dd: {  	v26 =	vld [tilespmem:s1+$0x5020]  }
0x5de: {  	vm0 =	vlt.s32 v7, v6;
	v7 =	vld [tilespmem:s1+$0x5030]  }
0x5df: {  	v8 =	vsel vm0, $0x0, v8;
	vm0 =	vlt.s32 v9, v6;
	v9 =	vld [tilespmem:s1+$0x5040]  }
0x5e0: {  	vm1 =	vlt.s32 v10, v6;
	v10 =	vld [tilespmem:s1+$0x5050];
	[tilespmem:s1+$0x1A170] =	vst v8;
	v8 =	vsel vm0, $0x0, v24  }
0x5e1: {  	vm0 =	vlt.s32 v11, v6;
	v11 =	vld [tilespmem:s1+$0x5060];
	[tilespmem:s1+$0x1A080] =	vst v8;
	v8 =	vsel vm1, $0x0, v25  }
0x5e2: {  	vm1 =	vlt.s32 v12, v6;
	v12 =	vld [tilespmem:s1+$0x5070];
	[tilespmem:s1+$0x1A090] =	vst v8;
	v8 =	vsel vm0, $0x0, v26  }
0x5e3: {  	vm0 =	vlt.s32 v13, v6;
	v13 =	vld [tilespmem:s1+$0x5080];
	[tilespmem:s1+$0x1A0A0] =	vst v8;
	v7 =	vsel vm1, $0x0, v7  }
0x5e4: {  	vm3 =	vlt.s32 v15, v6;
	vm1 =	vlt.s32 v14, v6;
	[tilespmem:s1+$0x1A0B0] =	vst v7;
	v8 =	vsel vm0, $0x0, v9;
	v7 =	vld [tilespmem:s1+$0x5090]  }
0x5e5: {  	vm6 =	vlt.s32 v17, v6;
	vm5 =	vlt.s32 v18, v6;
	v9 =	vsel vm1, $0x0, v10;
	[tilespmem:s1+$0x1A0C0] =	vst v8;
	v8 =	vld [tilespmem:s1+$0x50A0]  }
0x5e6: {  	vm2 =	vlt.s32 v19, v6;
	vm0 =	vlt.s32 v16, v6;
	[tilespmem:s1+$0x1A0D0] =	vst v9;
	v10 =	vsel vm3, $0x0, v11;
	v9 =	vld [tilespmem:s1+$0x50B0]  }
0x5e7: {  	vm4 =	vlt.s32 v20, v6;
	vm1 =	vlt.s32 v21, v6;
	[tilespmem:s1+$0x1A0E0] =	vst v10;
	v11 =	vsel vm0, $0x0, v12;
	v10 =	vld [tilespmem:s1+$0x50C0]  }
0x5e8: {  	s4 =	simm.s32 $0x400;
	s3 =	simm.s32 $0x5000;
	vm3 =	vlt.s32 v22, v6;
	vm0 =	vlt.s32 v23, v6;
	[tilespmem:s1+$0x1A0F0] =	vst v11;
	v12 =	vsel vm6, $0x0, v13;
	v11 =	vld [tilespmem:s1+$0x50D0]  }
.LBB2_33:
0x5e9: {  	s6 =	sshra.s32 s4, $0x2;
	s3 =	sadd.s32 $0x100, s3;
	[tilespmem:s1+$0x1A100] =	vst v12;
	v7 =	vsel vm5, $0x0, v7;
	v12 =	vld [tilespmem:s1+$0x50E0]  }
0x5ea: {  	v13 =	vld [tilespmem:s6+$0xD0F0];
	p0 =	slt.u32 s3, $0x5F00;
	[tilespmem:s1+$0x1A110] =	vst v7;
	v7 =	vsel vm2, $0x0, v8  }
0x5eb: {  	v8 =	vld [tilespmem:s6+$0x50F0];
	[tilespmem:s1+$0x1A120] =	vst v7;
	v7 =	vsel vm4, $0x0, v9  }
0x5ec: {  	v9 =	vld [tilespmem:s6+$0xD000];
	[tilespmem:s1+$0x1A130] =	vst v7;
	v7 =	vsel vm1, $0x0, v10  }
0x5ed: {  	v10 =	vld [tilespmem:s6+$0xD010];
	[tilespmem:s1+$0x1A140] =	vst v7;
	v7 =	vsel vm3, $0x0, v11  }
0x5ee: {  	v11 =	vld [tilespmem:s6+$0xD020];
	[tilespmem:s1+$0x1A150] =	vst v7;
	v7 =	vsel vm0, $0x0, v12  }
0x5ef: {  	v12 =	vld [tilespmem:s6+$0xD030];
	vm0 =	vlt.s32 v13, v6;
	[tilespmem:s1+$0x1A160] =	vst v7;
	s1 =	smov.u32 s6  }
0x5f0: {  	v7 =	vld [tilespmem:s1+$0xD040];
	v8 =	vsel vm0, $0x0, v8  }
0x5f1: {  	vm13 =	vlt.s32 v9, v6;
	v9 =	vld [tilespmem:s1+$0xD050];
	[tilespmem:s1+$0x1A170] =	vst v8  }
0x5f2: {  	vm14 =	vlt.s32 v10, v6;
	v8 =	vld [tilespmem:s1+$0xD060]  }
0x5f3: {  	vm12 =	vlt.s32 v11, v6;
	v10 =	vld [tilespmem:s1+$0xD070]  }
0x5f4: {  	vm11 =	vlt.s32 v12, v6;
	v11 =	vld [tilespmem:s1+$0xD080]  }
0x5f5: {  	vm10 =	vlt.s32 v7, v6;
	v7 =	vld [tilespmem:s1+$0xD090]  }
0x5f6: {  	vm9 =	vlt.s32 v9, v6;
	v9 =	vld [tilespmem:s1+$0xD0A0]  }
0x5f7: {  	vm8 =	vlt.s32 v8, v6;
	v8 =	vld [tilespmem:s1+$0xD0B0]  }
0x5f8: {  	vm7 =	vlt.s32 v10, v6;
	v10 =	vld [tilespmem:s1+$0xD0C0]  }
0x5f9: {  	vm6 =	vlt.s32 v11, v6;
	v11 =	vld [tilespmem:s1+$0xD0D0]  }
0x5fa: {  	vm5 =	vlt.s32 v7, v6;
	v7 =	vld [tilespmem:s1+$0xD0E0]  }
0x5fb: {  	v12 =	vld [tilespmem:s1+$0x5000];
	vm2 =	vlt.s32 v9, v6  }
0x5fc: {  	v9 =	vld [tilespmem:s1+$0x5010];
	vm4 =	vlt.s32 v8, v6  }
0x5fd: {  	v8 =	vld [tilespmem:s1+$0x5020];
	vm1 =	vlt.s32 v10, v6  }
0x5fe: {  	v10 =	vld [tilespmem:s1+$0x5030];
	vm3 =	vlt.s32 v11, v6  }
0x5ff: {  	v11 =	vld [tilespmem:s1+$0x5040];
	vm0 =	vlt.s32 v7, v6  }
0x600: {  	v7 =	vsel vm13, $0x0, v12;
	v12 =	vld [tilespmem:s1+$0x5050]  }
0x601: {  	[tilespmem:s1+$0x1A080] =	vst v7;
	v7 =	vsel vm14, $0x0, v9;
	v9 =	vld [tilespmem:s1+$0x5060]  }
0x602: {  	[tilespmem:s1+$0x1A090] =	vst v7;
	v7 =	vsel vm12, $0x0, v8;
	v13 =	vld [tilespmem:s1+$0x5070]  }
0x603: {  	[tilespmem:s1+$0x1A0A0] =	vst v7;
	v7 =	vsel vm11, $0x0, v10;
	v14 =	vld [tilespmem:s1+$0x5080]  }
.Ltmp16:
0x604: {  	[tilespmem:s1+$0x1A0B0] =	vst v7;
	v8 =	vsel vm10, $0x0, v11;
	v7 =	vld [tilespmem:s1+$0x5090];
	(pc) =	sbr.rel @p0 .LBB2_33-.Ltmp16, $4  }
0x605: {  	[tilespmem:s1+$0x1A0C0] =	vst v8;
	v10 =	vsel vm9, $0x0, v12;
	v8 =	vld [tilespmem:s1+$0x50A0]  }
0x606: {  	[tilespmem:s1+$0x1A0D0] =	vst v10;
	v10 =	vsel vm8, $0x0, v9;
	v9 =	vld [tilespmem:s1+$0x50B0]  }
0x607: {  	[tilespmem:s1+$0x1A0E0] =	vst v10;
	v11 =	vsel vm7, $0x0, v13;
	v10 =	vld [tilespmem:s1+$0x50C0]  }
0x608: {  	s4 =	sadd.s32 $0x400, s4;
	[tilespmem:s1+$0x1A0F0] =	vst v11;
	v12 =	vsel vm6, $0x0, v14;
	v11 =	vld [tilespmem:s1+$0x50D0]  }
0x609: {  	[tilespmem:s1+$0x1A100] =	vst v12;
	v7 =	vsel vm5, $0x0, v7;
	v12 =	vld [tilespmem:s1+$0x50E0]  }
0x60a: {  	[tilespmem:s1+$0x1A110] =	vst v7;
	v7 =	vsel vm2, $0x0, v8  }
0x60b: {  	[tilespmem:s1+$0x1A120] =	vst v7;
	v7 =	vsel vm4, $0x0, v9  }
0x60c: {  	[tilespmem:s1+$0x1A130] =	vst v7;
	v7 =	vsel vm1, $0x0, v10  }
0x60d: {  	[tilespmem:s1+$0x1A140] =	vst v7;
	v7 =	vsel vm3, $0x0, v11  }
0x60e: {  	[tilespmem:s1+$0x1A150] =	vst v7;
	v7 =	vsel vm0, $0x0, v12  }
0x60f: {  	[tilespmem:s1+$0x1A160] =	vst v7  }
0x610: {  	s1 =	rddreg [dreg:$0xd]  }
0x611: {  	s20 =	rddreg [dreg:$0xe];
	s1 =	sadd.s32 s5, s1  }
0x612: {  	[hbm4b:s1+s22] =	stream.strided.scatter [tilespmem:s28], [sflag:$0x2], $0x1000, s23, s22, $0x38;
	[tilespmem:$0x1B080] =	vst v63  }
0x613: {  	s3 =	simm.s32 $0x4000;
	s1 =	sadd.s32 s7, s20  }
0x614: {  	[tilespmem:s3], [sflag:$0x1] =	stream.strided.gather [hbm4b:s1+s22], $0x1000, s23, s22, $0x38;
	[tilespmem:$0x1B080] =	vst v63  }
0x615: {  	_ =	swait.ge [sflag:s29], $0x1000  }
0x616: {  	[sflag:s29] =	ssyncset.done $0x0  }
0x617: {  	s1 =	simm.s32 $0x0;
	[sflag:s29] =	ssyncadd.s32 $0xFFFFF000  }
0x618: {  	v7 =	vld [tilespmem:s1+$0xE0F0]  }
0x619: {  	v8 =	vld [tilespmem:s1+$0x60F0]  }
0x61a: {  	v9 =	vld [tilespmem:s1+$0xE000]  }
0x61b: {  	v10 =	vld [tilespmem:s1+$0xE010]  }
0x61c: {  	v11 =	vld [tilespmem:s1+$0xE020]  }
0x61d: {  	v12 =	vld [tilespmem:s1+$0xE030]  }
0x61e: {  	v13 =	vld [tilespmem:s1+$0xE040]  }
0x61f: {  	v14 =	vld [tilespmem:s1+$0xE050]  }
0x620: {  	v15 =	vld [tilespmem:s1+$0xE060]  }
0x621: {  	v16 =	vld [tilespmem:s1+$0xE070]  }
0x622: {  	v17 =	vld [tilespmem:s1+$0xE080]  }
0x623: {  	v18 =	vld [tilespmem:s1+$0xE090]  }
0x624: {  	v19 =	vld [tilespmem:s1+$0xE0A0]  }
0x625: {  	v20 =	vld [tilespmem:s1+$0xE0B0]  }
0x626: {  	v21 =	vld [tilespmem:s1+$0xE0C0]  }
0x627: {  	v22 =	vld [tilespmem:s1+$0xE0D0]  }
0x628: {  	v23 =	vld [tilespmem:s1+$0xE0E0]  }
0x629: {  	v24 =	vld [tilespmem:s1+$0x6000]  }
0x62a: {  	v25 =	vld [tilespmem:s1+$0x6010]  }
0x62b: {  	v26 =	vld [tilespmem:s1+$0x6020]  }
0x62c: {  	vm0 =	vlt.s32 v7, v6;
	v7 =	vld [tilespmem:s1+$0x6030]  }
0x62d: {  	v8 =	vsel vm0, $0x0, v8;
	vm0 =	vlt.s32 v9, v6;
	v9 =	vld [tilespmem:s1+$0x6040]  }
0x62e: {  	vm1 =	vlt.s32 v10, v6;
	v10 =	vld [tilespmem:s1+$0x6050];
	[tilespmem:s1+$0x19170] =	vst v8;
	v8 =	vsel vm0, $0x0, v24  }
0x62f: {  	vm0 =	vlt.s32 v11, v6;
	v11 =	vld [tilespmem:s1+$0x6060];
	[tilespmem:s1+$0x19080] =	vst v8;
	v8 =	vsel vm1, $0x0, v25  }
0x630: {  	vm1 =	vlt.s32 v12, v6;
	v12 =	vld [tilespmem:s1+$0x6070];
	[tilespmem:s1+$0x19090] =	vst v8;
	v8 =	vsel vm0, $0x0, v26  }
0x631: {  	vm0 =	vlt.s32 v13, v6;
	v13 =	vld [tilespmem:s1+$0x6080];
	[tilespmem:s1+$0x190A0] =	vst v8;
	v7 =	vsel vm1, $0x0, v7  }
0x632: {  	vm3 =	vlt.s32 v15, v6;
	vm1 =	vlt.s32 v14, v6;
	[tilespmem:s1+$0x190B0] =	vst v7;
	v8 =	vsel vm0, $0x0, v9;
	v7 =	vld [tilespmem:s1+$0x6090]  }
0x633: {  	vm6 =	vlt.s32 v17, v6;
	vm5 =	vlt.s32 v18, v6;
	v9 =	vsel vm1, $0x0, v10;
	[tilespmem:s1+$0x190C0] =	vst v8;
	v8 =	vld [tilespmem:s1+$0x60A0]  }
0x634: {  	vm2 =	vlt.s32 v19, v6;
	vm0 =	vlt.s32 v16, v6;
	[tilespmem:s1+$0x190D0] =	vst v9;
	v10 =	vsel vm3, $0x0, v11;
	v9 =	vld [tilespmem:s1+$0x60B0]  }
0x635: {  	vm4 =	vlt.s32 v20, v6;
	vm1 =	vlt.s32 v21, v6;
	[tilespmem:s1+$0x190E0] =	vst v10;
	v11 =	vsel vm0, $0x0, v12;
	v10 =	vld [tilespmem:s1+$0x60C0]  }
0x636: {  	s4 =	simm.s32 $0x400;
	s3 =	simm.s32 $0x6000;
	vm3 =	vlt.s32 v22, v6;
	vm0 =	vlt.s32 v23, v6;
	[tilespmem:s1+$0x190F0] =	vst v11;
	v12 =	vsel vm6, $0x0, v13;
	v11 =	vld [tilespmem:s1+$0x60D0]  }
.LBB2_35:
0x637: {  	s6 =	sshra.s32 s4, $0x2;
	s3 =	sadd.s32 $0x100, s3;
	[tilespmem:s1+$0x19100] =	vst v12;
	v7 =	vsel vm5, $0x0, v7;
	v12 =	vld [tilespmem:s1+$0x60E0]  }
0x638: {  	v13 =	vld [tilespmem:s6+$0xE0F0];
	p0 =	slt.u32 s3, $0x6F00;
	[tilespmem:s1+$0x19110] =	vst v7;
	v7 =	vsel vm2, $0x0, v8  }
0x639: {  	v8 =	vld [tilespmem:s6+$0x60F0];
	[tilespmem:s1+$0x19120] =	vst v7;
	v7 =	vsel vm4, $0x0, v9  }
0x63a: {  	v9 =	vld [tilespmem:s6+$0xE000];
	[tilespmem:s1+$0x19130] =	vst v7;
	v7 =	vsel vm1, $0x0, v10  }
0x63b: {  	v10 =	vld [tilespmem:s6+$0xE010];
	[tilespmem:s1+$0x19140] =	vst v7;
	v7 =	vsel vm3, $0x0, v11  }
0x63c: {  	v11 =	vld [tilespmem:s6+$0xE020];
	[tilespmem:s1+$0x19150] =	vst v7;
	v7 =	vsel vm0, $0x0, v12  }
0x63d: {  	v12 =	vld [tilespmem:s6+$0xE030];
	vm0 =	vlt.s32 v13, v6;
	[tilespmem:s1+$0x19160] =	vst v7;
	s1 =	smov.u32 s6  }
0x63e: {  	v7 =	vld [tilespmem:s1+$0xE040];
	v8 =	vsel vm0, $0x0, v8  }
0x63f: {  	vm13 =	vlt.s32 v9, v6;
	v9 =	vld [tilespmem:s1+$0xE050];
	[tilespmem:s1+$0x19170] =	vst v8  }
0x640: {  	vm14 =	vlt.s32 v10, v6;
	v8 =	vld [tilespmem:s1+$0xE060]  }
0x641: {  	vm12 =	vlt.s32 v11, v6;
	v10 =	vld [tilespmem:s1+$0xE070]  }
0x642: {  	vm11 =	vlt.s32 v12, v6;
	v11 =	vld [tilespmem:s1+$0xE080]  }
0x643: {  	vm10 =	vlt.s32 v7, v6;
	v7 =	vld [tilespmem:s1+$0xE090]  }
0x644: {  	vm9 =	vlt.s32 v9, v6;
	v9 =	vld [tilespmem:s1+$0xE0A0]  }
0x645: {  	vm8 =	vlt.s32 v8, v6;
	v8 =	vld [tilespmem:s1+$0xE0B0]  }
0x646: {  	vm7 =	vlt.s32 v10, v6;
	v10 =	vld [tilespmem:s1+$0xE0C0]  }
0x647: {  	vm6 =	vlt.s32 v11, v6;
	v11 =	vld [tilespmem:s1+$0xE0D0]  }
0x648: {  	vm5 =	vlt.s32 v7, v6;
	v7 =	vld [tilespmem:s1+$0xE0E0]  }
0x649: {  	v12 =	vld [tilespmem:s1+$0x6000];
	vm2 =	vlt.s32 v9, v6  }
0x64a: {  	v9 =	vld [tilespmem:s1+$0x6010];
	vm4 =	vlt.s32 v8, v6  }
0x64b: {  	v8 =	vld [tilespmem:s1+$0x6020];
	vm1 =	vlt.s32 v10, v6  }
0x64c: {  	v10 =	vld [tilespmem:s1+$0x6030];
	vm3 =	vlt.s32 v11, v6  }
0x64d: {  	v11 =	vld [tilespmem:s1+$0x6040];
	vm0 =	vlt.s32 v7, v6  }
0x64e: {  	v7 =	vsel vm13, $0x0, v12;
	v12 =	vld [tilespmem:s1+$0x6050]  }
0x64f: {  	[tilespmem:s1+$0x19080] =	vst v7;
	v7 =	vsel vm14, $0x0, v9;
	v9 =	vld [tilespmem:s1+$0x6060]  }
0x650: {  	[tilespmem:s1+$0x19090] =	vst v7;
	v7 =	vsel vm12, $0x0, v8;
	v13 =	vld [tilespmem:s1+$0x6070]  }
0x651: {  	[tilespmem:s1+$0x190A0] =	vst v7;
	v7 =	vsel vm11, $0x0, v10;
	v14 =	vld [tilespmem:s1+$0x6080]  }
.Ltmp17:
0x652: {  	[tilespmem:s1+$0x190B0] =	vst v7;
	v8 =	vsel vm10, $0x0, v11;
	v7 =	vld [tilespmem:s1+$0x6090];
	(pc) =	sbr.rel @p0 .LBB2_35-.Ltmp17, $4  }
0x653: {  	[tilespmem:s1+$0x190C0] =	vst v8;
	v10 =	vsel vm9, $0x0, v12;
	v8 =	vld [tilespmem:s1+$0x60A0]  }
0x654: {  	[tilespmem:s1+$0x190D0] =	vst v10;
	v10 =	vsel vm8, $0x0, v9;
	v9 =	vld [tilespmem:s1+$0x60B0]  }
0x655: {  	[tilespmem:s1+$0x190E0] =	vst v10;
	v11 =	vsel vm7, $0x0, v13;
	v10 =	vld [tilespmem:s1+$0x60C0]  }
0x656: {  	s4 =	sadd.s32 $0x400, s4;
	[tilespmem:s1+$0x190F0] =	vst v11;
	v12 =	vsel vm6, $0x0, v14;
	v11 =	vld [tilespmem:s1+$0x60D0]  }
0x657: {  	[tilespmem:s1+$0x19100] =	vst v12;
	v7 =	vsel vm5, $0x0, v7;
	v12 =	vld [tilespmem:s1+$0x60E0]  }
0x658: {  	[tilespmem:s1+$0x19110] =	vst v7;
	v7 =	vsel vm2, $0x0, v8  }
0x659: {  	[tilespmem:s1+$0x19120] =	vst v7;
	v7 =	vsel vm4, $0x0, v9  }
0x65a: {  	[tilespmem:s1+$0x19130] =	vst v7;
	v7 =	vsel vm1, $0x0, v10  }
0x65b: {  	[tilespmem:s1+$0x19140] =	vst v7;
	v7 =	vsel vm3, $0x0, v11  }
0x65c: {  	[tilespmem:s1+$0x19150] =	vst v7;
	v7 =	vsel vm0, $0x0, v12  }
0x65d: {  	s14 =	sadd.s32 s5, s17;
	[tilespmem:s1+$0x19160] =	vst v7  }
0x65e: {  	[hbm4b:s14+s22] =	stream.strided.scatter [tilespmem:s25], [sflag:$0x2], $0x1000, s23, s22, $0x38;
	[tilespmem:$0x1B080] =	vst v63  }
0x65f: {  	s20 =	sadd.s32 s7, s18;
	s3 =	simm.s32 $0x5000  }
0x660: {  	[tilespmem:s3], [sflag:$0x1] =	stream.strided.gather [hbm4b:s20+s22], $0x1000, s23, s22, $0x38;
	[tilespmem:$0x1B080] =	vst v63  }
0x661: {  	_ =	swait.ge [sflag:s29], $0x1000  }
0x662: {  	[sflag:s29] =	ssyncset.done $0x0  }
0x663: {  	s1 =	simm.s32 $0x0;
	[sflag:s29] =	ssyncadd.s32 $0xFFFFF000  }
0x664: {  	v7 =	vld [tilespmem:s1+$0xF0F0]  }
0x665: {  	v8 =	vld [tilespmem:s1+$0x70F0]  }
0x666: {  	v9 =	vld [tilespmem:s1+$0xF000]  }
0x667: {  	v10 =	vld [tilespmem:s1+$0xF010]  }
0x668: {  	v11 =	vld [tilespmem:s1+$0xF020]  }
0x669: {  	v12 =	vld [tilespmem:s1+$0xF030]  }
0x66a: {  	v13 =	vld [tilespmem:s1+$0xF040]  }
0x66b: {  	v14 =	vld [tilespmem:s1+$0xF050]  }
0x66c: {  	v15 =	vld [tilespmem:s1+$0xF060]  }
0x66d: {  	v16 =	vld [tilespmem:s1+$0xF070]  }
0x66e: {  	v17 =	vld [tilespmem:s1+$0xF080]  }
0x66f: {  	v18 =	vld [tilespmem:s1+$0xF090]  }
0x670: {  	v19 =	vld [tilespmem:s1+$0xF0A0]  }
0x671: {  	v20 =	vld [tilespmem:s1+$0xF0B0]  }
0x672: {  	v21 =	vld [tilespmem:s1+$0xF0C0]  }
0x673: {  	v22 =	vld [tilespmem:s1+$0xF0D0]  }
0x674: {  	v23 =	vld [tilespmem:s1+$0xF0E0]  }
0x675: {  	v24 =	vld [tilespmem:s1+$0x7000]  }
0x676: {  	v25 =	vld [tilespmem:s1+$0x7010]  }
0x677: {  	v26 =	vld [tilespmem:s1+$0x7020]  }
0x678: {  	vm0 =	vlt.s32 v7, v6;
	v7 =	vld [tilespmem:s1+$0x7030]  }
0x679: {  	v8 =	vsel vm0, $0x0, v8;
	vm0 =	vlt.s32 v9, v6;
	v9 =	vld [tilespmem:s1+$0x7040]  }
0x67a: {  	vm1 =	vlt.s32 v10, v6;
	v10 =	vld [tilespmem:s1+$0x7050];
	[tilespmem:s1+$0x1A170] =	vst v8;
	v8 =	vsel vm0, $0x0, v24  }
0x67b: {  	vm0 =	vlt.s32 v11, v6;
	v11 =	vld [tilespmem:s1+$0x7060];
	[tilespmem:s1+$0x1A080] =	vst v8;
	v8 =	vsel vm1, $0x0, v25  }
0x67c: {  	vm1 =	vlt.s32 v12, v6;
	v12 =	vld [tilespmem:s1+$0x7070];
	[tilespmem:s1+$0x1A090] =	vst v8;
	v8 =	vsel vm0, $0x0, v26  }
0x67d: {  	vm0 =	vlt.s32 v13, v6;
	v13 =	vld [tilespmem:s1+$0x7080];
	[tilespmem:s1+$0x1A0A0] =	vst v8;
	v7 =	vsel vm1, $0x0, v7  }
0x67e: {  	vm2 =	vlt.s32 v15, v6;
	vm1 =	vlt.s32 v14, v6;
	[tilespmem:s1+$0x1A0B0] =	vst v7;
	v8 =	vsel vm0, $0x0, v9;
	v7 =	vld [tilespmem:s1+$0x7090]  }
0x67f: {  	vm6 =	vlt.s32 v17, v6;
	vm5 =	vlt.s32 v18, v6;
	v9 =	vsel vm1, $0x0, v10;
	[tilespmem:s1+$0x1A0C0] =	vst v8;
	v8 =	vld [tilespmem:s1+$0x70A0]  }
0x680: {  	vm3 =	vlt.s32 v19, v6;
	vm0 =	vlt.s32 v16, v6;
	[tilespmem:s1+$0x1A0D0] =	vst v9;
	v10 =	vsel vm2, $0x0, v11;
	v9 =	vld [tilespmem:s1+$0x70B0]  }
0x681: {  	vm4 =	vlt.s32 v20, v6;
	vm1 =	vlt.s32 v21, v6;
	[tilespmem:s1+$0x1A0E0] =	vst v10;
	v11 =	vsel vm0, $0x0, v12;
	v10 =	vld [tilespmem:s1+$0x70C0]  }
0x682: {  	s4 =	simm.s32 $0x400;
	s3 =	simm.s32 $0x7000;
	vm2 =	vlt.s32 v22, v6;
	vm0 =	vlt.s32 v23, v6;
	[tilespmem:s1+$0x1A0F0] =	vst v11;
	v12 =	vsel vm6, $0x0, v13;
	v11 =	vld [tilespmem:s1+$0x70D0]  }
.LBB2_37:
0x683: {  	s5 =	sshra.s32 s4, $0x2;
	s3 =	sadd.s32 $0x100, s3;
	[tilespmem:s1+$0x1A100] =	vst v12;
	v7 =	vsel vm5, $0x0, v7;
	v12 =	vld [tilespmem:s1+$0x70E0]  }
0x684: {  	v13 =	vld [tilespmem:s5+$0xF0F0];
	p0 =	slt.u32 s3, $0x7F00;
	[tilespmem:s1+$0x1A110] =	vst v7;
	v7 =	vsel vm3, $0x0, v8  }
0x685: {  	v8 =	vld [tilespmem:s5+$0x70F0];
	[tilespmem:s1+$0x1A120] =	vst v7;
	v7 =	vsel vm4, $0x0, v9  }
0x686: {  	v9 =	vld [tilespmem:s5+$0xF000];
	[tilespmem:s1+$0x1A130] =	vst v7;
	v7 =	vsel vm1, $0x0, v10  }
0x687: {  	v10 =	vld [tilespmem:s5+$0xF010];
	[tilespmem:s1+$0x1A140] =	vst v7;
	v7 =	vsel vm2, $0x0, v11  }
0x688: {  	v11 =	vld [tilespmem:s5+$0xF020];
	[tilespmem:s1+$0x1A150] =	vst v7;
	v7 =	vsel vm0, $0x0, v12  }
0x689: {  	v12 =	vld [tilespmem:s5+$0xF030];
	vm0 =	vlt.s32 v13, v6;
	[tilespmem:s1+$0x1A160] =	vst v7;
	s1 =	smov.u32 s5  }
0x68a: {  	v7 =	vld [tilespmem:s1+$0xF040];
	v8 =	vsel vm0, $0x0, v8  }
0x68b: {  	vm13 =	vlt.s32 v9, v6;
	v9 =	vld [tilespmem:s1+$0xF050];
	[tilespmem:s1+$0x1A170] =	vst v8  }
0x68c: {  	vm14 =	vlt.s32 v10, v6;
	v8 =	vld [tilespmem:s1+$0xF060]  }
0x68d: {  	vm12 =	vlt.s32 v11, v6;
	v10 =	vld [tilespmem:s1+$0xF070]  }
0x68e: {  	vm11 =	vlt.s32 v12, v6;
	v11 =	vld [tilespmem:s1+$0xF080]  }
0x68f: {  	vm10 =	vlt.s32 v7, v6;
	v7 =	vld [tilespmem:s1+$0xF090]  }
0x690: {  	vm9 =	vlt.s32 v9, v6;
	v9 =	vld [tilespmem:s1+$0xF0A0]  }
0x691: {  	vm8 =	vlt.s32 v8, v6;
	v8 =	vld [tilespmem:s1+$0xF0B0]  }
0x692: {  	vm7 =	vlt.s32 v10, v6;
	v10 =	vld [tilespmem:s1+$0xF0C0]  }
0x693: {  	vm6 =	vlt.s32 v11, v6;
	v11 =	vld [tilespmem:s1+$0xF0D0]  }
0x694: {  	vm5 =	vlt.s32 v7, v6;
	v7 =	vld [tilespmem:s1+$0xF0E0]  }
0x695: {  	v12 =	vld [tilespmem:s1+$0x7000];
	vm3 =	vlt.s32 v9, v6  }
0x696: {  	v9 =	vld [tilespmem:s1+$0x7010];
	vm4 =	vlt.s32 v8, v6  }
0x697: {  	v8 =	vld [tilespmem:s1+$0x7020];
	vm1 =	vlt.s32 v10, v6  }
0x698: {  	v10 =	vld [tilespmem:s1+$0x7030];
	vm2 =	vlt.s32 v11, v6  }
0x699: {  	v11 =	vld [tilespmem:s1+$0x7040];
	vm0 =	vlt.s32 v7, v6  }
0x69a: {  	v7 =	vsel vm13, $0x0, v12;
	v12 =	vld [tilespmem:s1+$0x7050]  }
0x69b: {  	[tilespmem:s1+$0x1A080] =	vst v7;
	v7 =	vsel vm14, $0x0, v9;
	v9 =	vld [tilespmem:s1+$0x7060]  }
0x69c: {  	[tilespmem:s1+$0x1A090] =	vst v7;
	v7 =	vsel vm12, $0x0, v8;
	v13 =	vld [tilespmem:s1+$0x7070]  }
0x69d: {  	[tilespmem:s1+$0x1A0A0] =	vst v7;
	v7 =	vsel vm11, $0x0, v10;
	v14 =	vld [tilespmem:s1+$0x7080]  }
.Ltmp18:
0x69e: {  	[tilespmem:s1+$0x1A0B0] =	vst v7;
	v8 =	vsel vm10, $0x0, v11;
	v7 =	vld [tilespmem:s1+$0x7090];
	(pc) =	sbr.rel @p0 .LBB2_37-.Ltmp18, $4  }
0x69f: {  	[tilespmem:s1+$0x1A0C0] =	vst v8;
	v10 =	vsel vm9, $0x0, v12;
	v8 =	vld [tilespmem:s1+$0x70A0]  }
0x6a0: {  	[tilespmem:s1+$0x1A0D0] =	vst v10;
	v10 =	vsel vm8, $0x0, v9;
	v9 =	vld [tilespmem:s1+$0x70B0]  }
0x6a1: {  	[tilespmem:s1+$0x1A0E0] =	vst v10;
	v11 =	vsel vm7, $0x0, v13;
	v10 =	vld [tilespmem:s1+$0x70C0]  }
0x6a2: {  	s4 =	sadd.s32 $0x400, s4;
	[tilespmem:s1+$0x1A0F0] =	vst v11;
	v12 =	vsel vm6, $0x0, v14;
	v11 =	vld [tilespmem:s1+$0x70D0]  }
0x6a3: {  	[tilespmem:s1+$0x1A100] =	vst v12;
	v6 =	vsel vm5, $0x0, v7;
	v7 =	vld [tilespmem:s1+$0x70E0]  }
0x6a4: {  	[tilespmem:s1+$0x1A110] =	vst v6;
	v6 =	vsel vm3, $0x0, v8  }
0x6a5: {  	[tilespmem:s1+$0x1A120] =	vst v6;
	v6 =	vsel vm4, $0x0, v9  }
0x6a6: {  	s3 =	sor.u32 s30, s31;
	[tilespmem:s1+$0x1A130] =	vst v6;
	v6 =	vsel vm1, $0x0, v10  }
0x6a7: {  	s3 =	sshrl.u32 s3, $0x3;
	[tilespmem:s1+$0x1A140] =	vst v6;
	v6 =	vsel vm2, $0x0, v11  }
0x6a8: {  	s0 =	sor.u32 s0, s2;
	s3 =	sor.u32 $0x7000, s3;
	[tilespmem:s1+$0x1A150] =	vst v6;
	v6 =	vsel vm0, $0x0, v7  }
0x6a9: {  	s0 =	sshrl.u32 s0, $0x3;
	s14 =	sadd.s32 s16, s3;
	[tilespmem:s1+$0x1A160] =	vst v6  }
0x6aa: {  	[hbm4b:s14+s22] =	stream.strided.scatter [tilespmem:s28], [sflag:$0x2], $0x1000, s23, s22, $0x38;
	[tilespmem:$0x1B080] =	vst v63  }
0x6ab: {  	s20 =	sadd.s32 s7, s19;
	s30 =	simm.s32 $0x6000;
	s0 =	sor.u32 $0x7000, s0  }
0x6ac: {  	[tilespmem:s30], [sflag:$0x1] =	stream.strided.gather [hbm4b:s20+s22], $0x1000, s23, s22, $0x38;
	[tilespmem:$0x1B080] =	vst v63  }
0x6ad: {  	s31 =	simm.s32 $0x7000;
	s0 =	sadd.s32 s15, s0  }
0x6ae: {  	[tilespmem:s31], [sflag:$0x1] =	stream.strided.gather [hbm4b:s0+s22], $0x1000, s23, s22, $0x38;
	[tilespmem:$0x1B080] =	vst v63  }
0x6af: {  	_ =	swait.ge [sflag:s29], $0x1000  }
0x6b0: {  	[sflag:s29] =	ssyncset.done $0x0  }
0x6b1: {  	[sflag:s29] =	ssyncadd.s32 $0xFFFFF000  }
0x6b2: {  	_ =	swait.ge [sflag:s29], $0x1000  }
0x6b3: {  	[sflag:s29] =	ssyncset.done $0x0  }
0x6b4: {  	[sflag:s29] =	ssyncadd.s32 $0xFFFFF000  }
0x6b5: {  	_ =	swait.ge [sflag:s26], $0x1000  }
0x6b6: {  	[sflag:s26] =	ssyncset.done $0x0  }
0x6b7: {  	[sflag:s26] =	ssyncadd.s32 $0xFFFFF000  }
0x6b8: {  	_ =	swait.ge [sflag:s26], $0x1000  }
0x6b9: {  	[sflag:s26] =	ssyncset.done $0x0  }
0x6ba: {  	[sflag:s26] =	ssyncadd.s32 $0xFFFFF000  }
0x6bb: {  	_ =	swait.ge [sflag:s26], $0x1000  }
0x6bc: {  	[sflag:s26] =	ssyncset.done $0x0  }
0x6bd: {  	[sflag:s26] =	ssyncadd.s32 $0xFFFFF000  }
0x6be: {  	_ =	swait.ge [sflag:s26], $0x1000  }
0x6bf: {  	[sflag:s26] =	ssyncset.done $0x0  }
0x6c0: {  	[sflag:s26] =	ssyncadd.s32 $0xFFFFF000  }
0x6c1: {  	_ =	swait.ge [sflag:s26], $0x1000  }
0x6c2: {  	[sflag:s26] =	ssyncset.done $0x0  }
0x6c3: {  	[sflag:s26] =	ssyncadd.s32 $0xFFFFF000  }
0x6c4: {  	_ =	swait.ge [sflag:s26], $0x1000  }
0x6c5: {  	[sflag:s26] =	ssyncset.done $0x0  }
0x6c6: {  	s21 =	sadd.s32 $0x1, s21;
	[sflag:s26] =	ssyncadd.s32 $0xFFFFF000  }
0x6c7: {  	p0 =	sne.s32 s21, $0x4;
	_ =	swait.ge [sflag:s26], $0x1000  }
.Ltmp19:
0x6c8: {  	[sflag:s26] =	ssyncset.done $0x0;
	(pc) =	sbr.rel @p0 .LBB2_6-.Ltmp19, $4  }
0x6c9: {  	[sflag:s26] =	ssyncadd.s32 $0xFFFFF000  }
0x6ca: {  	_ =	swait.ge [sflag:s26], $0x1000  }
0x6cb: {  	[sflag:s26] =	ssyncset.done $0x0  }
0x6cc: {  	[sflag:s26] =	ssyncadd.s32 $0xFFFFF000  }
0x6cd: {  	s1 =	rddreg [dreg:$0x10]  }
0x6ce: {  	s0 =	rddreg [dreg:$0xf];
	s1 =	sadd.s32 $0x1, s1  }
0x6cf: {  	p0 =	sne.s32 s1, s0  }
.Ltmp20:
0x6d0: {  	_ = 	snop;
	(pc) =	sbr.rel @p0 .LBB2_1-.Ltmp20, $2  }
0x6d1: {  	_ =	sdelay $0x2  }
0x6d2: {  	s3 =	simm.s32 $0x3  }
0x6d3: {  	_ =	sfence.sel $0x180000  }
0x6d4: {  	[bflag:$0x0] =	sbarrier.arrive $0xFFFF  }
0x6d5: {  	_ =	strace $0x90000047  }
0x6d6: {  	s0 =	stileid.u32;
	[bflag:$0x2] =	sbarrier.arrive $0xFFFF  }
0x6d7: {  	p0 =	sne.s32 s0, $0x0;
	s0 =	rddreg [dreg:$0x3]  }
0x6d8: {  	s0 =	sadd.s32 @!p0 $0x100000, s0  }
0x6d9: {  	[sflag:s0] =	ssyncadd.tile.s32 @!p0 $0x1;
	_ =	shalt  }
.Lfunc_end2:
_tile_overlayer_lowered:
.L_overlay_start_2:
0x6da: {  	(tag) =	ssettag $0x2  }
0x6db: {  	s0 =	rddreg [dreg:$0x0];
	s2 =	stileid.u32  }
0x6dc: {  	s1 =	rddreg [dreg:$0x1];
	p0 =	sne.s32 s2, $0x0  }
0x6dd: {  	s3 =	rddreg [dreg:$0x2];
	[bflag:$0x3] =	sbarrier.arrive $0xFFFF;
	s2 =	simm.s32 @!p0 $0x1C03  }
0x6de: {  	[timem:s3], [sflag:s2] =	dma.local @!p0 [hbm:s0], s1  }
0x6df: {  	s0 =	simm.s32 @!p0 $0x3  }
0x6e0: {  	_ =	swait.ge @!p0 [sflag:s0], s1  }
0x6e1: {  	s1 =	ssub.s32 @!p0 $0x0, s1;
	[sflag:s0] =	ssyncset.done @!p0 $0x0  }
0x6e2: {  	[sflag:s0] =	ssyncadd.s32 @!p0 s1  }
0x6e3: {  	[bflag:$0x3] =	sbarrier.arrive $0xFFFF  }
0x6e4: {  	_ =	shalt  }

</sc_bundles>
